<compile_context>
chip_gen: v7x
topology: tpu7x:2x2x1
jax: 0.10.2.dev20260603
libtpu: 0.0.44.dev20260713+nightly
codegen_flags: <defaults>
</compile_context>

<pallas_src>
import functools
import jax
import jax.numpy as jnp
from jax import lax
from jax.experimental import pallas as pl
from jax.experimental.pallas import tpu as pltpu
from jax.experimental.pallas import tpu_sc as plsc

_H = 512
_W = 512
_R = 9
_OUT = _H - _R + 1
_NT = 8
_BIG = 1 << 30
_SCALE = 1.0 / 81.0
_NEG = -3.0e38


def _pool_rows(win, nrows):
    vs = win[0:nrows, :]
    for k in range(1, _R):
        vs = vs + win[k:k + nrows, :]
    agg = vs[:, 0:_OUT]
    for k in range(1, _R):
        agg = agg + vs[:, k:k + _OUT]
    return agg * _SCALE



def _tc_init_body(x_ref, rmax_ref, rcode_ref, segmax_ref, segarg_ref):
    x = x_ref[0, 0]
    aggT = _pool_rows(x.T, _OUT)
    aggTp = jnp.concatenate(
        [aggT, jnp.full((_H - _OUT, _OUT), _NEG, jnp.float32)], axis=0)
    colio = lax.broadcasted_iota(jnp.int32, (_H, _OUT), 0)
    sms, scs = [], []
    for s in range(32):
        blk = aggTp[16 * s:16 * s + 16, :]
        sm = jnp.max(blk, axis=0, keepdims=True)
        cio = colio[16 * s:16 * s + 16, :]
        sc_ = jnp.min(jnp.where(blk == sm, cio, _BIG), axis=0, keepdims=True)
        sms.append(sm)
        scs.append(sc_)
    segmaxT = jnp.concatenate(sms, axis=0)
    segargT = jnp.concatenate(scs, axis=0)
    lane_pad_f = jnp.full((32, _H - _OUT), _NEG, jnp.float32)
    lane_pad_i = jnp.full((32, _H - _OUT), _BIG, jnp.int32)
    segmax_ref[0] = jnp.concatenate([segmaxT, lane_pad_f], axis=1)
    segarg_ref[0] = jnp.concatenate([segargT, lane_pad_i], axis=1)

    rmax_row = jnp.max(segmaxT, axis=0, keepdims=True)
    colmin = jnp.min(jnp.where(segmaxT == rmax_row, segargT, _BIG),
                     axis=0, keepdims=True)
    rowio = lax.broadcasted_iota(jnp.int32, (1, _OUT), 1)
    rcode_row = rowio * 1024 + colmin
    rmax_ref[0, 0, :] = jnp.concatenate(
        [rmax_row, jnp.full((1, _H - _OUT), _NEG, jnp.float32)], axis=1)[0]
    rcode_ref[0, 0, :] = jnp.concatenate(
        [rcode_row, jnp.full((1, _H - _OUT), _BIG, jnp.int32)], axis=1)[0]


def _tc_init(hm):
    B = hm.shape[0]
    return pl.pallas_call(
        _tc_init_body,
        grid=(B,),
        in_specs=[pl.BlockSpec((1, 1, _H, _W), lambda b: (b, 0, 0, 0))],
        out_specs=[
            pl.BlockSpec((1, 1, _H), lambda b: (b, 0, 0)),
            pl.BlockSpec((1, 1, _H), lambda b: (b, 0, 0)),
            pl.BlockSpec((1, 32, _H), lambda b: (b, 0, 0)),
            pl.BlockSpec((1, 32, _H), lambda b: (b, 0, 0)),
        ],
        out_shape=[
            jax.ShapeDtypeStruct((B, 1, _H), jnp.float32),
            jax.ShapeDtypeStruct((B, 1, _H), jnp.int32),
            jax.ShapeDtypeStruct((B, 32, _H), jnp.float32),
            jax.ShapeDtypeStruct((B, 32, _H), jnp.int32),
        ],
    )(hm)



def _sc_body(hm, rmaxh, rcodeh, segmaxh, segargh, out_c, win_v, vs2_v,
             segmax_v, segarg_v, rmax_v, rcode_v, blkmax_v, hist_v, out_v,
             dsem):
    cidx = lax.axis_index("c")
    sidx_ax = lax.axis_index("s")
    wid = sidx_ax * 2 + cidx
    io16 = lax.broadcasted_iota(jnp.int32, (16,), 0)

    @pl.when(wid < 8)
    def _():
        b = wid
        cp1 = pltpu.async_copy(rmaxh.at[b, 0], rmax_v, dsem)
        cp2 = pltpu.async_copy(rcodeh.at[b, 0], rcode_v, dsem)
        cp3 = pltpu.async_copy(segmaxh.at[b], segmax_v, dsem)
        cp4 = pltpu.async_copy(segargh.at[b], segarg_v, dsem)
        cp1.wait()
        cp2.wait()
        cp3.wait()
        cp4.wait()

        out_v[...] = jnp.zeros((16,), jnp.int32)
        hist_v[...] = jnp.full((16,), 1 << 21, jnp.int32)

        for half in range(2):
            acc = jnp.full((16,), _NEG, jnp.float32)
            for kb in range(16):
                blk = 16 * half + kb
                mkb = jnp.max(rmax_v[pl.ds(blk * 16, 16)])
                acc = jnp.where(io16 == kb, mkb, acc)
            blkmax_v[pl.ds(16 * half, 16)] = acc

        def iter_body(t, _):
            b0 = blkmax_v[pl.ds(0, 16)]
            b1 = blkmax_v[pl.ds(16, 16)]
            m = jnp.max(jnp.maximum(b0, b1))
            bi = jnp.min(jnp.minimum(jnp.where(b0 == m, io16, _BIG),
                                     jnp.where(b1 == m, io16 + 16, _BIG)))
            chunk = rmax_v[pl.ds(bi * 16, 16)]
            rloc = jnp.min(jnp.where(chunk == m, io16, _BIG))
            r0 = bi * 16 + rloc
            codes = rcode_v[pl.ds(bi * 16, 16)]
            code = jnp.min(jnp.where(io16 == rloc, codes, _BIG))
            c0 = code - r0 * 1024

            ov = out_v[...]
            ov = jnp.where(io16 == 2 * t, c0 + 4, ov)
            ov = jnp.where(io16 == 2 * t + 1, r0 + 4, ov)
            out_v[...] = ov
            hv = hist_v[...]
            hist_v[...] = jnp.where(io16 == t, code, hv)

            rs = jnp.minimum(jnp.maximum(r0 - 8, 0), 487)
            s2 = (rs // 8) * 8
            jj0 = rs - s2
            sF = jnp.minimum(jnp.maximum(c0 - 8, 0), 488) // 16
            cb = 16 * sF
            cw = jnp.minimum(jnp.maximum((c0 - 8) // 128, 0), 2) * 128
            pltpu.sync_copy(hm.at[b, pl.ds(s2, 32), pl.ds(cw, 256)], win_v)

            def replay(tt, _):
                hvv = hist_v[...]
                cp = jnp.min(jnp.where(io16 == tt, hvv, _BIG))
                rp = cp // 1024
                ccp = cp - rp * 1024
                cpb = (ccp // 16) * 16
                st1 = jnp.minimum(jnp.maximum(cpb - cw, 0), 240)
                st2 = jnp.minimum(jnp.maximum(cpb + 16 - cw, 0), 240)
                inter = (rp + _R > s2) & (rp < s2 + 32)

                @pl.when(inter)
                def _():
                    for i in range(_R):
                        j = rp - s2 + i
                        ok = (j >= 0) & (j < 32)
                        jc = jnp.minimum(jnp.maximum(j, 0), 31)
                        for st in (st1, st2):
                            v = win_v[jc, pl.ds(st, 16)]
                            gcol = cw + st + io16
                            msk = ok & (gcol >= ccp) & (gcol < ccp + _R)
                            win_v[jc, pl.ds(st, 16)] = jnp.where(msk, 0.0, v)
                return 0
            lax.fori_loop(0, t + 1, replay, 0)

            for h in range(3):
                cbh = jnp.minimum(cb + 16 * h, _W - 16) - cw
                vrows = [win_v[jj0 + i, pl.ds(cbh, 16)] for i in range(25)]
                for j in range(17):
                    a = vrows[j]
                    for k in range(1, _R):
                        a = a + vrows[j + k]
                    vs2_v[j, pl.ds(16 * h, 16)] = a

            def row_work(jj):
                g = rs + jj
                gch = (g // 16) * 16
                goff = g - gch
                for h in range(2):
                    base = 16 * h
                    a = vs2_v[jj, pl.ds(base, 16)]
                    for k in range(1, _R):
                        a = a + vs2_v[jj, pl.ds(base + k, 16)]
                    a = a * _SCALE
                    gcol = cb + base + io16
                    av = jnp.where(gcol < _OUT, a, _NEG)
                    sm = jnp.max(av)
                    scol = jnp.min(jnp.where(av == sm, gcol, _BIG))
                    sidx = sF + h
                    mvv = segmax_v[sidx, pl.ds(gch, 16)]
                    segmax_v[sidx, pl.ds(gch, 16)] = jnp.where(
                        io16 == goff, sm, mvv)
                    avv = segarg_v[sidx, pl.ds(gch, 16)]
                    segarg_v[sidx, pl.ds(gch, 16)] = jnp.where(
                        io16 == goff, scol, avv)

                gvec = jnp.full((16,), 0, jnp.int32) + g
                sv0 = plsc.load_gather(segmax_v, [io16, gvec])
                sv1 = plsc.load_gather(segmax_v, [io16 + 16, gvec])
                sa0 = plsc.load_gather(segarg_v, [io16, gvec])
                sa1 = plsc.load_gather(segarg_v, [io16 + 16, gvec])
                rm = jnp.max(jnp.maximum(sv0, sv1))
                colc = jnp.min(jnp.minimum(jnp.where(sv0 == rm, sa0, _BIG),
                                           jnp.where(sv1 == rm, sa1, _BIG)))
                mv = rmax_v[pl.ds(gch, 16)]
                rmax_v[pl.ds(gch, 16)] = jnp.where(io16 == goff, rm, mv)
                cv = rcode_v[pl.ds(gch, 16)]
                rcode_v[pl.ds(gch, 16)] = jnp.where(
                    io16 == goff, g * 1024 + colc, cv)

            def prow2(ii, _):
                row_work(2 * ii)
                row_work(2 * ii + 1)
                return 0
            lax.fori_loop(0, 8, prow2, 0)
            row_work(16)

            for u in range(3):
                bb = jnp.minimum(rs // 16 + u, 31)
                mb = jnp.max(rmax_v[pl.ds(bb * 16, 16)])
                bch = (bb // 16) * 16
                bv = blkmax_v[pl.ds(bch, 16)]
                blkmax_v[pl.ds(bch, 16)] = jnp.where(
                    io16 == bb - bch, mb, bv)
            return 0
        lax.fori_loop(0, _NT, iter_body, 0)
        pltpu.sync_copy(out_v, out_c.at[b])


def _sc_pick(hm3, rmaxh, rcodeh, segmaxh, segargh):
    mesh = plsc.VectorSubcoreMesh(core_axis_name="c", subcore_axis_name="s")
    f = functools.partial(
        pl.kernel,
        mesh=mesh,
        out_type=jax.ShapeDtypeStruct((8, 16), jnp.int32),
        scratch_types=[
            pltpu.VMEM((32, 256), jnp.float32),
            pltpu.VMEM((17, 64), jnp.float32),
            pltpu.VMEM((32, _H), jnp.float32),
            pltpu.VMEM((32, _H), jnp.int32),
            pltpu.VMEM((_H,), jnp.float32),
            pltpu.VMEM((_H,), jnp.int32),
            pltpu.VMEM((32,), jnp.float32),
            pltpu.VMEM((16,), jnp.int32),
            pltpu.VMEM((16,), jnp.int32),
            pltpu.SemaphoreType.DMA,
        ],
        compiler_params=pltpu.CompilerParams(needs_layout_passes=False),
    )(_sc_body)
    return f(hm3, rmaxh, rcodeh, segmaxh, segargh)


def kernel(heatmap):
    B = heatmap.shape[0]
    hm3 = heatmap.reshape(B, _H, _W)
    rmaxh, rcodeh, segmaxh, segargh = _tc_init(heatmap)
    coords = _sc_pick(hm3, rmaxh, rcodeh, segmaxh, segargh)
    return coords.reshape(B, _NT, 2)

# --- scband reference (transcript-rebuilt; emitter-appended) ---
"""Pipeline reference for scband-torch-modality-sampler-31224412242713 (READ-ONLY COPY).

The authoritative reference and input builder live on the scoring server;
editing this copy changes nothing except your own understanding.
"""

import jax, jax.numpy as jnp
import numpy as np

N_TARGETS = 8
RADIUS = 4
RECLEN = 2 * RADIUS + 1
SWAP_RC = True


def setup_inputs(seed: int = 0) -> dict:
    key = jax.random.key(seed)
    heatmap = jax.random.uniform(key, (8, 1, 512, 512), dtype=jnp.float32)
    return {"heatmap": heatmap}


def _avgpool(x2d):
    # AvgPool2d(kernel=RECLEN, stride=1), VALID padding, on a 2D map
    s = jax.lax.reduce_window(x2d, 0.0, jax.lax.add, (RECLEN, RECLEN), (1, 1), 'VALID')
    return s / float(RECLEN * RECLEN)


def reference(heatmap):
    # heatmap: [B, 1, H, W]. Iteratively find argmax of avg-pooled map,
    # suppress a RECLEN x RECLEN window, repeat N_TARGETS times per image.
    B = heatmap.shape[0]
    batch_result = []
    for b in range(B):
        hm2d = heatmap[b, 0]
        result = []
        for _ in range(N_TARGETS):
            agg = _avgpool(hm2d)  # [H-RECLEN+1, W-RECLEN+1]
            flat_idx = jnp.argmax(agg)  # first occurrence, row-major == torch (agg==max).nonzero()[0]
            w = agg.shape[1]
            r0 = flat_idx // w
            c0 = flat_idx % w
            # zero out hm[r0:r0+RECLEN, c0:c0+RECLEN]; coords are always in-bounds
            hm2d = jax.lax.dynamic_update_slice(
                hm2d, jnp.zeros((RECLEN, RECLEN), hm2d.dtype), (r0, c0))
            result.append(jnp.stack([r0 + RADIUS, c0 + RADIUS]))
        batch_result.append(jnp.stack(result))
    out = jnp.stack(batch_result)  # [B, N_TARGETS, 2] int
    if SWAP_RC:
        out = out[:, :, jnp.array([1, 0])]
    return out

if __name__ == "__main__":
    import jax
    _d = setup_inputs()
    print(jax.jit(kernel)(*tuple(_d.values())))

</pallas_src>

<mosaic_0001>
#map = affine_map<(d0, d1) -> (0, 0, 0)>
#map1 = affine_map<(d0, d1) -> (0, 0)>
module attributes {stable_mosaic.version = 14 : i64} {
  func.func @_sc_body(%arg0: i32, %arg1: i32, %arg2: memref<8x512x512xf32, #tpu.memory_space<hbm>>, %arg3: memref<8x1x512xf32, #tpu.memory_space<hbm>>, %arg4: memref<8x1x512xi32, #tpu.memory_space<hbm>>, %arg5: memref<8x32x512xf32, #tpu.memory_space<hbm>>, %arg6: memref<8x32x512xi32, #tpu.memory_space<hbm>>, %arg7: memref<8x16xi32, #tpu.memory_space<hbm>>, %arg8: memref<32x256xf32, #tpu.memory_space<vmem>>, %arg9: memref<17x64xf32, #tpu.memory_space<vmem>>, %arg10: memref<32x512xf32, #tpu.memory_space<vmem>>, %arg11: memref<32x512xi32, #tpu.memory_space<vmem>>, %arg12: memref<512xf32, #tpu.memory_space<vmem>>, %arg13: memref<512xi32, #tpu.memory_space<vmem>>, %arg14: memref<32xf32, #tpu.memory_space<vmem>>, %arg15: memref<16xi32, #tpu.memory_space<vmem>>, %arg16: memref<16xi32, #tpu.memory_space<vmem>>, %arg17: memref<!tpu.dma_semaphore, #tpu.memory_space<semaphore_mem>>) attributes {dimension_semantics = [#tpu.dimension_semantics<core_parallel>, #tpu.dimension_semantics<subcore_parallel>], iteration_bounds = array<i64: 2, 16>, scalar_prefetch = 0 : i64, scratch_operands = 10 : i64, tpu.core_type = #tpu.core_type<sc_vector_subcore>, window_params = [{transform_indices = #map}, {transform_indices = #map}, {transform_indices = #map}, {transform_indices = #map}, {transform_indices = #map}, {transform_indices = #map1}]} {
    %mul3A = arith.constant 2 : i32
    %mul3A_0 = arith.muli %arg1, %mul3A : i32
    %add3A = arith.addi %mul3A_0, %arg0 : i32
    %iota3A = tpu.iota {dimensions = array<i32: 0>} : vector<16xi32>
    %lt3A = arith.constant 8 : i32
    %lt3A_1 = arith.cmpi slt, %add3A, %lt3A : i32
    %convert_element_type3A = arith.extui %lt3A_1 : i1 to i32
    %cond3A = arith.constant 0 : i32
    %cond3A_2 = arith.cmpi ne, %convert_element_type3A, %cond3A : i32
    scf.if %cond3A_2 {
      %dma_start3A = arith.constant 0 : i32
      %dma_start3A_3 = arith.constant 0 : i32
      %dma_start3A_4 = tpu.memref_slice %arg3[%add3A, %dma_start3A, %dma_start3A_3] : memref<8x1x512xf32, #tpu.memory_space<hbm>> -> memref<1x1x512xf32, #tpu.memory_space<hbm>>
      %dma_start3A_5 = tpu.memref_squeeze %dma_start3A_4 : memref<1x1x512xf32, #tpu.memory_space<hbm>> -> memref<512xf32, #tpu.memory_space<hbm>>
      %dma_start3A_6 = arith.constant 0 : i32
      %dma_start3A_7 = tpu.memref_slice %arg3[%add3A, %dma_start3A, %dma_start3A_6] : memref<8x1x512xf32, #tpu.memory_space<hbm>> -> memref<1x1x512xf32, #tpu.memory_space<hbm>>
      %dma_start3A_8 = tpu.memref_squeeze %dma_start3A_7 : memref<1x1x512xf32, #tpu.memory_space<hbm>> -> memref<512xf32, #tpu.memory_space<hbm>>
      tpu.enqueue_dma source(%dma_start3A_8 : memref<512xf32, #tpu.memory_space<hbm>>) target(%arg12 : memref<512xf32, #tpu.memory_space<vmem>>) target_semaphore(%arg17 : memref<!tpu.dma_semaphore, #tpu.memory_space<semaphore_mem>>)
      %dma_start3A_9 = arith.constant 0 : i32
      %dma_start3A_10 = arith.constant 0 : i32
      %dma_start3A_11 = tpu.memref_slice %arg4[%add3A, %dma_start3A_9, %dma_start3A_10] : memref<8x1x512xi32, #tpu.memory_space<hbm>> -> memref<1x1x512xi32, #tpu.memory_space<hbm>>
      %dma_start3A_12 = tpu.memref_squeeze %dma_start3A_11 : memref<1x1x512xi32, #tpu.memory_space<hbm>> -> memref<512xi32, #tpu.memory_space<hbm>>
      %dma_start3A_13 = arith.constant 0 : i32
      %dma_start3A_14 = tpu.memref_slice %arg4[%add3A, %dma_start3A_9, %dma_start3A_13] : memref<8x1x512xi32, #tpu.memory_space<hbm>> -> memref<1x1x512xi32, #tpu.memory_space<hbm>>
      %dma_start3A_15 = tpu.memref_squeeze %dma_start3A_14 : memref<1x1x512xi32, #tpu.memory_space<hbm>> -> memref<512xi32, #tpu.memory_space<hbm>>
      tpu.enqueue_dma source(%dma_start3A_15 : memref<512xi32, #tpu.memory_space<hbm>>) target(%arg13 : memref<512xi32, #tpu.memory_space<vmem>>) target_semaphore(%arg17 : memref<!tpu.dma_semaphore, #tpu.memory_space<semaphore_mem>>)
      %dma_start3A_16 = arith.constant 0 : i32
      %dma_start3A_17 = arith.constant 0 : i32
      %dma_start3A_18 = tpu.memref_slice %arg5[%add3A, %dma_start3A_16, %dma_start3A_17] : memref<8x32x512xf32, #tpu.memory_space<hbm>> -> memref<1x32x512xf32, #tpu.memory_space<hbm>>
      %dma_start3A_19 = tpu.memref_squeeze %dma_start3A_18 : memref<1x32x512xf32, #tpu.memory_space<hbm>> -> memref<32x512xf32, #tpu.memory_space<hbm>>
      %dma_start3A_20 = arith.constant 0 : i32
      %dma_start3A_21 = arith.constant 0 : i32
      %dma_start3A_22 = tpu.memref_slice %arg5[%add3A, %dma_start3A_20, %dma_start3A_21] : memref<8x32x512xf32, #tpu.memory_space<hbm>> -> memref<1x32x512xf32, #tpu.memory_space<hbm>>
      %dma_start3A_23 = tpu.memref_squeeze %dma_start3A_22 : memref<1x32x512xf32, #tpu.memory_space<hbm>> -> memref<32x512xf32, #tpu.memory_space<hbm>>
      tpu.enqueue_dma source(%dma_start3A_23 : memref<32x512xf32, #tpu.memory_space<hbm>>) target(%arg10 : memref<32x512xf32, #tpu.memory_space<vmem>>) target_semaphore(%arg17 : memref<!tpu.dma_semaphore, #tpu.memory_space<semaphore_mem>>)
      %dma_start3A_24 = arith.constant 0 : i32
      %dma_start3A_25 = arith.constant 0 : i32
      %dma_start3A_26 = tpu.memref_slice %arg6[%add3A, %dma_start3A_24, %dma_start3A_25] : memref<8x32x512xi32, #tpu.memory_space<hbm>> -> memref<1x32x512xi32, #tpu.memory_space<hbm>>
      %dma_start3A_27 = tpu.memref_squeeze %dma_start3A_26 : memref<1x32x512xi32, #tpu.memory_space<hbm>> -> memref<32x512xi32, #tpu.memory_space<hbm>>
      %dma_start3A_28 = arith.constant 0 : i32
      %dma_start3A_29 = arith.constant 0 : i32
      %dma_start3A_30 = tpu.memref_slice %arg6[%add3A, %dma_start3A_28, %dma_start3A_29] : memref<8x32x512xi32, #tpu.memory_space<hbm>> -> memref<1x32x512xi32, #tpu.memory_space<hbm>>
      %dma_start3A_31 = tpu.memref_squeeze %dma_start3A_30 : memref<1x32x512xi32, #tpu.memory_space<hbm>> -> memref<32x512xi32, #tpu.memory_space<hbm>>
      tpu.enqueue_dma source(%dma_start3A_31 : memref<32x512xi32, #tpu.memory_space<hbm>>) target(%arg11 : memref<32x512xi32, #tpu.memory_space<vmem>>) target_semaphore(%arg17 : memref<!tpu.dma_semaphore, #tpu.memory_space<semaphore_mem>>)
      %dma_wait3A = arith.constant 0 : i32
      %dma_wait3A_32 = arith.constant 0 : i32
      %dma_wait3A_33 = tpu.memref_slice %arg3[%add3A, %dma_wait3A, %dma_wait3A_32] : memref<8x1x512xf32, #tpu.memory_space<hbm>> -> memref<1x1x512xf32, #tpu.memory_space<hbm>>
      %dma_wait3A_34 = tpu.memref_squeeze %dma_wait3A_33 : memref<1x1x512xf32, #tpu.memory_space<hbm>> -> memref<512xf32, #tpu.memory_space<hbm>>
      %dma_wait3A_35 = arith.constant 0 : i32
      %dma_wait3A_36 = tpu.memref_slice %arg3[%add3A, %dma_wait3A, %dma_wait3A_35] : memref<8x1x512xf32, #tpu.memory_space<hbm>> -> memref<1x1x512xf32, #tpu.memory_space<hbm>>
      %dma_wait3A_37 = tpu.memref_squeeze %dma_wait3A_36 : memref<1x1x512xf32, #tpu.memory_space<hbm>> -> memref<512xf32, #tpu.memory_space<hbm>>
      tpu.wait_dma2 semaphore(%arg17 : memref<!tpu.dma_semaphore, #tpu.memory_space<semaphore_mem>>) src(%dma_wait3A_37 : memref<512xf32, #tpu.memory_space<hbm>>) dst(%arg12 : memref<512xf32, #tpu.memory_space<vmem>>)
      %dma_wait3A_38 = arith.constant 0 : i32
      %dma_wait3A_39 = arith.constant 0 : i32
      %dma_wait3A_40 = tpu.memref_slice %arg4[%add3A, %dma_wait3A_38, %dma_wait3A_39] : memref<8x1x512xi32, #tpu.memory_space<hbm>> -> memref<1x1x512xi32, #tpu.memory_space<hbm>>
      %dma_wait3A_41 = tpu.memref_squeeze %dma_wait3A_40 : memref<1x1x512xi32, #tpu.memory_space<hbm>> -> memref<512xi32, #tpu.memory_space<hbm>>
      %dma_wait3A_42 = arith.constant 0 : i32
      %dma_wait3A_43 = tpu.memref_slice %arg4[%add3A, %dma_wait3A_38, %dma_wait3A_42] : memref<8x1x512xi32, #tpu.memory_space<hbm>> -> memref<1x1x512xi32, #tpu.memory_space<hbm>>
      %dma_wait3A_44 = tpu.memref_squeeze %dma_wait3A_43 : memref<1x1x512xi32, #tpu.memory_space<hbm>> -> memref<512xi32, #tpu.memory_space<hbm>>
      tpu.wait_dma2 semaphore(%arg17 : memref<!tpu.dma_semaphore, #tpu.memory_space<semaphore_mem>>) src(%dma_wait3A_44 : memref<512xi32, #tpu.memory_space<hbm>>) dst(%arg13 : memref<512xi32, #tpu.memory_space<vmem>>)
      %dma_wait3A_45 = arith.constant 0 : i32
      %dma_wait3A_46 = arith.constant 0 : i32
      %dma_wait3A_47 = tpu.memref_slice %arg5[%add3A, %dma_wait3A_45, %dma_wait3A_46] : memref<8x32x512xf32, #tpu.memory_space<hbm>> -> memref<1x32x512xf32, #tpu.memory_space<hbm>>
      %dma_wait3A_48 = tpu.memref_squeeze %dma_wait3A_47 : memref<1x32x512xf32, #tpu.memory_space<hbm>> -> memref<32x512xf32, #tpu.memory_space<hbm>>
      %dma_wait3A_49 = arith.constant 0 : i32
      %dma_wait3A_50 = arith.constant 0 : i32
      %dma_wait3A_51 = tpu.memref_slice %arg5[%add3A, %dma_wait3A_49, %dma_wait3A_50] : memref<8x32x512xf32, #tpu.memory_space<hbm>> -> memref<1x32x512xf32, #tpu.memory_space<hbm>>
      %dma_wait3A_52 = tpu.memref_squeeze %dma_wait3A_51 : memref<1x32x512xf32, #tpu.memory_space<hbm>> -> memref<32x512xf32, #tpu.memory_space<hbm>>
      tpu.wait_dma2 semaphore(%arg17 : memref<!tpu.dma_semaphore, #tpu.memory_space<semaphore_mem>>) src(%dma_wait3A_52 : memref<32x512xf32, #tpu.memory_space<hbm>>) dst(%arg10 : memref<32x512xf32, #tpu.memory_space<vmem>>)
      %dma_wait3A_53 = arith.constant 0 : i32
      %dma_wait3A_54 = arith.constant 0 : i32
      %dma_wait3A_55 = tpu.memref_slice %arg6[%add3A, %dma_wait3A_53, %dma_wait3A_54] : memref<8x32x512xi32, #tpu.memory_space<hbm>> -> memref<1x32x512xi32, #tpu.memory_space<hbm>>
      %dma_wait3A_56 = tpu.memref_squeeze %dma_wait3A_55 : memref<1x32x512xi32, #tpu.memory_space<hbm>> -> memref<32x512xi32, #tpu.memory_space<hbm>>
      %dma_wait3A_57 = arith.constant 0 : i32
      %dma_wait3A_58 = arith.constant 0 : i32
      %dma_wait3A_59 = tpu.memref_slice %arg6[%add3A, %dma_wait3A_57, %dma_wait3A_58] : memref<8x32x512xi32, #tpu.memory_space<hbm>> -> memref<1x32x512xi32, #tpu.memory_space<hbm>>
      %dma_wait3A_60 = tpu.memref_squeeze %dma_wait3A_59 : memref<1x32x512xi32, #tpu.memory_space<hbm>> -> memref<32x512xi32, #tpu.memory_space<hbm>>
      tpu.wait_dma2 semaphore(%arg17 : memref<!tpu.dma_semaphore, #tpu.memory_space<semaphore_mem>>) src(%dma_wait3A_60 : memref<32x512xi32, #tpu.memory_space<hbm>>) dst(%arg11 : memref<32x512xi32, #tpu.memory_space<vmem>>)
      %broadcast_in_dim3A = arith.constant 0 : i32
      %broadcast_in_dim3A_61 = vector.broadcast %broadcast_in_dim3A : i32 to vector<16xi32>
      %swap3A = arith.constant 0 : index
      %swap3A_62 = tpu.vector_load %arg16[%swap3A] {strides = array<i32>} : memref<16xi32, #tpu.memory_space<vmem>>, vector<16xi32>,
      tpu.vector_store %arg16[%swap3A], %broadcast_in_dim3A_61 {strides = array<i32>} : memref<16xi32, #tpu.memory_space<vmem>>, vector<16xi32>,
      %broadcast_in_dim3A_63 = arith.constant 2097152 : i32
      %broadcast_in_dim3A_64 = vector.broadcast %broadcast_in_dim3A_63 : i32 to vector<16xi32>
      %swap3A_65 = arith.constant 0 : index
      %swap3A_66 = tpu.vector_load %arg15[%swap3A_65] {strides = array<i32>} : memref<16xi32, #tpu.memory_space<vmem>>, vector<16xi32>,
      tpu.vector_store %arg15[%swap3A_65], %broadcast_in_dim3A_64 {strides = array<i32>} : memref<16xi32, #tpu.memory_space<vmem>>, vector<16xi32>,
      %broadcast_in_dim3A_67 = arith.constant -3.000000e+38 : f32
      %broadcast_in_dim3A_68 = vector.broadcast %broadcast_in_dim3A_67 : f32 to vector<16xf32>
      %get3A = arith.constant 0 : index
      %get3A_69 = tpu.vector_load %arg12[%get3A] {strides = array<i32>} : memref<512xf32, #tpu.memory_space<vmem>>, vector<16xf32>,
      %reduce_max3A = arith.constant true
      %reduce_max3A_70 = vector.broadcast %reduce_max3A : i1 to vector<16xi1>
      %reduce_max3A_71 = tpu.scan <max>, %get3A_69 masked %reduce_max3A_70 : vector<16xf32>, vector<16xi1> -> vector<16xf32>
      %reduce_max3A_72 = vector.extract %reduce_max3A_71[15] : f32 from vector<16xf32>
      %eq3A = arith.constant 0 : i32
      %eq3A_73 = vector.broadcast %eq3A : i32 to vector<16xi32>
      %eq3A_74 = arith.cmpi eq, %iota3A, %eq3A_73 : vector<16xi32>
      %broadcast_in_dim3A_75 = vector.broadcast %reduce_max3A_72 : f32 to vector<16xf32>
      %select_n3A = arith.select %eq3A_74, %broadcast_in_dim3A_75, %broadcast_in_dim3A_68 : vector<16xi1>, vector<16xf32>
      %get3A_76 = arith.constant 16 : index
      %get3A_77 = tpu.vector_load %arg12[%get3A_76] {strides = array<i32>} : memref<512xf32, #tpu.memory_space<vmem>>, vector<16xf32>,
      %reduce_max3A_78 = arith.constant true
      %reduce_max3A_79 = vector.broadcast %reduce_max3A_78 : i1 to vector<16xi1>
      %reduce_max3A_80 = tpu.scan <max>, %get3A_77 masked %reduce_max3A_79 : vector<16xf32>, vector<16xi1> -> vector<16xf32>
      %reduce_max3A_81 = vector.extract %reduce_max3A_80[15] : f32 from vector<16xf32>
      %eq3A_82 = arith.constant 1 : i32
      %eq3A_83 = vector.broadcast %eq3A_82 : i32 to vector<16xi32>
      %eq3A_84 = arith.cmpi eq, %iota3A, %eq3A_83 : vector<16xi32>
      %broadcast_in_dim3A_85 = vector.broadcast %reduce_max3A_81 : f32 to vector<16xf32>
      %select_n3A_86 = arith.select %eq3A_84, %broadcast_in_dim3A_85, %select_n3A : vector<16xi1>, vector<16xf32>
      %get3A_87 = arith.constant 32 : index
      %get3A_88 = tpu.vector_load %arg12[%get3A_87] {strides = array<i32>} : memref<512xf32, #tpu.memory_space<vmem>>, vector<16xf32>,
      %reduce_max3A_89 = arith.constant true
      %reduce_max3A_90 = vector.broadcast %reduce_max3A_89 : i1 to vector<16xi1>
      %reduce_max3A_91 = tpu.scan <max>, %get3A_88 masked %reduce_max3A_90 : vector<16xf32>, vector<16xi1> -> vector<16xf32>
      %reduce_max3A_92 = vector.extract %reduce_max3A_91[15] : f32 from vector<16xf32>
      %eq3A_93 = arith.constant 2 : i32
      %eq3A_94 = vector.broadcast %eq3A_93 : i32 to vector<16xi32>
      %eq3A_95 = arith.cmpi eq, %iota3A, %eq3A_94 : vector<16xi32>
      %broadcast_in_dim3A_96 = vector.broadcast %reduce_max3A_92 : f32 to vector<16xf32>
      %select_n3A_97 = arith.select %eq3A_95, %broadcast_in_dim3A_96, %select_n3A_86 : vector<16xi1>, vector<16xf32>
      %get3A_98 = arith.constant 48 : index
      %get3A_99 = tpu.vector_load %arg12[%get3A_98] {strides = array<i32>} : memref<512xf32, #tpu.memory_space<vmem>>, vector<16xf32>,
      %reduce_max3A_100 = arith.constant true
      %reduce_max3A_101 = vector.broadcast %reduce_max3A_100 : i1 to vector<16xi1>
      %reduce_max3A_102 = tpu.scan <max>, %get3A_99 masked %reduce_max3A_101 : vector<16xf32>, vector<16xi1> -> vector<16xf32>
      %reduce_max3A_103 = vector.extract %reduce_max3A_102[15] : f32 from vector<16xf32>
      %eq3A_104 = arith.constant 3 : i32
      %eq3A_105 = vector.broadcast %eq3A_104 : i32 to vector<16xi32>
      %eq3A_106 = arith.cmpi eq, %iota3A, %eq3A_105 : vector<16xi32>
      %broadcast_in_dim3A_107 = vector.broadcast %reduce_max3A_103 : f32 to vector<16xf32>
      %select_n3A_108 = arith.select %eq3A_106, %broadcast_in_dim3A_107, %select_n3A_97 : vector<16xi1>, vector<16xf32>
      %get3A_109 = arith.constant 64 : index
      %get3A_110 = tpu.vector_load %arg12[%get3A_109] {strides = array<i32>} : memref<512xf32, #tpu.memory_space<vmem>>, vector<16xf32>,
      %reduce_max3A_111 = arith.constant true
      %reduce_max3A_112 = vector.broadcast %reduce_max3A_111 : i1 to vector<16xi1>
      %reduce_max3A_113 = tpu.scan <max>, %get3A_110 masked %reduce_max3A_112 : vector<16xf32>, vector<16xi1> -> vector<16xf32>
      %reduce_max3A_114 = vector.extract %reduce_max3A_113[15] : f32 from vector<16xf32>
      %eq3A_115 = arith.constant 4 : i32
      %eq3A_116 = vector.broadcast %eq3A_115 : i32 to vector<16xi32>
      %eq3A_117 = arith.cmpi eq, %iota3A, %eq3A_116 : vector<16xi32>
      %broadcast_in_dim3A_118 = vector.broadcast %reduce_max3A_114 : f32 to vector<16xf32>
      %select_n3A_119 = arith.select %eq3A_117, %broadcast_in_dim3A_118, %select_n3A_108 : vector<16xi1>, vector<16xf32>
      %get3A_120 = arith.constant 80 : index
      %get3A_121 = tpu.vector_load %arg12[%get3A_120] {strides = array<i32>} : memref<512xf32, #tpu.memory_space<vmem>>, vector<16xf32>,
      %reduce_max3A_122 = arith.constant true
      %reduce_max3A_123 = vector.broadcast %reduce_max3A_122 : i1 to vector<16xi1>
      %reduce_max3A_124 = tpu.scan <max>, %get3A_121 masked %reduce_max3A_123 : vector<16xf32>, vector<16xi1> -> vector<16xf32>
      %reduce_max3A_125 = vector.extract %reduce_max3A_124[15] : f32 from vector<16xf32>
      %eq3A_126 = arith.constant 5 : i32
      %eq3A_127 = vector.broadcast %eq3A_126 : i32 to vector<16xi32>
      %eq3A_128 = arith.cmpi eq, %iota3A, %eq3A_127 : vector<16xi32>
      %broadcast_in_dim3A_129 = vector.broadcast %reduce_max3A_125 : f32 to vector<16xf32>
      %select_n3A_130 = arith.select %eq3A_128, %broadcast_in_dim3A_129, %select_n3A_119 : vector<16xi1>, vector<16xf32>
      %get3A_131 = arith.constant 96 : index
      %get3A_132 = tpu.vector_load %arg12[%get3A_131] {strides = array<i32>} : memref<512xf32, #tpu.memory_space<vmem>>, vector<16xf32>,
      %reduce_max3A_133 = arith.constant true
      %reduce_max3A_134 = vector.broadcast %reduce_max3A_133 : i1 to vector<16xi1>
      %reduce_max3A_135 = tpu.scan <max>, %get3A_132 masked %reduce_max3A_134 : vector<16xf32>, vector<16xi1> -> vector<16xf32>
      %reduce_max3A_136 = vector.extract %reduce_max3A_135[15] : f32 from vector<16xf32>
      %eq3A_137 = arith.constant 6 : i32
      %eq3A_138 = vector.broadcast %eq3A_137 : i32 to vector<16xi32>
      %eq3A_139 = arith.cmpi eq, %iota3A, %eq3A_138 : vector<16xi32>
      %broadcast_in_dim3A_140 = vector.broadcast %reduce_max3A_136 : f32 to vector<16xf32>
      %select_n3A_141 = arith.select %eq3A_139, %broadcast_in_dim3A_140, %select_n3A_130 : vector<16xi1>, vector<16xf32>
      %get3A_142 = arith.constant 112 : index
      %get3A_143 = tpu.vector_load %arg12[%get3A_142] {strides = array<i32>} : memref<512xf32, #tpu.memory_space<vmem>>, vector<16xf32>,
      %reduce_max3A_144 = arith.constant true
      %reduce_max3A_145 = vector.broadcast %reduce_max3A_144 : i1 to vector<16xi1>
      %reduce_max3A_146 = tpu.scan <max>, %get3A_143 masked %reduce_max3A_145 : vector<16xf32>, vector<16xi1> -> vector<16xf32>
      %reduce_max3A_147 = vector.extract %reduce_max3A_146[15] : f32 from vector<16xf32>
      %eq3A_148 = arith.constant 7 : i32
      %eq3A_149 = vector.broadcast %eq3A_148 : i32 to vector<16xi32>
      %eq3A_150 = arith.cmpi eq, %iota3A, %eq3A_149 : vector<16xi32>
      %broadcast_in_dim3A_151 = vector.broadcast %reduce_max3A_147 : f32 to vector<16xf32>
      %select_n3A_152 = arith.select %eq3A_150, %broadcast_in_dim3A_151, %select_n3A_141 : vector<16xi1>, vector<16xf32>
      %get3A_153 = arith.constant 128 : index
      %get3A_154 = tpu.vector_load %arg12[%get3A_153] {strides = array<i32>} : memref<512xf32, #tpu.memory_space<vmem>>, vector<16xf32>,
      %reduce_max3A_155 = arith.constant true
      %reduce_max3A_156 = vector.broadcast %reduce_max3A_155 : i1 to vector<16xi1>
      %reduce_max3A_157 = tpu.scan <max>, %get3A_154 masked %reduce_max3A_156 : vector<16xf32>, vector<16xi1> -> vector<16xf32>
      %reduce_max3A_158 = vector.extract %reduce_max3A_157[15] : f32 from vector<16xf32>
      %eq3A_159 = arith.constant 8 : i32
      %eq3A_160 = vector.broadcast %eq3A_159 : i32 to vector<16xi32>
      %eq3A_161 = arith.cmpi eq, %iota3A, %eq3A_160 : vector<16xi32>
      %broadcast_in_dim3A_162 = vector.broadcast %reduce_max3A_158 : f32 to vector<16xf32>
      %select_n3A_163 = arith.select %eq3A_161, %broadcast_in_dim3A_162, %select_n3A_152 : vector<16xi1>, vector<16xf32>
      %get3A_164 = arith.constant 144 : index
      %get3A_165 = tpu.vector_load %arg12[%get3A_164] {strides = array<i32>} : memref<512xf32, #tpu.memory_space<vmem>>, vector<16xf32>,
      %reduce_max3A_166 = arith.constant true
      %reduce_max3A_167 = vector.broadcast %reduce_max3A_166 : i1 to vector<16xi1>
      %reduce_max3A_168 = tpu.scan <max>, %get3A_165 masked %reduce_max3A_167 : vector<16xf32>, vector<16xi1> -> vector<16xf32>
      %reduce_max3A_169 = vector.extract %reduce_max3A_168[15] : f32 from vector<16xf32>
      %eq3A_170 = arith.constant 9 : i32
      %eq3A_171 = vector.broadcast %eq3A_170 : i32 to vector<16xi32>
      %eq3A_172 = arith.cmpi eq, %iota3A, %eq3A_171 : vector<16xi32>
      %broadcast_in_dim3A_173 = vector.broadcast %reduce_max3A_169 : f32 to vector<16xf32>
      %select_n3A_174 = arith.select %eq3A_172, %broadcast_in_dim3A_173, %select_n3A_163 : vector<16xi1>, vector<16xf32>
      %get3A_175 = arith.constant 160 : index
      %get3A_176 = tpu.vector_load %arg12[%get3A_175] {strides = array<i32>} : memref<512xf32, #tpu.memory_space<vmem>>, vector<16xf32>,
      %reduce_max3A_177 = arith.constant true
      %reduce_max3A_178 = vector.broadcast %reduce_max3A_177 : i1 to vector<16xi1>
      %reduce_max3A_179 = tpu.scan <max>, %get3A_176 masked %reduce_max3A_178 : vector<16xf32>, vector<16xi1> -> vector<16xf32>
      %reduce_max3A_180 = vector.extract %reduce_max3A_179[15] : f32 from vector<16xf32>
      %eq3A_181 = arith.constant 10 : i32
      %eq3A_182 = vector.broadcast %eq3A_181 : i32 to vector<16xi32>
      %eq3A_183 = arith.cmpi eq, %iota3A, %eq3A_182 : vector<16xi32>
      %broadcast_in_dim3A_184 = vector.broadcast %reduce_max3A_180 : f32 to vector<16xf32>
      %select_n3A_185 = arith.select %eq3A_183, %broadcast_in_dim3A_184, %select_n3A_174 : vector<16xi1>, vector<16xf32>
      %get3A_186 = arith.constant 176 : index
      %get3A_187 = tpu.vector_load %arg12[%get3A_186] {strides = array<i32>} : memref<512xf32, #tpu.memory_space<vmem>>, vector<16xf32>,
      %reduce_max3A_188 = arith.constant true
      %reduce_max3A_189 = vector.broadcast %reduce_max3A_188 : i1 to vector<16xi1>
      %reduce_max3A_190 = tpu.scan <max>, %get3A_187 masked %reduce_max3A_189 : vector<16xf32>, vector<16xi1> -> vector<16xf32>
      %reduce_max3A_191 = vector.extract %reduce_max3A_190[15] : f32 from vector<16xf32>
      %eq3A_192 = arith.constant 11 : i32
      %eq3A_193 = vector.broadcast %eq3A_192 : i32 to vector<16xi32>
      %eq3A_194 = arith.cmpi eq, %iota3A, %eq3A_193 : vector<16xi32>
      %broadcast_in_dim3A_195 = vector.broadcast %reduce_max3A_191 : f32 to vector<16xf32>
      %select_n3A_196 = arith.select %eq3A_194, %broadcast_in_dim3A_195, %select_n3A_185 : vector<16xi1>, vector<16xf32>
      %get3A_197 = arith.constant 192 : index
      %get3A_198 = tpu.vector_load %arg12[%get3A_197] {strides = array<i32>} : memref<512xf32, #tpu.memory_space<vmem>>, vector<16xf32>,
      %reduce_max3A_199 = arith.constant true
      %reduce_max3A_200 = vector.broadcast %reduce_max3A_199 : i1 to vector<16xi1>
      %reduce_max3A_201 = tpu.scan <max>, %get3A_198 masked %reduce_max3A_200 : vector<16xf32>, vector<16xi1> -> vector<16xf32>
      %reduce_max3A_202 = vector.extract %reduce_max3A_201[15] : f32 from vector<16xf32>
      %eq3A_203 = arith.constant 12 : i32
      %eq3A_204 = vector.broadcast %eq3A_203 : i32 to vector<16xi32>
      %eq3A_205 = arith.cmpi eq, %iota3A, %eq3A_204 : vector<16xi32>
      %broadcast_in_dim3A_206 = vector.broadcast %reduce_max3A_202 : f32 to vector<16xf32>
      %select_n3A_207 = arith.select %eq3A_205, %broadcast_in_dim3A_206, %select_n3A_196 : vector<16xi1>, vector<16xf32>
      %get3A_208 = arith.constant 208 : index
      %get3A_209 = tpu.vector_load %arg12[%get3A_208] {strides = array<i32>} : memref<512xf32, #tpu.memory_space<vmem>>, vector<16xf32>,
      %reduce_max3A_210 = arith.constant true
      %reduce_max3A_211 = vector.broadcast %reduce_max3A_210 : i1 to vector<16xi1>
      %reduce_max3A_212 = tpu.scan <max>, %get3A_209 masked %reduce_max3A_211 : vector<16xf32>, vector<16xi1> -> vector<16xf32>
      %reduce_max3A_213 = vector.extract %reduce_max3A_212[15] : f32 from vector<16xf32>
      %eq3A_214 = arith.constant 13 : i32
      %eq3A_215 = vector.broadcast %eq3A_214 : i32 to vector<16xi32>
      %eq3A_216 = arith.cmpi eq, %iota3A, %eq3A_215 : vector<16xi32>
      %broadcast_in_dim3A_217 = vector.broadcast %reduce_max3A_213 : f32 to vector<16xf32>
      %select_n3A_218 = arith.select %eq3A_216, %broadcast_in_dim3A_217, %select_n3A_207 : vector<16xi1>, vector<16xf32>
      %get3A_219 = arith.constant 224 : index
      %get3A_220 = tpu.vector_load %arg12[%get3A_219] {strides = array<i32>} : memref<512xf32, #tpu.memory_space<vmem>>, vector<16xf32>,
      %reduce_max3A_221 = arith.constant true
      %reduce_max3A_222 = vector.broadcast %reduce_max3A_221 : i1 to vector<16xi1>
      %reduce_max3A_223 = tpu.scan <max>, %get3A_220 masked %reduce_max3A_222 : vector<16xf32>, vector<16xi1> -> vector<16xf32>
      %reduce_max3A_224 = vector.extract %reduce_max3A_223[15] : f32 from vector<16xf32>
      %eq3A_225 = arith.constant 14 : i32
      %eq3A_226 = vector.broadcast %eq3A_225 : i32 to vector<16xi32>
      %eq3A_227 = arith.cmpi eq, %iota3A, %eq3A_226 : vector<16xi32>
      %broadcast_in_dim3A_228 = vector.broadcast %reduce_max3A_224 : f32 to vector<16xf32>
      %select_n3A_229 = arith.select %eq3A_227, %broadcast_in_dim3A_228, %select_n3A_218 : vector<16xi1>, vector<16xf32>
      %get3A_230 = arith.constant 240 : index
      %get3A_231 = tpu.vector_load %arg12[%get3A_230] {strides = array<i32>} : memref<512xf32, #tpu.memory_space<vmem>>, vector<16xf32>,
      %reduce_max3A_232 = arith.constant true
      %reduce_max3A_233 = vector.broadcast %reduce_max3A_232 : i1 to vector<16xi1>
      %reduce_max3A_234 = tpu.scan <max>, %get3A_231 masked %reduce_max3A_233 : vector<16xf32>, vector<16xi1> -> vector<16xf32>
      %reduce_max3A_235 = vector.extract %reduce_max3A_234[15] : f32 from vector<16xf32>
      %eq3A_236 = arith.constant 15 : i32
      %eq3A_237 = vector.broadcast %eq3A_236 : i32 to vector<16xi32>
      %eq3A_238 = arith.cmpi eq, %iota3A, %eq3A_237 : vector<16xi32>
      %broadcast_in_dim3A_239 = vector.broadcast %reduce_max3A_235 : f32 to vector<16xf32>
      %select_n3A_240 = arith.select %eq3A_238, %broadcast_in_dim3A_239, %select_n3A_229 : vector<16xi1>, vector<16xf32>
      %swap3A_241 = arith.constant 0 : index
      %swap3A_242 = tpu.vector_load %arg14[%swap3A_241] {strides = array<i32>} : memref<32xf32, #tpu.memory_space<vmem>>, vector<16xf32>,
      tpu.vector_store %arg14[%swap3A_241], %select_n3A_240 {strides = array<i32>} : memref<32xf32, #tpu.memory_space<vmem>>, vector<16xf32>,
      %broadcast_in_dim3A_243 = arith.constant -3.000000e+38 : f32
      %broadcast_in_dim3A_244 = vector.broadcast %broadcast_in_dim3A_243 : f32 to vector<16xf32>
      %get3A_245 = arith.constant 256 : index
      %get3A_246 = tpu.vector_load %arg12[%get3A_245] {strides = array<i32>} : memref<512xf32, #tpu.memory_space<vmem>>, vector<16xf32>,
      %reduce_max3A_247 = arith.constant true
      %reduce_max3A_248 = vector.broadcast %reduce_max3A_247 : i1 to vector<16xi1>
      %reduce_max3A_249 = tpu.scan <max>, %get3A_246 masked %reduce_max3A_248 : vector<16xf32>, vector<16xi1> -> vector<16xf32>
      %reduce_max3A_250 = vector.extract %reduce_max3A_249[15] : f32 from vector<16xf32>
      %eq3A_251 = arith.constant 0 : i32
      %eq3A_252 = vector.broadcast %eq3A_251 : i32 to vector<16xi32>
      %eq3A_253 = arith.cmpi eq, %iota3A, %eq3A_252 : vector<16xi32>
      %broadcast_in_dim3A_254 = vector.broadcast %reduce_max3A_250 : f32 to vector<16xf32>
      %select_n3A_255 = arith.select %eq3A_253, %broadcast_in_dim3A_254, %broadcast_in_dim3A_244 : vector<16xi1>, vector<16xf32>
      %get3A_256 = arith.constant 272 : index
      %get3A_257 = tpu.vector_load %arg12[%get3A_256] {strides = array<i32>} : memref<512xf32, #tpu.memory_space<vmem>>, vector<16xf32>,
      %reduce_max3A_258 = arith.constant true
      %reduce_max3A_259 = vector.broadcast %reduce_max3A_258 : i1 to vector<16xi1>
      %reduce_max3A_260 = tpu.scan <max>, %get3A_257 masked %reduce_max3A_259 : vector<16xf32>, vector<16xi1> -> vector<16xf32>
      %reduce_max3A_261 = vector.extract %reduce_max3A_260[15] : f32 from vector<16xf32>
      %eq3A_262 = arith.constant 1 : i32
      %eq3A_263 = vector.broadcast %eq3A_262 : i32 to vector<16xi32>
      %eq3A_264 = arith.cmpi eq, %iota3A, %eq3A_263 : vector<16xi32>
      %broadcast_in_dim3A_265 = vector.broadcast %reduce_max3A_261 : f32 to vector<16xf32>
      %select_n3A_266 = arith.select %eq3A_264, %broadcast_in_dim3A_265, %select_n3A_255 : vector<16xi1>, vector<16xf32>
      %get3A_267 = arith.constant 288 : index
      %get3A_268 = tpu.vector_load %arg12[%get3A_267] {strides = array<i32>} : memref<512xf32, #tpu.memory_space<vmem>>, vector<16xf32>,
      %reduce_max3A_269 = arith.constant true
      %reduce_max3A_270 = vector.broadcast %reduce_max3A_269 : i1 to vector<16xi1>
      %reduce_max3A_271 = tpu.scan <max>, %get3A_268 masked %reduce_max3A_270 : vector<16xf32>, vector<16xi1> -> vector<16xf32>
      %reduce_max3A_272 = vector.extract %reduce_max3A_271[15] : f32 from vector<16xf32>
      %eq3A_273 = arith.constant 2 : i32
      %eq3A_274 = vector.broadcast %eq3A_273 : i32 to vector<16xi32>
      %eq3A_275 = arith.cmpi eq, %iota3A, %eq3A_274 : vector<16xi32>
      %broadcast_in_dim3A_276 = vector.broadcast %reduce_max3A_272 : f32 to vector<16xf32>
      %select_n3A_277 = arith.select %eq3A_275, %broadcast_in_dim3A_276, %select_n3A_266 : vector<16xi1>, vector<16xf32>
      %get3A_278 = arith.constant 304 : index
      %get3A_279 = tpu.vector_load %arg12[%get3A_278] {strides = array<i32>} : memref<512xf32, #tpu.memory_space<vmem>>, vector<16xf32>,
      %reduce_max3A_280 = arith.constant true
      %reduce_max3A_281 = vector.broadcast %reduce_max3A_280 : i1 to vector<16xi1>
      %reduce_max3A_282 = tpu.scan <max>, %get3A_279 masked %reduce_max3A_281 : vector<16xf32>, vector<16xi1> -> vector<16xf32>
      %reduce_max3A_283 = vector.extract %reduce_max3A_282[15] : f32 from vector<16xf32>
      %eq3A_284 = arith.constant 3 : i32
      %eq3A_285 = vector.broadcast %eq3A_284 : i32 to vector<16xi32>
      %eq3A_286 = arith.cmpi eq, %iota3A, %eq3A_285 : vector<16xi32>
      %broadcast_in_dim3A_287 = vector.broadcast %reduce_max3A_283 : f32 to vector<16xf32>
      %select_n3A_288 = arith.select %eq3A_286, %broadcast_in_dim3A_287, %select_n3A_277 : vector<16xi1>, vector<16xf32>
      %get3A_289 = arith.constant 320 : index
      %get3A_290 = tpu.vector_load %arg12[%get3A_289] {strides = array<i32>} : memref<512xf32, #tpu.memory_space<vmem>>, vector<16xf32>,
      %reduce_max3A_291 = arith.constant true
      %reduce_max3A_292 = vector.broadcast %reduce_max3A_291 : i1 to vector<16xi1>
      %reduce_max3A_293 = tpu.scan <max>, %get3A_290 masked %reduce_max3A_292 : vector<16xf32>, vector<16xi1> -> vector<16xf32>
      %reduce_max3A_294 = vector.extract %reduce_max3A_293[15] : f32 from vector<16xf32>
      %eq3A_295 = arith.constant 4 : i32
      %eq3A_296 = vector.broadcast %eq3A_295 : i32 to vector<16xi32>
      %eq3A_297 = arith.cmpi eq, %iota3A, %eq3A_296 : vector<16xi32>
      %broadcast_in_dim3A_298 = vector.broadcast %reduce_max3A_294 : f32 to vector<16xf32>
      %select_n3A_299 = arith.select %eq3A_297, %broadcast_in_dim3A_298, %select_n3A_288 : vector<16xi1>, vector<16xf32>
      %get3A_300 = arith.constant 336 : index
      %get3A_301 = tpu.vector_load %arg12[%get3A_300] {strides = array<i32>} : memref<512xf32, #tpu.memory_space<vmem>>, vector<16xf32>,
      %reduce_max3A_302 = arith.constant true
      %reduce_max3A_303 = vector.broadcast %reduce_max3A_302 : i1 to vector<16xi1>
      %reduce_max3A_304 = tpu.scan <max>, %get3A_301 masked %reduce_max3A_303 : vector<16xf32>, vector<16xi1> -> vector<16xf32>
      %reduce_max3A_305 = vector.extract %reduce_max3A_304[15] : f32 from vector<16xf32>
      %eq3A_306 = arith.constant 5 : i32
      %eq3A_307 = vector.broadcast %eq3A_306 : i32 to vector<16xi32>
      %eq3A_308 = arith.cmpi eq, %iota3A, %eq3A_307 : vector<16xi32>
      %broadcast_in_dim3A_309 = vector.broadcast %reduce_max3A_305 : f32 to vector<16xf32>
      %select_n3A_310 = arith.select %eq3A_308, %broadcast_in_dim3A_309, %select_n3A_299 : vector<16xi1>, vector<16xf32>
      %get3A_311 = arith.constant 352 : index
      %get3A_312 = tpu.vector_load %arg12[%get3A_311] {strides = array<i32>} : memref<512xf32, #tpu.memory_space<vmem>>, vector<16xf32>,
      %reduce_max3A_313 = arith.constant true
      %reduce_max3A_314 = vector.broadcast %reduce_max3A_313 : i1 to vector<16xi1>
      %reduce_max3A_315 = tpu.scan <max>, %get3A_312 masked %reduce_max3A_314 : vector<16xf32>, vector<16xi1> -> vector<16xf32>
      %reduce_max3A_316 = vector.extract %reduce_max3A_315[15] : f32 from vector<16xf32>
      %eq3A_317 = arith.constant 6 : i32
      %eq3A_318 = vector.broadcast %eq3A_317 : i32 to vector<16xi32>
      %eq3A_319 = arith.cmpi eq, %iota3A, %eq3A_318 : vector<16xi32>
      %broadcast_in_dim3A_320 = vector.broadcast %reduce_max3A_316 : f32 to vector<16xf32>
      %select_n3A_321 = arith.select %eq3A_319, %broadcast_in_dim3A_320, %select_n3A_310 : vector<16xi1>, vector<16xf32>
      %get3A_322 = arith.constant 368 : index
      %get3A_323 = tpu.vector_load %arg12[%get3A_322] {strides = array<i32>} : memref<512xf32, #tpu.memory_space<vmem>>, vector<16xf32>,
      %reduce_max3A_324 = arith.constant true
      %reduce_max3A_325 = vector.broadcast %reduce_max3A_324 : i1 to vector<16xi1>
      %reduce_max3A_326 = tpu.scan <max>, %get3A_323 masked %reduce_max3A_325 : vector<16xf32>, vector<16xi1> -> vector<16xf32>
      %reduce_max3A_327 = vector.extract %reduce_max3A_326[15] : f32 from vector<16xf32>
      %eq3A_328 = arith.constant 7 : i32
      %eq3A_329 = vector.broadcast %eq3A_328 : i32 to vector<16xi32>
      %eq3A_330 = arith.cmpi eq, %iota3A, %eq3A_329 : vector<16xi32>
      %broadcast_in_dim3A_331 = vector.broadcast %reduce_max3A_327 : f32 to vector<16xf32>
      %select_n3A_332 = arith.select %eq3A_330, %broadcast_in_dim3A_331, %select_n3A_321 : vector<16xi1>, vector<16xf32>
      %get3A_333 = arith.constant 384 : index
      %get3A_334 = tpu.vector_load %arg12[%get3A_333] {strides = array<i32>} : memref<512xf32, #tpu.memory_space<vmem>>, vector<16xf32>,
      %reduce_max3A_335 = arith.constant true
      %reduce_max3A_336 = vector.broadcast %reduce_max3A_335 : i1 to vector<16xi1>
      %reduce_max3A_337 = tpu.scan <max>, %get3A_334 masked %reduce_max3A_336 : vector<16xf32>, vector<16xi1> -> vector<16xf32>
      %reduce_max3A_338 = vector.extract %reduce_max3A_337[15] : f32 from vector<16xf32>
      %eq3A_339 = arith.constant 8 : i32
      %eq3A_340 = vector.broadcast %eq3A_339 : i32 to vector<16xi32>
      %eq3A_341 = arith.cmpi eq, %iota3A, %eq3A_340 : vector<16xi32>
      %broadcast_in_dim3A_342 = vector.broadcast %reduce_max3A_338 : f32 to vector<16xf32>
      %select_n3A_343 = arith.select %eq3A_341, %broadcast_in_dim3A_342, %select_n3A_332 : vector<16xi1>, vector<16xf32>
      %get3A_344 = arith.constant 400 : index
      %get3A_345 = tpu.vector_load %arg12[%get3A_344] {strides = array<i32>} : memref<512xf32, #tpu.memory_space<vmem>>, vector<16xf32>,
      %reduce_max3A_346 = arith.constant true
      %reduce_max3A_347 = vector.broadcast %reduce_max3A_346 : i1 to vector<16xi1>
      %reduce_max3A_348 = tpu.scan <max>, %get3A_345 masked %reduce_max3A_347 : vector<16xf32>, vector<16xi1> -> vector<16xf32>
      %reduce_max3A_349 = vector.extract %reduce_max3A_348[15] : f32 from vector<16xf32>
      %eq3A_350 = arith.constant 9 : i32
      %eq3A_351 = vector.broadcast %eq3A_350 : i32 to vector<16xi32>
      %eq3A_352 = arith.cmpi eq, %iota3A, %eq3A_351 : vector<16xi32>
      %broadcast_in_dim3A_353 = vector.broadcast %reduce_max3A_349 : f32 to vector<16xf32>
      %select_n3A_354 = arith.select %eq3A_352, %broadcast_in_dim3A_353, %select_n3A_343 : vector<16xi1>, vector<16xf32>
      %get3A_355 = arith.constant 416 : index
      %get3A_356 = tpu.vector_load %arg12[%get3A_355] {strides = array<i32>} : memref<512xf32, #tpu.memory_space<vmem>>, vector<16xf32>,
      %reduce_max3A_357 = arith.constant true
      %reduce_max3A_358 = vector.broadcast %reduce_max3A_357 : i1 to vector<16xi1>
      %reduce_max3A_359 = tpu.scan <max>, %get3A_356 masked %reduce_max3A_358 : vector<16xf32>, vector<16xi1> -> vector<16xf32>
      %reduce_max3A_360 = vector.extract %reduce_max3A_359[15] : f32 from vector<16xf32>
      %eq3A_361 = arith.constant 10 : i32
      %eq3A_362 = vector.broadcast %eq3A_361 : i32 to vector<16xi32>
      %eq3A_363 = arith.cmpi eq, %iota3A, %eq3A_362 : vector<16xi32>
      %broadcast_in_dim3A_364 = vector.broadcast %reduce_max3A_360 : f32 to vector<16xf32>
      %select_n3A_365 = arith.select %eq3A_363, %broadcast_in_dim3A_364, %select_n3A_354 : vector<16xi1>, vector<16xf32>
      %get3A_366 = arith.constant 432 : index
      %get3A_367 = tpu.vector_load %arg12[%get3A_366] {strides = array<i32>} : memref<512xf32, #tpu.memory_space<vmem>>, vector<16xf32>,
      %reduce_max3A_368 = arith.constant true
      %reduce_max3A_369 = vector.broadcast %reduce_max3A_368 : i1 to vector<16xi1>
      %reduce_max3A_370 = tpu.scan <max>, %get3A_367 masked %reduce_max3A_369 : vector<16xf32>, vector<16xi1> -> vector<16xf32>
      %reduce_max3A_371 = vector.extract %reduce_max3A_370[15] : f32 from vector<16xf32>
      %eq3A_372 = arith.constant 11 : i32
      %eq3A_373 = vector.broadcast %eq3A_372 : i32 to vector<16xi32>
      %eq3A_374 = arith.cmpi eq, %iota3A, %eq3A_373 : vector<16xi32>
      %broadcast_in_dim3A_375 = vector.broadcast %reduce_max3A_371 : f32 to vector<16xf32>
      %select_n3A_376 = arith.select %eq3A_374, %broadcast_in_dim3A_375, %select_n3A_365 : vector<16xi1>, vector<16xf32>
      %get3A_377 = arith.constant 448 : index
      %get3A_378 = tpu.vector_load %arg12[%get3A_377] {strides = array<i32>} : memref<512xf32, #tpu.memory_space<vmem>>, vector<16xf32>,
      %reduce_max3A_379 = arith.constant true
      %reduce_max3A_380 = vector.broadcast %reduce_max3A_379 : i1 to vector<16xi1>
      %reduce_max3A_381 = tpu.scan <max>, %get3A_378 masked %reduce_max3A_380 : vector<16xf32>, vector<16xi1> -> vector<16xf32>
      %reduce_max3A_382 = vector.extract %reduce_max3A_381[15] : f32 from vector<16xf32>
      %eq3A_383 = arith.constant 12 : i32
      %eq3A_384 = vector.broadcast %eq3A_383 : i32 to vector<16xi32>
      %eq3A_385 = arith.cmpi eq, %iota3A, %eq3A_384 : vector<16xi32>
      %broadcast_in_dim3A_386 = vector.broadcast %reduce_max3A_382 : f32 to vector<16xf32>
      %select_n3A_387 = arith.select %eq3A_385, %broadcast_in_dim3A_386, %select_n3A_376 : vector<16xi1>, vector<16xf32>
      %get3A_388 = arith.constant 464 : index
      %get3A_389 = tpu.vector_load %arg12[%get3A_388] {strides = array<i32>} : memref<512xf32, #tpu.memory_space<vmem>>, vector<16xf32>,
      %reduce_max3A_390 = arith.constant true
      %reduce_max3A_391 = vector.broadcast %reduce_max3A_390 : i1 to vector<16xi1>
      %reduce_max3A_392 = tpu.scan <max>, %get3A_389 masked %reduce_max3A_391 : vector<16xf32>, vector<16xi1> -> vector<16xf32>
      %reduce_max3A_393 = vector.extract %reduce_max3A_392[15] : f32 from vector<16xf32>
      %eq3A_394 = arith.constant 13 : i32
      %eq3A_395 = vector.broadcast %eq3A_394 : i32 to vector<16xi32>
      %eq3A_396 = arith.cmpi eq, %iota3A, %eq3A_395 : vector<16xi32>
      %broadcast_in_dim3A_397 = vector.broadcast %reduce_max3A_393 : f32 to vector<16xf32>
      %select_n3A_398 = arith.select %eq3A_396, %broadcast_in_dim3A_397, %select_n3A_387 : vector<16xi1>, vector<16xf32>
      %get3A_399 = arith.constant 480 : index
      %get3A_400 = tpu.vector_load %arg12[%get3A_399] {strides = array<i32>} : memref<512xf32, #tpu.memory_space<vmem>>, vector<16xf32>,
      %reduce_max3A_401 = arith.constant true
      %reduce_max3A_402 = vector.broadcast %reduce_max3A_401 : i1 to vector<16xi1>
      %reduce_max3A_403 = tpu.scan <max>, %get3A_400 masked %reduce_max3A_402 : vector<16xf32>, vector<16xi1> -> vector<16xf32>
      %reduce_max3A_404 = vector.extract %reduce_max3A_403[15] : f32 from vector<16xf32>
      %eq3A_405 = arith.constant 14 : i32
      %eq3A_406 = vector.broadcast %eq3A_405 : i32 to vector<16xi32>
      %eq3A_407 = arith.cmpi eq, %iota3A, %eq3A_406 : vector<16xi32>
      %broadcast_in_dim3A_408 = vector.broadcast %reduce_max3A_404 : f32 to vector<16xf32>
      %select_n3A_409 = arith.select %eq3A_407, %broadcast_in_dim3A_408, %select_n3A_398 : vector<16xi1>, vector<16xf32>
      %get3A_410 = arith.constant 496 : index
      %get3A_411 = tpu.vector_load %arg12[%get3A_410] {strides = array<i32>} : memref<512xf32, #tpu.memory_space<vmem>>, vector<16xf32>,
      %reduce_max3A_412 = arith.constant true
      %reduce_max3A_413 = vector.broadcast %reduce_max3A_412 : i1 to vector<16xi1>
      %reduce_max3A_414 = tpu.scan <max>, %get3A_411 masked %reduce_max3A_413 : vector<16xf32>, vector<16xi1> -> vector<16xf32>
      %reduce_max3A_415 = vector.extract %reduce_max3A_414[15] : f32 from vector<16xf32>
      %eq3A_416 = arith.constant 15 : i32
      %eq3A_417 = vector.broadcast %eq3A_416 : i32 to vector<16xi32>
      %eq3A_418 = arith.cmpi eq, %iota3A, %eq3A_417 : vector<16xi32>
      %broadcast_in_dim3A_419 = vector.broadcast %reduce_max3A_415 : f32 to vector<16xf32>
      %select_n3A_420 = arith.select %eq3A_418, %broadcast_in_dim3A_419, %select_n3A_409 : vector<16xi1>, vector<16xf32>
      %swap3A_421 = arith.constant 16 : index
      %swap3A_422 = tpu.vector_load %arg14[%swap3A_421] {strides = array<i32>} : memref<32xf32, #tpu.memory_space<vmem>>, vector<16xf32>,
      tpu.vector_store %arg14[%swap3A_421], %select_n3A_420 {strides = array<i32>} : memref<32xf32, #tpu.memory_space<vmem>>, vector<16xf32>,
      %scan3A = arith.constant 0 : i32
      %scan3A_423 = arith.constant 0 : i32
      %scan3A_424 = arith.constant 8 : i32
      %scan3A_425 = arith.addi %scan3A_423, %scan3A_424 : i32
      %scan3A_426 = arith.constant 1 : i32
      %scan3A_427 = scf.for %scan3A_429 = %scan3A_423 to %scan3A_425 step %scan3A_426 iter_args(%scan3A_430 = %scan3A) -> (i32)  : i32 {
        %get3A_431 = arith.constant 0 : index
        %get3A_432 = tpu.vector_load %arg14[%get3A_431] {strides = array<i32>} : memref<32xf32, #tpu.memory_space<vmem>>, vector<16xf32>,
        %get3A_433 = arith.constant 16 : index
        %get3A_434 = tpu.vector_load %arg14[%get3A_433] {strides = array<i32>} : memref<32xf32, #tpu.memory_space<vmem>>, vector<16xf32>,
        %max3A = arith.maximumf %get3A_432, %get3A_434 : vector<16xf32>
        %reduce_max3A_435 = arith.constant true
        %reduce_max3A_436 = vector.broadcast %reduce_max3A_435 : i1 to vector<16xi1>
        %reduce_max3A_437 = tpu.scan <max>, %max3A masked %reduce_max3A_436 : vector<16xf32>, vector<16xi1> -> vector<16xf32>
        %reduce_max3A_438 = vector.extract %reduce_max3A_437[15] : f32 from vector<16xf32>
        %eq3A_439 = vector.broadcast %reduce_max3A_438 : f32 to vector<16xf32>
        %eq3A_440 = arith.cmpf oeq, %get3A_432, %eq3A_439 : vector<16xf32>
        %jit3A = arith.constant 1073741824 : i32
        %broadcast_in_dim3A_441 = vector.broadcast %jit3A : i32 to vector<16xi32>
        %select_n3A_442 = arith.select %eq3A_440, %iota3A, %broadcast_in_dim3A_441 : vector<16xi1>, vector<16xi32>
        %eq3A_443 = vector.broadcast %reduce_max3A_438 : f32 to vector<16xf32>
        %eq3A_444 = arith.cmpf oeq, %get3A_434, %eq3A_443 : vector<16xf32>
        %add3A_445 = arith.constant 16 : i32
        %add3A_446 = vector.broadcast %add3A_445 : i32 to vector<16xi32>
        %add3A_447 = arith.addi %iota3A, %add3A_446 : vector<16xi32>
        %jit3A_448 = arith.constant 1073741824 : i32
        %broadcast_in_dim3A_449 = vector.broadcast %jit3A_448 : i32 to vector<16xi32>
        %select_n3A_450 = arith.select %eq3A_444, %add3A_447, %broadcast_in_dim3A_449 : vector<16xi1>, vector<16xi32>
        %min3A = arith.minsi %select_n3A_442, %select_n3A_450 : vector<16xi32>
        %reduce_min3A = arith.constant true
        %reduce_min3A_451 = vector.broadcast %reduce_min3A : i1 to vector<16xi1>
        %reduce_min3A_452 = arith.constant -2147483648 : i32
        %reduce_min3A_453 = vector.broadcast %reduce_min3A_452 : i32 to vector<16xi32>
        %reduce_min3A_454 = arith.xori %min3A, %reduce_min3A_453 : vector<16xi32>
        %reduce_min3A_455 = tpu.scan <min>, %reduce_min3A_454 masked %reduce_min3A_451 : vector<16xi32>, vector<16xi1> -> vector<16xi32>
        %reduce_min3A_456 = arith.xori %reduce_min3A_455, %reduce_min3A_453 : vector<16xi32>
        %reduce_min3A_457 = vector.extract %reduce_min3A_456[15] : i32 from vector<16xi32>
        %mul3A_458 = arith.constant 16 : i32
        %mul3A_459 = arith.muli %reduce_min3A_457, %mul3A_458 : i32
        %get3A_460 = arith.index_cast %mul3A_459 : i32 to index
        %get3A_461 = tpu.vector_load %arg12[%get3A_460] {strides = array<i32>} : memref<512xf32, #tpu.memory_space<vmem>>, vector<16xf32>,
        %eq3A_462 = vector.broadcast %reduce_max3A_438 : f32 to vector<16xf32>
        %eq3A_463 = arith.cmpf oeq, %get3A_461, %eq3A_462 : vector<16xf32>
        %jit3A_464 = arith.constant 1073741824 : i32
        %broadcast_in_dim3A_465 = vector.broadcast %jit3A_464 : i32 to vector<16xi32>
        %select_n3A_466 = arith.select %eq3A_463, %iota3A, %broadcast_in_dim3A_465 : vector<16xi1>, vector<16xi32>
        %reduce_min3A_467 = arith.constant true
        %reduce_min3A_468 = vector.broadcast %reduce_min3A_467 : i1 to vector<16xi1>
        %reduce_min3A_469 = arith.constant -2147483648 : i32
        %reduce_min3A_470 = vector.broadcast %reduce_min3A_469 : i32 to vector<16xi32>
        %reduce_min3A_471 = arith.xori %select_n3A_466, %reduce_min3A_470 : vector<16xi32>
        %reduce_min3A_472 = tpu.scan <min>, %reduce_min3A_471 masked %reduce_min3A_468 : vector<16xi32>, vector<16xi1> -> vector<16xi32>
        %reduce_min3A_473 = arith.xori %reduce_min3A_472, %reduce_min3A_470 : vector<16xi32>
        %reduce_min3A_474 = vector.extract %reduce_min3A_473[15] : i32 from vector<16xi32>
        %mul3A_475 = arith.constant 16 : i32
        %mul3A_476 = arith.muli %reduce_min3A_457, %mul3A_475 : i32
        %add3A_477 = arith.addi %mul3A_476, %reduce_min3A_474 : i32
        %mul3A_478 = arith.constant 16 : i32
        %mul3A_479 = arith.muli %reduce_min3A_457, %mul3A_478 : i32
        %get3A_480 = arith.index_cast %mul3A_479 : i32 to index
        %get3A_481 = tpu.vector_load %arg13[%get3A_480] {strides = array<i32>} : memref<512xi32, #tpu.memory_space<vmem>>, vector<16xi32>,
        %eq3A_482 = vector.broadcast %reduce_min3A_474 : i32 to vector<16xi32>
        %eq3A_483 = arith.cmpi eq, %iota3A, %eq3A_482 : vector<16xi32>
        %jit3A_484 = arith.constant 1073741824 : i32
        %broadcast_in_dim3A_485 = vector.broadcast %jit3A_484 : i32 to vector<16xi32>
        %select_n3A_486 = arith.select %eq3A_483, %get3A_481, %broadcast_in_dim3A_485 : vector<16xi1>, vector<16xi32>
        %reduce_min3A_487 = arith.constant true
        %reduce_min3A_488 = vector.broadcast %reduce_min3A_487 : i1 to vector<16xi1>
        %reduce_min3A_489 = arith.constant -2147483648 : i32
        %reduce_min3A_490 = vector.broadcast %reduce_min3A_489 : i32 to vector<16xi32>
        %reduce_min3A_491 = arith.xori %select_n3A_486, %reduce_min3A_490 : vector<16xi32>
        %reduce_min3A_492 = tpu.scan <min>, %reduce_min3A_491 masked %reduce_min3A_488 : vector<16xi32>, vector<16xi1> -> vector<16xi32>
        %reduce_min3A_493 = arith.xori %reduce_min3A_492, %reduce_min3A_490 : vector<16xi32>
        %reduce_min3A_494 = vector.extract %reduce_min3A_493[15] : i32 from vector<16xi32>
        %mul3A_495 = arith.constant 1024 : i32
        %mul3A_496 = arith.muli %add3A_477, %mul3A_495 : i32
        %sub3A = arith.subi %reduce_min3A_494, %mul3A_496 : i32
        %get3A_497 = arith.constant 0 : index
        %get3A_498 = tpu.vector_load %arg16[%get3A_497] {strides = array<i32>} : memref<16xi32, #tpu.memory_space<vmem>>, vector<16xi32>,
        %mul3A_499 = arith.constant 2 : i32
        %mul3A_500 = arith.muli %mul3A_499, %scan3A_429 : i32
        %eq3A_501 = vector.broadcast %mul3A_500 : i32 to vector<16xi32>
        %eq3A_502 = arith.cmpi eq, %iota3A, %eq3A_501 : vector<16xi32>
        %add3A_503 = arith.constant 4 : i32
        %add3A_504 = arith.addi %sub3A, %add3A_503 : i32
        %broadcast_in_dim3A_505 = vector.broadcast %add3A_504 : i32 to vector<16xi32>
        %select_n3A_506 = arith.select %eq3A_502, %broadcast_in_dim3A_505, %get3A_498 : vector<16xi1>, vector<16xi32>
        %mul3A_507 = arith.constant 2 : i32
        %mul3A_508 = arith.muli %mul3A_507, %scan3A_429 : i32
        %add3A_509 = arith.constant 1 : i32
        %add3A_510 = arith.addi %mul3A_508, %add3A_509 : i32
        %eq3A_511 = vector.broadcast %add3A_510 : i32 to vector<16xi32>
        %eq3A_512 = arith.cmpi eq, %iota3A, %eq3A_511 : vector<16xi32>
        %add3A_513 = arith.constant 4 : i32
        %add3A_514 = arith.addi %add3A_477, %add3A_513 : i32
        %broadcast_in_dim3A_515 = vector.broadcast %add3A_514 : i32 to vector<16xi32>
        %select_n3A_516 = arith.select %eq3A_512, %broadcast_in_dim3A_515, %select_n3A_506 : vector<16xi1>, vector<16xi32>
        %swap3A_517 = arith.constant 0 : index
        %swap3A_518 = tpu.vector_load %arg16[%swap3A_517] {strides = array<i32>} : memref<16xi32, #tpu.memory_space<vmem>>, vector<16xi32>,
        tpu.vector_store %arg16[%swap3A_517], %select_n3A_516 {strides = array<i32>} : memref<16xi32, #tpu.memory_space<vmem>>, vector<16xi32>,
        %get3A_519 = arith.constant 0 : index
        %get3A_520 = tpu.vector_load %arg15[%get3A_519] {strides = array<i32>} : memref<16xi32, #tpu.memory_space<vmem>>, vector<16xi32>,
        %eq3A_521 = vector.broadcast %scan3A_429 : i32 to vector<16xi32>
        %eq3A_522 = arith.cmpi eq, %iota3A, %eq3A_521 : vector<16xi32>
        %broadcast_in_dim3A_523 = vector.broadcast %reduce_min3A_494 : i32 to vector<16xi32>
        %select_n3A_524 = arith.select %eq3A_522, %broadcast_in_dim3A_523, %get3A_520 : vector<16xi1>, vector<16xi32>
        %swap3A_525 = arith.constant 0 : index
        %swap3A_526 = tpu.vector_load %arg15[%swap3A_525] {strides = array<i32>} : memref<16xi32, #tpu.memory_space<vmem>>, vector<16xi32>,
        tpu.vector_store %arg15[%swap3A_525], %select_n3A_524 {strides = array<i32>} : memref<16xi32, #tpu.memory_space<vmem>>, vector<16xi32>,
        %sub3A_527 = arith.constant 8 : i32
        %sub3A_528 = arith.subi %add3A_477, %sub3A_527 : i32
        %max3A_529 = arith.constant 0 : i32
        %max3A_530 = arith.maxsi %sub3A_528, %max3A_529 : i32
        %min3A_531 = arith.constant 487 : i32
        %min3A_532 = arith.minsi %max3A_530, %min3A_531 : i32
        %jit3A_533 = arith.constant 8 : i32
        %div3A = arith.divsi %min3A_532, %jit3A_533 : i32
        %sign3A = arith.constant 0 : i32
        %sign3A_534 = arith.cmpi sgt, %min3A_532, %sign3A : i32
        %sign3A_535 = arith.extui %sign3A_534 : i1 to i32
        %sign3A_536 = arith.constant 0 : i32
        %sign3A_537 = arith.cmpi slt, %min3A_532, %sign3A_536 : i32
        %sign3A_538 = arith.extui %sign3A_537 : i1 to i32
        %sign3A_539 = arith.subi %sign3A_535, %sign3A_538 : i32
        %sign3A_540 = arith.constant 0 : i32
        %sign3A_541 = arith.cmpi sgt, %jit3A_533, %sign3A_540 : i32
        %sign3A_542 = arith.extui %sign3A_541 : i1 to i32
        %sign3A_543 = arith.constant 0 : i32
        %sign3A_544 = arith.cmpi slt, %jit3A_533, %sign3A_543 : i32
        %sign3A_545 = arith.extui %sign3A_544 : i1 to i32
        %sign3A_546 = arith.subi %sign3A_542, %sign3A_545 : i32
        %ne3A = arith.cmpi ne, %sign3A_539, %sign3A_546 : i32
        %rem3A = arith.remsi %min3A_532, %jit3A_533 : i32
        %ne3A_547 = arith.constant 0 : i32
        %ne3A_548 = arith.cmpi ne, %rem3A, %ne3A_547 : i32
        %and3A = arith.andi %ne3A, %ne3A_548 : i1
        %sub3A_549 = arith.constant 1 : i32
        %sub3A_550 = arith.subi %div3A, %sub3A_549 : i32
        %select_n3A_551 = arith.select %and3A, %sub3A_550, %div3A : i32
        %mul3A_552 = arith.constant 8 : i32
        %mul3A_553 = arith.muli %select_n3A_551, %mul3A_552 : i32
        %sub3A_554 = arith.subi %min3A_532, %mul3A_553 : i32
        %sub3A_555 = arith.constant 8 : i32
        %sub3A_556 = arith.subi %sub3A, %sub3A_555 : i32
        %max3A_557 = arith.constant 0 : i32
        %max3A_558 = arith.maxsi %sub3A_556, %max3A_557 : i32
        %min3A_559 = arith.constant 488 : i32
        %min3A_560 = arith.minsi %max3A_558, %min3A_559 : i32
        %jit3A_561 = arith.constant 16 : i32
        %div3A_562 = arith.divsi %min3A_560, %jit3A_561 : i32
        %sign3A_563 = arith.constant 0 : i32
        %sign3A_564 = arith.cmpi sgt, %min3A_560, %sign3A_563 : i32
        %sign3A_565 = arith.extui %sign3A_564 : i1 to i32
        %sign3A_566 = arith.constant 0 : i32
        %sign3A_567 = arith.cmpi slt, %min3A_560, %sign3A_566 : i32
        %sign3A_568 = arith.extui %sign3A_567 : i1 to i32
        %sign3A_569 = arith.subi %sign3A_565, %sign3A_568 : i32
        %sign3A_570 = arith.constant 0 : i32
        %sign3A_571 = arith.cmpi sgt, %jit3A_561, %sign3A_570 : i32
        %sign3A_572 = arith.extui %sign3A_571 : i1 to i32
        %sign3A_573 = arith.constant 0 : i32
        %sign3A_574 = arith.cmpi slt, %jit3A_561, %sign3A_573 : i32
        %sign3A_575 = arith.extui %sign3A_574 : i1 to i32
        %sign3A_576 = arith.subi %sign3A_572, %sign3A_575 : i32
        %ne3A_577 = arith.cmpi ne, %sign3A_569, %sign3A_576 : i32
        %rem3A_578 = arith.remsi %min3A_560, %jit3A_561 : i32
        %ne3A_579 = arith.constant 0 : i32
        %ne3A_580 = arith.cmpi ne, %rem3A_578, %ne3A_579 : i32
        %and3A_581 = arith.andi %ne3A_577, %ne3A_580 : i1
        %sub3A_582 = arith.constant 1 : i32
        %sub3A_583 = arith.subi %div3A_562, %sub3A_582 : i32
        %select_n3A_584 = arith.select %and3A_581, %sub3A_583, %div3A_562 : i32
        %mul3A_585 = arith.constant 16 : i32
        %mul3A_586 = arith.muli %mul3A_585, %select_n3A_584 : i32
        %sub3A_587 = arith.constant 8 : i32
        %sub3A_588 = arith.subi %sub3A, %sub3A_587 : i32
        %jit3A_589 = arith.constant 128 : i32
        %div3A_590 = arith.divsi %sub3A_588, %jit3A_589 : i32
        %sign3A_591 = arith.constant 0 : i32
        %sign3A_592 = arith.cmpi sgt, %sub3A_588, %sign3A_591 : i32
        %sign3A_593 = arith.extui %sign3A_592 : i1 to i32
        %sign3A_594 = arith.constant 0 : i32
        %sign3A_595 = arith.cmpi slt, %sub3A_588, %sign3A_594 : i32
        %sign3A_596 = arith.extui %sign3A_595 : i1 to i32
        %sign3A_597 = arith.subi %sign3A_593, %sign3A_596 : i32
        %sign3A_598 = arith.constant 0 : i32
        %sign3A_599 = arith.cmpi sgt, %jit3A_589, %sign3A_598 : i32
        %sign3A_600 = arith.extui %sign3A_599 : i1 to i32
        %sign3A_601 = arith.constant 0 : i32
        %sign3A_602 = arith.cmpi slt, %jit3A_589, %sign3A_601 : i32
        %sign3A_603 = arith.extui %sign3A_602 : i1 to i32
        %sign3A_604 = arith.subi %sign3A_600, %sign3A_603 : i32
        %ne3A_605 = arith.cmpi ne, %sign3A_597, %sign3A_604 : i32
        %rem3A_606 = arith.remsi %sub3A_588, %jit3A_589 : i32
        %ne3A_607 = arith.constant 0 : i32
        %ne3A_608 = arith.cmpi ne, %rem3A_606, %ne3A_607 : i32
        %and3A_609 = arith.andi %ne3A_605, %ne3A_608 : i1
        %sub3A_610 = arith.constant 1 : i32
        %sub3A_611 = arith.subi %div3A_590, %sub3A_610 : i32
        %select_n3A_612 = arith.select %and3A_609, %sub3A_611, %div3A_590 : i32
        %max3A_613 = arith.constant 0 : i32
        %max3A_614 = arith.maxsi %select_n3A_612, %max3A_613 : i32
        %min3A_615 = arith.constant 2 : i32
        %min3A_616 = arith.minsi %max3A_614, %min3A_615 : i32
        %mul3A_617 = arith.constant 128 : i32
        %mul3A_618 = arith.muli %min3A_616, %mul3A_617 : i32
        "tpu.region"() ({
          %run_scoped3A = tpu.sem_alloc : memref<!tpu.dma_semaphore, #tpu.memory_space<semaphore_mem>>
          %dma_start3A_2132 = tpu.memref_slice %arg2[%add3A, %mul3A_553, %mul3A_618] : memref<8x512x512xf32, #tpu.memory_space<hbm>> -> memref<1x32x256xf32, #tpu.memory_space<hbm>>
          %dma_start3A_2133 = tpu.memref_squeeze %dma_start3A_2132 : memref<1x32x256xf32, #tpu.memory_space<hbm>> -> memref<32x256xf32, #tpu.memory_space<hbm>>
          %dma_start3A_2134 = tpu.memref_slice %arg2[%add3A, %mul3A_553, %mul3A_618] : memref<8x512x512xf32, #tpu.memory_space<hbm>> -> memref<1x32x256xf32, #tpu.memory_space<hbm>>
          %dma_start3A_2135 = tpu.memref_squeeze %dma_start3A_2134 : memref<1x32x256xf32, #tpu.memory_space<hbm>> -> memref<32x256xf32, #tpu.memory_space<hbm>>
          tpu.enqueue_dma source(%dma_start3A_2135 : memref<32x256xf32, #tpu.memory_space<hbm>>) target(%arg8 : memref<32x256xf32, #tpu.memory_space<vmem>>) target_semaphore(%run_scoped3A : memref<!tpu.dma_semaphore, #tpu.memory_space<semaphore_mem>>)
          %dma_wait3A_2136 = tpu.memref_slice %arg2[%add3A, %mul3A_553, %mul3A_618] : memref<8x512x512xf32, #tpu.memory_space<hbm>> -> memref<1x32x256xf32, #tpu.memory_space<hbm>>
          %dma_wait3A_2137 = tpu.memref_squeeze %dma_wait3A_2136 : memref<1x32x256xf32, #tpu.memory_space<hbm>> -> memref<32x256xf32, #tpu.memory_space<hbm>>
          %dma_wait3A_2138 = tpu.memref_slice %arg2[%add3A, %mul3A_553, %mul3A_618] : memref<8x512x512xf32, #tpu.memory_space<hbm>> -> memref<1x32x256xf32, #tpu.memory_space<hbm>>
          %dma_wait3A_2139 = tpu.memref_squeeze %dma_wait3A_2138 : memref<1x32x256xf32, #tpu.memory_space<hbm>> -> memref<32x256xf32, #tpu.memory_space<hbm>>
          tpu.wait_dma2 semaphore(%run_scoped3A : memref<!tpu.dma_semaphore, #tpu.memory_space<semaphore_mem>>) src(%dma_wait3A_2139 : memref<32x256xf32, #tpu.memory_space<hbm>>) dst(%arg8 : memref<32x256xf32, #tpu.memory_space<vmem>>)
          tpu.yield
        }) : () -> ()
        %add3A_619 = arith.constant 1 : i32
        %add3A_620 = arith.addi %scan3A_429, %add3A_619 : i32
        %while3A = arith.constant 0 : i32
        %while3A_621 = arith.constant 0 : i32
        %while3A_622 = arith.subi %add3A_620, %while3A : i32
        %while3A_623 = arith.addi %while3A, %while3A_622 : i32
        %while3A_624 = arith.constant 1 : i32
        %while3A_625 = arith.divsi %while3A_622, %while3A_624 : i32
        %while3A_626 = arith.muli %while3A_625, %while3A_624 : i32
        %while3A_627 = arith.addi %while3A, %while3A_626 : i32
        %while3A_628 = arith.constant 1 : i32
        %while3A_629 = scf.for %while3A_2132 = %while3A to %while3A_627 step %while3A_628 iter_args(%while3A_2133 = %while3A_621) -> (i32)  : i32 {
          %get3A_2134 = arith.constant 0 : index
          %get3A_2135 = tpu.vector_load %arg15[%get3A_2134] {strides = array<i32>} : memref<16xi32, #tpu.memory_space<vmem>>, vector<16xi32>,
          %eq3A_2136 = vector.broadcast %while3A_2132 : i32 to vector<16xi32>
          %eq3A_2137 = arith.cmpi eq, %iota3A, %eq3A_2136 : vector<16xi32>
          %jit3A_2138 = arith.constant 1073741824 : i32
          %broadcast_in_dim3A_2139 = vector.broadcast %jit3A_2138 : i32 to vector<16xi32>
          %select_n3A_2140 = arith.select %eq3A_2137, %get3A_2135, %broadcast_in_dim3A_2139 : vector<16xi1>, vector<16xi32>
          %reduce_min3A_2141 = arith.constant true
          %reduce_min3A_2142 = vector.broadcast %reduce_min3A_2141 : i1 to vector<16xi1>
          %reduce_min3A_2143 = arith.constant -2147483648 : i32
          %reduce_min3A_2144 = vector.broadcast %reduce_min3A_2143 : i32 to vector<16xi32>
          %reduce_min3A_2145 = arith.xori %select_n3A_2140, %reduce_min3A_2144 : vector<16xi32>
          %reduce_min3A_2146 = tpu.scan <min>, %reduce_min3A_2145 masked %reduce_min3A_2142 : vector<16xi32>, vector<16xi1> -> vector<16xi32>
          %reduce_min3A_2147 = arith.xori %reduce_min3A_2146, %reduce_min3A_2144 : vector<16xi32>
          %reduce_min3A_2148 = vector.extract %reduce_min3A_2147[15] : i32 from vector<16xi32>
          %jit3A_2149 = arith.constant 1024 : i32
          %div3A_2150 = arith.divsi %reduce_min3A_2148, %jit3A_2149 : i32
          %sign3A_2151 = arith.constant 0 : i32
          %sign3A_2152 = arith.cmpi sgt, %reduce_min3A_2148, %sign3A_2151 : i32
          %sign3A_2153 = arith.extui %sign3A_2152 : i1 to i32
          %sign3A_2154 = arith.constant 0 : i32
          %sign3A_2155 = arith.cmpi slt, %reduce_min3A_2148, %sign3A_2154 : i32
          %sign3A_2156 = arith.extui %sign3A_2155 : i1 to i32
          %sign3A_2157 = arith.subi %sign3A_2153, %sign3A_2156 : i32
          %sign3A_2158 = arith.constant 0 : i32
          %sign3A_2159 = arith.cmpi sgt, %jit3A_2149, %sign3A_2158 : i32
          %sign3A_2160 = arith.extui %sign3A_2159 : i1 to i32
          %sign3A_2161 = arith.constant 0 : i32
          %sign3A_2162 = arith.cmpi slt, %jit3A_2149, %sign3A_2161 : i32
          %sign3A_2163 = arith.extui %sign3A_2162 : i1 to i32
          %sign3A_2164 = arith.subi %sign3A_2160, %sign3A_2163 : i32
          %ne3A_2165 = arith.cmpi ne, %sign3A_2157, %sign3A_2164 : i32
          %rem3A_2166 = arith.remsi %reduce_min3A_2148, %jit3A_2149 : i32
          %ne3A_2167 = arith.constant 0 : i32
          %ne3A_2168 = arith.cmpi ne, %rem3A_2166, %ne3A_2167 : i32
          %and3A_2169 = arith.andi %ne3A_2165, %ne3A_2168 : i1
          %sub3A_2170 = arith.constant 1 : i32
          %sub3A_2171 = arith.subi %div3A_2150, %sub3A_2170 : i32
          %select_n3A_2172 = arith.select %and3A_2169, %sub3A_2171, %div3A_2150 : i32
          %mul3A_2173 = arith.constant 1024 : i32
          %mul3A_2174 = arith.muli %select_n3A_2172, %mul3A_2173 : i32
          %sub3A_2175 = arith.subi %reduce_min3A_2148, %mul3A_2174 : i32
          %jit3A_2176 = arith.constant 16 : i32
          %div3A_2177 = arith.divsi %sub3A_2175, %jit3A_2176 : i32
          %sign3A_2178 = arith.constant 0 : i32
          %sign3A_2179 = arith.cmpi sgt, %sub3A_2175, %sign3A_2178 : i32
          %sign3A_2180 = arith.extui %sign3A_2179 : i1 to i32
          %sign3A_2181 = arith.constant 0 : i32
          %sign3A_2182 = arith.cmpi slt, %sub3A_2175, %sign3A_2181 : i32
          %sign3A_2183 = arith.extui %sign3A_2182 : i1 to i32
          %sign3A_2184 = arith.subi %sign3A_2180, %sign3A_2183 : i32
          %sign3A_2185 = arith.constant 0 : i32
          %sign3A_2186 = arith.cmpi sgt, %jit3A_2176, %sign3A_2185 : i32
          %sign3A_2187 = arith.extui %sign3A_2186 : i1 to i32
          %sign3A_2188 = arith.constant 0 : i32
          %sign3A_2189 = arith.cmpi slt, %jit3A_2176, %sign3A_2188 : i32
          %sign3A_2190 = arith.extui %sign3A_2189 : i1 to i32
          %sign3A_2191 = arith.subi %sign3A_2187, %sign3A_2190 : i32
          %ne3A_2192 = arith.cmpi ne, %sign3A_2184, %sign3A_2191 : i32
          %rem3A_2193 = arith.remsi %sub3A_2175, %jit3A_2176 : i32
          %ne3A_2194 = arith.constant 0 : i32
          %ne3A_2195 = arith.cmpi ne, %rem3A_2193, %ne3A_2194 : i32
          %and3A_2196 = arith.andi %ne3A_2192, %ne3A_2195 : i1
          %sub3A_2197 = arith.constant 1 : i32
          %sub3A_2198 = arith.subi %div3A_2177, %sub3A_2197 : i32
          %select_n3A_2199 = arith.select %and3A_2196, %sub3A_2198, %div3A_2177 : i32
          %mul3A_2200 = arith.constant 16 : i32
          %mul3A_2201 = arith.muli %select_n3A_2199, %mul3A_2200 : i32
          %sub3A_2202 = arith.subi %mul3A_2201, %mul3A_618 : i32
          %max3A_2203 = arith.constant 0 : i32
          %max3A_2204 = arith.maxsi %sub3A_2202, %max3A_2203 : i32
          %min3A_2205 = arith.constant 240 : i32
          %min3A_2206 = arith.minsi %max3A_2204, %min3A_2205 : i32
          %add3A_2207 = arith.constant 16 : i32
          %add3A_2208 = arith.addi %mul3A_2201, %add3A_2207 : i32
          %sub3A_2209 = arith.subi %add3A_2208, %mul3A_618 : i32
          %max3A_2210 = arith.constant 0 : i32
          %max3A_2211 = arith.maxsi %sub3A_2209, %max3A_2210 : i32
          %min3A_2212 = arith.constant 240 : i32
          %min3A_2213 = arith.minsi %max3A_2211, %min3A_2212 : i32
          %add3A_2214 = arith.constant 9 : i32
          %add3A_2215 = arith.addi %select_n3A_2172, %add3A_2214 : i32
          %gt3A = arith.cmpi sgt, %add3A_2215, %mul3A_553 : i32
          %add3A_2216 = arith.constant 32 : i32
          %add3A_2217 = arith.addi %mul3A_553, %add3A_2216 : i32
          %lt3A_2218 = arith.cmpi slt, %select_n3A_2172, %add3A_2217 : i32
          %and3A_2219 = arith.andi %gt3A, %lt3A_2218 : i1
          %convert_element_type3A_2220 = arith.extui %and3A_2219 : i1 to i32
          %cond3A_2221 = arith.constant 0 : i32
          %cond3A_2222 = arith.cmpi ne, %convert_element_type3A_2220, %cond3A_2221 : i32
          scf.if %cond3A_2222 {
            %sub3A_2224 = arith.subi %select_n3A_2172, %mul3A_553 : i32
            %add3A_2225 = arith.constant 0 : i32
            %add3A_2226 = arith.addi %sub3A_2224, %add3A_2225 : i32
            %ge3A = arith.constant 0 : i32
            %ge3A_2227 = arith.cmpi sge, %add3A_2226, %ge3A : i32
            %lt3A_2228 = arith.constant 32 : i32
            %lt3A_2229 = arith.cmpi slt, %add3A_2226, %lt3A_2228 : i32
            %and3A_2230 = arith.andi %ge3A_2227, %lt3A_2229 : i1
            %max3A_2231 = arith.constant 0 : i32
            %max3A_2232 = arith.maxsi %add3A_2226, %max3A_2231 : i32
            %min3A_2233 = arith.constant 31 : i32
            %min3A_2234 = arith.minsi %max3A_2232, %min3A_2233 : i32
            %get3A_2235 = arith.index_cast %min3A_2234 : i32 to index
            %get3A_2236 = arith.index_cast %min3A_2206 : i32 to index
            %get3A_2237 = tpu.vector_load %arg8[%get3A_2235, %get3A_2236] {strides = array<i32>} : memref<32x256xf32, #tpu.memory_space<vmem>>, vector<16xf32>,
            %add3A_2238 = arith.addi %mul3A_618, %min3A_2206 : i32
            %add3A_2239 = vector.broadcast %add3A_2238 : i32 to vector<16xi32>
            %add3A_2240 = arith.addi %add3A_2239, %iota3A : vector<16xi32>
            %ge3A_2241 = vector.broadcast %sub3A_2175 : i32 to vector<16xi32>
            %ge3A_2242 = arith.cmpi sge, %add3A_2240, %ge3A_2241 : vector<16xi32>
            %and3A_2243 = vector.broadcast %and3A_2230 : i1 to vector<16xi1>
            %and3A_2244 = arith.andi %and3A_2243, %ge3A_2242 : vector<16xi1>
            %add3A_2245 = arith.constant 9 : i32
            %add3A_2246 = arith.addi %sub3A_2175, %add3A_2245 : i32
            %lt3A_2247 = vector.broadcast %add3A_2246 : i32 to vector<16xi32>
            %lt3A_2248 = arith.cmpi slt, %add3A_2240, %lt3A_2247 : vector<16xi32>
            %and3A_2249 = arith.andi %and3A_2244, %lt3A_2248 : vector<16xi1>
            %jit3A_2250 = arith.constant 0.000000e+00 : f32
            %broadcast_in_dim3A_2251 = vector.broadcast %jit3A_2250 : f32 to vector<16xf32>
            %select_n3A_2252 = arith.select %and3A_2249, %broadcast_in_dim3A_2251, %get3A_2237 : vector<16xi1>, vector<16xf32>
            %swap3A_2253 = arith.index_cast %min3A_2234 : i32 to index
            %swap3A_2254 = arith.index_cast %min3A_2206 : i32 to index
            %swap3A_2255 = tpu.vector_load %arg8[%swap3A_2253, %swap3A_2254] {strides = array<i32>} : memref<32x256xf32, #tpu.memory_space<vmem>>, vector<16xf32>,
            tpu.vector_store %arg8[%swap3A_2253, %swap3A_2254], %select_n3A_2252 {strides = array<i32>} : memref<32x256xf32, #tpu.memory_space<vmem>>, vector<16xf32>,
            %get3A_2256 = arith.index_cast %min3A_2234 : i32 to index
            %get3A_2257 = arith.index_cast %min3A_2213 : i32 to index
            %get3A_2258 = tpu.vector_load %arg8[%get3A_2256, %get3A_2257] {strides = array<i32>} : memref<32x256xf32, #tpu.memory_space<vmem>>, vector<16xf32>,
            %add3A_2259 = arith.addi %mul3A_618, %min3A_2213 : i32
            %add3A_2260 = vector.broadcast %add3A_2259 : i32 to vector<16xi32>
            %add3A_2261 = arith.addi %add3A_2260, %iota3A : vector<16xi32>
            %ge3A_2262 = vector.broadcast %sub3A_2175 : i32 to vector<16xi32>
            %ge3A_2263 = arith.cmpi sge, %add3A_2261, %ge3A_2262 : vector<16xi32>
            %and3A_2264 = vector.broadcast %and3A_2230 : i1 to vector<16xi1>
            %and3A_2265 = arith.andi %and3A_2264, %ge3A_2263 : vector<16xi1>
            %add3A_2266 = arith.constant 9 : i32
            %add3A_2267 = arith.addi %sub3A_2175, %add3A_2266 : i32
            %lt3A_2268 = vector.broadcast %add3A_2267 : i32 to vector<16xi32>
            %lt3A_2269 = arith.cmpi slt, %add3A_2261, %lt3A_2268 : vector<16xi32>
            %and3A_2270 = arith.andi %and3A_2265, %lt3A_2269 : vector<16xi1>
            %jit3A_2271 = arith.constant 0.000000e+00 : f32
            %broadcast_in_dim3A_2272 = vector.broadcast %jit3A_2271 : f32 to vector<16xf32>
            %select_n3A_2273 = arith.select %and3A_2270, %broadcast_in_dim3A_2272, %get3A_2258 : vector<16xi1>, vector<16xf32>
            %swap3A_2274 = arith.index_cast %min3A_2234 : i32 to index
            %swap3A_2275 = arith.index_cast %min3A_2213 : i32 to index
            %swap3A_2276 = tpu.vector_load %arg8[%swap3A_2274, %swap3A_2275] {strides = array<i32>} : memref<32x256xf32, #tpu.memory_space<vmem>>, vector<16xf32>,
            tpu.vector_store %arg8[%swap3A_2274, %swap3A_2275], %select_n3A_2273 {strides = array<i32>} : memref<32x256xf32, #tpu.memory_space<vmem>>, vector<16xf32>,
            %sub3A_2277 = arith.subi %select_n3A_2172, %mul3A_553 : i32
            %add3A_2278 = arith.constant 1 : i32
            %add3A_2279 = arith.addi %sub3A_2277, %add3A_2278 : i32
            %ge3A_2280 = arith.constant 0 : i32
            %ge3A_2281 = arith.cmpi sge, %add3A_2279, %ge3A_2280 : i32
            %lt3A_2282 = arith.constant 32 : i32
            %lt3A_2283 = arith.cmpi slt, %add3A_2279, %lt3A_2282 : i32
            %and3A_2284 = arith.andi %ge3A_2281, %lt3A_2283 : i1
            %max3A_2285 = arith.constant 0 : i32
            %max3A_2286 = arith.maxsi %add3A_2279, %max3A_2285 : i32
            %min3A_2287 = arith.constant 31 : i32
            %min3A_2288 = arith.minsi %max3A_2286, %min3A_2287 : i32
            %get3A_2289 = arith.index_cast %min3A_2288 : i32 to index
            %get3A_2290 = arith.index_cast %min3A_2206 : i32 to index
            %get3A_2291 = tpu.vector_load %arg8[%get3A_2289, %get3A_2290] {strides = array<i32>} : memref<32x256xf32, #tpu.memory_space<vmem>>, vector<16xf32>,
            %add3A_2292 = arith.addi %mul3A_618, %min3A_2206 : i32
            %add3A_2293 = vector.broadcast %add3A_2292 : i32 to vector<16xi32>
            %add3A_2294 = arith.addi %add3A_2293, %iota3A : vector<16xi32>
            %ge3A_2295 = vector.broadcast %sub3A_2175 : i32 to vector<16xi32>
            %ge3A_2296 = arith.cmpi sge, %add3A_2294, %ge3A_2295 : vector<16xi32>
            %and3A_2297 = vector.broadcast %and3A_2284 : i1 to vector<16xi1>
            %and3A_2298 = arith.andi %and3A_2297, %ge3A_2296 : vector<16xi1>
            %add3A_2299 = arith.constant 9 : i32
            %add3A_2300 = arith.addi %sub3A_2175, %add3A_2299 : i32
            %lt3A_2301 = vector.broadcast %add3A_2300 : i32 to vector<16xi32>
            %lt3A_2302 = arith.cmpi slt, %add3A_2294, %lt3A_2301 : vector<16xi32>
            %and3A_2303 = arith.andi %and3A_2298, %lt3A_2302 : vector<16xi1>
            %jit3A_2304 = arith.constant 0.000000e+00 : f32
            %broadcast_in_dim3A_2305 = vector.broadcast %jit3A_2304 : f32 to vector<16xf32>
            %select_n3A_2306 = arith.select %and3A_2303, %broadcast_in_dim3A_2305, %get3A_2291 : vector<16xi1>, vector<16xf32>
            %swap3A_2307 = arith.index_cast %min3A_2288 : i32 to index
            %swap3A_2308 = arith.index_cast %min3A_2206 : i32 to index
            %swap3A_2309 = tpu.vector_load %arg8[%swap3A_2307, %swap3A_2308] {strides = array<i32>} : memref<32x256xf32, #tpu.memory_space<vmem>>, vector<16xf32>,
            tpu.vector_store %arg8[%swap3A_2307, %swap3A_2308], %select_n3A_2306 {strides = array<i32>} : memref<32x256xf32, #tpu.memory_space<vmem>>, vector<16xf32>,
            %get3A_2310 = arith.index_cast %min3A_2288 : i32 to index
            %get3A_2311 = arith.index_cast %min3A_2213 : i32 to index
            %get3A_2312 = tpu.vector_load %arg8[%get3A_2310, %get3A_2311] {strides = array<i32>} : memref<32x256xf32, #tpu.memory_space<vmem>>, vector<16xf32>,
            %add3A_2313 = arith.addi %mul3A_618, %min3A_2213 : i32
            %add3A_2314 = vector.broadcast %add3A_2313 : i32 to vector<16xi32>
            %add3A_2315 = arith.addi %add3A_2314, %iota3A : vector<16xi32>
            %ge3A_2316 = vector.broadcast %sub3A_2175 : i32 to vector<16xi32>
            %ge3A_2317 = arith.cmpi sge, %add3A_2315, %ge3A_2316 : vector<16xi32>
            %and3A_2318 = vector.broadcast %and3A_2284 : i1 to vector<16xi1>
            %and3A_2319 = arith.andi %and3A_2318, %ge3A_2317 : vector<16xi1>
            %add3A_2320 = arith.constant 9 : i32
            %add3A_2321 = arith.addi %sub3A_2175, %add3A_2320 : i32
            %lt3A_2322 = vector.broadcast %add3A_2321 : i32 to vector<16xi32>
            %lt3A_2323 = arith.cmpi slt, %add3A_2315, %lt3A_2322 : vector<16xi32>
            %and3A_2324 = arith.andi %and3A_2319, %lt3A_2323 : vector<16xi1>
            %jit3A_2325 = arith.constant 0.000000e+00 : f32
            %broadcast_in_dim3A_2326 = vector.broadcast %jit3A_2325 : f32 to vector<16xf32>
            %select_n3A_2327 = arith.select %and3A_2324, %broadcast_in_dim3A_2326, %get3A_2312 : vector<16xi1>, vector<16xf32>
            %swap3A_2328 = arith.index_cast %min3A_2288 : i32 to index
            %swap3A_2329 = arith.index_cast %min3A_2213 : i32 to index
            %swap3A_2330 = tpu.vector_load %arg8[%swap3A_2328, %swap3A_2329] {strides = array<i32>} : memref<32x256xf32, #tpu.memory_space<vmem>>, vector<16xf32>,
            tpu.vector_store %arg8[%swap3A_2328, %swap3A_2329], %select_n3A_2327 {strides = array<i32>} : memref<32x256xf32, #tpu.memory_space<vmem>>, vector<16xf32>,
            %sub3A_2331 = arith.subi %select_n3A_2172, %mul3A_553 : i32
            %add3A_2332 = arith.constant 2 : i32
            %add3A_2333 = arith.addi %sub3A_2331, %add3A_2332 : i32
            %ge3A_2334 = arith.constant 0 : i32
            %ge3A_2335 = arith.cmpi sge, %add3A_2333, %ge3A_2334 : i32
            %lt3A_2336 = arith.constant 32 : i32
            %lt3A_2337 = arith.cmpi slt, %add3A_2333, %lt3A_2336 : i32
            %and3A_2338 = arith.andi %ge3A_2335, %lt3A_2337 : i1
            %max3A_2339 = arith.constant 0 : i32
            %max3A_2340 = arith.maxsi %add3A_2333, %max3A_2339 : i32
            %min3A_2341 = arith.constant 31 : i32
            %min3A_2342 = arith.minsi %max3A_2340, %min3A_2341 : i32
            %get3A_2343 = arith.index_cast %min3A_2342 : i32 to index
            %get3A_2344 = arith.index_cast %min3A_2206 : i32 to index
            %get3A_2345 = tpu.vector_load %arg8[%get3A_2343, %get3A_2344] {strides = array<i32>} : memref<32x256xf32, #tpu.memory_space<vmem>>, vector<16xf32>,
            %add3A_2346 = arith.addi %mul3A_618, %min3A_2206 : i32
            %add3A_2347 = vector.broadcast %add3A_2346 : i32 to vector<16xi32>
            %add3A_2348 = arith.addi %add3A_2347, %iota3A : vector<16xi32>
            %ge3A_2349 = vector.broadcast %sub3A_2175 : i32 to vector<16xi32>
            %ge3A_2350 = arith.cmpi sge, %add3A_2348, %ge3A_2349 : vector<16xi32>
            %and3A_2351 = vector.broadcast %and3A_2338 : i1 to vector<16xi1>
            %and3A_2352 = arith.andi %and3A_2351, %ge3A_2350 : vector<16xi1>
            %add3A_2353 = arith.constant 9 : i32
            %add3A_2354 = arith.addi %sub3A_2175, %add3A_2353 : i32
            %lt3A_2355 = vector.broadcast %add3A_2354 : i32 to vector<16xi32>
            %lt3A_2356 = arith.cmpi slt, %add3A_2348, %lt3A_2355 : vector<16xi32>
            %and3A_2357 = arith.andi %and3A_2352, %lt3A_2356 : vector<16xi1>
            %jit3A_2358 = arith.constant 0.000000e+00 : f32
            %broadcast_in_dim3A_2359 = vector.broadcast %jit3A_2358 : f32 to vector<16xf32>
            %select_n3A_2360 = arith.select %and3A_2357, %broadcast_in_dim3A_2359, %get3A_2345 : vector<16xi1>, vector<16xf32>
            %swap3A_2361 = arith.index_cast %min3A_2342 : i32 to index
            %swap3A_2362 = arith.index_cast %min3A_2206 : i32 to index
            %swap3A_2363 = tpu.vector_load %arg8[%swap3A_2361, %swap3A_2362] {strides = array<i32>} : memref<32x256xf32, #tpu.memory_space<vmem>>, vector<16xf32>,
            tpu.vector_store %arg8[%swap3A_2361, %swap3A_2362], %select_n3A_2360 {strides = array<i32>} : memref<32x256xf32, #tpu.memory_space<vmem>>, vector<16xf32>,
            %get3A_2364 = arith.index_cast %min3A_2342 : i32 to index
            %get3A_2365 = arith.index_cast %min3A_2213 : i32 to index
            %get3A_2366 = tpu.vector_load %arg8[%get3A_2364, %get3A_2365] {strides = array<i32>} : memref<32x256xf32, #tpu.memory_space<vmem>>, vector<16xf32>,
            %add3A_2367 = arith.addi %mul3A_618, %min3A_2213 : i32
            %add3A_2368 = vector.broadcast %add3A_2367 : i32 to vector<16xi32>
            %add3A_2369 = arith.addi %add3A_2368, %iota3A : vector<16xi32>
            %ge3A_2370 = vector.broadcast %sub3A_2175 : i32 to vector<16xi32>
            %ge3A_2371 = arith.cmpi sge, %add3A_2369, %ge3A_2370 : vector<16xi32>
            %and3A_2372 = vector.broadcast %and3A_2338 : i1 to vector<16xi1>
            %and3A_2373 = arith.andi %and3A_2372, %ge3A_2371 : vector<16xi1>
            %add3A_2374 = arith.constant 9 : i32
            %add3A_2375 = arith.addi %sub3A_2175, %add3A_2374 : i32
            %lt3A_2376 = vector.broadcast %add3A_2375 : i32 to vector<16xi32>
            %lt3A_2377 = arith.cmpi slt, %add3A_2369, %lt3A_2376 : vector<16xi32>
            %and3A_2378 = arith.andi %and3A_2373, %lt3A_2377 : vector<16xi1>
            %jit3A_2379 = arith.constant 0.000000e+00 : f32
            %broadcast_in_dim3A_2380 = vector.broadcast %jit3A_2379 : f32 to vector<16xf32>
            %select_n3A_2381 = arith.select %and3A_2378, %broadcast_in_dim3A_2380, %get3A_2366 : vector<16xi1>, vector<16xf32>
            %swap3A_2382 = arith.index_cast %min3A_2342 : i32 to index
            %swap3A_2383 = arith.index_cast %min3A_2213 : i32 to index
            %swap3A_2384 = tpu.vector_load %arg8[%swap3A_2382, %swap3A_2383] {strides = array<i32>} : memref<32x256xf32, #tpu.memory_space<vmem>>, vector<16xf32>,
            tpu.vector_store %arg8[%swap3A_2382, %swap3A_2383], %select_n3A_2381 {strides = array<i32>} : memref<32x256xf32, #tpu.memory_space<vmem>>, vector<16xf32>,
            %sub3A_2385 = arith.subi %select_n3A_2172, %mul3A_553 : i32
            %add3A_2386 = arith.constant 3 : i32
            %add3A_2387 = arith.addi %sub3A_2385, %add3A_2386 : i32
            %ge3A_2388 = arith.constant 0 : i32
            %ge3A_2389 = arith.cmpi sge, %add3A_2387, %ge3A_2388 : i32
            %lt3A_2390 = arith.constant 32 : i32
            %lt3A_2391 = arith.cmpi slt, %add3A_2387, %lt3A_2390 : i32
            %and3A_2392 = arith.andi %ge3A_2389, %lt3A_2391 : i1
            %max3A_2393 = arith.constant 0 : i32
            %max3A_2394 = arith.maxsi %add3A_2387, %max3A_2393 : i32
            %min3A_2395 = arith.constant 31 : i32
            %min3A_2396 = arith.minsi %max3A_2394, %min3A_2395 : i32
            %get3A_2397 = arith.index_cast %min3A_2396 : i32 to index
            %get3A_2398 = arith.index_cast %min3A_2206 : i32 to index
            %get3A_2399 = tpu.vector_load %arg8[%get3A_2397, %get3A_2398] {strides = array<i32>} : memref<32x256xf32, #tpu.memory_space<vmem>>, vector<16xf32>,
            %add3A_2400 = arith.addi %mul3A_618, %min3A_2206 : i32
            %add3A_2401 = vector.broadcast %add3A_2400 : i32 to vector<16xi32>
            %add3A_2402 = arith.addi %add3A_2401, %iota3A : vector<16xi32>
            %ge3A_2403 = vector.broadcast %sub3A_2175 : i32 to vector<16xi32>
            %ge3A_2404 = arith.cmpi sge, %add3A_2402, %ge3A_2403 : vector<16xi32>
            %and3A_2405 = vector.broadcast %and3A_2392 : i1 to vector<16xi1>
            %and3A_2406 = arith.andi %and3A_2405, %ge3A_2404 : vector<16xi1>
            %add3A_2407 = arith.constant 9 : i32
            %add3A_2408 = arith.addi %sub3A_2175, %add3A_2407 : i32
            %lt3A_2409 = vector.broadcast %add3A_2408 : i32 to vector<16xi32>
            %lt3A_2410 = arith.cmpi slt, %add3A_2402, %lt3A_2409 : vector<16xi32>
            %and3A_2411 = arith.andi %and3A_2406, %lt3A_2410 : vector<16xi1>
            %jit3A_2412 = arith.constant 0.000000e+00 : f32
            %broadcast_in_dim3A_2413 = vector.broadcast %jit3A_2412 : f32 to vector<16xf32>
            %select_n3A_2414 = arith.select %and3A_2411, %broadcast_in_dim3A_2413, %get3A_2399 : vector<16xi1>, vector<16xf32>
            %swap3A_2415 = arith.index_cast %min3A_2396 : i32 to index
            %swap3A_2416 = arith.index_cast %min3A_2206 : i32 to index
            %swap3A_2417 = tpu.vector_load %arg8[%swap3A_2415, %swap3A_2416] {strides = array<i32>} : memref<32x256xf32, #tpu.memory_space<vmem>>, vector<16xf32>,
            tpu.vector_store %arg8[%swap3A_2415, %swap3A_2416], %select_n3A_2414 {strides = array<i32>} : memref<32x256xf32, #tpu.memory_space<vmem>>, vector<16xf32>,
            %get3A_2418 = arith.index_cast %min3A_2396 : i32 to index
            %get3A_2419 = arith.index_cast %min3A_2213 : i32 to index
            %get3A_2420 = tpu.vector_load %arg8[%get3A_2418, %get3A_2419] {strides = array<i32>} : memref<32x256xf32, #tpu.memory_space<vmem>>, vector<16xf32>,
            %add3A_2421 = arith.addi %mul3A_618, %min3A_2213 : i32
            %add3A_2422 = vector.broadcast %add3A_2421 : i32 to vector<16xi32>
            %add3A_2423 = arith.addi %add3A_2422, %iota3A : vector<16xi32>
            %ge3A_2424 = vector.broadcast %sub3A_2175 : i32 to vector<16xi32>
            %ge3A_2425 = arith.cmpi sge, %add3A_2423, %ge3A_2424 : vector<16xi32>
            %and3A_2426 = vector.broadcast %and3A_2392 : i1 to vector<16xi1>
            %and3A_2427 = arith.andi %and3A_2426, %ge3A_2425 : vector<16xi1>
            %add3A_2428 = arith.constant 9 : i32
            %add3A_2429 = arith.addi %sub3A_2175, %add3A_2428 : i32
            %lt3A_2430 = vector.broadcast %add3A_2429 : i32 to vector<16xi32>
            %lt3A_2431 = arith.cmpi slt, %add3A_2423, %lt3A_2430 : vector<16xi32>
            %and3A_2432 = arith.andi %and3A_2427, %lt3A_2431 : vector<16xi1>
            %jit3A_2433 = arith.constant 0.000000e+00 : f32
            %broadcast_in_dim3A_2434 = vector.broadcast %jit3A_2433 : f32 to vector<16xf32>
            %select_n3A_2435 = arith.select %and3A_2432, %broadcast_in_dim3A_2434, %get3A_2420 : vector<16xi1>, vector<16xf32>
            %swap3A_2436 = arith.index_cast %min3A_2396 : i32 to index
            %swap3A_2437 = arith.index_cast %min3A_2213 : i32 to index
            %swap3A_2438 = tpu.vector_load %arg8[%swap3A_2436, %swap3A_2437] {strides = array<i32>} : memref<32x256xf32, #tpu.memory_space<vmem>>, vector<16xf32>,
            tpu.vector_store %arg8[%swap3A_2436, %swap3A_2437], %select_n3A_2435 {strides = array<i32>} : memref<32x256xf32, #tpu.memory_space<vmem>>, vector<16xf32>,
            %sub3A_2439 = arith.subi %select_n3A_2172, %mul3A_553 : i32
            %add3A_2440 = arith.constant 4 : i32
            %add3A_2441 = arith.addi %sub3A_2439, %add3A_2440 : i32
            %ge3A_2442 = arith.constant 0 : i32
            %ge3A_2443 = arith.cmpi sge, %add3A_2441, %ge3A_2442 : i32
            %lt3A_2444 = arith.constant 32 : i32
            %lt3A_2445 = arith.cmpi slt, %add3A_2441, %lt3A_2444 : i32
            %and3A_2446 = arith.andi %ge3A_2443, %lt3A_2445 : i1
            %max3A_2447 = arith.constant 0 : i32
            %max3A_2448 = arith.maxsi %add3A_2441, %max3A_2447 : i32
            %min3A_2449 = arith.constant 31 : i32
            %min3A_2450 = arith.minsi %max3A_2448, %min3A_2449 : i32
            %get3A_2451 = arith.index_cast %min3A_2450 : i32 to index
            %get3A_2452 = arith.index_cast %min3A_2206 : i32 to index
            %get3A_2453 = tpu.vector_load %arg8[%get3A_2451, %get3A_2452] {strides = array<i32>} : memref<32x256xf32, #tpu.memory_space<vmem>>, vector<16xf32>,
            %add3A_2454 = arith.addi %mul3A_618, %min3A_2206 : i32
            %add3A_2455 = vector.broadcast %add3A_2454 : i32 to vector<16xi32>
            %add3A_2456 = arith.addi %add3A_2455, %iota3A : vector<16xi32>
            %ge3A_2457 = vector.broadcast %sub3A_2175 : i32 to vector<16xi32>
            %ge3A_2458 = arith.cmpi sge, %add3A_2456, %ge3A_2457 : vector<16xi32>
            %and3A_2459 = vector.broadcast %and3A_2446 : i1 to vector<16xi1>
            %and3A_2460 = arith.andi %and3A_2459, %ge3A_2458 : vector<16xi1>
            %add3A_2461 = arith.constant 9 : i32
            %add3A_2462 = arith.addi %sub3A_2175, %add3A_2461 : i32
            %lt3A_2463 = vector.broadcast %add3A_2462 : i32 to vector<16xi32>
            %lt3A_2464 = arith.cmpi slt, %add3A_2456, %lt3A_2463 : vector<16xi32>
            %and3A_2465 = arith.andi %and3A_2460, %lt3A_2464 : vector<16xi1>
            %jit3A_2466 = arith.constant 0.000000e+00 : f32
            %broadcast_in_dim3A_2467 = vector.broadcast %jit3A_2466 : f32 to vector<16xf32>
            %select_n3A_2468 = arith.select %and3A_2465, %broadcast_in_dim3A_2467, %get3A_2453 : vector<16xi1>, vector<16xf32>
            %swap3A_2469 = arith.index_cast %min3A_2450 : i32 to index
            %swap3A_2470 = arith.index_cast %min3A_2206 : i32 to index
            %swap3A_2471 = tpu.vector_load %arg8[%swap3A_2469, %swap3A_2470] {strides = array<i32>} : memref<32x256xf32, #tpu.memory_space<vmem>>, vector<16xf32>,
            tpu.vector_store %arg8[%swap3A_2469, %swap3A_2470], %select_n3A_2468 {strides = array<i32>} : memref<32x256xf32, #tpu.memory_space<vmem>>, vector<16xf32>,
            %get3A_2472 = arith.index_cast %min3A_2450 : i32 to index
            %get3A_2473 = arith.index_cast %min3A_2213 : i32 to index
            %get3A_2474 = tpu.vector_load %arg8[%get3A_2472, %get3A_2473] {strides = array<i32>} : memref<32x256xf32, #tpu.memory_space<vmem>>, vector<16xf32>,
            %add3A_2475 = arith.addi %mul3A_618, %min3A_2213 : i32
            %add3A_2476 = vector.broadcast %add3A_2475 : i32 to vector<16xi32>
            %add3A_2477 = arith.addi %add3A_2476, %iota3A : vector<16xi32>
            %ge3A_2478 = vector.broadcast %sub3A_2175 : i32 to vector<16xi32>
            %ge3A_2479 = arith.cmpi sge, %add3A_2477, %ge3A_2478 : vector<16xi32>
            %and3A_2480 = vector.broadcast %and3A_2446 : i1 to vector<16xi1>
            %and3A_2481 = arith.andi %and3A_2480, %ge3A_2479 : vector<16xi1>
            %add3A_2482 = arith.constant 9 : i32
            %add3A_2483 = arith.addi %sub3A_2175, %add3A_2482 : i32
            %lt3A_2484 = vector.broadcast %add3A_2483 : i32 to vector<16xi32>
            %lt3A_2485 = arith.cmpi slt, %add3A_2477, %lt3A_2484 : vector<16xi32>
            %and3A_2486 = arith.andi %and3A_2481, %lt3A_2485 : vector<16xi1>
            %jit3A_2487 = arith.constant 0.000000e+00 : f32
            %broadcast_in_dim3A_2488 = vector.broadcast %jit3A_2487 : f32 to vector<16xf32>
            %select_n3A_2489 = arith.select %and3A_2486, %broadcast_in_dim3A_2488, %get3A_2474 : vector<16xi1>, vector<16xf32>
            %swap3A_2490 = arith.index_cast %min3A_2450 : i32 to index
            %swap3A_2491 = arith.index_cast %min3A_2213 : i32 to index
            %swap3A_2492 = tpu.vector_load %arg8[%swap3A_2490, %swap3A_2491] {strides = array<i32>} : memref<32x256xf32, #tpu.memory_space<vmem>>, vector<16xf32>,
            tpu.vector_store %arg8[%swap3A_2490, %swap3A_2491], %select_n3A_2489 {strides = array<i32>} : memref<32x256xf32, #tpu.memory_space<vmem>>, vector<16xf32>,
            %sub3A_2493 = arith.subi %select_n3A_2172, %mul3A_553 : i32
            %add3A_2494 = arith.constant 5 : i32
            %add3A_2495 = arith.addi %sub3A_2493, %add3A_2494 : i32
            %ge3A_2496 = arith.constant 0 : i32
            %ge3A_2497 = arith.cmpi sge, %add3A_2495, %ge3A_2496 : i32
            %lt3A_2498 = arith.constant 32 : i32
            %lt3A_2499 = arith.cmpi slt, %add3A_2495, %lt3A_2498 : i32
            %and3A_2500 = arith.andi %ge3A_2497, %lt3A_2499 : i1
            %max3A_2501 = arith.constant 0 : i32
            %max3A_2502 = arith.maxsi %add3A_2495, %max3A_2501 : i32
            %min3A_2503 = arith.constant 31 : i32
            %min3A_2504 = arith.minsi %max3A_2502, %min3A_2503 : i32
            %get3A_2505 = arith.index_cast %min3A_2504 : i32 to index
            %get3A_2506 = arith.index_cast %min3A_2206 : i32 to index
            %get3A_2507 = tpu.vector_load %arg8[%get3A_2505, %get3A_2506] {strides = array<i32>} : memref<32x256xf32, #tpu.memory_space<vmem>>, vector<16xf32>,
            %add3A_2508 = arith.addi %mul3A_618, %min3A_2206 : i32
            %add3A_2509 = vector.broadcast %add3A_2508 : i32 to vector<16xi32>
            %add3A_2510 = arith.addi %add3A_2509, %iota3A : vector<16xi32>
            %ge3A_2511 = vector.broadcast %sub3A_2175 : i32 to vector<16xi32>
            %ge3A_2512 = arith.cmpi sge, %add3A_2510, %ge3A_2511 : vector<16xi32>
            %and3A_2513 = vector.broadcast %and3A_2500 : i1 to vector<16xi1>
            %and3A_2514 = arith.andi %and3A_2513, %ge3A_2512 : vector<16xi1>
            %add3A_2515 = arith.constant 9 : i32
            %add3A_2516 = arith.addi %sub3A_2175, %add3A_2515 : i32
            %lt3A_2517 = vector.broadcast %add3A_2516 : i32 to vector<16xi32>
            %lt3A_2518 = arith.cmpi slt, %add3A_2510, %lt3A_2517 : vector<16xi32>
            %and3A_2519 = arith.andi %and3A_2514, %lt3A_2518 : vector<16xi1>
            %jit3A_2520 = arith.constant 0.000000e+00 : f32
            %broadcast_in_dim3A_2521 = vector.broadcast %jit3A_2520 : f32 to vector<16xf32>
            %select_n3A_2522 = arith.select %and3A_2519, %broadcast_in_dim3A_2521, %get3A_2507 : vector<16xi1>, vector<16xf32>
            %swap3A_2523 = arith.index_cast %min3A_2504 : i32 to index
            %swap3A_2524 = arith.index_cast %min3A_2206 : i32 to index
            %swap3A_2525 = tpu.vector_load %arg8[%swap3A_2523, %swap3A_2524] {strides = array<i32>} : memref<32x256xf32, #tpu.memory_space<vmem>>, vector<16xf32>,
            tpu.vector_store %arg8[%swap3A_2523, %swap3A_2524], %select_n3A_2522 {strides = array<i32>} : memref<32x256xf32, #tpu.memory_space<vmem>>, vector<16xf32>,
            %get3A_2526 = arith.index_cast %min3A_2504 : i32 to index
            %get3A_2527 = arith.index_cast %min3A_2213 : i32 to index
            %get3A_2528 = tpu.vector_load %arg8[%get3A_2526, %get3A_2527] {strides = array<i32>} : memref<32x256xf32, #tpu.memory_space<vmem>>, vector<16xf32>,
            %add3A_2529 = arith.addi %mul3A_618, %min3A_2213 : i32
            %add3A_2530 = vector.broadcast %add3A_2529 : i32 to vector<16xi32>
            %add3A_2531 = arith.addi %add3A_2530, %iota3A : vector<16xi32>
            %ge3A_2532 = vector.broadcast %sub3A_2175 : i32 to vector<16xi32>
            %ge3A_2533 = arith.cmpi sge, %add3A_2531, %ge3A_2532 : vector<16xi32>
            %and3A_2534 = vector.broadcast %and3A_2500 : i1 to vector<16xi1>
            %and3A_2535 = arith.andi %and3A_2534, %ge3A_2533 : vector<16xi1>
            %add3A_2536 = arith.constant 9 : i32
            %add3A_2537 = arith.addi %sub3A_2175, %add3A_2536 : i32
            %lt3A_2538 = vector.broadcast %add3A_2537 : i32 to vector<16xi32>
            %lt3A_2539 = arith.cmpi slt, %add3A_2531, %lt3A_2538 : vector<16xi32>
            %and3A_2540 = arith.andi %and3A_2535, %lt3A_2539 : vector<16xi1>
            %jit3A_2541 = arith.constant 0.000000e+00 : f32
            %broadcast_in_dim3A_2542 = vector.broadcast %jit3A_2541 : f32 to vector<16xf32>
            %select_n3A_2543 = arith.select %and3A_2540, %broadcast_in_dim3A_2542, %get3A_2528 : vector<16xi1>, vector<16xf32>
            %swap3A_2544 = arith.index_cast %min3A_2504 : i32 to index
            %swap3A_2545 = arith.index_cast %min3A_2213 : i32 to index
            %swap3A_2546 = tpu.vector_load %arg8[%swap3A_2544, %swap3A_2545] {strides = array<i32>} : memref<32x256xf32, #tpu.memory_space<vmem>>, vector<16xf32>,
            tpu.vector_store %arg8[%swap3A_2544, %swap3A_2545], %select_n3A_2543 {strides = array<i32>} : memref<32x256xf32, #tpu.memory_space<vmem>>, vector<16xf32>,
            %sub3A_2547 = arith.subi %select_n3A_2172, %mul3A_553 : i32
            %add3A_2548 = arith.constant 6 : i32
            %add3A_2549 = arith.addi %sub3A_2547, %add3A_2548 : i32
            %ge3A_2550 = arith.constant 0 : i32
            %ge3A_2551 = arith.cmpi sge, %add3A_2549, %ge3A_2550 : i32
            %lt3A_2552 = arith.constant 32 : i32
            %lt3A_2553 = arith.cmpi slt, %add3A_2549, %lt3A_2552 : i32
            %and3A_2554 = arith.andi %ge3A_2551, %lt3A_2553 : i1
            %max3A_2555 = arith.constant 0 : i32
            %max3A_2556 = arith.maxsi %add3A_2549, %max3A_2555 : i32
            %min3A_2557 = arith.constant 31 : i32
            %min3A_2558 = arith.minsi %max3A_2556, %min3A_2557 : i32
            %get3A_2559 = arith.index_cast %min3A_2558 : i32 to index
            %get3A_2560 = arith.index_cast %min3A_2206 : i32 to index
            %get3A_2561 = tpu.vector_load %arg8[%get3A_2559, %get3A_2560] {strides = array<i32>} : memref<32x256xf32, #tpu.memory_space<vmem>>, vector<16xf32>,
            %add3A_2562 = arith.addi %mul3A_618, %min3A_2206 : i32
            %add3A_2563 = vector.broadcast %add3A_2562 : i32 to vector<16xi32>
            %add3A_2564 = arith.addi %add3A_2563, %iota3A : vector<16xi32>
            %ge3A_2565 = vector.broadcast %sub3A_2175 : i32 to vector<16xi32>
            %ge3A_2566 = arith.cmpi sge, %add3A_2564, %ge3A_2565 : vector<16xi32>
            %and3A_2567 = vector.broadcast %and3A_2554 : i1 to vector<16xi1>
            %and3A_2568 = arith.andi %and3A_2567, %ge3A_2566 : vector<16xi1>
            %add3A_2569 = arith.constant 9 : i32
            %add3A_2570 = arith.addi %sub3A_2175, %add3A_2569 : i32
            %lt3A_2571 = vector.broadcast %add3A_2570 : i32 to vector<16xi32>
            %lt3A_2572 = arith.cmpi slt, %add3A_2564, %lt3A_2571 : vector<16xi32>
            %and3A_2573 = arith.andi %and3A_2568, %lt3A_2572 : vector<16xi1>
            %jit3A_2574 = arith.constant 0.000000e+00 : f32
            %broadcast_in_dim3A_2575 = vector.broadcast %jit3A_2574 : f32 to vector<16xf32>
            %select_n3A_2576 = arith.select %and3A_2573, %broadcast_in_dim3A_2575, %get3A_2561 : vector<16xi1>, vector<16xf32>
            %swap3A_2577 = arith.index_cast %min3A_2558 : i32 to index
            %swap3A_2578 = arith.index_cast %min3A_2206 : i32 to index
            %swap3A_2579 = tpu.vector_load %arg8[%swap3A_2577, %swap3A_2578] {strides = array<i32>} : memref<32x256xf32, #tpu.memory_space<vmem>>, vector<16xf32>,
            tpu.vector_store %arg8[%swap3A_2577, %swap3A_2578], %select_n3A_2576 {strides = array<i32>} : memref<32x256xf32, #tpu.memory_space<vmem>>, vector<16xf32>,
            %get3A_2580 = arith.index_cast %min3A_2558 : i32 to index
            %get3A_2581 = arith.index_cast %min3A_2213 : i32 to index
            %get3A_2582 = tpu.vector_load %arg8[%get3A_2580, %get3A_2581] {strides = array<i32>} : memref<32x256xf32, #tpu.memory_space<vmem>>, vector<16xf32>,
            %add3A_2583 = arith.addi %mul3A_618, %min3A_2213 : i32
            %add3A_2584 = vector.broadcast %add3A_2583 : i32 to vector<16xi32>
            %add3A_2585 = arith.addi %add3A_2584, %iota3A : vector<16xi32>
            %ge3A_2586 = vector.broadcast %sub3A_2175 : i32 to vector<16xi32>
            %ge3A_2587 = arith.cmpi sge, %add3A_2585, %ge3A_2586 : vector<16xi32>
            %and3A_2588 = vector.broadcast %and3A_2554 : i1 to vector<16xi1>
            %and3A_2589 = arith.andi %and3A_2588, %ge3A_2587 : vector<16xi1>
            %add3A_2590 = arith.constant 9 : i32
            %add3A_2591 = arith.addi %sub3A_2175, %add3A_2590 : i32
            %lt3A_2592 = vector.broadcast %add3A_2591 : i32 to vector<16xi32>
            %lt3A_2593 = arith.cmpi slt, %add3A_2585, %lt3A_2592 : vector<16xi32>
            %and3A_2594 = arith.andi %and3A_2589, %lt3A_2593 : vector<16xi1>
            %jit3A_2595 = arith.constant 0.000000e+00 : f32
            %broadcast_in_dim3A_2596 = vector.broadcast %jit3A_2595 : f32 to vector<16xf32>
            %select_n3A_2597 = arith.select %and3A_2594, %broadcast_in_dim3A_2596, %get3A_2582 : vector<16xi1>, vector<16xf32>
            %swap3A_2598 = arith.index_cast %min3A_2558 : i32 to index
            %swap3A_2599 = arith.index_cast %min3A_2213 : i32 to index
            %swap3A_2600 = tpu.vector_load %arg8[%swap3A_2598, %swap3A_2599] {strides = array<i32>} : memref<32x256xf32, #tpu.memory_space<vmem>>, vector<16xf32>,
            tpu.vector_store %arg8[%swap3A_2598, %swap3A_2599], %select_n3A_2597 {strides = array<i32>} : memref<32x256xf32, #tpu.memory_space<vmem>>, vector<16xf32>,
            %sub3A_2601 = arith.subi %select_n3A_2172, %mul3A_553 : i32
            %add3A_2602 = arith.constant 7 : i32
            %add3A_2603 = arith.addi %sub3A_2601, %add3A_2602 : i32
            %ge3A_2604 = arith.constant 0 : i32
            %ge3A_2605 = arith.cmpi sge, %add3A_2603, %ge3A_2604 : i32
            %lt3A_2606 = arith.constant 32 : i32
            %lt3A_2607 = arith.cmpi slt, %add3A_2603, %lt3A_2606 : i32
            %and3A_2608 = arith.andi %ge3A_2605, %lt3A_2607 : i1
            %max3A_2609 = arith.constant 0 : i32
            %max3A_2610 = arith.maxsi %add3A_2603, %max3A_2609 : i32
            %min3A_2611 = arith.constant 31 : i32
            %min3A_2612 = arith.minsi %max3A_2610, %min3A_2611 : i32
            %get3A_2613 = arith.index_cast %min3A_2612 : i32 to index
            %get3A_2614 = arith.index_cast %min3A_2206 : i32 to index
            %get3A_2615 = tpu.vector_load %arg8[%get3A_2613, %get3A_2614] {strides = array<i32>} : memref<32x256xf32, #tpu.memory_space<vmem>>, vector<16xf32>,
            %add3A_2616 = arith.addi %mul3A_618, %min3A_2206 : i32
            %add3A_2617 = vector.broadcast %add3A_2616 : i32 to vector<16xi32>
            %add3A_2618 = arith.addi %add3A_2617, %iota3A : vector<16xi32>
            %ge3A_2619 = vector.broadcast %sub3A_2175 : i32 to vector<16xi32>
            %ge3A_2620 = arith.cmpi sge, %add3A_2618, %ge3A_2619 : vector<16xi32>
            %and3A_2621 = vector.broadcast %and3A_2608 : i1 to vector<16xi1>
            %and3A_2622 = arith.andi %and3A_2621, %ge3A_2620 : vector<16xi1>
            %add3A_2623 = arith.constant 9 : i32
            %add3A_2624 = arith.addi %sub3A_2175, %add3A_2623 : i32
            %lt3A_2625 = vector.broadcast %add3A_2624 : i32 to vector<16xi32>
            %lt3A_2626 = arith.cmpi slt, %add3A_2618, %lt3A_2625 : vector<16xi32>
            %and3A_2627 = arith.andi %and3A_2622, %lt3A_2626 : vector<16xi1>
            %jit3A_2628 = arith.constant 0.000000e+00 : f32
            %broadcast_in_dim3A_2629 = vector.broadcast %jit3A_2628 : f32 to vector<16xf32>
            %select_n3A_2630 = arith.select %and3A_2627, %broadcast_in_dim3A_2629, %get3A_2615 : vector<16xi1>, vector<16xf32>
            %swap3A_2631 = arith.index_cast %min3A_2612 : i32 to index
            %swap3A_2632 = arith.index_cast %min3A_2206 : i32 to index
            %swap3A_2633 = tpu.vector_load %arg8[%swap3A_2631, %swap3A_2632] {strides = array<i32>} : memref<32x256xf32, #tpu.memory_space<vmem>>, vector<16xf32>,
            tpu.vector_store %arg8[%swap3A_2631, %swap3A_2632], %select_n3A_2630 {strides = array<i32>} : memref<32x256xf32, #tpu.memory_space<vmem>>, vector<16xf32>,
            %get3A_2634 = arith.index_cast %min3A_2612 : i32 to index
            %get3A_2635 = arith.index_cast %min3A_2213 : i32 to index
            %get3A_2636 = tpu.vector_load %arg8[%get3A_2634, %get3A_2635] {strides = array<i32>} : memref<32x256xf32, #tpu.memory_space<vmem>>, vector<16xf32>,
            %add3A_2637 = arith.addi %mul3A_618, %min3A_2213 : i32
            %add3A_2638 = vector.broadcast %add3A_2637 : i32 to vector<16xi32>
            %add3A_2639 = arith.addi %add3A_2638, %iota3A : vector<16xi32>
            %ge3A_2640 = vector.broadcast %sub3A_2175 : i32 to vector<16xi32>
            %ge3A_2641 = arith.cmpi sge, %add3A_2639, %ge3A_2640 : vector<16xi32>
            %and3A_2642 = vector.broadcast %and3A_2608 : i1 to vector<16xi1>
            %and3A_2643 = arith.andi %and3A_2642, %ge3A_2641 : vector<16xi1>
            %add3A_2644 = arith.constant 9 : i32
            %add3A_2645 = arith.addi %sub3A_2175, %add3A_2644 : i32
            %lt3A_2646 = vector.broadcast %add3A_2645 : i32 to vector<16xi32>
            %lt3A_2647 = arith.cmpi slt, %add3A_2639, %lt3A_2646 : vector<16xi32>
            %and3A_2648 = arith.andi %and3A_2643, %lt3A_2647 : vector<16xi1>
            %jit3A_2649 = arith.constant 0.000000e+00 : f32
            %broadcast_in_dim3A_2650 = vector.broadcast %jit3A_2649 : f32 to vector<16xf32>
            %select_n3A_2651 = arith.select %and3A_2648, %broadcast_in_dim3A_2650, %get3A_2636 : vector<16xi1>, vector<16xf32>
            %swap3A_2652 = arith.index_cast %min3A_2612 : i32 to index
            %swap3A_2653 = arith.index_cast %min3A_2213 : i32 to index
            %swap3A_2654 = tpu.vector_load %arg8[%swap3A_2652, %swap3A_2653] {strides = array<i32>} : memref<32x256xf32, #tpu.memory_space<vmem>>, vector<16xf32>,
            tpu.vector_store %arg8[%swap3A_2652, %swap3A_2653], %select_n3A_2651 {strides = array<i32>} : memref<32x256xf32, #tpu.memory_space<vmem>>, vector<16xf32>,
            %sub3A_2655 = arith.subi %select_n3A_2172, %mul3A_553 : i32
            %add3A_2656 = arith.constant 8 : i32
            %add3A_2657 = arith.addi %sub3A_2655, %add3A_2656 : i32
            %ge3A_2658 = arith.constant 0 : i32
            %ge3A_2659 = arith.cmpi sge, %add3A_2657, %ge3A_2658 : i32
            %lt3A_2660 = arith.constant 32 : i32
            %lt3A_2661 = arith.cmpi slt, %add3A_2657, %lt3A_2660 : i32
            %and3A_2662 = arith.andi %ge3A_2659, %lt3A_2661 : i1
            %max3A_2663 = arith.constant 0 : i32
            %max3A_2664 = arith.maxsi %add3A_2657, %max3A_2663 : i32
            %min3A_2665 = arith.constant 31 : i32
            %min3A_2666 = arith.minsi %max3A_2664, %min3A_2665 : i32
            %get3A_2667 = arith.index_cast %min3A_2666 : i32 to index
            %get3A_2668 = arith.index_cast %min3A_2206 : i32 to index
            %get3A_2669 = tpu.vector_load %arg8[%get3A_2667, %get3A_2668] {strides = array<i32>} : memref<32x256xf32, #tpu.memory_space<vmem>>, vector<16xf32>,
            %add3A_2670 = arith.addi %mul3A_618, %min3A_2206 : i32
            %add3A_2671 = vector.broadcast %add3A_2670 : i32 to vector<16xi32>
            %add3A_2672 = arith.addi %add3A_2671, %iota3A : vector<16xi32>
            %ge3A_2673 = vector.broadcast %sub3A_2175 : i32 to vector<16xi32>
            %ge3A_2674 = arith.cmpi sge, %add3A_2672, %ge3A_2673 : vector<16xi32>
            %and3A_2675 = vector.broadcast %and3A_2662 : i1 to vector<16xi1>
            %and3A_2676 = arith.andi %and3A_2675, %ge3A_2674 : vector<16xi1>
            %add3A_2677 = arith.constant 9 : i32
            %add3A_2678 = arith.addi %sub3A_2175, %add3A_2677 : i32
            %lt3A_2679 = vector.broadcast %add3A_2678 : i32 to vector<16xi32>
            %lt3A_2680 = arith.cmpi slt, %add3A_2672, %lt3A_2679 : vector<16xi32>
            %and3A_2681 = arith.andi %and3A_2676, %lt3A_2680 : vector<16xi1>
            %jit3A_2682 = arith.constant 0.000000e+00 : f32
            %broadcast_in_dim3A_2683 = vector.broadcast %jit3A_2682 : f32 to vector<16xf32>
            %select_n3A_2684 = arith.select %and3A_2681, %broadcast_in_dim3A_2683, %get3A_2669 : vector<16xi1>, vector<16xf32>
            %swap3A_2685 = arith.index_cast %min3A_2666 : i32 to index
            %swap3A_2686 = arith.index_cast %min3A_2206 : i32 to index
            %swap3A_2687 = tpu.vector_load %arg8[%swap3A_2685, %swap3A_2686] {strides = array<i32>} : memref<32x256xf32, #tpu.memory_space<vmem>>, vector<16xf32>,
            tpu.vector_store %arg8[%swap3A_2685, %swap3A_2686], %select_n3A_2684 {strides = array<i32>} : memref<32x256xf32, #tpu.memory_space<vmem>>, vector<16xf32>,
            %get3A_2688 = arith.index_cast %min3A_2666 : i32 to index
            %get3A_2689 = arith.index_cast %min3A_2213 : i32 to index
            %get3A_2690 = tpu.vector_load %arg8[%get3A_2688, %get3A_2689] {strides = array<i32>} : memref<32x256xf32, #tpu.memory_space<vmem>>, vector<16xf32>,
            %add3A_2691 = arith.addi %mul3A_618, %min3A_2213 : i32
            %add3A_2692 = vector.broadcast %add3A_2691 : i32 to vector<16xi32>
            %add3A_2693 = arith.addi %add3A_2692, %iota3A : vector<16xi32>
            %ge3A_2694 = vector.broadcast %sub3A_2175 : i32 to vector<16xi32>
            %ge3A_2695 = arith.cmpi sge, %add3A_2693, %ge3A_2694 : vector<16xi32>
            %and3A_2696 = vector.broadcast %and3A_2662 : i1 to vector<16xi1>
            %and3A_2697 = arith.andi %and3A_2696, %ge3A_2695 : vector<16xi1>
            %add3A_2698 = arith.constant 9 : i32
            %add3A_2699 = arith.addi %sub3A_2175, %add3A_2698 : i32
            %lt3A_2700 = vector.broadcast %add3A_2699 : i32 to vector<16xi32>
            %lt3A_2701 = arith.cmpi slt, %add3A_2693, %lt3A_2700 : vector<16xi32>
            %and3A_2702 = arith.andi %and3A_2697, %lt3A_2701 : vector<16xi1>
            %jit3A_2703 = arith.constant 0.000000e+00 : f32
            %broadcast_in_dim3A_2704 = vector.broadcast %jit3A_2703 : f32 to vector<16xf32>
            %select_n3A_2705 = arith.select %and3A_2702, %broadcast_in_dim3A_2704, %get3A_2690 : vector<16xi1>, vector<16xf32>
            %swap3A_2706 = arith.index_cast %min3A_2666 : i32 to index
            %swap3A_2707 = arith.index_cast %min3A_2213 : i32 to index
            %swap3A_2708 = tpu.vector_load %arg8[%swap3A_2706, %swap3A_2707] {strides = array<i32>} : memref<32x256xf32, #tpu.memory_space<vmem>>, vector<16xf32>,
            tpu.vector_store %arg8[%swap3A_2706, %swap3A_2707], %select_n3A_2705 {strides = array<i32>} : memref<32x256xf32, #tpu.memory_space<vmem>>, vector<16xf32>,
          } else {
          }
          %while3A_2223 = arith.constant 0 : i32
          scf.yield %while3A_2223 : i32
        }
        %while3A_630 = arith.constant 1 : i32
        %while3A_631 = scf.for %while3A_2132 = %while3A_627 to %while3A_623 step %while3A_630 iter_args(%while3A_2133 = %while3A_629) -> (i32)  : i32 {
          %get3A_2134 = arith.constant 0 : index
          %get3A_2135 = tpu.vector_load %arg15[%get3A_2134] {strides = array<i32>} : memref<16xi32, #tpu.memory_space<vmem>>, vector<16xi32>,
          %eq3A_2136 = vector.broadcast %while3A_2132 : i32 to vector<16xi32>
          %eq3A_2137 = arith.cmpi eq, %iota3A, %eq3A_2136 : vector<16xi32>
          %jit3A_2138 = arith.constant 1073741824 : i32
          %broadcast_in_dim3A_2139 = vector.broadcast %jit3A_2138 : i32 to vector<16xi32>
          %select_n3A_2140 = arith.select %eq3A_2137, %get3A_2135, %broadcast_in_dim3A_2139 : vector<16xi1>, vector<16xi32>
          %reduce_min3A_2141 = arith.constant true
          %reduce_min3A_2142 = vector.broadcast %reduce_min3A_2141 : i1 to vector<16xi1>
          %reduce_min3A_2143 = arith.constant -2147483648 : i32
          %reduce_min3A_2144 = vector.broadcast %reduce_min3A_2143 : i32 to vector<16xi32>
          %reduce_min3A_2145 = arith.xori %select_n3A_2140, %reduce_min3A_2144 : vector<16xi32>
          %reduce_min3A_2146 = tpu.scan <min>, %reduce_min3A_2145 masked %reduce_min3A_2142 : vector<16xi32>, vector<16xi1> -> vector<16xi32>
          %reduce_min3A_2147 = arith.xori %reduce_min3A_2146, %reduce_min3A_2144 : vector<16xi32>
          %reduce_min3A_2148 = vector.extract %reduce_min3A_2147[15] : i32 from vector<16xi32>
          %jit3A_2149 = arith.constant 1024 : i32
          %div3A_2150 = arith.divsi %reduce_min3A_2148, %jit3A_2149 : i32
          %sign3A_2151 = arith.constant 0 : i32
          %sign3A_2152 = arith.cmpi sgt, %reduce_min3A_2148, %sign3A_2151 : i32
          %sign3A_2153 = arith.extui %sign3A_2152 : i1 to i32
          %sign3A_2154 = arith.constant 0 : i32
          %sign3A_2155 = arith.cmpi slt, %reduce_min3A_2148, %sign3A_2154 : i32
          %sign3A_2156 = arith.extui %sign3A_2155 : i1 to i32
          %sign3A_2157 = arith.subi %sign3A_2153, %sign3A_2156 : i32
          %sign3A_2158 = arith.constant 0 : i32
          %sign3A_2159 = arith.cmpi sgt, %jit3A_2149, %sign3A_2158 : i32
          %sign3A_2160 = arith.extui %sign3A_2159 : i1 to i32
          %sign3A_2161 = arith.constant 0 : i32
          %sign3A_2162 = arith.cmpi slt, %jit3A_2149, %sign3A_2161 : i32
          %sign3A_2163 = arith.extui %sign3A_2162 : i1 to i32
          %sign3A_2164 = arith.subi %sign3A_2160, %sign3A_2163 : i32
          %ne3A_2165 = arith.cmpi ne, %sign3A_2157, %sign3A_2164 : i32
          %rem3A_2166 = arith.remsi %reduce_min3A_2148, %jit3A_2149 : i32
          %ne3A_2167 = arith.constant 0 : i32
          %ne3A_2168 = arith.cmpi ne, %rem3A_2166, %ne3A_2167 : i32
          %and3A_2169 = arith.andi %ne3A_2165, %ne3A_2168 : i1
          %sub3A_2170 = arith.constant 1 : i32
          %sub3A_2171 = arith.subi %div3A_2150, %sub3A_2170 : i32
          %select_n3A_2172 = arith.select %and3A_2169, %sub3A_2171, %div3A_2150 : i32
          %mul3A_2173 = arith.constant 1024 : i32
          %mul3A_2174 = arith.muli %select_n3A_2172, %mul3A_2173 : i32
          %sub3A_2175 = arith.subi %reduce_min3A_2148, %mul3A_2174 : i32
          %jit3A_2176 = arith.constant 16 : i32
          %div3A_2177 = arith.divsi %sub3A_2175, %jit3A_2176 : i32
          %sign3A_2178 = arith.constant 0 : i32
          %sign3A_2179 = arith.cmpi sgt, %sub3A_2175, %sign3A_2178 : i32
          %sign3A_2180 = arith.extui %sign3A_2179 : i1 to i32
          %sign3A_2181 = arith.constant 0 : i32
          %sign3A_2182 = arith.cmpi slt, %sub3A_2175, %sign3A_2181 : i32
          %sign3A_2183 = arith.extui %sign3A_2182 : i1 to i32
          %sign3A_2184 = arith.subi %sign3A_2180, %sign3A_2183 : i32
          %sign3A_2185 = arith.constant 0 : i32
          %sign3A_2186 = arith.cmpi sgt, %jit3A_2176, %sign3A_2185 : i32
          %sign3A_2187 = arith.extui %sign3A_2186 : i1 to i32
          %sign3A_2188 = arith.constant 0 : i32
          %sign3A_2189 = arith.cmpi slt, %jit3A_2176, %sign3A_2188 : i32
          %sign3A_2190 = arith.extui %sign3A_2189 : i1 to i32
          %sign3A_2191 = arith.subi %sign3A_2187, %sign3A_2190 : i32
          %ne3A_2192 = arith.cmpi ne, %sign3A_2184, %sign3A_2191 : i32
          %rem3A_2193 = arith.remsi %sub3A_2175, %jit3A_2176 : i32
          %ne3A_2194 = arith.constant 0 : i32
          %ne3A_2195 = arith.cmpi ne, %rem3A_2193, %ne3A_2194 : i32
          %and3A_2196 = arith.andi %ne3A_2192, %ne3A_2195 : i1
          %sub3A_2197 = arith.constant 1 : i32
          %sub3A_2198 = arith.subi %div3A_2177, %sub3A_2197 : i32
          %select_n3A_2199 = arith.select %and3A_2196, %sub3A_2198, %div3A_2177 : i32
          %mul3A_2200 = arith.constant 16 : i32
          %mul3A_2201 = arith.muli %select_n3A_2199, %mul3A_2200 : i32
          %sub3A_2202 = arith.subi %mul3A_2201, %mul3A_618 : i32
          %max3A_2203 = arith.constant 0 : i32
          %max3A_2204 = arith.maxsi %sub3A_2202, %max3A_2203 : i32
          %min3A_2205 = arith.constant 240 : i32
          %min3A_2206 = arith.minsi %max3A_2204, %min3A_2205 : i32
          %add3A_2207 = arith.constant 16 : i32
          %add3A_2208 = arith.addi %mul3A_2201, %add3A_2207 : i32
          %sub3A_2209 = arith.subi %add3A_2208, %mul3A_618 : i32
          %max3A_2210 = arith.constant 0 : i32
          %max3A_2211 = arith.maxsi %sub3A_2209, %max3A_2210 : i32
          %min3A_2212 = arith.constant 240 : i32
          %min3A_2213 = arith.minsi %max3A_2211, %min3A_2212 : i32
          %add3A_2214 = arith.constant 9 : i32
          %add3A_2215 = arith.addi %select_n3A_2172, %add3A_2214 : i32
          %gt3A = arith.cmpi sgt, %add3A_2215, %mul3A_553 : i32
          %add3A_2216 = arith.constant 32 : i32
          %add3A_2217 = arith.addi %mul3A_553, %add3A_2216 : i32
          %lt3A_2218 = arith.cmpi slt, %select_n3A_2172, %add3A_2217 : i32
          %and3A_2219 = arith.andi %gt3A, %lt3A_2218 : i1
          %convert_element_type3A_2220 = arith.extui %and3A_2219 : i1 to i32
          %cond3A_2221 = arith.constant 0 : i32
          %cond3A_2222 = arith.cmpi ne, %convert_element_type3A_2220, %cond3A_2221 : i32
          scf.if %cond3A_2222 {
            %sub3A_2224 = arith.subi %select_n3A_2172, %mul3A_553 : i32
            %add3A_2225 = arith.constant 0 : i32
            %add3A_2226 = arith.addi %sub3A_2224, %add3A_2225 : i32
            %ge3A = arith.constant 0 : i32
            %ge3A_2227 = arith.cmpi sge, %add3A_2226, %ge3A : i32
            %lt3A_2228 = arith.constant 32 : i32
            %lt3A_2229 = arith.cmpi slt, %add3A_2226, %lt3A_2228 : i32
            %and3A_2230 = arith.andi %ge3A_2227, %lt3A_2229 : i1
            %max3A_2231 = arith.constant 0 : i32
            %max3A_2232 = arith.maxsi %add3A_2226, %max3A_2231 : i32
            %min3A_2233 = arith.constant 31 : i32
            %min3A_2234 = arith.minsi %max3A_2232, %min3A_2233 : i32
            %get3A_2235 = arith.index_cast %min3A_2234 : i32 to index
            %get3A_2236 = arith.index_cast %min3A_2206 : i32 to index
            %get3A_2237 = tpu.vector_load %arg8[%get3A_2235, %get3A_2236] {strides = array<i32>} : memref<32x256xf32, #tpu.memory_space<vmem>>, vector<16xf32>,
            %add3A_2238 = arith.addi %mul3A_618, %min3A_2206 : i32
            %add3A_2239 = vector.broadcast %add3A_2238 : i32 to vector<16xi32>
            %add3A_2240 = arith.addi %add3A_2239, %iota3A : vector<16xi32>
            %ge3A_2241 = vector.broadcast %sub3A_2175 : i32 to vector<16xi32>
            %ge3A_2242 = arith.cmpi sge, %add3A_2240, %ge3A_2241 : vector<16xi32>
            %and3A_2243 = vector.broadcast %and3A_2230 : i1 to vector<16xi1>
            %and3A_2244 = arith.andi %and3A_2243, %ge3A_2242 : vector<16xi1>
            %add3A_2245 = arith.constant 9 : i32
            %add3A_2246 = arith.addi %sub3A_2175, %add3A_2245 : i32
            %lt3A_2247 = vector.broadcast %add3A_2246 : i32 to vector<16xi32>
            %lt3A_2248 = arith.cmpi slt, %add3A_2240, %lt3A_2247 : vector<16xi32>
            %and3A_2249 = arith.andi %and3A_2244, %lt3A_2248 : vector<16xi1>
            %jit3A_2250 = arith.constant 0.000000e+00 : f32
            %broadcast_in_dim3A_2251 = vector.broadcast %jit3A_2250 : f32 to vector<16xf32>
            %select_n3A_2252 = arith.select %and3A_2249, %broadcast_in_dim3A_2251, %get3A_2237 : vector<16xi1>, vector<16xf32>
            %swap3A_2253 = arith.index_cast %min3A_2234 : i32 to index
            %swap3A_2254 = arith.index_cast %min3A_2206 : i32 to index
            %swap3A_2255 = tpu.vector_load %arg8[%swap3A_2253, %swap3A_2254] {strides = array<i32>} : memref<32x256xf32, #tpu.memory_space<vmem>>, vector<16xf32>,
            tpu.vector_store %arg8[%swap3A_2253, %swap3A_2254], %select_n3A_2252 {strides = array<i32>} : memref<32x256xf32, #tpu.memory_space<vmem>>, vector<16xf32>,
            %get3A_2256 = arith.index_cast %min3A_2234 : i32 to index
            %get3A_2257 = arith.index_cast %min3A_2213 : i32 to index
            %get3A_2258 = tpu.vector_load %arg8[%get3A_2256, %get3A_2257] {strides = array<i32>} : memref<32x256xf32, #tpu.memory_space<vmem>>, vector<16xf32>,
            %add3A_2259 = arith.addi %mul3A_618, %min3A_2213 : i32
            %add3A_2260 = vector.broadcast %add3A_2259 : i32 to vector<16xi32>
            %add3A_2261 = arith.addi %add3A_2260, %iota3A : vector<16xi32>
            %ge3A_2262 = vector.broadcast %sub3A_2175 : i32 to vector<16xi32>
            %ge3A_2263 = arith.cmpi sge, %add3A_2261, %ge3A_2262 : vector<16xi32>
            %and3A_2264 = vector.broadcast %and3A_2230 : i1 to vector<16xi1>
            %and3A_2265 = arith.andi %and3A_2264, %ge3A_2263 : vector<16xi1>
            %add3A_2266 = arith.constant 9 : i32
            %add3A_2267 = arith.addi %sub3A_2175, %add3A_2266 : i32
            %lt3A_2268 = vector.broadcast %add3A_2267 : i32 to vector<16xi32>
            %lt3A_2269 = arith.cmpi slt, %add3A_2261, %lt3A_2268 : vector<16xi32>
            %and3A_2270 = arith.andi %and3A_2265, %lt3A_2269 : vector<16xi1>
            %jit3A_2271 = arith.constant 0.000000e+00 : f32
            %broadcast_in_dim3A_2272 = vector.broadcast %jit3A_2271 : f32 to vector<16xf32>
            %select_n3A_2273 = arith.select %and3A_2270, %broadcast_in_dim3A_2272, %get3A_2258 : vector<16xi1>, vector<16xf32>
            %swap3A_2274 = arith.index_cast %min3A_2234 : i32 to index
            %swap3A_2275 = arith.index_cast %min3A_2213 : i32 to index
            %swap3A_2276 = tpu.vector_load %arg8[%swap3A_2274, %swap3A_2275] {strides = array<i32>} : memref<32x256xf32, #tpu.memory_space<vmem>>, vector<16xf32>,
            tpu.vector_store %arg8[%swap3A_2274, %swap3A_2275], %select_n3A_2273 {strides = array<i32>} : memref<32x256xf32, #tpu.memory_space<vmem>>, vector<16xf32>,
            %sub3A_2277 = arith.subi %select_n3A_2172, %mul3A_553 : i32
            %add3A_2278 = arith.constant 1 : i32
            %add3A_2279 = arith.addi %sub3A_2277, %add3A_2278 : i32
            %ge3A_2280 = arith.constant 0 : i32
            %ge3A_2281 = arith.cmpi sge, %add3A_2279, %ge3A_2280 : i32
            %lt3A_2282 = arith.constant 32 : i32
            %lt3A_2283 = arith.cmpi slt, %add3A_2279, %lt3A_2282 : i32
            %and3A_2284 = arith.andi %ge3A_2281, %lt3A_2283 : i1
            %max3A_2285 = arith.constant 0 : i32
            %max3A_2286 = arith.maxsi %add3A_2279, %max3A_2285 : i32
            %min3A_2287 = arith.constant 31 : i32
            %min3A_2288 = arith.minsi %max3A_2286, %min3A_2287 : i32
            %get3A_2289 = arith.index_cast %min3A_2288 : i32 to index
            %get3A_2290 = arith.index_cast %min3A_2206 : i32 to index
            %get3A_2291 = tpu.vector_load %arg8[%get3A_2289, %get3A_2290] {strides = array<i32>} : memref<32x256xf32, #tpu.memory_space<vmem>>, vector<16xf32>,
            %add3A_2292 = arith.addi %mul3A_618, %min3A_2206 : i32
            %add3A_2293 = vector.broadcast %add3A_2292 : i32 to vector<16xi32>
            %add3A_2294 = arith.addi %add3A_2293, %iota3A : vector<16xi32>
            %ge3A_2295 = vector.broadcast %sub3A_2175 : i32 to vector<16xi32>
            %ge3A_2296 = arith.cmpi sge, %add3A_2294, %ge3A_2295 : vector<16xi32>
            %and3A_2297 = vector.broadcast %and3A_2284 : i1 to vector<16xi1>
            %and3A_2298 = arith.andi %and3A_2297, %ge3A_2296 : vector<16xi1>
            %add3A_2299 = arith.constant 9 : i32
            %add3A_2300 = arith.addi %sub3A_2175, %add3A_2299 : i32
            %lt3A_2301 = vector.broadcast %add3A_2300 : i32 to vector<16xi32>
            %lt3A_2302 = arith.cmpi slt, %add3A_2294, %lt3A_2301 : vector<16xi32>
            %and3A_2303 = arith.andi %and3A_2298, %lt3A_2302 : vector<16xi1>
            %jit3A_2304 = arith.constant 0.000000e+00 : f32
            %broadcast_in_dim3A_2305 = vector.broadcast %jit3A_2304 : f32 to vector<16xf32>
            %select_n3A_2306 = arith.select %and3A_2303, %broadcast_in_dim3A_2305, %get3A_2291 : vector<16xi1>, vector<16xf32>
            %swap3A_2307 = arith.index_cast %min3A_2288 : i32 to index
            %swap3A_2308 = arith.index_cast %min3A_2206 : i32 to index
            %swap3A_2309 = tpu.vector_load %arg8[%swap3A_2307, %swap3A_2308] {strides = array<i32>} : memref<32x256xf32, #tpu.memory_space<vmem>>, vector<16xf32>,
            tpu.vector_store %arg8[%swap3A_2307, %swap3A_2308], %select_n3A_2306 {strides = array<i32>} : memref<32x256xf32, #tpu.memory_space<vmem>>, vector<16xf32>,
            %get3A_2310 = arith.index_cast %min3A_2288 : i32 to index
            %get3A_2311 = arith.index_cast %min3A_2213 : i32 to index
            %get3A_2312 = tpu.vector_load %arg8[%get3A_2310, %get3A_2311] {strides = array<i32>} : memref<32x256xf32, #tpu.memory_space<vmem>>, vector<16xf32>,
            %add3A_2313 = arith.addi %mul3A_618, %min3A_2213 : i32
            %add3A_2314 = vector.broadcast %add3A_2313 : i32 to vector<16xi32>
            %add3A_2315 = arith.addi %add3A_2314, %iota3A : vector<16xi32>
            %ge3A_2316 = vector.broadcast %sub3A_2175 : i32 to vector<16xi32>
            %ge3A_2317 = arith.cmpi sge, %add3A_2315, %ge3A_2316 : vector<16xi32>
            %and3A_2318 = vector.broadcast %and3A_2284 : i1 to vector<16xi1>
            %and3A_2319 = arith.andi %and3A_2318, %ge3A_2317 : vector<16xi1>
            %add3A_2320 = arith.constant 9 : i32
            %add3A_2321 = arith.addi %sub3A_2175, %add3A_2320 : i32
            %lt3A_2322 = vector.broadcast %add3A_2321 : i32 to vector<16xi32>
            %lt3A_2323 = arith.cmpi slt, %add3A_2315, %lt3A_2322 : vector<16xi32>
            %and3A_2324 = arith.andi %and3A_2319, %lt3A_2323 : vector<16xi1>
            %jit3A_2325 = arith.constant 0.000000e+00 : f32
            %broadcast_in_dim3A_2326 = vector.broadcast %jit3A_2325 : f32 to vector<16xf32>
            %select_n3A_2327 = arith.select %and3A_2324, %broadcast_in_dim3A_2326, %get3A_2312 : vector<16xi1>, vector<16xf32>
            %swap3A_2328 = arith.index_cast %min3A_2288 : i32 to index
            %swap3A_2329 = arith.index_cast %min3A_2213 : i32 to index
            %swap3A_2330 = tpu.vector_load %arg8[%swap3A_2328, %swap3A_2329] {strides = array<i32>} : memref<32x256xf32, #tpu.memory_space<vmem>>, vector<16xf32>,
            tpu.vector_store %arg8[%swap3A_2328, %swap3A_2329], %select_n3A_2327 {strides = array<i32>} : memref<32x256xf32, #tpu.memory_space<vmem>>, vector<16xf32>,
            %sub3A_2331 = arith.subi %select_n3A_2172, %mul3A_553 : i32
            %add3A_2332 = arith.constant 2 : i32
            %add3A_2333 = arith.addi %sub3A_2331, %add3A_2332 : i32
            %ge3A_2334 = arith.constant 0 : i32
            %ge3A_2335 = arith.cmpi sge, %add3A_2333, %ge3A_2334 : i32
            %lt3A_2336 = arith.constant 32 : i32
            %lt3A_2337 = arith.cmpi slt, %add3A_2333, %lt3A_2336 : i32
            %and3A_2338 = arith.andi %ge3A_2335, %lt3A_2337 : i1
            %max3A_2339 = arith.constant 0 : i32
            %max3A_2340 = arith.maxsi %add3A_2333, %max3A_2339 : i32
            %min3A_2341 = arith.constant 31 : i32
            %min3A_2342 = arith.minsi %max3A_2340, %min3A_2341 : i32
            %get3A_2343 = arith.index_cast %min3A_2342 : i32 to index
            %get3A_2344 = arith.index_cast %min3A_2206 : i32 to index
            %get3A_2345 = tpu.vector_load %arg8[%get3A_2343, %get3A_2344] {strides = array<i32>} : memref<32x256xf32, #tpu.memory_space<vmem>>, vector<16xf32>,
            %add3A_2346 = arith.addi %mul3A_618, %min3A_2206 : i32
            %add3A_2347 = vector.broadcast %add3A_2346 : i32 to vector<16xi32>
            %add3A_2348 = arith.addi %add3A_2347, %iota3A : vector<16xi32>
            %ge3A_2349 = vector.broadcast %sub3A_2175 : i32 to vector<16xi32>
            %ge3A_2350 = arith.cmpi sge, %add3A_2348, %ge3A_2349 : vector<16xi32>
            %and3A_2351 = vector.broadcast %and3A_2338 : i1 to vector<16xi1>
            %and3A_2352 = arith.andi %and3A_2351, %ge3A_2350 : vector<16xi1>
            %add3A_2353 = arith.constant 9 : i32
            %add3A_2354 = arith.addi %sub3A_2175, %add3A_2353 : i32
            %lt3A_2355 = vector.broadcast %add3A_2354 : i32 to vector<16xi32>
            %lt3A_2356 = arith.cmpi slt, %add3A_2348, %lt3A_2355 : vector<16xi32>
            %and3A_2357 = arith.andi %and3A_2352, %lt3A_2356 : vector<16xi1>
            %jit3A_2358 = arith.constant 0.000000e+00 : f32
            %broadcast_in_dim3A_2359 = vector.broadcast %jit3A_2358 : f32 to vector<16xf32>
            %select_n3A_2360 = arith.select %and3A_2357, %broadcast_in_dim3A_2359, %get3A_2345 : vector<16xi1>, vector<16xf32>
            %swap3A_2361 = arith.index_cast %min3A_2342 : i32 to index
            %swap3A_2362 = arith.index_cast %min3A_2206 : i32 to index
            %swap3A_2363 = tpu.vector_load %arg8[%swap3A_2361, %swap3A_2362] {strides = array<i32>} : memref<32x256xf32, #tpu.memory_space<vmem>>, vector<16xf32>,
            tpu.vector_store %arg8[%swap3A_2361, %swap3A_2362], %select_n3A_2360 {strides = array<i32>} : memref<32x256xf32, #tpu.memory_space<vmem>>, vector<16xf32>,
            %get3A_2364 = arith.index_cast %min3A_2342 : i32 to index
            %get3A_2365 = arith.index_cast %min3A_2213 : i32 to index
            %get3A_2366 = tpu.vector_load %arg8[%get3A_2364, %get3A_2365] {strides = array<i32>} : memref<32x256xf32, #tpu.memory_space<vmem>>, vector<16xf32>,
            %add3A_2367 = arith.addi %mul3A_618, %min3A_2213 : i32
            %add3A_2368 = vector.broadcast %add3A_2367 : i32 to vector<16xi32>
            %add3A_2369 = arith.addi %add3A_2368, %iota3A : vector<16xi32>
            %ge3A_2370 = vector.broadcast %sub3A_2175 : i32 to vector<16xi32>
            %ge3A_2371 = arith.cmpi sge, %add3A_2369, %ge3A_2370 : vector<16xi32>
            %and3A_2372 = vector.broadcast %and3A_2338 : i1 to vector<16xi1>
            %and3A_2373 = arith.andi %and3A_2372, %ge3A_2371 : vector<16xi1>
            %add3A_2374 = arith.constant 9 : i32
            %add3A_2375 = arith.addi %sub3A_2175, %add3A_2374 : i32
            %lt3A_2376 = vector.broadcast %add3A_2375 : i32 to vector<16xi32>
            %lt3A_2377 = arith.cmpi slt, %add3A_2369, %lt3A_2376 : vector<16xi32>
            %and3A_2378 = arith.andi %and3A_2373, %lt3A_2377 : vector<16xi1>
            %jit3A_2379 = arith.constant 0.000000e+00 : f32
            %broadcast_in_dim3A_2380 = vector.broadcast %jit3A_2379 : f32 to vector<16xf32>
            %select_n3A_2381 = arith.select %and3A_2378, %broadcast_in_dim3A_2380, %get3A_2366 : vector<16xi1>, vector<16xf32>
            %swap3A_2382 = arith.index_cast %min3A_2342 : i32 to index
            %swap3A_2383 = arith.index_cast %min3A_2213 : i32 to index
            %swap3A_2384 = tpu.vector_load %arg8[%swap3A_2382, %swap3A_2383] {strides = array<i32>} : memref<32x256xf32, #tpu.memory_space<vmem>>, vector<16xf32>,
            tpu.vector_store %arg8[%swap3A_2382, %swap3A_2383], %select_n3A_2381 {strides = array<i32>} : memref<32x256xf32, #tpu.memory_space<vmem>>, vector<16xf32>,
            %sub3A_2385 = arith.subi %select_n3A_2172, %mul3A_553 : i32
            %add3A_2386 = arith.constant 3 : i32
            %add3A_2387 = arith.addi %sub3A_2385, %add3A_2386 : i32
            %ge3A_2388 = arith.constant 0 : i32
            %ge3A_2389 = arith.cmpi sge, %add3A_2387, %ge3A_2388 : i32
            %lt3A_2390 = arith.constant 32 : i32
            %lt3A_2391 = arith.cmpi slt, %add3A_2387, %lt3A_2390 : i32
            %and3A_2392 = arith.andi %ge3A_2389, %lt3A_2391 : i1
            %max3A_2393 = arith.constant 0 : i32
            %max3A_2394 = arith.maxsi %add3A_2387, %max3A_2393 : i32
            %min3A_2395 = arith.constant 31 : i32
            %min3A_2396 = arith.minsi %max3A_2394, %min3A_2395 : i32
            %get3A_2397 = arith.index_cast %min3A_2396 : i32 to index
            %get3A_2398 = arith.index_cast %min3A_2206 : i32 to index
            %get3A_2399 = tpu.vector_load %arg8[%get3A_2397, %get3A_2398] {strides = array<i32>} : memref<32x256xf32, #tpu.memory_space<vmem>>, vector<16xf32>,
            %add3A_2400 = arith.addi %mul3A_618, %min3A_2206 : i32
            %add3A_2401 = vector.broadcast %add3A_2400 : i32 to vector<16xi32>
            %add3A_2402 = arith.addi %add3A_2401, %iota3A : vector<16xi32>
            %ge3A_2403 = vector.broadcast %sub3A_2175 : i32 to vector<16xi32>
            %ge3A_2404 = arith.cmpi sge, %add3A_2402, %ge3A_2403 : vector<16xi32>
            %and3A_2405 = vector.broadcast %and3A_2392 : i1 to vector<16xi1>
            %and3A_2406 = arith.andi %and3A_2405, %ge3A_2404 : vector<16xi1>
            %add3A_2407 = arith.constant 9 : i32
            %add3A_2408 = arith.addi %sub3A_2175, %add3A_2407 : i32
            %lt3A_2409 = vector.broadcast %add3A_2408 : i32 to vector<16xi32>
            %lt3A_2410 = arith.cmpi slt, %add3A_2402, %lt3A_2409 : vector<16xi32>
            %and3A_2411 = arith.andi %and3A_2406, %lt3A_2410 : vector<16xi1>
            %jit3A_2412 = arith.constant 0.000000e+00 : f32
            %broadcast_in_dim3A_2413 = vector.broadcast %jit3A_2412 : f32 to vector<16xf32>
            %select_n3A_2414 = arith.select %and3A_2411, %broadcast_in_dim3A_2413, %get3A_2399 : vector<16xi1>, vector<16xf32>
            %swap3A_2415 = arith.index_cast %min3A_2396 : i32 to index
            %swap3A_2416 = arith.index_cast %min3A_2206 : i32 to index
            %swap3A_2417 = tpu.vector_load %arg8[%swap3A_2415, %swap3A_2416] {strides = array<i32>} : memref<32x256xf32, #tpu.memory_space<vmem>>, vector<16xf32>,
            tpu.vector_store %arg8[%swap3A_2415, %swap3A_2416], %select_n3A_2414 {strides = array<i32>} : memref<32x256xf32, #tpu.memory_space<vmem>>, vector<16xf32>,
            %get3A_2418 = arith.index_cast %min3A_2396 : i32 to index
            %get3A_2419 = arith.index_cast %min3A_2213 : i32 to index
            %get3A_2420 = tpu.vector_load %arg8[%get3A_2418, %get3A_2419] {strides = array<i32>} : memref<32x256xf32, #tpu.memory_space<vmem>>, vector<16xf32>,
            %add3A_2421 = arith.addi %mul3A_618, %min3A_2213 : i32
            %add3A_2422 = vector.broadcast %add3A_2421 : i32 to vector<16xi32>
            %add3A_2423 = arith.addi %add3A_2422, %iota3A : vector<16xi32>
            %ge3A_2424 = vector.broadcast %sub3A_2175 : i32 to vector<16xi32>
            %ge3A_2425 = arith.cmpi sge, %add3A_2423, %ge3A_2424 : vector<16xi32>
            %and3A_2426 = vector.broadcast %and3A_2392 : i1 to vector<16xi1>
            %and3A_2427 = arith.andi %and3A_2426, %ge3A_2425 : vector<16xi1>
            %add3A_2428 = arith.constant 9 : i32
            %add3A_2429 = arith.addi %sub3A_2175, %add3A_2428 : i32
            %lt3A_2430 = vector.broadcast %add3A_2429 : i32 to vector<16xi32>
            %lt3A_2431 = arith.cmpi slt, %add3A_2423, %lt3A_2430 : vector<16xi32>
            %and3A_2432 = arith.andi %and3A_2427, %lt3A_2431 : vector<16xi1>
            %jit3A_2433 = arith.constant 0.000000e+00 : f32
            %broadcast_in_dim3A_2434 = vector.broadcast %jit3A_2433 : f32 to vector<16xf32>
            %select_n3A_2435 = arith.select %and3A_2432, %broadcast_in_dim3A_2434, %get3A_2420 : vector<16xi1>, vector<16xf32>
            %swap3A_2436 = arith.index_cast %min3A_2396 : i32 to index
            %swap3A_2437 = arith.index_cast %min3A_2213 : i32 to index
            %swap3A_2438 = tpu.vector_load %arg8[%swap3A_2436, %swap3A_2437] {strides = array<i32>} : memref<32x256xf32, #tpu.memory_space<vmem>>, vector<16xf32>,
            tpu.vector_store %arg8[%swap3A_2436, %swap3A_2437], %select_n3A_2435 {strides = array<i32>} : memref<32x256xf32, #tpu.memory_space<vmem>>, vector<16xf32>,
            %sub3A_2439 = arith.subi %select_n3A_2172, %mul3A_553 : i32
            %add3A_2440 = arith.constant 4 : i32
            %add3A_2441 = arith.addi %sub3A_2439, %add3A_2440 : i32
            %ge3A_2442 = arith.constant 0 : i32
            %ge3A_2443 = arith.cmpi sge, %add3A_2441, %ge3A_2442 : i32
            %lt3A_2444 = arith.constant 32 : i32
            %lt3A_2445 = arith.cmpi slt, %add3A_2441, %lt3A_2444 : i32
            %and3A_2446 = arith.andi %ge3A_2443, %lt3A_2445 : i1
            %max3A_2447 = arith.constant 0 : i32
            %max3A_2448 = arith.maxsi %add3A_2441, %max3A_2447 : i32
            %min3A_2449 = arith.constant 31 : i32
            %min3A_2450 = arith.minsi %max3A_2448, %min3A_2449 : i32
            %get3A_2451 = arith.index_cast %min3A_2450 : i32 to index
            %get3A_2452 = arith.index_cast %min3A_2206 : i32 to index
            %get3A_2453 = tpu.vector_load %arg8[%get3A_2451, %get3A_2452] {strides = array<i32>} : memref<32x256xf32, #tpu.memory_space<vmem>>, vector<16xf32>,
            %add3A_2454 = arith.addi %mul3A_618, %min3A_2206 : i32
            %add3A_2455 = vector.broadcast %add3A_2454 : i32 to vector<16xi32>
            %add3A_2456 = arith.addi %add3A_2455, %iota3A : vector<16xi32>
            %ge3A_2457 = vector.broadcast %sub3A_2175 : i32 to vector<16xi32>
            %ge3A_2458 = arith.cmpi sge, %add3A_2456, %ge3A_2457 : vector<16xi32>
            %and3A_2459 = vector.broadcast %and3A_2446 : i1 to vector<16xi1>
            %and3A_2460 = arith.andi %and3A_2459, %ge3A_2458 : vector<16xi1>
            %add3A_2461 = arith.constant 9 : i32
            %add3A_2462 = arith.addi %sub3A_2175, %add3A_2461 : i32
            %lt3A_2463 = vector.broadcast %add3A_2462 : i32 to vector<16xi32>
            %lt3A_2464 = arith.cmpi slt, %add3A_2456, %lt3A_2463 : vector<16xi32>
            %and3A_2465 = arith.andi %and3A_2460, %lt3A_2464 : vector<16xi1>
            %jit3A_2466 = arith.constant 0.000000e+00 : f32
            %broadcast_in_dim3A_2467 = vector.broadcast %jit3A_2466 : f32 to vector<16xf32>
            %select_n3A_2468 = arith.select %and3A_2465, %broadcast_in_dim3A_2467, %get3A_2453 : vector<16xi1>, vector<16xf32>
            %swap3A_2469 = arith.index_cast %min3A_2450 : i32 to index
            %swap3A_2470 = arith.index_cast %min3A_2206 : i32 to index
            %swap3A_2471 = tpu.vector_load %arg8[%swap3A_2469, %swap3A_2470] {strides = array<i32>} : memref<32x256xf32, #tpu.memory_space<vmem>>, vector<16xf32>,
            tpu.vector_store %arg8[%swap3A_2469, %swap3A_2470], %select_n3A_2468 {strides = array<i32>} : memref<32x256xf32, #tpu.memory_space<vmem>>, vector<16xf32>,
            %get3A_2472 = arith.index_cast %min3A_2450 : i32 to index
            %get3A_2473 = arith.index_cast %min3A_2213 : i32 to index
            %get3A_2474 = tpu.vector_load %arg8[%get3A_2472, %get3A_2473] {strides = array<i32>} : memref<32x256xf32, #tpu.memory_space<vmem>>, vector<16xf32>,
            %add3A_2475 = arith.addi %mul3A_618, %min3A_2213 : i32
            %add3A_2476 = vector.broadcast %add3A_2475 : i32 to vector<16xi32>
            %add3A_2477 = arith.addi %add3A_2476, %iota3A : vector<16xi32>
            %ge3A_2478 = vector.broadcast %sub3A_2175 : i32 to vector<16xi32>
            %ge3A_2479 = arith.cmpi sge, %add3A_2477, %ge3A_2478 : vector<16xi32>
            %and3A_2480 = vector.broadcast %and3A_2446 : i1 to vector<16xi1>
            %and3A_2481 = arith.andi %and3A_2480, %ge3A_2479 : vector<16xi1>
            %add3A_2482 = arith.constant 9 : i32
            %add3A_2483 = arith.addi %sub3A_2175, %add3A_2482 : i32
            %lt3A_2484 = vector.broadcast %add3A_2483 : i32 to vector<16xi32>
            %lt3A_2485 = arith.cmpi slt, %add3A_2477, %lt3A_2484 : vector<16xi32>
            %and3A_2486 = arith.andi %and3A_2481, %lt3A_2485 : vector<16xi1>
            %jit3A_2487 = arith.constant 0.000000e+00 : f32
            %broadcast_in_dim3A_2488 = vector.broadcast %jit3A_2487 : f32 to vector<16xf32>
            %select_n3A_2489 = arith.select %and3A_2486, %broadcast_in_dim3A_2488, %get3A_2474 : vector<16xi1>, vector<16xf32>
            %swap3A_2490 = arith.index_cast %min3A_2450 : i32 to index
            %swap3A_2491 = arith.index_cast %min3A_2213 : i32 to index
            %swap3A_2492 = tpu.vector_load %arg8[%swap3A_2490, %swap3A_2491] {strides = array<i32>} : memref<32x256xf32, #tpu.memory_space<vmem>>, vector<16xf32>,
            tpu.vector_store %arg8[%swap3A_2490, %swap3A_2491], %select_n3A_2489 {strides = array<i32>} : memref<32x256xf32, #tpu.memory_space<vmem>>, vector<16xf32>,
            %sub3A_2493 = arith.subi %select_n3A_2172, %mul3A_553 : i32
            %add3A_2494 = arith.constant 5 : i32
            %add3A_2495 = arith.addi %sub3A_2493, %add3A_2494 : i32
            %ge3A_2496 = arith.constant 0 : i32
            %ge3A_2497 = arith.cmpi sge, %add3A_2495, %ge3A_2496 : i32
            %lt3A_2498 = arith.constant 32 : i32
            %lt3A_2499 = arith.cmpi slt, %add3A_2495, %lt3A_2498 : i32
            %and3A_2500 = arith.andi %ge3A_2497, %lt3A_2499 : i1
            %max3A_2501 = arith.constant 0 : i32
            %max3A_2502 = arith.maxsi %add3A_2495, %max3A_2501 : i32
            %min3A_2503 = arith.constant 31 : i32
            %min3A_2504 = arith.minsi %max3A_2502, %min3A_2503 : i32
            %get3A_2505 = arith.index_cast %min3A_2504 : i32 to index
            %get3A_2506 = arith.index_cast %min3A_2206 : i32 to index
            %get3A_2507 = tpu.vector_load %arg8[%get3A_2505, %get3A_2506] {strides = array<i32>} : memref<32x256xf32, #tpu.memory_space<vmem>>, vector<16xf32>,
            %add3A_2508 = arith.addi %mul3A_618, %min3A_2206 : i32
            %add3A_2509 = vector.broadcast %add3A_2508 : i32 to vector<16xi32>
            %add3A_2510 = arith.addi %add3A_2509, %iota3A : vector<16xi32>
            %ge3A_2511 = vector.broadcast %sub3A_2175 : i32 to vector<16xi32>
            %ge3A_2512 = arith.cmpi sge, %add3A_2510, %ge3A_2511 : vector<16xi32>
            %and3A_2513 = vector.broadcast %and3A_2500 : i1 to vector<16xi1>
            %and3A_2514 = arith.andi %and3A_2513, %ge3A_2512 : vector<16xi1>
            %add3A_2515 = arith.constant 9 : i32
            %add3A_2516 = arith.addi %sub3A_2175, %add3A_2515 : i32
            %lt3A_2517 = vector.broadcast %add3A_2516 : i32 to vector<16xi32>
            %lt3A_2518 = arith.cmpi slt, %add3A_2510, %lt3A_2517 : vector<16xi32>
            %and3A_2519 = arith.andi %and3A_2514, %lt3A_2518 : vector<16xi1>
            %jit3A_2520 = arith.constant 0.000000e+00 : f32
            %broadcast_in_dim3A_2521 = vector.broadcast %jit3A_2520 : f32 to vector<16xf32>
            %select_n3A_2522 = arith.select %and3A_2519, %broadcast_in_dim3A_2521, %get3A_2507 : vector<16xi1>, vector<16xf32>
            %swap3A_2523 = arith.index_cast %min3A_2504 : i32 to index
            %swap3A_2524 = arith.index_cast %min3A_2206 : i32 to index
            %swap3A_2525 = tpu.vector_load %arg8[%swap3A_2523, %swap3A_2524] {strides = array<i32>} : memref<32x256xf32, #tpu.memory_space<vmem>>, vector<16xf32>,
            tpu.vector_store %arg8[%swap3A_2523, %swap3A_2524], %select_n3A_2522 {strides = array<i32>} : memref<32x256xf32, #tpu.memory_space<vmem>>, vector<16xf32>,
            %get3A_2526 = arith.index_cast %min3A_2504 : i32 to index
            %get3A_2527 = arith.index_cast %min3A_2213 : i32 to index
            %get3A_2528 = tpu.vector_load %arg8[%get3A_2526, %get3A_2527] {strides = array<i32>} : memref<32x256xf32, #tpu.memory_space<vmem>>, vector<16xf32>,
            %add3A_2529 = arith.addi %mul3A_618, %min3A_2213 : i32
            %add3A_2530 = vector.broadcast %add3A_2529 : i32 to vector<16xi32>
            %add3A_2531 = arith.addi %add3A_2530, %iota3A : vector<16xi32>
            %ge3A_2532 = vector.broadcast %sub3A_2175 : i32 to vector<16xi32>
            %ge3A_2533 = arith.cmpi sge, %add3A_2531, %ge3A_2532 : vector<16xi32>
            %and3A_2534 = vector.broadcast %and3A_2500 : i1 to vector<16xi1>
            %and3A_2535 = arith.andi %and3A_2534, %ge3A_2533 : vector<16xi1>
            %add3A_2536 = arith.constant 9 : i32
            %add3A_2537 = arith.addi %sub3A_2175, %add3A_2536 : i32
            %lt3A_2538 = vector.broadcast %add3A_2537 : i32 to vector<16xi32>
            %lt3A_2539 = arith.cmpi slt, %add3A_2531, %lt3A_2538 : vector<16xi32>
            %and3A_2540 = arith.andi %and3A_2535, %lt3A_2539 : vector<16xi1>
            %jit3A_2541 = arith.constant 0.000000e+00 : f32
            %broadcast_in_dim3A_2542 = vector.broadcast %jit3A_2541 : f32 to vector<16xf32>
            %select_n3A_2543 = arith.select %and3A_2540, %broadcast_in_dim3A_2542, %get3A_2528 : vector<16xi1>, vector<16xf32>
            %swap3A_2544 = arith.index_cast %min3A_2504 : i32 to index
            %swap3A_2545 = arith.index_cast %min3A_2213 : i32 to index
            %swap3A_2546 = tpu.vector_load %arg8[%swap3A_2544, %swap3A_2545] {strides = array<i32>} : memref<32x256xf32, #tpu.memory_space<vmem>>, vector<16xf32>,
            tpu.vector_store %arg8[%swap3A_2544, %swap3A_2545], %select_n3A_2543 {strides = array<i32>} : memref<32x256xf32, #tpu.memory_space<vmem>>, vector<16xf32>,
            %sub3A_2547 = arith.subi %select_n3A_2172, %mul3A_553 : i32
            %add3A_2548 = arith.constant 6 : i32
            %add3A_2549 = arith.addi %sub3A_2547, %add3A_2548 : i32
            %ge3A_2550 = arith.constant 0 : i32
            %ge3A_2551 = arith.cmpi sge, %add3A_2549, %ge3A_2550 : i32
            %lt3A_2552 = arith.constant 32 : i32
            %lt3A_2553 = arith.cmpi slt, %add3A_2549, %lt3A_2552 : i32
            %and3A_2554 = arith.andi %ge3A_2551, %lt3A_2553 : i1
            %max3A_2555 = arith.constant 0 : i32
            %max3A_2556 = arith.maxsi %add3A_2549, %max3A_2555 : i32
            %min3A_2557 = arith.constant 31 : i32
            %min3A_2558 = arith.minsi %max3A_2556, %min3A_2557 : i32
            %get3A_2559 = arith.index_cast %min3A_2558 : i32 to index
            %get3A_2560 = arith.index_cast %min3A_2206 : i32 to index
            %get3A_2561 = tpu.vector_load %arg8[%get3A_2559, %get3A_2560] {strides = array<i32>} : memref<32x256xf32, #tpu.memory_space<vmem>>, vector<16xf32>,
            %add3A_2562 = arith.addi %mul3A_618, %min3A_2206 : i32
            %add3A_2563 = vector.broadcast %add3A_2562 : i32 to vector<16xi32>
            %add3A_2564 = arith.addi %add3A_2563, %iota3A : vector<16xi32>
            %ge3A_2565 = vector.broadcast %sub3A_2175 : i32 to vector<16xi32>
            %ge3A_2566 = arith.cmpi sge, %add3A_2564, %ge3A_2565 : vector<16xi32>
            %and3A_2567 = vector.broadcast %and3A_2554 : i1 to vector<16xi1>
            %and3A_2568 = arith.andi %and3A_2567, %ge3A_2566 : vector<16xi1>
            %add3A_2569 = arith.constant 9 : i32
            %add3A_2570 = arith.addi %sub3A_2175, %add3A_2569 : i32
            %lt3A_2571 = vector.broadcast %add3A_2570 : i32 to vector<16xi32>
            %lt3A_2572 = arith.cmpi slt, %add3A_2564, %lt3A_2571 : vector<16xi32>
            %and3A_2573 = arith.andi %and3A_2568, %lt3A_2572 : vector<16xi1>
            %jit3A_2574 = arith.constant 0.000000e+00 : f32
            %broadcast_in_dim3A_2575 = vector.broadcast %jit3A_2574 : f32 to vector<16xf32>
            %select_n3A_2576 = arith.select %and3A_2573, %broadcast_in_dim3A_2575, %get3A_2561 : vector<16xi1>, vector<16xf32>
            %swap3A_2577 = arith.index_cast %min3A_2558 : i32 to index
            %swap3A_2578 = arith.index_cast %min3A_2206 : i32 to index
            %swap3A_2579 = tpu.vector_load %arg8[%swap3A_2577, %swap3A_2578] {strides = array<i32>} : memref<32x256xf32, #tpu.memory_space<vmem>>, vector<16xf32>,
            tpu.vector_store %arg8[%swap3A_2577, %swap3A_2578], %select_n3A_2576 {strides = array<i32>} : memref<32x256xf32, #tpu.memory_space<vmem>>, vector<16xf32>,
            %get3A_2580 = arith.index_cast %min3A_2558 : i32 to index
            %get3A_2581 = arith.index_cast %min3A_2213 : i32 to index
            %get3A_2582 = tpu.vector_load %arg8[%get3A_2580, %get3A_2581] {strides = array<i32>} : memref<32x256xf32, #tpu.memory_space<vmem>>, vector<16xf32>,
            %add3A_2583 = arith.addi %mul3A_618, %min3A_2213 : i32
            %add3A_2584 = vector.broadcast %add3A_2583 : i32 to vector<16xi32>
            %add3A_2585 = arith.addi %add3A_2584, %iota3A : vector<16xi32>
            %ge3A_2586 = vector.broadcast %sub3A_2175 : i32 to vector<16xi32>
            %ge3A_2587 = arith.cmpi sge, %add3A_2585, %ge3A_2586 : vector<16xi32>
            %and3A_2588 = vector.broadcast %and3A_2554 : i1 to vector<16xi1>
            %and3A_2589 = arith.andi %and3A_2588, %ge3A_2587 : vector<16xi1>
            %add3A_2590 = arith.constant 9 : i32
            %add3A_2591 = arith.addi %sub3A_2175, %add3A_2590 : i32
            %lt3A_2592 = vector.broadcast %add3A_2591 : i32 to vector<16xi32>
            %lt3A_2593 = arith.cmpi slt, %add3A_2585, %lt3A_2592 : vector<16xi32>
            %and3A_2594 = arith.andi %and3A_2589, %lt3A_2593 : vector<16xi1>
            %jit3A_2595 = arith.constant 0.000000e+00 : f32
            %broadcast_in_dim3A_2596 = vector.broadcast %jit3A_2595 : f32 to vector<16xf32>
            %select_n3A_2597 = arith.select %and3A_2594, %broadcast_in_dim3A_2596, %get3A_2582 : vector<16xi1>, vector<16xf32>
            %swap3A_2598 = arith.index_cast %min3A_2558 : i32 to index
            %swap3A_2599 = arith.index_cast %min3A_2213 : i32 to index
            %swap3A_2600 = tpu.vector_load %arg8[%swap3A_2598, %swap3A_2599] {strides = array<i32>} : memref<32x256xf32, #tpu.memory_space<vmem>>, vector<16xf32>,
            tpu.vector_store %arg8[%swap3A_2598, %swap3A_2599], %select_n3A_2597 {strides = array<i32>} : memref<32x256xf32, #tpu.memory_space<vmem>>, vector<16xf32>,
            %sub3A_2601 = arith.subi %select_n3A_2172, %mul3A_553 : i32
            %add3A_2602 = arith.constant 7 : i32
            %add3A_2603 = arith.addi %sub3A_2601, %add3A_2602 : i32
            %ge3A_2604 = arith.constant 0 : i32
            %ge3A_2605 = arith.cmpi sge, %add3A_2603, %ge3A_2604 : i32
            %lt3A_2606 = arith.constant 32 : i32
            %lt3A_2607 = arith.cmpi slt, %add3A_2603, %lt3A_2606 : i32
            %and3A_2608 = arith.andi %ge3A_2605, %lt3A_2607 : i1
            %max3A_2609 = arith.constant 0 : i32
            %max3A_2610 = arith.maxsi %add3A_2603, %max3A_2609 : i32
            %min3A_2611 = arith.constant 31 : i32
            %min3A_2612 = arith.minsi %max3A_2610, %min3A_2611 : i32
            %get3A_2613 = arith.index_cast %min3A_2612 : i32 to index
            %get3A_2614 = arith.index_cast %min3A_2206 : i32 to index
            %get3A_2615 = tpu.vector_load %arg8[%get3A_2613, %get3A_2614] {strides = array<i32>} : memref<32x256xf32, #tpu.memory_space<vmem>>, vector<16xf32>,
            %add3A_2616 = arith.addi %mul3A_618, %min3A_2206 : i32
            %add3A_2617 = vector.broadcast %add3A_2616 : i32 to vector<16xi32>
            %add3A_2618 = arith.addi %add3A_2617, %iota3A : vector<16xi32>
            %ge3A_2619 = vector.broadcast %sub3A_2175 : i32 to vector<16xi32>
            %ge3A_2620 = arith.cmpi sge, %add3A_2618, %ge3A_2619 : vector<16xi32>
            %and3A_2621 = vector.broadcast %and3A_2608 : i1 to vector<16xi1>
            %and3A_2622 = arith.andi %and3A_2621, %ge3A_2620 : vector<16xi1>
            %add3A_2623 = arith.constant 9 : i32
            %add3A_2624 = arith.addi %sub3A_2175, %add3A_2623 : i32
            %lt3A_2625 = vector.broadcast %add3A_2624 : i32 to vector<16xi32>
            %lt3A_2626 = arith.cmpi slt, %add3A_2618, %lt3A_2625 : vector<16xi32>
            %and3A_2627 = arith.andi %and3A_2622, %lt3A_2626 : vector<16xi1>
            %jit3A_2628 = arith.constant 0.000000e+00 : f32
            %broadcast_in_dim3A_2629 = vector.broadcast %jit3A_2628 : f32 to vector<16xf32>
            %select_n3A_2630 = arith.select %and3A_2627, %broadcast_in_dim3A_2629, %get3A_2615 : vector<16xi1>, vector<16xf32>
            %swap3A_2631 = arith.index_cast %min3A_2612 : i32 to index
            %swap3A_2632 = arith.index_cast %min3A_2206 : i32 to index
            %swap3A_2633 = tpu.vector_load %arg8[%swap3A_2631, %swap3A_2632] {strides = array<i32>} : memref<32x256xf32, #tpu.memory_space<vmem>>, vector<16xf32>,
            tpu.vector_store %arg8[%swap3A_2631, %swap3A_2632], %select_n3A_2630 {strides = array<i32>} : memref<32x256xf32, #tpu.memory_space<vmem>>, vector<16xf32>,
            %get3A_2634 = arith.index_cast %min3A_2612 : i32 to index
            %get3A_2635 = arith.index_cast %min3A_2213 : i32 to index
            %get3A_2636 = tpu.vector_load %arg8[%get3A_2634, %get3A_2635] {strides = array<i32>} : memref<32x256xf32, #tpu.memory_space<vmem>>, vector<16xf32>,
            %add3A_2637 = arith.addi %mul3A_618, %min3A_2213 : i32
            %add3A_2638 = vector.broadcast %add3A_2637 : i32 to vector<16xi32>
            %add3A_2639 = arith.addi %add3A_2638, %iota3A : vector<16xi32>
            %ge3A_2640 = vector.broadcast %sub3A_2175 : i32 to vector<16xi32>
            %ge3A_2641 = arith.cmpi sge, %add3A_2639, %ge3A_2640 : vector<16xi32>
            %and3A_2642 = vector.broadcast %and3A_2608 : i1 to vector<16xi1>
            %and3A_2643 = arith.andi %and3A_2642, %ge3A_2641 : vector<16xi1>
            %add3A_2644 = arith.constant 9 : i32
            %add3A_2645 = arith.addi %sub3A_2175, %add3A_2644 : i32
            %lt3A_2646 = vector.broadcast %add3A_2645 : i32 to vector<16xi32>
            %lt3A_2647 = arith.cmpi slt, %add3A_2639, %lt3A_2646 : vector<16xi32>
            %and3A_2648 = arith.andi %and3A_2643, %lt3A_2647 : vector<16xi1>
            %jit3A_2649 = arith.constant 0.000000e+00 : f32
            %broadcast_in_dim3A_2650 = vector.broadcast %jit3A_2649 : f32 to vector<16xf32>
            %select_n3A_2651 = arith.select %and3A_2648, %broadcast_in_dim3A_2650, %get3A_2636 : vector<16xi1>, vector<16xf32>
            %swap3A_2652 = arith.index_cast %min3A_2612 : i32 to index
            %swap3A_2653 = arith.index_cast %min3A_2213 : i32 to index
            %swap3A_2654 = tpu.vector_load %arg8[%swap3A_2652, %swap3A_2653] {strides = array<i32>} : memref<32x256xf32, #tpu.memory_space<vmem>>, vector<16xf32>,
            tpu.vector_store %arg8[%swap3A_2652, %swap3A_2653], %select_n3A_2651 {strides = array<i32>} : memref<32x256xf32, #tpu.memory_space<vmem>>, vector<16xf32>,
            %sub3A_2655 = arith.subi %select_n3A_2172, %mul3A_553 : i32
            %add3A_2656 = arith.constant 8 : i32
            %add3A_2657 = arith.addi %sub3A_2655, %add3A_2656 : i32
            %ge3A_2658 = arith.constant 0 : i32
            %ge3A_2659 = arith.cmpi sge, %add3A_2657, %ge3A_2658 : i32
            %lt3A_2660 = arith.constant 32 : i32
            %lt3A_2661 = arith.cmpi slt, %add3A_2657, %lt3A_2660 : i32
            %and3A_2662 = arith.andi %ge3A_2659, %lt3A_2661 : i1
            %max3A_2663 = arith.constant 0 : i32
            %max3A_2664 = arith.maxsi %add3A_2657, %max3A_2663 : i32
            %min3A_2665 = arith.constant 31 : i32
            %min3A_2666 = arith.minsi %max3A_2664, %min3A_2665 : i32
            %get3A_2667 = arith.index_cast %min3A_2666 : i32 to index
            %get3A_2668 = arith.index_cast %min3A_2206 : i32 to index
            %get3A_2669 = tpu.vector_load %arg8[%get3A_2667, %get3A_2668] {strides = array<i32>} : memref<32x256xf32, #tpu.memory_space<vmem>>, vector<16xf32>,
            %add3A_2670 = arith.addi %mul3A_618, %min3A_2206 : i32
            %add3A_2671 = vector.broadcast %add3A_2670 : i32 to vector<16xi32>
            %add3A_2672 = arith.addi %add3A_2671, %iota3A : vector<16xi32>
            %ge3A_2673 = vector.broadcast %sub3A_2175 : i32 to vector<16xi32>
            %ge3A_2674 = arith.cmpi sge, %add3A_2672, %ge3A_2673 : vector<16xi32>
            %and3A_2675 = vector.broadcast %and3A_2662 : i1 to vector<16xi1>
            %and3A_2676 = arith.andi %and3A_2675, %ge3A_2674 : vector<16xi1>
            %add3A_2677 = arith.constant 9 : i32
            %add3A_2678 = arith.addi %sub3A_2175, %add3A_2677 : i32
            %lt3A_2679 = vector.broadcast %add3A_2678 : i32 to vector<16xi32>
            %lt3A_2680 = arith.cmpi slt, %add3A_2672, %lt3A_2679 : vector<16xi32>
            %and3A_2681 = arith.andi %and3A_2676, %lt3A_2680 : vector<16xi1>
            %jit3A_2682 = arith.constant 0.000000e+00 : f32
            %broadcast_in_dim3A_2683 = vector.broadcast %jit3A_2682 : f32 to vector<16xf32>
            %select_n3A_2684 = arith.select %and3A_2681, %broadcast_in_dim3A_2683, %get3A_2669 : vector<16xi1>, vector<16xf32>
            %swap3A_2685 = arith.index_cast %min3A_2666 : i32 to index
            %swap3A_2686 = arith.index_cast %min3A_2206 : i32 to index
            %swap3A_2687 = tpu.vector_load %arg8[%swap3A_2685, %swap3A_2686] {strides = array<i32>} : memref<32x256xf32, #tpu.memory_space<vmem>>, vector<16xf32>,
            tpu.vector_store %arg8[%swap3A_2685, %swap3A_2686], %select_n3A_2684 {strides = array<i32>} : memref<32x256xf32, #tpu.memory_space<vmem>>, vector<16xf32>,
            %get3A_2688 = arith.index_cast %min3A_2666 : i32 to index
            %get3A_2689 = arith.index_cast %min3A_2213 : i32 to index
            %get3A_2690 = tpu.vector_load %arg8[%get3A_2688, %get3A_2689] {strides = array<i32>} : memref<32x256xf32, #tpu.memory_space<vmem>>, vector<16xf32>,
            %add3A_2691 = arith.addi %mul3A_618, %min3A_2213 : i32
            %add3A_2692 = vector.broadcast %add3A_2691 : i32 to vector<16xi32>
            %add3A_2693 = arith.addi %add3A_2692, %iota3A : vector<16xi32>
            %ge3A_2694 = vector.broadcast %sub3A_2175 : i32 to vector<16xi32>
            %ge3A_2695 = arith.cmpi sge, %add3A_2693, %ge3A_2694 : vector<16xi32>
            %and3A_2696 = vector.broadcast %and3A_2662 : i1 to vector<16xi1>
            %and3A_2697 = arith.andi %and3A_2696, %ge3A_2695 : vector<16xi1>
            %add3A_2698 = arith.constant 9 : i32
            %add3A_2699 = arith.addi %sub3A_2175, %add3A_2698 : i32
            %lt3A_2700 = vector.broadcast %add3A_2699 : i32 to vector<16xi32>
            %lt3A_2701 = arith.cmpi slt, %add3A_2693, %lt3A_2700 : vector<16xi32>
            %and3A_2702 = arith.andi %and3A_2697, %lt3A_2701 : vector<16xi1>
            %jit3A_2703 = arith.constant 0.000000e+00 : f32
            %broadcast_in_dim3A_2704 = vector.broadcast %jit3A_2703 : f32 to vector<16xf32>
            %select_n3A_2705 = arith.select %and3A_2702, %broadcast_in_dim3A_2704, %get3A_2690 : vector<16xi1>, vector<16xf32>
            %swap3A_2706 = arith.index_cast %min3A_2666 : i32 to index
            %swap3A_2707 = arith.index_cast %min3A_2213 : i32 to index
            %swap3A_2708 = tpu.vector_load %arg8[%swap3A_2706, %swap3A_2707] {strides = array<i32>} : memref<32x256xf32, #tpu.memory_space<vmem>>, vector<16xf32>,
            tpu.vector_store %arg8[%swap3A_2706, %swap3A_2707], %select_n3A_2705 {strides = array<i32>} : memref<32x256xf32, #tpu.memory_space<vmem>>, vector<16xf32>,
          } else {
          }
          %while3A_2223 = arith.constant 0 : i32
          scf.yield %while3A_2223 : i32
        }
        %add3A_632 = arith.constant 0 : i32
        %add3A_633 = arith.addi %mul3A_586, %add3A_632 : i32
        %min3A_634 = arith.constant 496 : i32
        %min3A_635 = arith.minsi %add3A_633, %min3A_634 : i32
        %sub3A_636 = arith.subi %min3A_635, %mul3A_618 : i32
        %add3A_637 = arith.constant 0 : i32
        %add3A_638 = arith.addi %sub3A_554, %add3A_637 : i32
        %get3A_639 = arith.index_cast %add3A_638 : i32 to index
        %get3A_640 = arith.index_cast %sub3A_636 : i32 to index
        %get3A_641 = tpu.vector_load %arg8[%get3A_639, %get3A_640] {strides = array<i32>} : memref<32x256xf32, #tpu.memory_space<vmem>>, vector<16xf32>,
        %add3A_642 = arith.constant 1 : i32
        %add3A_643 = arith.addi %sub3A_554, %add3A_642 : i32
        %get3A_644 = arith.index_cast %add3A_643 : i32 to index
        %get3A_645 = arith.index_cast %sub3A_636 : i32 to index
        %get3A_646 = tpu.vector_load %arg8[%get3A_644, %get3A_645] {strides = array<i32>} : memref<32x256xf32, #tpu.memory_space<vmem>>, vector<16xf32>,
        %add3A_647 = arith.constant 2 : i32
        %add3A_648 = arith.addi %sub3A_554, %add3A_647 : i32
        %get3A_649 = arith.index_cast %add3A_648 : i32 to index
        %get3A_650 = arith.index_cast %sub3A_636 : i32 to index
        %get3A_651 = tpu.vector_load %arg8[%get3A_649, %get3A_650] {strides = array<i32>} : memref<32x256xf32, #tpu.memory_space<vmem>>, vector<16xf32>,
        %add3A_652 = arith.constant 3 : i32
        %add3A_653 = arith.addi %sub3A_554, %add3A_652 : i32
        %get3A_654 = arith.index_cast %add3A_653 : i32 to index
        %get3A_655 = arith.index_cast %sub3A_636 : i32 to index
        %get3A_656 = tpu.vector_load %arg8[%get3A_654, %get3A_655] {strides = array<i32>} : memref<32x256xf32, #tpu.memory_space<vmem>>, vector<16xf32>,
        %add3A_657 = arith.constant 4 : i32
        %add3A_658 = arith.addi %sub3A_554, %add3A_657 : i32
        %get3A_659 = arith.index_cast %add3A_658 : i32 to index
        %get3A_660 = arith.index_cast %sub3A_636 : i32 to index
        %get3A_661 = tpu.vector_load %arg8[%get3A_659, %get3A_660] {strides = array<i32>} : memref<32x256xf32, #tpu.memory_space<vmem>>, vector<16xf32>,
        %add3A_662 = arith.constant 5 : i32
        %add3A_663 = arith.addi %sub3A_554, %add3A_662 : i32
        %get3A_664 = arith.index_cast %add3A_663 : i32 to index
        %get3A_665 = arith.index_cast %sub3A_636 : i32 to index
        %get3A_666 = tpu.vector_load %arg8[%get3A_664, %get3A_665] {strides = array<i32>} : memref<32x256xf32, #tpu.memory_space<vmem>>, vector<16xf32>,
        %add3A_667 = arith.constant 6 : i32
        %add3A_668 = arith.addi %sub3A_554, %add3A_667 : i32
        %get3A_669 = arith.index_cast %add3A_668 : i32 to index
        %get3A_670 = arith.index_cast %sub3A_636 : i32 to index
        %get3A_671 = tpu.vector_load %arg8[%get3A_669, %get3A_670] {strides = array<i32>} : memref<32x256xf32, #tpu.memory_space<vmem>>, vector<16xf32>,
        %add3A_672 = arith.constant 7 : i32
        %add3A_673 = arith.addi %sub3A_554, %add3A_672 : i32
        %get3A_674 = arith.index_cast %add3A_673 : i32 to index
        %get3A_675 = arith.index_cast %sub3A_636 : i32 to index
        %get3A_676 = tpu.vector_load %arg8[%get3A_674, %get3A_675] {strides = array<i32>} : memref<32x256xf32, #tpu.memory_space<vmem>>, vector<16xf32>,
        %add3A_677 = arith.constant 8 : i32
        %add3A_678 = arith.addi %sub3A_554, %add3A_677 : i32
        %get3A_679 = arith.index_cast %add3A_678 : i32 to index
        %get3A_680 = arith.index_cast %sub3A_636 : i32 to index
        %get3A_681 = tpu.vector_load %arg8[%get3A_679, %get3A_680] {strides = array<i32>} : memref<32x256xf32, #tpu.memory_space<vmem>>, vector<16xf32>,
        %add3A_682 = arith.constant 9 : i32
        %add3A_683 = arith.addi %sub3A_554, %add3A_682 : i32
        %get3A_684 = arith.index_cast %add3A_683 : i32 to index
        %get3A_685 = arith.index_cast %sub3A_636 : i32 to index
        %get3A_686 = tpu.vector_load %arg8[%get3A_684, %get3A_685] {strides = array<i32>} : memref<32x256xf32, #tpu.memory_space<vmem>>, vector<16xf32>,
        %add3A_687 = arith.constant 10 : i32
        %add3A_688 = arith.addi %sub3A_554, %add3A_687 : i32
        %get3A_689 = arith.index_cast %add3A_688 : i32 to index
        %get3A_690 = arith.index_cast %sub3A_636 : i32 to index
        %get3A_691 = tpu.vector_load %arg8[%get3A_689, %get3A_690] {strides = array<i32>} : memref<32x256xf32, #tpu.memory_space<vmem>>, vector<16xf32>,
        %add3A_692 = arith.constant 11 : i32
        %add3A_693 = arith.addi %sub3A_554, %add3A_692 : i32
        %get3A_694 = arith.index_cast %add3A_693 : i32 to index
        %get3A_695 = arith.index_cast %sub3A_636 : i32 to index
        %get3A_696 = tpu.vector_load %arg8[%get3A_694, %get3A_695] {strides = array<i32>} : memref<32x256xf32, #tpu.memory_space<vmem>>, vector<16xf32>,
        %add3A_697 = arith.constant 12 : i32
        %add3A_698 = arith.addi %sub3A_554, %add3A_697 : i32
        %get3A_699 = arith.index_cast %add3A_698 : i32 to index
        %get3A_700 = arith.index_cast %sub3A_636 : i32 to index
        %get3A_701 = tpu.vector_load %arg8[%get3A_699, %get3A_700] {strides = array<i32>} : memref<32x256xf32, #tpu.memory_space<vmem>>, vector<16xf32>,
        %add3A_702 = arith.constant 13 : i32
        %add3A_703 = arith.addi %sub3A_554, %add3A_702 : i32
        %get3A_704 = arith.index_cast %add3A_703 : i32 to index
        %get3A_705 = arith.index_cast %sub3A_636 : i32 to index
        %get3A_706 = tpu.vector_load %arg8[%get3A_704, %get3A_705] {strides = array<i32>} : memref<32x256xf32, #tpu.memory_space<vmem>>, vector<16xf32>,
        %add3A_707 = arith.constant 14 : i32
        %add3A_708 = arith.addi %sub3A_554, %add3A_707 : i32
        %get3A_709 = arith.index_cast %add3A_708 : i32 to index
        %get3A_710 = arith.index_cast %sub3A_636 : i32 to index
        %get3A_711 = tpu.vector_load %arg8[%get3A_709, %get3A_710] {strides = array<i32>} : memref<32x256xf32, #tpu.memory_space<vmem>>, vector<16xf32>,
        %add3A_712 = arith.constant 15 : i32
        %add3A_713 = arith.addi %sub3A_554, %add3A_712 : i32
        %get3A_714 = arith.index_cast %add3A_713 : i32 to index
        %get3A_715 = arith.index_cast %sub3A_636 : i32 to index
        %get3A_716 = tpu.vector_load %arg8[%get3A_714, %get3A_715] {strides = array<i32>} : memref<32x256xf32, #tpu.memory_space<vmem>>, vector<16xf32>,
        %add3A_717 = arith.constant 16 : i32
        %add3A_718 = arith.addi %sub3A_554, %add3A_717 : i32
        %get3A_719 = arith.index_cast %add3A_718 : i32 to index
        %get3A_720 = arith.index_cast %sub3A_636 : i32 to index
        %get3A_721 = tpu.vector_load %arg8[%get3A_719, %get3A_720] {strides = array<i32>} : memref<32x256xf32, #tpu.memory_space<vmem>>, vector<16xf32>,
        %add3A_722 = arith.constant 17 : i32
        %add3A_723 = arith.addi %sub3A_554, %add3A_722 : i32
        %get3A_724 = arith.index_cast %add3A_723 : i32 to index
        %get3A_725 = arith.index_cast %sub3A_636 : i32 to index
        %get3A_726 = tpu.vector_load %arg8[%get3A_724, %get3A_725] {strides = array<i32>} : memref<32x256xf32, #tpu.memory_space<vmem>>, vector<16xf32>,
        %add3A_727 = arith.constant 18 : i32
        %add3A_728 = arith.addi %sub3A_554, %add3A_727 : i32
        %get3A_729 = arith.index_cast %add3A_728 : i32 to index
        %get3A_730 = arith.index_cast %sub3A_636 : i32 to index
        %get3A_731 = tpu.vector_load %arg8[%get3A_729, %get3A_730] {strides = array<i32>} : memref<32x256xf32, #tpu.memory_space<vmem>>, vector<16xf32>,
        %add3A_732 = arith.constant 19 : i32
        %add3A_733 = arith.addi %sub3A_554, %add3A_732 : i32
        %get3A_734 = arith.index_cast %add3A_733 : i32 to index
        %get3A_735 = arith.index_cast %sub3A_636 : i32 to index
        %get3A_736 = tpu.vector_load %arg8[%get3A_734, %get3A_735] {strides = array<i32>} : memref<32x256xf32, #tpu.memory_space<vmem>>, vector<16xf32>,
        %add3A_737 = arith.constant 20 : i32
        %add3A_738 = arith.addi %sub3A_554, %add3A_737 : i32
        %get3A_739 = arith.index_cast %add3A_738 : i32 to index
        %get3A_740 = arith.index_cast %sub3A_636 : i32 to index
        %get3A_741 = tpu.vector_load %arg8[%get3A_739, %get3A_740] {strides = array<i32>} : memref<32x256xf32, #tpu.memory_space<vmem>>, vector<16xf32>,
        %add3A_742 = arith.constant 21 : i32
        %add3A_743 = arith.addi %sub3A_554, %add3A_742 : i32
        %get3A_744 = arith.index_cast %add3A_743 : i32 to index
        %get3A_745 = arith.index_cast %sub3A_636 : i32 to index
        %get3A_746 = tpu.vector_load %arg8[%get3A_744, %get3A_745] {strides = array<i32>} : memref<32x256xf32, #tpu.memory_space<vmem>>, vector<16xf32>,
        %add3A_747 = arith.constant 22 : i32
        %add3A_748 = arith.addi %sub3A_554, %add3A_747 : i32
        %get3A_749 = arith.index_cast %add3A_748 : i32 to index
        %get3A_750 = arith.index_cast %sub3A_636 : i32 to index
        %get3A_751 = tpu.vector_load %arg8[%get3A_749, %get3A_750] {strides = array<i32>} : memref<32x256xf32, #tpu.memory_space<vmem>>, vector<16xf32>,
        %add3A_752 = arith.constant 23 : i32
        %add3A_753 = arith.addi %sub3A_554, %add3A_752 : i32
        %get3A_754 = arith.index_cast %add3A_753 : i32 to index
        %get3A_755 = arith.index_cast %sub3A_636 : i32 to index
        %get3A_756 = tpu.vector_load %arg8[%get3A_754, %get3A_755] {strides = array<i32>} : memref<32x256xf32, #tpu.memory_space<vmem>>, vector<16xf32>,
        %add3A_757 = arith.constant 24 : i32
        %add3A_758 = arith.addi %sub3A_554, %add3A_757 : i32
        %get3A_759 = arith.index_cast %add3A_758 : i32 to index
        %get3A_760 = arith.index_cast %sub3A_636 : i32 to index
        %get3A_761 = tpu.vector_load %arg8[%get3A_759, %get3A_760] {strides = array<i32>} : memref<32x256xf32, #tpu.memory_space<vmem>>, vector<16xf32>,
        %add3A_762 = arith.addf %get3A_641, %get3A_646 : vector<16xf32>
        %add3A_763 = arith.addf %add3A_762, %get3A_651 : vector<16xf32>
        %add3A_764 = arith.addf %add3A_763, %get3A_656 : vector<16xf32>
        %add3A_765 = arith.addf %add3A_764, %get3A_661 : vector<16xf32>
        %add3A_766 = arith.addf %add3A_765, %get3A_666 : vector<16xf32>
        %add3A_767 = arith.addf %add3A_766, %get3A_671 : vector<16xf32>
        %add3A_768 = arith.addf %add3A_767, %get3A_676 : vector<16xf32>
        %add3A_769 = arith.addf %add3A_768, %get3A_681 : vector<16xf32>
        %swap3A_770 = arith.constant 0 : i32
        %swap3A_771 = arith.index_cast %swap3A_770 : i32 to index
        %swap3A_772 = arith.constant 0 : index
        %swap3A_773 = tpu.vector_load %arg9[%swap3A_771, %swap3A_772] {strides = array<i32>} : memref<17x64xf32, #tpu.memory_space<vmem>>, vector<16xf32>,
        tpu.vector_store %arg9[%swap3A_771, %swap3A_772], %add3A_769 {strides = array<i32>} : memref<17x64xf32, #tpu.memory_space<vmem>>, vector<16xf32>,
        %add3A_774 = arith.addf %get3A_646, %get3A_651 : vector<16xf32>
        %add3A_775 = arith.addf %add3A_774, %get3A_656 : vector<16xf32>
        %add3A_776 = arith.addf %add3A_775, %get3A_661 : vector<16xf32>
        %add3A_777 = arith.addf %add3A_776, %get3A_666 : vector<16xf32>
        %add3A_778 = arith.addf %add3A_777, %get3A_671 : vector<16xf32>
        %add3A_779 = arith.addf %add3A_778, %get3A_676 : vector<16xf32>
        %add3A_780 = arith.addf %add3A_779, %get3A_681 : vector<16xf32>
        %add3A_781 = arith.addf %add3A_780, %get3A_686 : vector<16xf32>
        %swap3A_782 = arith.constant 1 : i32
        %swap3A_783 = arith.index_cast %swap3A_782 : i32 to index
        %swap3A_784 = arith.constant 0 : index
        %swap3A_785 = tpu.vector_load %arg9[%swap3A_783, %swap3A_784] {strides = array<i32>} : memref<17x64xf32, #tpu.memory_space<vmem>>, vector<16xf32>,
        tpu.vector_store %arg9[%swap3A_783, %swap3A_784], %add3A_781 {strides = array<i32>} : memref<17x64xf32, #tpu.memory_space<vmem>>, vector<16xf32>,
        %add3A_786 = arith.addf %get3A_651, %get3A_656 : vector<16xf32>
        %add3A_787 = arith.addf %add3A_786, %get3A_661 : vector<16xf32>
        %add3A_788 = arith.addf %add3A_787, %get3A_666 : vector<16xf32>
        %add3A_789 = arith.addf %add3A_788, %get3A_671 : vector<16xf32>
        %add3A_790 = arith.addf %add3A_789, %get3A_676 : vector<16xf32>
        %add3A_791 = arith.addf %add3A_790, %get3A_681 : vector<16xf32>
        %add3A_792 = arith.addf %add3A_791, %get3A_686 : vector<16xf32>
        %add3A_793 = arith.addf %add3A_792, %get3A_691 : vector<16xf32>
        %swap3A_794 = arith.constant 2 : i32
        %swap3A_795 = arith.index_cast %swap3A_794 : i32 to index
        %swap3A_796 = arith.constant 0 : index
        %swap3A_797 = tpu.vector_load %arg9[%swap3A_795, %swap3A_796] {strides = array<i32>} : memref<17x64xf32, #tpu.memory_space<vmem>>, vector<16xf32>,
        tpu.vector_store %arg9[%swap3A_795, %swap3A_796], %add3A_793 {strides = array<i32>} : memref<17x64xf32, #tpu.memory_space<vmem>>, vector<16xf32>,
        %add3A_798 = arith.addf %get3A_656, %get3A_661 : vector<16xf32>
        %add3A_799 = arith.addf %add3A_798, %get3A_666 : vector<16xf32>
        %add3A_800 = arith.addf %add3A_799, %get3A_671 : vector<16xf32>
        %add3A_801 = arith.addf %add3A_800, %get3A_676 : vector<16xf32>
        %add3A_802 = arith.addf %add3A_801, %get3A_681 : vector<16xf32>
        %add3A_803 = arith.addf %add3A_802, %get3A_686 : vector<16xf32>
        %add3A_804 = arith.addf %add3A_803, %get3A_691 : vector<16xf32>
        %add3A_805 = arith.addf %add3A_804, %get3A_696 : vector<16xf32>
        %swap3A_806 = arith.constant 3 : i32
        %swap3A_807 = arith.index_cast %swap3A_806 : i32 to index
        %swap3A_808 = arith.constant 0 : index
        %swap3A_809 = tpu.vector_load %arg9[%swap3A_807, %swap3A_808] {strides = array<i32>} : memref<17x64xf32, #tpu.memory_space<vmem>>, vector<16xf32>,
        tpu.vector_store %arg9[%swap3A_807, %swap3A_808], %add3A_805 {strides = array<i32>} : memref<17x64xf32, #tpu.memory_space<vmem>>, vector<16xf32>,
        %add3A_810 = arith.addf %get3A_661, %get3A_666 : vector<16xf32>
        %add3A_811 = arith.addf %add3A_810, %get3A_671 : vector<16xf32>
        %add3A_812 = arith.addf %add3A_811, %get3A_676 : vector<16xf32>
        %add3A_813 = arith.addf %add3A_812, %get3A_681 : vector<16xf32>
        %add3A_814 = arith.addf %add3A_813, %get3A_686 : vector<16xf32>
        %add3A_815 = arith.addf %add3A_814, %get3A_691 : vector<16xf32>
        %add3A_816 = arith.addf %add3A_815, %get3A_696 : vector<16xf32>
        %add3A_817 = arith.addf %add3A_816, %get3A_701 : vector<16xf32>
        %swap3A_818 = arith.constant 4 : i32
        %swap3A_819 = arith.index_cast %swap3A_818 : i32 to index
        %swap3A_820 = arith.constant 0 : index
        %swap3A_821 = tpu.vector_load %arg9[%swap3A_819, %swap3A_820] {strides = array<i32>} : memref<17x64xf32, #tpu.memory_space<vmem>>, vector<16xf32>,
        tpu.vector_store %arg9[%swap3A_819, %swap3A_820], %add3A_817 {strides = array<i32>} : memref<17x64xf32, #tpu.memory_space<vmem>>, vector<16xf32>,
        %add3A_822 = arith.addf %get3A_666, %get3A_671 : vector<16xf32>
        %add3A_823 = arith.addf %add3A_822, %get3A_676 : vector<16xf32>
        %add3A_824 = arith.addf %add3A_823, %get3A_681 : vector<16xf32>
        %add3A_825 = arith.addf %add3A_824, %get3A_686 : vector<16xf32>
        %add3A_826 = arith.addf %add3A_825, %get3A_691 : vector<16xf32>
        %add3A_827 = arith.addf %add3A_826, %get3A_696 : vector<16xf32>
        %add3A_828 = arith.addf %add3A_827, %get3A_701 : vector<16xf32>
        %add3A_829 = arith.addf %add3A_828, %get3A_706 : vector<16xf32>
        %swap3A_830 = arith.constant 5 : i32
        %swap3A_831 = arith.index_cast %swap3A_830 : i32 to index
        %swap3A_832 = arith.constant 0 : index
        %swap3A_833 = tpu.vector_load %arg9[%swap3A_831, %swap3A_832] {strides = array<i32>} : memref<17x64xf32, #tpu.memory_space<vmem>>, vector<16xf32>,
        tpu.vector_store %arg9[%swap3A_831, %swap3A_832], %add3A_829 {strides = array<i32>} : memref<17x64xf32, #tpu.memory_space<vmem>>, vector<16xf32>,
        %add3A_834 = arith.addf %get3A_671, %get3A_676 : vector<16xf32>
        %add3A_835 = arith.addf %add3A_834, %get3A_681 : vector<16xf32>
        %add3A_836 = arith.addf %add3A_835, %get3A_686 : vector<16xf32>
        %add3A_837 = arith.addf %add3A_836, %get3A_691 : vector<16xf32>
        %add3A_838 = arith.addf %add3A_837, %get3A_696 : vector<16xf32>
        %add3A_839 = arith.addf %add3A_838, %get3A_701 : vector<16xf32>
        %add3A_840 = arith.addf %add3A_839, %get3A_706 : vector<16xf32>
        %add3A_841 = arith.addf %add3A_840, %get3A_711 : vector<16xf32>
        %swap3A_842 = arith.constant 6 : i32
        %swap3A_843 = arith.index_cast %swap3A_842 : i32 to index
        %swap3A_844 = arith.constant 0 : index
        %swap3A_845 = tpu.vector_load %arg9[%swap3A_843, %swap3A_844] {strides = array<i32>} : memref<17x64xf32, #tpu.memory_space<vmem>>, vector<16xf32>,
        tpu.vector_store %arg9[%swap3A_843, %swap3A_844], %add3A_841 {strides = array<i32>} : memref<17x64xf32, #tpu.memory_space<vmem>>, vector<16xf32>,
        %add3A_846 = arith.addf %get3A_676, %get3A_681 : vector<16xf32>
        %add3A_847 = arith.addf %add3A_846, %get3A_686 : vector<16xf32>
        %add3A_848 = arith.addf %add3A_847, %get3A_691 : vector<16xf32>
        %add3A_849 = arith.addf %add3A_848, %get3A_696 : vector<16xf32>
        %add3A_850 = arith.addf %add3A_849, %get3A_701 : vector<16xf32>
        %add3A_851 = arith.addf %add3A_850, %get3A_706 : vector<16xf32>
        %add3A_852 = arith.addf %add3A_851, %get3A_711 : vector<16xf32>
        %add3A_853 = arith.addf %add3A_852, %get3A_716 : vector<16xf32>
        %swap3A_854 = arith.constant 7 : i32
        %swap3A_855 = arith.index_cast %swap3A_854 : i32 to index
        %swap3A_856 = arith.constant 0 : index
        %swap3A_857 = tpu.vector_load %arg9[%swap3A_855, %swap3A_856] {strides = array<i32>} : memref<17x64xf32, #tpu.memory_space<vmem>>, vector<16xf32>,
        tpu.vector_store %arg9[%swap3A_855, %swap3A_856], %add3A_853 {strides = array<i32>} : memref<17x64xf32, #tpu.memory_space<vmem>>, vector<16xf32>,
        %add3A_858 = arith.addf %get3A_681, %get3A_686 : vector<16xf32>
        %add3A_859 = arith.addf %add3A_858, %get3A_691 : vector<16xf32>
        %add3A_860 = arith.addf %add3A_859, %get3A_696 : vector<16xf32>
        %add3A_861 = arith.addf %add3A_860, %get3A_701 : vector<16xf32>
        %add3A_862 = arith.addf %add3A_861, %get3A_706 : vector<16xf32>
        %add3A_863 = arith.addf %add3A_862, %get3A_711 : vector<16xf32>
        %add3A_864 = arith.addf %add3A_863, %get3A_716 : vector<16xf32>
        %add3A_865 = arith.addf %add3A_864, %get3A_721 : vector<16xf32>
        %swap3A_866 = arith.constant 8 : i32
        %swap3A_867 = arith.index_cast %swap3A_866 : i32 to index
        %swap3A_868 = arith.constant 0 : index
        %swap3A_869 = tpu.vector_load %arg9[%swap3A_867, %swap3A_868] {strides = array<i32>} : memref<17x64xf32, #tpu.memory_space<vmem>>, vector<16xf32>,
        tpu.vector_store %arg9[%swap3A_867, %swap3A_868], %add3A_865 {strides = array<i32>} : memref<17x64xf32, #tpu.memory_space<vmem>>, vector<16xf32>,
        %add3A_870 = arith.addf %get3A_686, %get3A_691 : vector<16xf32>
        %add3A_871 = arith.addf %add3A_870, %get3A_696 : vector<16xf32>
        %add3A_872 = arith.addf %add3A_871, %get3A_701 : vector<16xf32>
        %add3A_873 = arith.addf %add3A_872, %get3A_706 : vector<16xf32>
        %add3A_874 = arith.addf %add3A_873, %get3A_711 : vector<16xf32>
        %add3A_875 = arith.addf %add3A_874, %get3A_716 : vector<16xf32>
        %add3A_876 = arith.addf %add3A_875, %get3A_721 : vector<16xf32>
        %add3A_877 = arith.addf %add3A_876, %get3A_726 : vector<16xf32>
        %swap3A_878 = arith.constant 9 : i32
        %swap3A_879 = arith.index_cast %swap3A_878 : i32 to index
        %swap3A_880 = arith.constant 0 : index
        %swap3A_881 = tpu.vector_load %arg9[%swap3A_879, %swap3A_880] {strides = array<i32>} : memref<17x64xf32, #tpu.memory_space<vmem>>, vector<16xf32>,
        tpu.vector_store %arg9[%swap3A_879, %swap3A_880], %add3A_877 {strides = array<i32>} : memref<17x64xf32, #tpu.memory_space<vmem>>, vector<16xf32>,
        %add3A_882 = arith.addf %get3A_691, %get3A_696 : vector<16xf32>
        %add3A_883 = arith.addf %add3A_882, %get3A_701 : vector<16xf32>
        %add3A_884 = arith.addf %add3A_883, %get3A_706 : vector<16xf32>
        %add3A_885 = arith.addf %add3A_884, %get3A_711 : vector<16xf32>
        %add3A_886 = arith.addf %add3A_885, %get3A_716 : vector<16xf32>
        %add3A_887 = arith.addf %add3A_886, %get3A_721 : vector<16xf32>
        %add3A_888 = arith.addf %add3A_887, %get3A_726 : vector<16xf32>
        %add3A_889 = arith.addf %add3A_888, %get3A_731 : vector<16xf32>
        %swap3A_890 = arith.constant 10 : i32
        %swap3A_891 = arith.index_cast %swap3A_890 : i32 to index
        %swap3A_892 = arith.constant 0 : index
        %swap3A_893 = tpu.vector_load %arg9[%swap3A_891, %swap3A_892] {strides = array<i32>} : memref<17x64xf32, #tpu.memory_space<vmem>>, vector<16xf32>,
        tpu.vector_store %arg9[%swap3A_891, %swap3A_892], %add3A_889 {strides = array<i32>} : memref<17x64xf32, #tpu.memory_space<vmem>>, vector<16xf32>,
        %add3A_894 = arith.addf %get3A_696, %get3A_701 : vector<16xf32>
        %add3A_895 = arith.addf %add3A_894, %get3A_706 : vector<16xf32>
        %add3A_896 = arith.addf %add3A_895, %get3A_711 : vector<16xf32>
        %add3A_897 = arith.addf %add3A_896, %get3A_716 : vector<16xf32>
        %add3A_898 = arith.addf %add3A_897, %get3A_721 : vector<16xf32>
        %add3A_899 = arith.addf %add3A_898, %get3A_726 : vector<16xf32>
        %add3A_900 = arith.addf %add3A_899, %get3A_731 : vector<16xf32>
        %add3A_901 = arith.addf %add3A_900, %get3A_736 : vector<16xf32>
        %swap3A_902 = arith.constant 11 : i32
        %swap3A_903 = arith.index_cast %swap3A_902 : i32 to index
        %swap3A_904 = arith.constant 0 : index
        %swap3A_905 = tpu.vector_load %arg9[%swap3A_903, %swap3A_904] {strides = array<i32>} : memref<17x64xf32, #tpu.memory_space<vmem>>, vector<16xf32>,
        tpu.vector_store %arg9[%swap3A_903, %swap3A_904], %add3A_901 {strides = array<i32>} : memref<17x64xf32, #tpu.memory_space<vmem>>, vector<16xf32>,
        %add3A_906 = arith.addf %get3A_701, %get3A_706 : vector<16xf32>
        %add3A_907 = arith.addf %add3A_906, %get3A_711 : vector<16xf32>
        %add3A_908 = arith.addf %add3A_907, %get3A_716 : vector<16xf32>
        %add3A_909 = arith.addf %add3A_908, %get3A_721 : vector<16xf32>
        %add3A_910 = arith.addf %add3A_909, %get3A_726 : vector<16xf32>
        %add3A_911 = arith.addf %add3A_910, %get3A_731 : vector<16xf32>
        %add3A_912 = arith.addf %add3A_911, %get3A_736 : vector<16xf32>
        %add3A_913 = arith.addf %add3A_912, %get3A_741 : vector<16xf32>
        %swap3A_914 = arith.constant 12 : i32
        %swap3A_915 = arith.index_cast %swap3A_914 : i32 to index
        %swap3A_916 = arith.constant 0 : index
        %swap3A_917 = tpu.vector_load %arg9[%swap3A_915, %swap3A_916] {strides = array<i32>} : memref<17x64xf32, #tpu.memory_space<vmem>>, vector<16xf32>,
        tpu.vector_store %arg9[%swap3A_915, %swap3A_916], %add3A_913 {strides = array<i32>} : memref<17x64xf32, #tpu.memory_space<vmem>>, vector<16xf32>,
        %add3A_918 = arith.addf %get3A_706, %get3A_711 : vector<16xf32>
        %add3A_919 = arith.addf %add3A_918, %get3A_716 : vector<16xf32>
        %add3A_920 = arith.addf %add3A_919, %get3A_721 : vector<16xf32>
        %add3A_921 = arith.addf %add3A_920, %get3A_726 : vector<16xf32>
        %add3A_922 = arith.addf %add3A_921, %get3A_731 : vector<16xf32>
        %add3A_923 = arith.addf %add3A_922, %get3A_736 : vector<16xf32>
        %add3A_924 = arith.addf %add3A_923, %get3A_741 : vector<16xf32>
        %add3A_925 = arith.addf %add3A_924, %get3A_746 : vector<16xf32>
        %swap3A_926 = arith.constant 13 : i32
        %swap3A_927 = arith.index_cast %swap3A_926 : i32 to index
        %swap3A_928 = arith.constant 0 : index
        %swap3A_929 = tpu.vector_load %arg9[%swap3A_927, %swap3A_928] {strides = array<i32>} : memref<17x64xf32, #tpu.memory_space<vmem>>, vector<16xf32>,
        tpu.vector_store %arg9[%swap3A_927, %swap3A_928], %add3A_925 {strides = array<i32>} : memref<17x64xf32, #tpu.memory_space<vmem>>, vector<16xf32>,
        %add3A_930 = arith.addf %get3A_711, %get3A_716 : vector<16xf32>
        %add3A_931 = arith.addf %add3A_930, %get3A_721 : vector<16xf32>
        %add3A_932 = arith.addf %add3A_931, %get3A_726 : vector<16xf32>
        %add3A_933 = arith.addf %add3A_932, %get3A_731 : vector<16xf32>
        %add3A_934 = arith.addf %add3A_933, %get3A_736 : vector<16xf32>
        %add3A_935 = arith.addf %add3A_934, %get3A_741 : vector<16xf32>
        %add3A_936 = arith.addf %add3A_935, %get3A_746 : vector<16xf32>
        %add3A_937 = arith.addf %add3A_936, %get3A_751 : vector<16xf32>
        %swap3A_938 = arith.constant 14 : i32
        %swap3A_939 = arith.index_cast %swap3A_938 : i32 to index
        %swap3A_940 = arith.constant 0 : index
        %swap3A_941 = tpu.vector_load %arg9[%swap3A_939, %swap3A_940] {strides = array<i32>} : memref<17x64xf32, #tpu.memory_space<vmem>>, vector<16xf32>,
        tpu.vector_store %arg9[%swap3A_939, %swap3A_940], %add3A_937 {strides = array<i32>} : memref<17x64xf32, #tpu.memory_space<vmem>>, vector<16xf32>,
        %add3A_942 = arith.addf %get3A_716, %get3A_721 : vector<16xf32>
        %add3A_943 = arith.addf %add3A_942, %get3A_726 : vector<16xf32>
        %add3A_944 = arith.addf %add3A_943, %get3A_731 : vector<16xf32>
        %add3A_945 = arith.addf %add3A_944, %get3A_736 : vector<16xf32>
        %add3A_946 = arith.addf %add3A_945, %get3A_741 : vector<16xf32>
        %add3A_947 = arith.addf %add3A_946, %get3A_746 : vector<16xf32>
        %add3A_948 = arith.addf %add3A_947, %get3A_751 : vector<16xf32>
        %add3A_949 = arith.addf %add3A_948, %get3A_756 : vector<16xf32>
        %swap3A_950 = arith.constant 15 : i32
        %swap3A_951 = arith.index_cast %swap3A_950 : i32 to index
        %swap3A_952 = arith.constant 0 : index
        %swap3A_953 = tpu.vector_load %arg9[%swap3A_951, %swap3A_952] {strides = array<i32>} : memref<17x64xf32, #tpu.memory_space<vmem>>, vector<16xf32>,
        tpu.vector_store %arg9[%swap3A_951, %swap3A_952], %add3A_949 {strides = array<i32>} : memref<17x64xf32, #tpu.memory_space<vmem>>, vector<16xf32>,
        %add3A_954 = arith.addf %get3A_721, %get3A_726 : vector<16xf32>
        %add3A_955 = arith.addf %add3A_954, %get3A_731 : vector<16xf32>
        %add3A_956 = arith.addf %add3A_955, %get3A_736 : vector<16xf32>
        %add3A_957 = arith.addf %add3A_956, %get3A_741 : vector<16xf32>
        %add3A_958 = arith.addf %add3A_957, %get3A_746 : vector<16xf32>
        %add3A_959 = arith.addf %add3A_958, %get3A_751 : vector<16xf32>
        %add3A_960 = arith.addf %add3A_959, %get3A_756 : vector<16xf32>
        %add3A_961 = arith.addf %add3A_960, %get3A_761 : vector<16xf32>
        %swap3A_962 = arith.constant 16 : i32
        %swap3A_963 = arith.index_cast %swap3A_962 : i32 to index
        %swap3A_964 = arith.constant 0 : index
        %swap3A_965 = tpu.vector_load %arg9[%swap3A_963, %swap3A_964] {strides = array<i32>} : memref<17x64xf32, #tpu.memory_space<vmem>>, vector<16xf32>,
        tpu.vector_store %arg9[%swap3A_963, %swap3A_964], %add3A_961 {strides = array<i32>} : memref<17x64xf32, #tpu.memory_space<vmem>>, vector<16xf32>,
        %add3A_966 = arith.constant 16 : i32
        %add3A_967 = arith.addi %mul3A_586, %add3A_966 : i32
        %min3A_968 = arith.constant 496 : i32
        %min3A_969 = arith.minsi %add3A_967, %min3A_968 : i32
        %sub3A_970 = arith.subi %min3A_969, %mul3A_618 : i32
        %add3A_971 = arith.constant 0 : i32
        %add3A_972 = arith.addi %sub3A_554, %add3A_971 : i32
        %get3A_973 = arith.index_cast %add3A_972 : i32 to index
        %get3A_974 = arith.index_cast %sub3A_970 : i32 to index
        %get3A_975 = tpu.vector_load %arg8[%get3A_973, %get3A_974] {strides = array<i32>} : memref<32x256xf32, #tpu.memory_space<vmem>>, vector<16xf32>,
        %add3A_976 = arith.constant 1 : i32
        %add3A_977 = arith.addi %sub3A_554, %add3A_976 : i32
        %get3A_978 = arith.index_cast %add3A_977 : i32 to index
        %get3A_979 = arith.index_cast %sub3A_970 : i32 to index
        %get3A_980 = tpu.vector_load %arg8[%get3A_978, %get3A_979] {strides = array<i32>} : memref<32x256xf32, #tpu.memory_space<vmem>>, vector<16xf32>,
        %add3A_981 = arith.constant 2 : i32
        %add3A_982 = arith.addi %sub3A_554, %add3A_981 : i32
        %get3A_983 = arith.index_cast %add3A_982 : i32 to index
        %get3A_984 = arith.index_cast %sub3A_970 : i32 to index
        %get3A_985 = tpu.vector_load %arg8[%get3A_983, %get3A_984] {strides = array<i32>} : memref<32x256xf32, #tpu.memory_space<vmem>>, vector<16xf32>,
        %add3A_986 = arith.constant 3 : i32
        %add3A_987 = arith.addi %sub3A_554, %add3A_986 : i32
        %get3A_988 = arith.index_cast %add3A_987 : i32 to index
        %get3A_989 = arith.index_cast %sub3A_970 : i32 to index
        %get3A_990 = tpu.vector_load %arg8[%get3A_988, %get3A_989] {strides = array<i32>} : memref<32x256xf32, #tpu.memory_space<vmem>>, vector<16xf32>,
        %add3A_991 = arith.constant 4 : i32
        %add3A_992 = arith.addi %sub3A_554, %add3A_991 : i32
        %get3A_993 = arith.index_cast %add3A_992 : i32 to index
        %get3A_994 = arith.index_cast %sub3A_970 : i32 to index
        %get3A_995 = tpu.vector_load %arg8[%get3A_993, %get3A_994] {strides = array<i32>} : memref<32x256xf32, #tpu.memory_space<vmem>>, vector<16xf32>,
        %add3A_996 = arith.constant 5 : i32
        %add3A_997 = arith.addi %sub3A_554, %add3A_996 : i32
        %get3A_998 = arith.index_cast %add3A_997 : i32 to index
        %get3A_999 = arith.index_cast %sub3A_970 : i32 to index
        %get3A_1000 = tpu.vector_load %arg8[%get3A_998, %get3A_999] {strides = array<i32>} : memref<32x256xf32, #tpu.memory_space<vmem>>, vector<16xf32>,
        %add3A_1001 = arith.constant 6 : i32
        %add3A_1002 = arith.addi %sub3A_554, %add3A_1001 : i32
        %get3A_1003 = arith.index_cast %add3A_1002 : i32 to index
        %get3A_1004 = arith.index_cast %sub3A_970 : i32 to index
        %get3A_1005 = tpu.vector_load %arg8[%get3A_1003, %get3A_1004] {strides = array<i32>} : memref<32x256xf32, #tpu.memory_space<vmem>>, vector<16xf32>,
        %add3A_1006 = arith.constant 7 : i32
        %add3A_1007 = arith.addi %sub3A_554, %add3A_1006 : i32
        %get3A_1008 = arith.index_cast %add3A_1007 : i32 to index
        %get3A_1009 = arith.index_cast %sub3A_970 : i32 to index
        %get3A_1010 = tpu.vector_load %arg8[%get3A_1008, %get3A_1009] {strides = array<i32>} : memref<32x256xf32, #tpu.memory_space<vmem>>, vector<16xf32>,
        %add3A_1011 = arith.constant 8 : i32
        %add3A_1012 = arith.addi %sub3A_554, %add3A_1011 : i32
        %get3A_1013 = arith.index_cast %add3A_1012 : i32 to index
        %get3A_1014 = arith.index_cast %sub3A_970 : i32 to index
        %get3A_1015 = tpu.vector_load %arg8[%get3A_1013, %get3A_1014] {strides = array<i32>} : memref<32x256xf32, #tpu.memory_space<vmem>>, vector<16xf32>,
        %add3A_1016 = arith.constant 9 : i32
        %add3A_1017 = arith.addi %sub3A_554, %add3A_1016 : i32
        %get3A_1018 = arith.index_cast %add3A_1017 : i32 to index
        %get3A_1019 = arith.index_cast %sub3A_970 : i32 to index
        %get3A_1020 = tpu.vector_load %arg8[%get3A_1018, %get3A_1019] {strides = array<i32>} : memref<32x256xf32, #tpu.memory_space<vmem>>, vector<16xf32>,
        %add3A_1021 = arith.constant 10 : i32
        %add3A_1022 = arith.addi %sub3A_554, %add3A_1021 : i32
        %get3A_1023 = arith.index_cast %add3A_1022 : i32 to index
        %get3A_1024 = arith.index_cast %sub3A_970 : i32 to index
        %get3A_1025 = tpu.vector_load %arg8[%get3A_1023, %get3A_1024] {strides = array<i32>} : memref<32x256xf32, #tpu.memory_space<vmem>>, vector<16xf32>,
        %add3A_1026 = arith.constant 11 : i32
        %add3A_1027 = arith.addi %sub3A_554, %add3A_1026 : i32
        %get3A_1028 = arith.index_cast %add3A_1027 : i32 to index
        %get3A_1029 = arith.index_cast %sub3A_970 : i32 to index
        %get3A_1030 = tpu.vector_load %arg8[%get3A_1028, %get3A_1029] {strides = array<i32>} : memref<32x256xf32, #tpu.memory_space<vmem>>, vector<16xf32>,
        %add3A_1031 = arith.constant 12 : i32
        %add3A_1032 = arith.addi %sub3A_554, %add3A_1031 : i32
        %get3A_1033 = arith.index_cast %add3A_1032 : i32 to index
        %get3A_1034 = arith.index_cast %sub3A_970 : i32 to index
        %get3A_1035 = tpu.vector_load %arg8[%get3A_1033, %get3A_1034] {strides = array<i32>} : memref<32x256xf32, #tpu.memory_space<vmem>>, vector<16xf32>,
        %add3A_1036 = arith.constant 13 : i32
        %add3A_1037 = arith.addi %sub3A_554, %add3A_1036 : i32
        %get3A_1038 = arith.index_cast %add3A_1037 : i32 to index
        %get3A_1039 = arith.index_cast %sub3A_970 : i32 to index
        %get3A_1040 = tpu.vector_load %arg8[%get3A_1038, %get3A_1039] {strides = array<i32>} : memref<32x256xf32, #tpu.memory_space<vmem>>, vector<16xf32>,
        %add3A_1041 = arith.constant 14 : i32
        %add3A_1042 = arith.addi %sub3A_554, %add3A_1041 : i32
        %get3A_1043 = arith.index_cast %add3A_1042 : i32 to index
        %get3A_1044 = arith.index_cast %sub3A_970 : i32 to index
        %get3A_1045 = tpu.vector_load %arg8[%get3A_1043, %get3A_1044] {strides = array<i32>} : memref<32x256xf32, #tpu.memory_space<vmem>>, vector<16xf32>,
        %add3A_1046 = arith.constant 15 : i32
        %add3A_1047 = arith.addi %sub3A_554, %add3A_1046 : i32
        %get3A_1048 = arith.index_cast %add3A_1047 : i32 to index
        %get3A_1049 = arith.index_cast %sub3A_970 : i32 to index
        %get3A_1050 = tpu.vector_load %arg8[%get3A_1048, %get3A_1049] {strides = array<i32>} : memref<32x256xf32, #tpu.memory_space<vmem>>, vector<16xf32>,
        %add3A_1051 = arith.constant 16 : i32
        %add3A_1052 = arith.addi %sub3A_554, %add3A_1051 : i32
        %get3A_1053 = arith.index_cast %add3A_1052 : i32 to index
        %get3A_1054 = arith.index_cast %sub3A_970 : i32 to index
        %get3A_1055 = tpu.vector_load %arg8[%get3A_1053, %get3A_1054] {strides = array<i32>} : memref<32x256xf32, #tpu.memory_space<vmem>>, vector<16xf32>,
        %add3A_1056 = arith.constant 17 : i32
        %add3A_1057 = arith.addi %sub3A_554, %add3A_1056 : i32
        %get3A_1058 = arith.index_cast %add3A_1057 : i32 to index
        %get3A_1059 = arith.index_cast %sub3A_970 : i32 to index
        %get3A_1060 = tpu.vector_load %arg8[%get3A_1058, %get3A_1059] {strides = array<i32>} : memref<32x256xf32, #tpu.memory_space<vmem>>, vector<16xf32>,
        %add3A_1061 = arith.constant 18 : i32
        %add3A_1062 = arith.addi %sub3A_554, %add3A_1061 : i32
        %get3A_1063 = arith.index_cast %add3A_1062 : i32 to index
        %get3A_1064 = arith.index_cast %sub3A_970 : i32 to index
        %get3A_1065 = tpu.vector_load %arg8[%get3A_1063, %get3A_1064] {strides = array<i32>} : memref<32x256xf32, #tpu.memory_space<vmem>>, vector<16xf32>,
        %add3A_1066 = arith.constant 19 : i32
        %add3A_1067 = arith.addi %sub3A_554, %add3A_1066 : i32
        %get3A_1068 = arith.index_cast %add3A_1067 : i32 to index
        %get3A_1069 = arith.index_cast %sub3A_970 : i32 to index
        %get3A_1070 = tpu.vector_load %arg8[%get3A_1068, %get3A_1069] {strides = array<i32>} : memref<32x256xf32, #tpu.memory_space<vmem>>, vector<16xf32>,
        %add3A_1071 = arith.constant 20 : i32
        %add3A_1072 = arith.addi %sub3A_554, %add3A_1071 : i32
        %get3A_1073 = arith.index_cast %add3A_1072 : i32 to index
        %get3A_1074 = arith.index_cast %sub3A_970 : i32 to index
        %get3A_1075 = tpu.vector_load %arg8[%get3A_1073, %get3A_1074] {strides = array<i32>} : memref<32x256xf32, #tpu.memory_space<vmem>>, vector<16xf32>,
        %add3A_1076 = arith.constant 21 : i32
        %add3A_1077 = arith.addi %sub3A_554, %add3A_1076 : i32
        %get3A_1078 = arith.index_cast %add3A_1077 : i32 to index
        %get3A_1079 = arith.index_cast %sub3A_970 : i32 to index
        %get3A_1080 = tpu.vector_load %arg8[%get3A_1078, %get3A_1079] {strides = array<i32>} : memref<32x256xf32, #tpu.memory_space<vmem>>, vector<16xf32>,
        %add3A_1081 = arith.constant 22 : i32
        %add3A_1082 = arith.addi %sub3A_554, %add3A_1081 : i32
        %get3A_1083 = arith.index_cast %add3A_1082 : i32 to index
        %get3A_1084 = arith.index_cast %sub3A_970 : i32 to index
        %get3A_1085 = tpu.vector_load %arg8[%get3A_1083, %get3A_1084] {strides = array<i32>} : memref<32x256xf32, #tpu.memory_space<vmem>>, vector<16xf32>,
        %add3A_1086 = arith.constant 23 : i32
        %add3A_1087 = arith.addi %sub3A_554, %add3A_1086 : i32
        %get3A_1088 = arith.index_cast %add3A_1087 : i32 to index
        %get3A_1089 = arith.index_cast %sub3A_970 : i32 to index
        %get3A_1090 = tpu.vector_load %arg8[%get3A_1088, %get3A_1089] {strides = array<i32>} : memref<32x256xf32, #tpu.memory_space<vmem>>, vector<16xf32>,
        %add3A_1091 = arith.constant 24 : i32
        %add3A_1092 = arith.addi %sub3A_554, %add3A_1091 : i32
        %get3A_1093 = arith.index_cast %add3A_1092 : i32 to index
        %get3A_1094 = arith.index_cast %sub3A_970 : i32 to index
        %get3A_1095 = tpu.vector_load %arg8[%get3A_1093, %get3A_1094] {strides = array<i32>} : memref<32x256xf32, #tpu.memory_space<vmem>>, vector<16xf32>,
        %add3A_1096 = arith.addf %get3A_975, %get3A_980 : vector<16xf32>
        %add3A_1097 = arith.addf %add3A_1096, %get3A_985 : vector<16xf32>
        %add3A_1098 = arith.addf %add3A_1097, %get3A_990 : vector<16xf32>
        %add3A_1099 = arith.addf %add3A_1098, %get3A_995 : vector<16xf32>
        %add3A_1100 = arith.addf %add3A_1099, %get3A_1000 : vector<16xf32>
        %add3A_1101 = arith.addf %add3A_1100, %get3A_1005 : vector<16xf32>
        %add3A_1102 = arith.addf %add3A_1101, %get3A_1010 : vector<16xf32>
        %add3A_1103 = arith.addf %add3A_1102, %get3A_1015 : vector<16xf32>
        %swap3A_1104 = arith.constant 0 : i32
        %swap3A_1105 = arith.index_cast %swap3A_1104 : i32 to index
        %swap3A_1106 = arith.constant 16 : index
        %swap3A_1107 = tpu.vector_load %arg9[%swap3A_1105, %swap3A_1106] {strides = array<i32>} : memref<17x64xf32, #tpu.memory_space<vmem>>, vector<16xf32>,
        tpu.vector_store %arg9[%swap3A_1105, %swap3A_1106], %add3A_1103 {strides = array<i32>} : memref<17x64xf32, #tpu.memory_space<vmem>>, vector<16xf32>,
        %add3A_1108 = arith.addf %get3A_980, %get3A_985 : vector<16xf32>
        %add3A_1109 = arith.addf %add3A_1108, %get3A_990 : vector<16xf32>
        %add3A_1110 = arith.addf %add3A_1109, %get3A_995 : vector<16xf32>
        %add3A_1111 = arith.addf %add3A_1110, %get3A_1000 : vector<16xf32>
        %add3A_1112 = arith.addf %add3A_1111, %get3A_1005 : vector<16xf32>
        %add3A_1113 = arith.addf %add3A_1112, %get3A_1010 : vector<16xf32>
        %add3A_1114 = arith.addf %add3A_1113, %get3A_1015 : vector<16xf32>
        %add3A_1115 = arith.addf %add3A_1114, %get3A_1020 : vector<16xf32>
        %swap3A_1116 = arith.constant 1 : i32
        %swap3A_1117 = arith.index_cast %swap3A_1116 : i32 to index
        %swap3A_1118 = arith.constant 16 : index
        %swap3A_1119 = tpu.vector_load %arg9[%swap3A_1117, %swap3A_1118] {strides = array<i32>} : memref<17x64xf32, #tpu.memory_space<vmem>>, vector<16xf32>,
        tpu.vector_store %arg9[%swap3A_1117, %swap3A_1118], %add3A_1115 {strides = array<i32>} : memref<17x64xf32, #tpu.memory_space<vmem>>, vector<16xf32>,
        %add3A_1120 = arith.addf %get3A_985, %get3A_990 : vector<16xf32>
        %add3A_1121 = arith.addf %add3A_1120, %get3A_995 : vector<16xf32>
        %add3A_1122 = arith.addf %add3A_1121, %get3A_1000 : vector<16xf32>
        %add3A_1123 = arith.addf %add3A_1122, %get3A_1005 : vector<16xf32>
        %add3A_1124 = arith.addf %add3A_1123, %get3A_1010 : vector<16xf32>
        %add3A_1125 = arith.addf %add3A_1124, %get3A_1015 : vector<16xf32>
        %add3A_1126 = arith.addf %add3A_1125, %get3A_1020 : vector<16xf32>
        %add3A_1127 = arith.addf %add3A_1126, %get3A_1025 : vector<16xf32>
        %swap3A_1128 = arith.constant 2 : i32
        %swap3A_1129 = arith.index_cast %swap3A_1128 : i32 to index
        %swap3A_1130 = arith.constant 16 : index
        %swap3A_1131 = tpu.vector_load %arg9[%swap3A_1129, %swap3A_1130] {strides = array<i32>} : memref<17x64xf32, #tpu.memory_space<vmem>>, vector<16xf32>,
        tpu.vector_store %arg9[%swap3A_1129, %swap3A_1130], %add3A_1127 {strides = array<i32>} : memref<17x64xf32, #tpu.memory_space<vmem>>, vector<16xf32>,
        %add3A_1132 = arith.addf %get3A_990, %get3A_995 : vector<16xf32>
        %add3A_1133 = arith.addf %add3A_1132, %get3A_1000 : vector<16xf32>
        %add3A_1134 = arith.addf %add3A_1133, %get3A_1005 : vector<16xf32>
        %add3A_1135 = arith.addf %add3A_1134, %get3A_1010 : vector<16xf32>
        %add3A_1136 = arith.addf %add3A_1135, %get3A_1015 : vector<16xf32>
        %add3A_1137 = arith.addf %add3A_1136, %get3A_1020 : vector<16xf32>
        %add3A_1138 = arith.addf %add3A_1137, %get3A_1025 : vector<16xf32>
        %add3A_1139 = arith.addf %add3A_1138, %get3A_1030 : vector<16xf32>
        %swap3A_1140 = arith.constant 3 : i32
        %swap3A_1141 = arith.index_cast %swap3A_1140 : i32 to index
        %swap3A_1142 = arith.constant 16 : index
        %swap3A_1143 = tpu.vector_load %arg9[%swap3A_1141, %swap3A_1142] {strides = array<i32>} : memref<17x64xf32, #tpu.memory_space<vmem>>, vector<16xf32>,
        tpu.vector_store %arg9[%swap3A_1141, %swap3A_1142], %add3A_1139 {strides = array<i32>} : memref<17x64xf32, #tpu.memory_space<vmem>>, vector<16xf32>,
        %add3A_1144 = arith.addf %get3A_995, %get3A_1000 : vector<16xf32>
        %add3A_1145 = arith.addf %add3A_1144, %get3A_1005 : vector<16xf32>
        %add3A_1146 = arith.addf %add3A_1145, %get3A_1010 : vector<16xf32>
        %add3A_1147 = arith.addf %add3A_1146, %get3A_1015 : vector<16xf32>
        %add3A_1148 = arith.addf %add3A_1147, %get3A_1020 : vector<16xf32>
        %add3A_1149 = arith.addf %add3A_1148, %get3A_1025 : vector<16xf32>
        %add3A_1150 = arith.addf %add3A_1149, %get3A_1030 : vector<16xf32>
        %add3A_1151 = arith.addf %add3A_1150, %get3A_1035 : vector<16xf32>
        %swap3A_1152 = arith.constant 4 : i32
        %swap3A_1153 = arith.index_cast %swap3A_1152 : i32 to index
        %swap3A_1154 = arith.constant 16 : index
        %swap3A_1155 = tpu.vector_load %arg9[%swap3A_1153, %swap3A_1154] {strides = array<i32>} : memref<17x64xf32, #tpu.memory_space<vmem>>, vector<16xf32>,
        tpu.vector_store %arg9[%swap3A_1153, %swap3A_1154], %add3A_1151 {strides = array<i32>} : memref<17x64xf32, #tpu.memory_space<vmem>>, vector<16xf32>,
        %add3A_1156 = arith.addf %get3A_1000, %get3A_1005 : vector<16xf32>
        %add3A_1157 = arith.addf %add3A_1156, %get3A_1010 : vector<16xf32>
        %add3A_1158 = arith.addf %add3A_1157, %get3A_1015 : vector<16xf32>
        %add3A_1159 = arith.addf %add3A_1158, %get3A_1020 : vector<16xf32>
        %add3A_1160 = arith.addf %add3A_1159, %get3A_1025 : vector<16xf32>
        %add3A_1161 = arith.addf %add3A_1160, %get3A_1030 : vector<16xf32>
        %add3A_1162 = arith.addf %add3A_1161, %get3A_1035 : vector<16xf32>
        %add3A_1163 = arith.addf %add3A_1162, %get3A_1040 : vector<16xf32>
        %swap3A_1164 = arith.constant 5 : i32
        %swap3A_1165 = arith.index_cast %swap3A_1164 : i32 to index
        %swap3A_1166 = arith.constant 16 : index
        %swap3A_1167 = tpu.vector_load %arg9[%swap3A_1165, %swap3A_1166] {strides = array<i32>} : memref<17x64xf32, #tpu.memory_space<vmem>>, vector<16xf32>,
        tpu.vector_store %arg9[%swap3A_1165, %swap3A_1166], %add3A_1163 {strides = array<i32>} : memref<17x64xf32, #tpu.memory_space<vmem>>, vector<16xf32>,
        %add3A_1168 = arith.addf %get3A_1005, %get3A_1010 : vector<16xf32>
        %add3A_1169 = arith.addf %add3A_1168, %get3A_1015 : vector<16xf32>
        %add3A_1170 = arith.addf %add3A_1169, %get3A_1020 : vector<16xf32>
        %add3A_1171 = arith.addf %add3A_1170, %get3A_1025 : vector<16xf32>
        %add3A_1172 = arith.addf %add3A_1171, %get3A_1030 : vector<16xf32>
        %add3A_1173 = arith.addf %add3A_1172, %get3A_1035 : vector<16xf32>
        %add3A_1174 = arith.addf %add3A_1173, %get3A_1040 : vector<16xf32>
        %add3A_1175 = arith.addf %add3A_1174, %get3A_1045 : vector<16xf32>
        %swap3A_1176 = arith.constant 6 : i32
        %swap3A_1177 = arith.index_cast %swap3A_1176 : i32 to index
        %swap3A_1178 = arith.constant 16 : index
        %swap3A_1179 = tpu.vector_load %arg9[%swap3A_1177, %swap3A_1178] {strides = array<i32>} : memref<17x64xf32, #tpu.memory_space<vmem>>, vector<16xf32>,
        tpu.vector_store %arg9[%swap3A_1177, %swap3A_1178], %add3A_1175 {strides = array<i32>} : memref<17x64xf32, #tpu.memory_space<vmem>>, vector<16xf32>,
        %add3A_1180 = arith.addf %get3A_1010, %get3A_1015 : vector<16xf32>
        %add3A_1181 = arith.addf %add3A_1180, %get3A_1020 : vector<16xf32>
        %add3A_1182 = arith.addf %add3A_1181, %get3A_1025 : vector<16xf32>
        %add3A_1183 = arith.addf %add3A_1182, %get3A_1030 : vector<16xf32>
        %add3A_1184 = arith.addf %add3A_1183, %get3A_1035 : vector<16xf32>
        %add3A_1185 = arith.addf %add3A_1184, %get3A_1040 : vector<16xf32>
        %add3A_1186 = arith.addf %add3A_1185, %get3A_1045 : vector<16xf32>
        %add3A_1187 = arith.addf %add3A_1186, %get3A_1050 : vector<16xf32>
        %swap3A_1188 = arith.constant 7 : i32
        %swap3A_1189 = arith.index_cast %swap3A_1188 : i32 to index
        %swap3A_1190 = arith.constant 16 : index
        %swap3A_1191 = tpu.vector_load %arg9[%swap3A_1189, %swap3A_1190] {strides = array<i32>} : memref<17x64xf32, #tpu.memory_space<vmem>>, vector<16xf32>,
        tpu.vector_store %arg9[%swap3A_1189, %swap3A_1190], %add3A_1187 {strides = array<i32>} : memref<17x64xf32, #tpu.memory_space<vmem>>, vector<16xf32>,
        %add3A_1192 = arith.addf %get3A_1015, %get3A_1020 : vector<16xf32>
        %add3A_1193 = arith.addf %add3A_1192, %get3A_1025 : vector<16xf32>
        %add3A_1194 = arith.addf %add3A_1193, %get3A_1030 : vector<16xf32>
        %add3A_1195 = arith.addf %add3A_1194, %get3A_1035 : vector<16xf32>
        %add3A_1196 = arith.addf %add3A_1195, %get3A_1040 : vector<16xf32>
        %add3A_1197 = arith.addf %add3A_1196, %get3A_1045 : vector<16xf32>
        %add3A_1198 = arith.addf %add3A_1197, %get3A_1050 : vector<16xf32>
        %add3A_1199 = arith.addf %add3A_1198, %get3A_1055 : vector<16xf32>
        %swap3A_1200 = arith.constant 8 : i32
        %swap3A_1201 = arith.index_cast %swap3A_1200 : i32 to index
        %swap3A_1202 = arith.constant 16 : index
        %swap3A_1203 = tpu.vector_load %arg9[%swap3A_1201, %swap3A_1202] {strides = array<i32>} : memref<17x64xf32, #tpu.memory_space<vmem>>, vector<16xf32>,
        tpu.vector_store %arg9[%swap3A_1201, %swap3A_1202], %add3A_1199 {strides = array<i32>} : memref<17x64xf32, #tpu.memory_space<vmem>>, vector<16xf32>,
        %add3A_1204 = arith.addf %get3A_1020, %get3A_1025 : vector<16xf32>
        %add3A_1205 = arith.addf %add3A_1204, %get3A_1030 : vector<16xf32>
        %add3A_1206 = arith.addf %add3A_1205, %get3A_1035 : vector<16xf32>
        %add3A_1207 = arith.addf %add3A_1206, %get3A_1040 : vector<16xf32>
        %add3A_1208 = arith.addf %add3A_1207, %get3A_1045 : vector<16xf32>
        %add3A_1209 = arith.addf %add3A_1208, %get3A_1050 : vector<16xf32>
        %add3A_1210 = arith.addf %add3A_1209, %get3A_1055 : vector<16xf32>
        %add3A_1211 = arith.addf %add3A_1210, %get3A_1060 : vector<16xf32>
        %swap3A_1212 = arith.constant 9 : i32
        %swap3A_1213 = arith.index_cast %swap3A_1212 : i32 to index
        %swap3A_1214 = arith.constant 16 : index
        %swap3A_1215 = tpu.vector_load %arg9[%swap3A_1213, %swap3A_1214] {strides = array<i32>} : memref<17x64xf32, #tpu.memory_space<vmem>>, vector<16xf32>,
        tpu.vector_store %arg9[%swap3A_1213, %swap3A_1214], %add3A_1211 {strides = array<i32>} : memref<17x64xf32, #tpu.memory_space<vmem>>, vector<16xf32>,
        %add3A_1216 = arith.addf %get3A_1025, %get3A_1030 : vector<16xf32>
        %add3A_1217 = arith.addf %add3A_1216, %get3A_1035 : vector<16xf32>
        %add3A_1218 = arith.addf %add3A_1217, %get3A_1040 : vector<16xf32>
        %add3A_1219 = arith.addf %add3A_1218, %get3A_1045 : vector<16xf32>
        %add3A_1220 = arith.addf %add3A_1219, %get3A_1050 : vector<16xf32>
        %add3A_1221 = arith.addf %add3A_1220, %get3A_1055 : vector<16xf32>
        %add3A_1222 = arith.addf %add3A_1221, %get3A_1060 : vector<16xf32>
        %add3A_1223 = arith.addf %add3A_1222, %get3A_1065 : vector<16xf32>
        %swap3A_1224 = arith.constant 10 : i32
        %swap3A_1225 = arith.index_cast %swap3A_1224 : i32 to index
        %swap3A_1226 = arith.constant 16 : index
        %swap3A_1227 = tpu.vector_load %arg9[%swap3A_1225, %swap3A_1226] {strides = array<i32>} : memref<17x64xf32, #tpu.memory_space<vmem>>, vector<16xf32>,
        tpu.vector_store %arg9[%swap3A_1225, %swap3A_1226], %add3A_1223 {strides = array<i32>} : memref<17x64xf32, #tpu.memory_space<vmem>>, vector<16xf32>,
        %add3A_1228 = arith.addf %get3A_1030, %get3A_1035 : vector<16xf32>
        %add3A_1229 = arith.addf %add3A_1228, %get3A_1040 : vector<16xf32>
        %add3A_1230 = arith.addf %add3A_1229, %get3A_1045 : vector<16xf32>
        %add3A_1231 = arith.addf %add3A_1230, %get3A_1050 : vector<16xf32>
        %add3A_1232 = arith.addf %add3A_1231, %get3A_1055 : vector<16xf32>
        %add3A_1233 = arith.addf %add3A_1232, %get3A_1060 : vector<16xf32>
        %add3A_1234 = arith.addf %add3A_1233, %get3A_1065 : vector<16xf32>
        %add3A_1235 = arith.addf %add3A_1234, %get3A_1070 : vector<16xf32>
        %swap3A_1236 = arith.constant 11 : i32
        %swap3A_1237 = arith.index_cast %swap3A_1236 : i32 to index
        %swap3A_1238 = arith.constant 16 : index
        %swap3A_1239 = tpu.vector_load %arg9[%swap3A_1237, %swap3A_1238] {strides = array<i32>} : memref<17x64xf32, #tpu.memory_space<vmem>>, vector<16xf32>,
        tpu.vector_store %arg9[%swap3A_1237, %swap3A_1238], %add3A_1235 {strides = array<i32>} : memref<17x64xf32, #tpu.memory_space<vmem>>, vector<16xf32>,
        %add3A_1240 = arith.addf %get3A_1035, %get3A_1040 : vector<16xf32>
        %add3A_1241 = arith.addf %add3A_1240, %get3A_1045 : vector<16xf32>
        %add3A_1242 = arith.addf %add3A_1241, %get3A_1050 : vector<16xf32>
        %add3A_1243 = arith.addf %add3A_1242, %get3A_1055 : vector<16xf32>
        %add3A_1244 = arith.addf %add3A_1243, %get3A_1060 : vector<16xf32>
        %add3A_1245 = arith.addf %add3A_1244, %get3A_1065 : vector<16xf32>
        %add3A_1246 = arith.addf %add3A_1245, %get3A_1070 : vector<16xf32>
        %add3A_1247 = arith.addf %add3A_1246, %get3A_1075 : vector<16xf32>
        %swap3A_1248 = arith.constant 12 : i32
        %swap3A_1249 = arith.index_cast %swap3A_1248 : i32 to index
        %swap3A_1250 = arith.constant 16 : index
        %swap3A_1251 = tpu.vector_load %arg9[%swap3A_1249, %swap3A_1250] {strides = array<i32>} : memref<17x64xf32, #tpu.memory_space<vmem>>, vector<16xf32>,
        tpu.vector_store %arg9[%swap3A_1249, %swap3A_1250], %add3A_1247 {strides = array<i32>} : memref<17x64xf32, #tpu.memory_space<vmem>>, vector<16xf32>,
        %add3A_1252 = arith.addf %get3A_1040, %get3A_1045 : vector<16xf32>
        %add3A_1253 = arith.addf %add3A_1252, %get3A_1050 : vector<16xf32>
        %add3A_1254 = arith.addf %add3A_1253, %get3A_1055 : vector<16xf32>
        %add3A_1255 = arith.addf %add3A_1254, %get3A_1060 : vector<16xf32>
        %add3A_1256 = arith.addf %add3A_1255, %get3A_1065 : vector<16xf32>
        %add3A_1257 = arith.addf %add3A_1256, %get3A_1070 : vector<16xf32>
        %add3A_1258 = arith.addf %add3A_1257, %get3A_1075 : vector<16xf32>
        %add3A_1259 = arith.addf %add3A_1258, %get3A_1080 : vector<16xf32>
        %swap3A_1260 = arith.constant 13 : i32
        %swap3A_1261 = arith.index_cast %swap3A_1260 : i32 to index
        %swap3A_1262 = arith.constant 16 : index
        %swap3A_1263 = tpu.vector_load %arg9[%swap3A_1261, %swap3A_1262] {strides = array<i32>} : memref<17x64xf32, #tpu.memory_space<vmem>>, vector<16xf32>,
        tpu.vector_store %arg9[%swap3A_1261, %swap3A_1262], %add3A_1259 {strides = array<i32>} : memref<17x64xf32, #tpu.memory_space<vmem>>, vector<16xf32>,
        %add3A_1264 = arith.addf %get3A_1045, %get3A_1050 : vector<16xf32>
        %add3A_1265 = arith.addf %add3A_1264, %get3A_1055 : vector<16xf32>
        %add3A_1266 = arith.addf %add3A_1265, %get3A_1060 : vector<16xf32>
        %add3A_1267 = arith.addf %add3A_1266, %get3A_1065 : vector<16xf32>
        %add3A_1268 = arith.addf %add3A_1267, %get3A_1070 : vector<16xf32>
        %add3A_1269 = arith.addf %add3A_1268, %get3A_1075 : vector<16xf32>
        %add3A_1270 = arith.addf %add3A_1269, %get3A_1080 : vector<16xf32>
        %add3A_1271 = arith.addf %add3A_1270, %get3A_1085 : vector<16xf32>
        %swap3A_1272 = arith.constant 14 : i32
        %swap3A_1273 = arith.index_cast %swap3A_1272 : i32 to index
        %swap3A_1274 = arith.constant 16 : index
        %swap3A_1275 = tpu.vector_load %arg9[%swap3A_1273, %swap3A_1274] {strides = array<i32>} : memref<17x64xf32, #tpu.memory_space<vmem>>, vector<16xf32>,
        tpu.vector_store %arg9[%swap3A_1273, %swap3A_1274], %add3A_1271 {strides = array<i32>} : memref<17x64xf32, #tpu.memory_space<vmem>>, vector<16xf32>,
        %add3A_1276 = arith.addf %get3A_1050, %get3A_1055 : vector<16xf32>
        %add3A_1277 = arith.addf %add3A_1276, %get3A_1060 : vector<16xf32>
        %add3A_1278 = arith.addf %add3A_1277, %get3A_1065 : vector<16xf32>
        %add3A_1279 = arith.addf %add3A_1278, %get3A_1070 : vector<16xf32>
        %add3A_1280 = arith.addf %add3A_1279, %get3A_1075 : vector<16xf32>
        %add3A_1281 = arith.addf %add3A_1280, %get3A_1080 : vector<16xf32>
        %add3A_1282 = arith.addf %add3A_1281, %get3A_1085 : vector<16xf32>
        %add3A_1283 = arith.addf %add3A_1282, %get3A_1090 : vector<16xf32>
        %swap3A_1284 = arith.constant 15 : i32
        %swap3A_1285 = arith.index_cast %swap3A_1284 : i32 to index
        %swap3A_1286 = arith.constant 16 : index
        %swap3A_1287 = tpu.vector_load %arg9[%swap3A_1285, %swap3A_1286] {strides = array<i32>} : memref<17x64xf32, #tpu.memory_space<vmem>>, vector<16xf32>,
        tpu.vector_store %arg9[%swap3A_1285, %swap3A_1286], %add3A_1283 {strides = array<i32>} : memref<17x64xf32, #tpu.memory_space<vmem>>, vector<16xf32>,
        %add3A_1288 = arith.addf %get3A_1055, %get3A_1060 : vector<16xf32>
        %add3A_1289 = arith.addf %add3A_1288, %get3A_1065 : vector<16xf32>
        %add3A_1290 = arith.addf %add3A_1289, %get3A_1070 : vector<16xf32>
        %add3A_1291 = arith.addf %add3A_1290, %get3A_1075 : vector<16xf32>
        %add3A_1292 = arith.addf %add3A_1291, %get3A_1080 : vector<16xf32>
        %add3A_1293 = arith.addf %add3A_1292, %get3A_1085 : vector<16xf32>
        %add3A_1294 = arith.addf %add3A_1293, %get3A_1090 : vector<16xf32>
        %add3A_1295 = arith.addf %add3A_1294, %get3A_1095 : vector<16xf32>
        %swap3A_1296 = arith.constant 16 : i32
        %swap3A_1297 = arith.index_cast %swap3A_1296 : i32 to index
        %swap3A_1298 = arith.constant 16 : index
        %swap3A_1299 = tpu.vector_load %arg9[%swap3A_1297, %swap3A_1298] {strides = array<i32>} : memref<17x64xf32, #tpu.memory_space<vmem>>, vector<16xf32>,
        tpu.vector_store %arg9[%swap3A_1297, %swap3A_1298], %add3A_1295 {strides = array<i32>} : memref<17x64xf32, #tpu.memory_space<vmem>>, vector<16xf32>,
        %add3A_1300 = arith.constant 32 : i32
        %add3A_1301 = arith.addi %mul3A_586, %add3A_1300 : i32
        %min3A_1302 = arith.constant 496 : i32
        %min3A_1303 = arith.minsi %add3A_1301, %min3A_1302 : i32
        %sub3A_1304 = arith.subi %min3A_1303, %mul3A_618 : i32
        %add3A_1305 = arith.constant 0 : i32
        %add3A_1306 = arith.addi %sub3A_554, %add3A_1305 : i32
        %get3A_1307 = arith.index_cast %add3A_1306 : i32 to index
        %get3A_1308 = arith.index_cast %sub3A_1304 : i32 to index
        %get3A_1309 = tpu.vector_load %arg8[%get3A_1307, %get3A_1308] {strides = array<i32>} : memref<32x256xf32, #tpu.memory_space<vmem>>, vector<16xf32>,
        %add3A_1310 = arith.constant 1 : i32
        %add3A_1311 = arith.addi %sub3A_554, %add3A_1310 : i32
        %get3A_1312 = arith.index_cast %add3A_1311 : i32 to index
        %get3A_1313 = arith.index_cast %sub3A_1304 : i32 to index
        %get3A_1314 = tpu.vector_load %arg8[%get3A_1312, %get3A_1313] {strides = array<i32>} : memref<32x256xf32, #tpu.memory_space<vmem>>, vector<16xf32>,
        %add3A_1315 = arith.constant 2 : i32
        %add3A_1316 = arith.addi %sub3A_554, %add3A_1315 : i32
        %get3A_1317 = arith.index_cast %add3A_1316 : i32 to index
        %get3A_1318 = arith.index_cast %sub3A_1304 : i32 to index
        %get3A_1319 = tpu.vector_load %arg8[%get3A_1317, %get3A_1318] {strides = array<i32>} : memref<32x256xf32, #tpu.memory_space<vmem>>, vector<16xf32>,
        %add3A_1320 = arith.constant 3 : i32
        %add3A_1321 = arith.addi %sub3A_554, %add3A_1320 : i32
        %get3A_1322 = arith.index_cast %add3A_1321 : i32 to index
        %get3A_1323 = arith.index_cast %sub3A_1304 : i32 to index
        %get3A_1324 = tpu.vector_load %arg8[%get3A_1322, %get3A_1323] {strides = array<i32>} : memref<32x256xf32, #tpu.memory_space<vmem>>, vector<16xf32>,
        %add3A_1325 = arith.constant 4 : i32
        %add3A_1326 = arith.addi %sub3A_554, %add3A_1325 : i32
        %get3A_1327 = arith.index_cast %add3A_1326 : i32 to index
        %get3A_1328 = arith.index_cast %sub3A_1304 : i32 to index
        %get3A_1329 = tpu.vector_load %arg8[%get3A_1327, %get3A_1328] {strides = array<i32>} : memref<32x256xf32, #tpu.memory_space<vmem>>, vector<16xf32>,
        %add3A_1330 = arith.constant 5 : i32
        %add3A_1331 = arith.addi %sub3A_554, %add3A_1330 : i32
        %get3A_1332 = arith.index_cast %add3A_1331 : i32 to index
        %get3A_1333 = arith.index_cast %sub3A_1304 : i32 to index
        %get3A_1334 = tpu.vector_load %arg8[%get3A_1332, %get3A_1333] {strides = array<i32>} : memref<32x256xf32, #tpu.memory_space<vmem>>, vector<16xf32>,
        %add3A_1335 = arith.constant 6 : i32
        %add3A_1336 = arith.addi %sub3A_554, %add3A_1335 : i32
        %get3A_1337 = arith.index_cast %add3A_1336 : i32 to index
        %get3A_1338 = arith.index_cast %sub3A_1304 : i32 to index
        %get3A_1339 = tpu.vector_load %arg8[%get3A_1337, %get3A_1338] {strides = array<i32>} : memref<32x256xf32, #tpu.memory_space<vmem>>, vector<16xf32>,
        %add3A_1340 = arith.constant 7 : i32
        %add3A_1341 = arith.addi %sub3A_554, %add3A_1340 : i32
        %get3A_1342 = arith.index_cast %add3A_1341 : i32 to index
        %get3A_1343 = arith.index_cast %sub3A_1304 : i32 to index
        %get3A_1344 = tpu.vector_load %arg8[%get3A_1342, %get3A_1343] {strides = array<i32>} : memref<32x256xf32, #tpu.memory_space<vmem>>, vector<16xf32>,
        %add3A_1345 = arith.constant 8 : i32
        %add3A_1346 = arith.addi %sub3A_554, %add3A_1345 : i32
        %get3A_1347 = arith.index_cast %add3A_1346 : i32 to index
        %get3A_1348 = arith.index_cast %sub3A_1304 : i32 to index
        %get3A_1349 = tpu.vector_load %arg8[%get3A_1347, %get3A_1348] {strides = array<i32>} : memref<32x256xf32, #tpu.memory_space<vmem>>, vector<16xf32>,
        %add3A_1350 = arith.constant 9 : i32
        %add3A_1351 = arith.addi %sub3A_554, %add3A_1350 : i32
        %get3A_1352 = arith.index_cast %add3A_1351 : i32 to index
        %get3A_1353 = arith.index_cast %sub3A_1304 : i32 to index
        %get3A_1354 = tpu.vector_load %arg8[%get3A_1352, %get3A_1353] {strides = array<i32>} : memref<32x256xf32, #tpu.memory_space<vmem>>, vector<16xf32>,
        %add3A_1355 = arith.constant 10 : i32
        %add3A_1356 = arith.addi %sub3A_554, %add3A_1355 : i32
        %get3A_1357 = arith.index_cast %add3A_1356 : i32 to index
        %get3A_1358 = arith.index_cast %sub3A_1304 : i32 to index
        %get3A_1359 = tpu.vector_load %arg8[%get3A_1357, %get3A_1358] {strides = array<i32>} : memref<32x256xf32, #tpu.memory_space<vmem>>, vector<16xf32>,
        %add3A_1360 = arith.constant 11 : i32
        %add3A_1361 = arith.addi %sub3A_554, %add3A_1360 : i32
        %get3A_1362 = arith.index_cast %add3A_1361 : i32 to index
        %get3A_1363 = arith.index_cast %sub3A_1304 : i32 to index
        %get3A_1364 = tpu.vector_load %arg8[%get3A_1362, %get3A_1363] {strides = array<i32>} : memref<32x256xf32, #tpu.memory_space<vmem>>, vector<16xf32>,
        %add3A_1365 = arith.constant 12 : i32
        %add3A_1366 = arith.addi %sub3A_554, %add3A_1365 : i32
        %get3A_1367 = arith.index_cast %add3A_1366 : i32 to index
        %get3A_1368 = arith.index_cast %sub3A_1304 : i32 to index
        %get3A_1369 = tpu.vector_load %arg8[%get3A_1367, %get3A_1368] {strides = array<i32>} : memref<32x256xf32, #tpu.memory_space<vmem>>, vector<16xf32>,
        %add3A_1370 = arith.constant 13 : i32
        %add3A_1371 = arith.addi %sub3A_554, %add3A_1370 : i32
        %get3A_1372 = arith.index_cast %add3A_1371 : i32 to index
        %get3A_1373 = arith.index_cast %sub3A_1304 : i32 to index
        %get3A_1374 = tpu.vector_load %arg8[%get3A_1372, %get3A_1373] {strides = array<i32>} : memref<32x256xf32, #tpu.memory_space<vmem>>, vector<16xf32>,
        %add3A_1375 = arith.constant 14 : i32
        %add3A_1376 = arith.addi %sub3A_554, %add3A_1375 : i32
        %get3A_1377 = arith.index_cast %add3A_1376 : i32 to index
        %get3A_1378 = arith.index_cast %sub3A_1304 : i32 to index
        %get3A_1379 = tpu.vector_load %arg8[%get3A_1377, %get3A_1378] {strides = array<i32>} : memref<32x256xf32, #tpu.memory_space<vmem>>, vector<16xf32>,
        %add3A_1380 = arith.constant 15 : i32
        %add3A_1381 = arith.addi %sub3A_554, %add3A_1380 : i32
        %get3A_1382 = arith.index_cast %add3A_1381 : i32 to index
        %get3A_1383 = arith.index_cast %sub3A_1304 : i32 to index
        %get3A_1384 = tpu.vector_load %arg8[%get3A_1382, %get3A_1383] {strides = array<i32>} : memref<32x256xf32, #tpu.memory_space<vmem>>, vector<16xf32>,
        %add3A_1385 = arith.constant 16 : i32
        %add3A_1386 = arith.addi %sub3A_554, %add3A_1385 : i32
        %get3A_1387 = arith.index_cast %add3A_1386 : i32 to index
        %get3A_1388 = arith.index_cast %sub3A_1304 : i32 to index
        %get3A_1389 = tpu.vector_load %arg8[%get3A_1387, %get3A_1388] {strides = array<i32>} : memref<32x256xf32, #tpu.memory_space<vmem>>, vector<16xf32>,
        %add3A_1390 = arith.constant 17 : i32
        %add3A_1391 = arith.addi %sub3A_554, %add3A_1390 : i32
        %get3A_1392 = arith.index_cast %add3A_1391 : i32 to index
        %get3A_1393 = arith.index_cast %sub3A_1304 : i32 to index
        %get3A_1394 = tpu.vector_load %arg8[%get3A_1392, %get3A_1393] {strides = array<i32>} : memref<32x256xf32, #tpu.memory_space<vmem>>, vector<16xf32>,
        %add3A_1395 = arith.constant 18 : i32
        %add3A_1396 = arith.addi %sub3A_554, %add3A_1395 : i32
        %get3A_1397 = arith.index_cast %add3A_1396 : i32 to index
        %get3A_1398 = arith.index_cast %sub3A_1304 : i32 to index
        %get3A_1399 = tpu.vector_load %arg8[%get3A_1397, %get3A_1398] {strides = array<i32>} : memref<32x256xf32, #tpu.memory_space<vmem>>, vector<16xf32>,
        %add3A_1400 = arith.constant 19 : i32
        %add3A_1401 = arith.addi %sub3A_554, %add3A_1400 : i32
        %get3A_1402 = arith.index_cast %add3A_1401 : i32 to index
        %get3A_1403 = arith.index_cast %sub3A_1304 : i32 to index
        %get3A_1404 = tpu.vector_load %arg8[%get3A_1402, %get3A_1403] {strides = array<i32>} : memref<32x256xf32, #tpu.memory_space<vmem>>, vector<16xf32>,
        %add3A_1405 = arith.constant 20 : i32
        %add3A_1406 = arith.addi %sub3A_554, %add3A_1405 : i32
        %get3A_1407 = arith.index_cast %add3A_1406 : i32 to index
        %get3A_1408 = arith.index_cast %sub3A_1304 : i32 to index
        %get3A_1409 = tpu.vector_load %arg8[%get3A_1407, %get3A_1408] {strides = array<i32>} : memref<32x256xf32, #tpu.memory_space<vmem>>, vector<16xf32>,
        %add3A_1410 = arith.constant 21 : i32
        %add3A_1411 = arith.addi %sub3A_554, %add3A_1410 : i32
        %get3A_1412 = arith.index_cast %add3A_1411 : i32 to index
        %get3A_1413 = arith.index_cast %sub3A_1304 : i32 to index
        %get3A_1414 = tpu.vector_load %arg8[%get3A_1412, %get3A_1413] {strides = array<i32>} : memref<32x256xf32, #tpu.memory_space<vmem>>, vector<16xf32>,
        %add3A_1415 = arith.constant 22 : i32
        %add3A_1416 = arith.addi %sub3A_554, %add3A_1415 : i32
        %get3A_1417 = arith.index_cast %add3A_1416 : i32 to index
        %get3A_1418 = arith.index_cast %sub3A_1304 : i32 to index
        %get3A_1419 = tpu.vector_load %arg8[%get3A_1417, %get3A_1418] {strides = array<i32>} : memref<32x256xf32, #tpu.memory_space<vmem>>, vector<16xf32>,
        %add3A_1420 = arith.constant 23 : i32
        %add3A_1421 = arith.addi %sub3A_554, %add3A_1420 : i32
        %get3A_1422 = arith.index_cast %add3A_1421 : i32 to index
        %get3A_1423 = arith.index_cast %sub3A_1304 : i32 to index
        %get3A_1424 = tpu.vector_load %arg8[%get3A_1422, %get3A_1423] {strides = array<i32>} : memref<32x256xf32, #tpu.memory_space<vmem>>, vector<16xf32>,
        %add3A_1425 = arith.constant 24 : i32
        %add3A_1426 = arith.addi %sub3A_554, %add3A_1425 : i32
        %get3A_1427 = arith.index_cast %add3A_1426 : i32 to index
        %get3A_1428 = arith.index_cast %sub3A_1304 : i32 to index
        %get3A_1429 = tpu.vector_load %arg8[%get3A_1427, %get3A_1428] {strides = array<i32>} : memref<32x256xf32, #tpu.memory_space<vmem>>, vector<16xf32>,
        %add3A_1430 = arith.addf %get3A_1309, %get3A_1314 : vector<16xf32>
        %add3A_1431 = arith.addf %add3A_1430, %get3A_1319 : vector<16xf32>
        %add3A_1432 = arith.addf %add3A_1431, %get3A_1324 : vector<16xf32>
        %add3A_1433 = arith.addf %add3A_1432, %get3A_1329 : vector<16xf32>
        %add3A_1434 = arith.addf %add3A_1433, %get3A_1334 : vector<16xf32>
        %add3A_1435 = arith.addf %add3A_1434, %get3A_1339 : vector<16xf32>
        %add3A_1436 = arith.addf %add3A_1435, %get3A_1344 : vector<16xf32>
        %add3A_1437 = arith.addf %add3A_1436, %get3A_1349 : vector<16xf32>
        %swap3A_1438 = arith.constant 0 : i32
        %swap3A_1439 = arith.index_cast %swap3A_1438 : i32 to index
        %swap3A_1440 = arith.constant 32 : index
        %swap3A_1441 = tpu.vector_load %arg9[%swap3A_1439, %swap3A_1440] {strides = array<i32>} : memref<17x64xf32, #tpu.memory_space<vmem>>, vector<16xf32>,
        tpu.vector_store %arg9[%swap3A_1439, %swap3A_1440], %add3A_1437 {strides = array<i32>} : memref<17x64xf32, #tpu.memory_space<vmem>>, vector<16xf32>,
        %add3A_1442 = arith.addf %get3A_1314, %get3A_1319 : vector<16xf32>
        %add3A_1443 = arith.addf %add3A_1442, %get3A_1324 : vector<16xf32>
        %add3A_1444 = arith.addf %add3A_1443, %get3A_1329 : vector<16xf32>
        %add3A_1445 = arith.addf %add3A_1444, %get3A_1334 : vector<16xf32>
        %add3A_1446 = arith.addf %add3A_1445, %get3A_1339 : vector<16xf32>
        %add3A_1447 = arith.addf %add3A_1446, %get3A_1344 : vector<16xf32>
        %add3A_1448 = arith.addf %add3A_1447, %get3A_1349 : vector<16xf32>
        %add3A_1449 = arith.addf %add3A_1448, %get3A_1354 : vector<16xf32>
        %swap3A_1450 = arith.constant 1 : i32
        %swap3A_1451 = arith.index_cast %swap3A_1450 : i32 to index
        %swap3A_1452 = arith.constant 32 : index
        %swap3A_1453 = tpu.vector_load %arg9[%swap3A_1451, %swap3A_1452] {strides = array<i32>} : memref<17x64xf32, #tpu.memory_space<vmem>>, vector<16xf32>,
        tpu.vector_store %arg9[%swap3A_1451, %swap3A_1452], %add3A_1449 {strides = array<i32>} : memref<17x64xf32, #tpu.memory_space<vmem>>, vector<16xf32>,
        %add3A_1454 = arith.addf %get3A_1319, %get3A_1324 : vector<16xf32>
        %add3A_1455 = arith.addf %add3A_1454, %get3A_1329 : vector<16xf32>
        %add3A_1456 = arith.addf %add3A_1455, %get3A_1334 : vector<16xf32>
        %add3A_1457 = arith.addf %add3A_1456, %get3A_1339 : vector<16xf32>
        %add3A_1458 = arith.addf %add3A_1457, %get3A_1344 : vector<16xf32>
        %add3A_1459 = arith.addf %add3A_1458, %get3A_1349 : vector<16xf32>
        %add3A_1460 = arith.addf %add3A_1459, %get3A_1354 : vector<16xf32>
        %add3A_1461 = arith.addf %add3A_1460, %get3A_1359 : vector<16xf32>
        %swap3A_1462 = arith.constant 2 : i32
        %swap3A_1463 = arith.index_cast %swap3A_1462 : i32 to index
        %swap3A_1464 = arith.constant 32 : index
        %swap3A_1465 = tpu.vector_load %arg9[%swap3A_1463, %swap3A_1464] {strides = array<i32>} : memref<17x64xf32, #tpu.memory_space<vmem>>, vector<16xf32>,
        tpu.vector_store %arg9[%swap3A_1463, %swap3A_1464], %add3A_1461 {strides = array<i32>} : memref<17x64xf32, #tpu.memory_space<vmem>>, vector<16xf32>,
        %add3A_1466 = arith.addf %get3A_1324, %get3A_1329 : vector<16xf32>
        %add3A_1467 = arith.addf %add3A_1466, %get3A_1334 : vector<16xf32>
        %add3A_1468 = arith.addf %add3A_1467, %get3A_1339 : vector<16xf32>
        %add3A_1469 = arith.addf %add3A_1468, %get3A_1344 : vector<16xf32>
        %add3A_1470 = arith.addf %add3A_1469, %get3A_1349 : vector<16xf32>
        %add3A_1471 = arith.addf %add3A_1470, %get3A_1354 : vector<16xf32>
        %add3A_1472 = arith.addf %add3A_1471, %get3A_1359 : vector<16xf32>
        %add3A_1473 = arith.addf %add3A_1472, %get3A_1364 : vector<16xf32>
        %swap3A_1474 = arith.constant 3 : i32
        %swap3A_1475 = arith.index_cast %swap3A_1474 : i32 to index
        %swap3A_1476 = arith.constant 32 : index
        %swap3A_1477 = tpu.vector_load %arg9[%swap3A_1475, %swap3A_1476] {strides = array<i32>} : memref<17x64xf32, #tpu.memory_space<vmem>>, vector<16xf32>,
        tpu.vector_store %arg9[%swap3A_1475, %swap3A_1476], %add3A_1473 {strides = array<i32>} : memref<17x64xf32, #tpu.memory_space<vmem>>, vector<16xf32>,
        %add3A_1478 = arith.addf %get3A_1329, %get3A_1334 : vector<16xf32>
        %add3A_1479 = arith.addf %add3A_1478, %get3A_1339 : vector<16xf32>
        %add3A_1480 = arith.addf %add3A_1479, %get3A_1344 : vector<16xf32>
        %add3A_1481 = arith.addf %add3A_1480, %get3A_1349 : vector<16xf32>
        %add3A_1482 = arith.addf %add3A_1481, %get3A_1354 : vector<16xf32>
        %add3A_1483 = arith.addf %add3A_1482, %get3A_1359 : vector<16xf32>
        %add3A_1484 = arith.addf %add3A_1483, %get3A_1364 : vector<16xf32>
        %add3A_1485 = arith.addf %add3A_1484, %get3A_1369 : vector<16xf32>
        %swap3A_1486 = arith.constant 4 : i32
        %swap3A_1487 = arith.index_cast %swap3A_1486 : i32 to index
        %swap3A_1488 = arith.constant 32 : index
        %swap3A_1489 = tpu.vector_load %arg9[%swap3A_1487, %swap3A_1488] {strides = array<i32>} : memref<17x64xf32, #tpu.memory_space<vmem>>, vector<16xf32>,
        tpu.vector_store %arg9[%swap3A_1487, %swap3A_1488], %add3A_1485 {strides = array<i32>} : memref<17x64xf32, #tpu.memory_space<vmem>>, vector<16xf32>,
        %add3A_1490 = arith.addf %get3A_1334, %get3A_1339 : vector<16xf32>
        %add3A_1491 = arith.addf %add3A_1490, %get3A_1344 : vector<16xf32>
        %add3A_1492 = arith.addf %add3A_1491, %get3A_1349 : vector<16xf32>
        %add3A_1493 = arith.addf %add3A_1492, %get3A_1354 : vector<16xf32>
        %add3A_1494 = arith.addf %add3A_1493, %get3A_1359 : vector<16xf32>
        %add3A_1495 = arith.addf %add3A_1494, %get3A_1364 : vector<16xf32>
        %add3A_1496 = arith.addf %add3A_1495, %get3A_1369 : vector<16xf32>
        %add3A_1497 = arith.addf %add3A_1496, %get3A_1374 : vector<16xf32>
        %swap3A_1498 = arith.constant 5 : i32
        %swap3A_1499 = arith.index_cast %swap3A_1498 : i32 to index
        %swap3A_1500 = arith.constant 32 : index
        %swap3A_1501 = tpu.vector_load %arg9[%swap3A_1499, %swap3A_1500] {strides = array<i32>} : memref<17x64xf32, #tpu.memory_space<vmem>>, vector<16xf32>,
        tpu.vector_store %arg9[%swap3A_1499, %swap3A_1500], %add3A_1497 {strides = array<i32>} : memref<17x64xf32, #tpu.memory_space<vmem>>, vector<16xf32>,
        %add3A_1502 = arith.addf %get3A_1339, %get3A_1344 : vector<16xf32>
        %add3A_1503 = arith.addf %add3A_1502, %get3A_1349 : vector<16xf32>
        %add3A_1504 = arith.addf %add3A_1503, %get3A_1354 : vector<16xf32>
        %add3A_1505 = arith.addf %add3A_1504, %get3A_1359 : vector<16xf32>
        %add3A_1506 = arith.addf %add3A_1505, %get3A_1364 : vector<16xf32>
        %add3A_1507 = arith.addf %add3A_1506, %get3A_1369 : vector<16xf32>
        %add3A_1508 = arith.addf %add3A_1507, %get3A_1374 : vector<16xf32>
        %add3A_1509 = arith.addf %add3A_1508, %get3A_1379 : vector<16xf32>
        %swap3A_1510 = arith.constant 6 : i32
        %swap3A_1511 = arith.index_cast %swap3A_1510 : i32 to index
        %swap3A_1512 = arith.constant 32 : index
        %swap3A_1513 = tpu.vector_load %arg9[%swap3A_1511, %swap3A_1512] {strides = array<i32>} : memref<17x64xf32, #tpu.memory_space<vmem>>, vector<16xf32>,
        tpu.vector_store %arg9[%swap3A_1511, %swap3A_1512], %add3A_1509 {strides = array<i32>} : memref<17x64xf32, #tpu.memory_space<vmem>>, vector<16xf32>,
        %add3A_1514 = arith.addf %get3A_1344, %get3A_1349 : vector<16xf32>
        %add3A_1515 = arith.addf %add3A_1514, %get3A_1354 : vector<16xf32>
        %add3A_1516 = arith.addf %add3A_1515, %get3A_1359 : vector<16xf32>
        %add3A_1517 = arith.addf %add3A_1516, %get3A_1364 : vector<16xf32>
        %add3A_1518 = arith.addf %add3A_1517, %get3A_1369 : vector<16xf32>
        %add3A_1519 = arith.addf %add3A_1518, %get3A_1374 : vector<16xf32>
        %add3A_1520 = arith.addf %add3A_1519, %get3A_1379 : vector<16xf32>
        %add3A_1521 = arith.addf %add3A_1520, %get3A_1384 : vector<16xf32>
        %swap3A_1522 = arith.constant 7 : i32
        %swap3A_1523 = arith.index_cast %swap3A_1522 : i32 to index
        %swap3A_1524 = arith.constant 32 : index
        %swap3A_1525 = tpu.vector_load %arg9[%swap3A_1523, %swap3A_1524] {strides = array<i32>} : memref<17x64xf32, #tpu.memory_space<vmem>>, vector<16xf32>,
        tpu.vector_store %arg9[%swap3A_1523, %swap3A_1524], %add3A_1521 {strides = array<i32>} : memref<17x64xf32, #tpu.memory_space<vmem>>, vector<16xf32>,
        %add3A_1526 = arith.addf %get3A_1349, %get3A_1354 : vector<16xf32>
        %add3A_1527 = arith.addf %add3A_1526, %get3A_1359 : vector<16xf32>
        %add3A_1528 = arith.addf %add3A_1527, %get3A_1364 : vector<16xf32>
        %add3A_1529 = arith.addf %add3A_1528, %get3A_1369 : vector<16xf32>
        %add3A_1530 = arith.addf %add3A_1529, %get3A_1374 : vector<16xf32>
        %add3A_1531 = arith.addf %add3A_1530, %get3A_1379 : vector<16xf32>
        %add3A_1532 = arith.addf %add3A_1531, %get3A_1384 : vector<16xf32>
        %add3A_1533 = arith.addf %add3A_1532, %get3A_1389 : vector<16xf32>
        %swap3A_1534 = arith.constant 8 : i32
        %swap3A_1535 = arith.index_cast %swap3A_1534 : i32 to index
        %swap3A_1536 = arith.constant 32 : index
        %swap3A_1537 = tpu.vector_load %arg9[%swap3A_1535, %swap3A_1536] {strides = array<i32>} : memref<17x64xf32, #tpu.memory_space<vmem>>, vector<16xf32>,
        tpu.vector_store %arg9[%swap3A_1535, %swap3A_1536], %add3A_1533 {strides = array<i32>} : memref<17x64xf32, #tpu.memory_space<vmem>>, vector<16xf32>,
        %add3A_1538 = arith.addf %get3A_1354, %get3A_1359 : vector<16xf32>
        %add3A_1539 = arith.addf %add3A_1538, %get3A_1364 : vector<16xf32>
        %add3A_1540 = arith.addf %add3A_1539, %get3A_1369 : vector<16xf32>
        %add3A_1541 = arith.addf %add3A_1540, %get3A_1374 : vector<16xf32>
        %add3A_1542 = arith.addf %add3A_1541, %get3A_1379 : vector<16xf32>
        %add3A_1543 = arith.addf %add3A_1542, %get3A_1384 : vector<16xf32>
        %add3A_1544 = arith.addf %add3A_1543, %get3A_1389 : vector<16xf32>
        %add3A_1545 = arith.addf %add3A_1544, %get3A_1394 : vector<16xf32>
        %swap3A_1546 = arith.constant 9 : i32
        %swap3A_1547 = arith.index_cast %swap3A_1546 : i32 to index
        %swap3A_1548 = arith.constant 32 : index
        %swap3A_1549 = tpu.vector_load %arg9[%swap3A_1547, %swap3A_1548] {strides = array<i32>} : memref<17x64xf32, #tpu.memory_space<vmem>>, vector<16xf32>,
        tpu.vector_store %arg9[%swap3A_1547, %swap3A_1548], %add3A_1545 {strides = array<i32>} : memref<17x64xf32, #tpu.memory_space<vmem>>, vector<16xf32>,
        %add3A_1550 = arith.addf %get3A_1359, %get3A_1364 : vector<16xf32>
        %add3A_1551 = arith.addf %add3A_1550, %get3A_1369 : vector<16xf32>
        %add3A_1552 = arith.addf %add3A_1551, %get3A_1374 : vector<16xf32>
        %add3A_1553 = arith.addf %add3A_1552, %get3A_1379 : vector<16xf32>
        %add3A_1554 = arith.addf %add3A_1553, %get3A_1384 : vector<16xf32>
        %add3A_1555 = arith.addf %add3A_1554, %get3A_1389 : vector<16xf32>
        %add3A_1556 = arith.addf %add3A_1555, %get3A_1394 : vector<16xf32>
        %add3A_1557 = arith.addf %add3A_1556, %get3A_1399 : vector<16xf32>
        %swap3A_1558 = arith.constant 10 : i32
        %swap3A_1559 = arith.index_cast %swap3A_1558 : i32 to index
        %swap3A_1560 = arith.constant 32 : index
        %swap3A_1561 = tpu.vector_load %arg9[%swap3A_1559, %swap3A_1560] {strides = array<i32>} : memref<17x64xf32, #tpu.memory_space<vmem>>, vector<16xf32>,
        tpu.vector_store %arg9[%swap3A_1559, %swap3A_1560], %add3A_1557 {strides = array<i32>} : memref<17x64xf32, #tpu.memory_space<vmem>>, vector<16xf32>,
        %add3A_1562 = arith.addf %get3A_1364, %get3A_1369 : vector<16xf32>
        %add3A_1563 = arith.addf %add3A_1562, %get3A_1374 : vector<16xf32>
        %add3A_1564 = arith.addf %add3A_1563, %get3A_1379 : vector<16xf32>
        %add3A_1565 = arith.addf %add3A_1564, %get3A_1384 : vector<16xf32>
        %add3A_1566 = arith.addf %add3A_1565, %get3A_1389 : vector<16xf32>
        %add3A_1567 = arith.addf %add3A_1566, %get3A_1394 : vector<16xf32>
        %add3A_1568 = arith.addf %add3A_1567, %get3A_1399 : vector<16xf32>
        %add3A_1569 = arith.addf %add3A_1568, %get3A_1404 : vector<16xf32>
        %swap3A_1570 = arith.constant 11 : i32
        %swap3A_1571 = arith.index_cast %swap3A_1570 : i32 to index
        %swap3A_1572 = arith.constant 32 : index
        %swap3A_1573 = tpu.vector_load %arg9[%swap3A_1571, %swap3A_1572] {strides = array<i32>} : memref<17x64xf32, #tpu.memory_space<vmem>>, vector<16xf32>,
        tpu.vector_store %arg9[%swap3A_1571, %swap3A_1572], %add3A_1569 {strides = array<i32>} : memref<17x64xf32, #tpu.memory_space<vmem>>, vector<16xf32>,
        %add3A_1574 = arith.addf %get3A_1369, %get3A_1374 : vector<16xf32>
        %add3A_1575 = arith.addf %add3A_1574, %get3A_1379 : vector<16xf32>
        %add3A_1576 = arith.addf %add3A_1575, %get3A_1384 : vector<16xf32>
        %add3A_1577 = arith.addf %add3A_1576, %get3A_1389 : vector<16xf32>
        %add3A_1578 = arith.addf %add3A_1577, %get3A_1394 : vector<16xf32>
        %add3A_1579 = arith.addf %add3A_1578, %get3A_1399 : vector<16xf32>
        %add3A_1580 = arith.addf %add3A_1579, %get3A_1404 : vector<16xf32>
        %add3A_1581 = arith.addf %add3A_1580, %get3A_1409 : vector<16xf32>
        %swap3A_1582 = arith.constant 12 : i32
        %swap3A_1583 = arith.index_cast %swap3A_1582 : i32 to index
        %swap3A_1584 = arith.constant 32 : index
        %swap3A_1585 = tpu.vector_load %arg9[%swap3A_1583, %swap3A_1584] {strides = array<i32>} : memref<17x64xf32, #tpu.memory_space<vmem>>, vector<16xf32>,
        tpu.vector_store %arg9[%swap3A_1583, %swap3A_1584], %add3A_1581 {strides = array<i32>} : memref<17x64xf32, #tpu.memory_space<vmem>>, vector<16xf32>,
        %add3A_1586 = arith.addf %get3A_1374, %get3A_1379 : vector<16xf32>
        %add3A_1587 = arith.addf %add3A_1586, %get3A_1384 : vector<16xf32>
        %add3A_1588 = arith.addf %add3A_1587, %get3A_1389 : vector<16xf32>
        %add3A_1589 = arith.addf %add3A_1588, %get3A_1394 : vector<16xf32>
        %add3A_1590 = arith.addf %add3A_1589, %get3A_1399 : vector<16xf32>
        %add3A_1591 = arith.addf %add3A_1590, %get3A_1404 : vector<16xf32>
        %add3A_1592 = arith.addf %add3A_1591, %get3A_1409 : vector<16xf32>
        %add3A_1593 = arith.addf %add3A_1592, %get3A_1414 : vector<16xf32>
        %swap3A_1594 = arith.constant 13 : i32
        %swap3A_1595 = arith.index_cast %swap3A_1594 : i32 to index
        %swap3A_1596 = arith.constant 32 : index
        %swap3A_1597 = tpu.vector_load %arg9[%swap3A_1595, %swap3A_1596] {strides = array<i32>} : memref<17x64xf32, #tpu.memory_space<vmem>>, vector<16xf32>,
        tpu.vector_store %arg9[%swap3A_1595, %swap3A_1596], %add3A_1593 {strides = array<i32>} : memref<17x64xf32, #tpu.memory_space<vmem>>, vector<16xf32>,
        %add3A_1598 = arith.addf %get3A_1379, %get3A_1384 : vector<16xf32>
        %add3A_1599 = arith.addf %add3A_1598, %get3A_1389 : vector<16xf32>
        %add3A_1600 = arith.addf %add3A_1599, %get3A_1394 : vector<16xf32>
        %add3A_1601 = arith.addf %add3A_1600, %get3A_1399 : vector<16xf32>
        %add3A_1602 = arith.addf %add3A_1601, %get3A_1404 : vector<16xf32>
        %add3A_1603 = arith.addf %add3A_1602, %get3A_1409 : vector<16xf32>
        %add3A_1604 = arith.addf %add3A_1603, %get3A_1414 : vector<16xf32>
        %add3A_1605 = arith.addf %add3A_1604, %get3A_1419 : vector<16xf32>
        %swap3A_1606 = arith.constant 14 : i32
        %swap3A_1607 = arith.index_cast %swap3A_1606 : i32 to index
        %swap3A_1608 = arith.constant 32 : index
        %swap3A_1609 = tpu.vector_load %arg9[%swap3A_1607, %swap3A_1608] {strides = array<i32>} : memref<17x64xf32, #tpu.memory_space<vmem>>, vector<16xf32>,
        tpu.vector_store %arg9[%swap3A_1607, %swap3A_1608], %add3A_1605 {strides = array<i32>} : memref<17x64xf32, #tpu.memory_space<vmem>>, vector<16xf32>,
        %add3A_1610 = arith.addf %get3A_1384, %get3A_1389 : vector<16xf32>
        %add3A_1611 = arith.addf %add3A_1610, %get3A_1394 : vector<16xf32>
        %add3A_1612 = arith.addf %add3A_1611, %get3A_1399 : vector<16xf32>
        %add3A_1613 = arith.addf %add3A_1612, %get3A_1404 : vector<16xf32>
        %add3A_1614 = arith.addf %add3A_1613, %get3A_1409 : vector<16xf32>
        %add3A_1615 = arith.addf %add3A_1614, %get3A_1414 : vector<16xf32>
        %add3A_1616 = arith.addf %add3A_1615, %get3A_1419 : vector<16xf32>
        %add3A_1617 = arith.addf %add3A_1616, %get3A_1424 : vector<16xf32>
        %swap3A_1618 = arith.constant 15 : i32
        %swap3A_1619 = arith.index_cast %swap3A_1618 : i32 to index
        %swap3A_1620 = arith.constant 32 : index
        %swap3A_1621 = tpu.vector_load %arg9[%swap3A_1619, %swap3A_1620] {strides = array<i32>} : memref<17x64xf32, #tpu.memory_space<vmem>>, vector<16xf32>,
        tpu.vector_store %arg9[%swap3A_1619, %swap3A_1620], %add3A_1617 {strides = array<i32>} : memref<17x64xf32, #tpu.memory_space<vmem>>, vector<16xf32>,
        %add3A_1622 = arith.addf %get3A_1389, %get3A_1394 : vector<16xf32>
        %add3A_1623 = arith.addf %add3A_1622, %get3A_1399 : vector<16xf32>
        %add3A_1624 = arith.addf %add3A_1623, %get3A_1404 : vector<16xf32>
        %add3A_1625 = arith.addf %add3A_1624, %get3A_1409 : vector<16xf32>
        %add3A_1626 = arith.addf %add3A_1625, %get3A_1414 : vector<16xf32>
        %add3A_1627 = arith.addf %add3A_1626, %get3A_1419 : vector<16xf32>
        %add3A_1628 = arith.addf %add3A_1627, %get3A_1424 : vector<16xf32>
        %add3A_1629 = arith.addf %add3A_1628, %get3A_1429 : vector<16xf32>
        %swap3A_1630 = arith.constant 16 : i32
        %swap3A_1631 = arith.index_cast %swap3A_1630 : i32 to index
        %swap3A_1632 = arith.constant 32 : index
        %swap3A_1633 = tpu.vector_load %arg9[%swap3A_1631, %swap3A_1632] {strides = array<i32>} : memref<17x64xf32, #tpu.memory_space<vmem>>, vector<16xf32>,
        tpu.vector_store %arg9[%swap3A_1631, %swap3A_1632], %add3A_1629 {strides = array<i32>} : memref<17x64xf32, #tpu.memory_space<vmem>>, vector<16xf32>,
        %scan3A_1634 = arith.constant 0 : i32
        %scan3A_1635 = arith.constant 0 : i32
        %scan3A_1636 = arith.constant 8 : i32
        %scan3A_1637 = arith.addi %scan3A_1635, %scan3A_1636 : i32
        %scan3A_1638 = arith.constant 1 : i32
        %scan3A_1639 = scf.for %scan3A_2132 = %scan3A_1635 to %scan3A_1637 step %scan3A_1638 iter_args(%scan3A_2133 = %scan3A_1634) -> (i32)  : i32 {
          %mul3A_2134 = arith.constant 2 : i32
          %mul3A_2135 = arith.muli %mul3A_2134, %scan3A_2132 : i32
          %add3A_2136 = arith.addi %min3A_532, %mul3A_2135 : i32
          %jit3A_2137 = arith.constant 16 : i32
          %div3A_2138 = arith.divsi %add3A_2136, %jit3A_2137 : i32
          %sign3A_2139 = arith.constant 0 : i32
          %sign3A_2140 = arith.cmpi sgt, %add3A_2136, %sign3A_2139 : i32
          %sign3A_2141 = arith.extui %sign3A_2140 : i1 to i32
          %sign3A_2142 = arith.constant 0 : i32
          %sign3A_2143 = arith.cmpi slt, %add3A_2136, %sign3A_2142 : i32
          %sign3A_2144 = arith.extui %sign3A_2143 : i1 to i32
          %sign3A_2145 = arith.subi %sign3A_2141, %sign3A_2144 : i32
          %sign3A_2146 = arith.constant 0 : i32
          %sign3A_2147 = arith.cmpi sgt, %jit3A_2137, %sign3A_2146 : i32
          %sign3A_2148 = arith.extui %sign3A_2147 : i1 to i32
          %sign3A_2149 = arith.constant 0 : i32
          %sign3A_2150 = arith.cmpi slt, %jit3A_2137, %sign3A_2149 : i32
          %sign3A_2151 = arith.extui %sign3A_2150 : i1 to i32
          %sign3A_2152 = arith.subi %sign3A_2148, %sign3A_2151 : i32
          %ne3A_2153 = arith.cmpi ne, %sign3A_2145, %sign3A_2152 : i32
          %rem3A_2154 = arith.remsi %add3A_2136, %jit3A_2137 : i32
          %ne3A_2155 = arith.constant 0 : i32
          %ne3A_2156 = arith.cmpi ne, %rem3A_2154, %ne3A_2155 : i32
          %and3A_2157 = arith.andi %ne3A_2153, %ne3A_2156 : i1
          %sub3A_2158 = arith.constant 1 : i32
          %sub3A_2159 = arith.subi %div3A_2138, %sub3A_2158 : i32
          %select_n3A_2160 = arith.select %and3A_2157, %sub3A_2159, %div3A_2138 : i32
          %mul3A_2161 = arith.constant 16 : i32
          %mul3A_2162 = arith.muli %select_n3A_2160, %mul3A_2161 : i32
          %sub3A_2163 = arith.subi %add3A_2136, %mul3A_2162 : i32
          %get3A_2164 = arith.index_cast %mul3A_2135 : i32 to index
          %get3A_2165 = arith.constant 0 : index
          %get3A_2166 = tpu.vector_load %arg9[%get3A_2164, %get3A_2165] {strides = array<i32>} : memref<17x64xf32, #tpu.memory_space<vmem>>, vector<16xf32>,
          %get3A_2167 = arith.index_cast %mul3A_2135 : i32 to index
          %get3A_2168 = arith.constant 1 : index
          %get3A_2169 = tpu.vector_load %arg9[%get3A_2167, %get3A_2168] {strides = array<i32>} : memref<17x64xf32, #tpu.memory_space<vmem>>, vector<16xf32>,
          %add3A_2170 = arith.addf %get3A_2166, %get3A_2169 : vector<16xf32>
          %get3A_2171 = arith.index_cast %mul3A_2135 : i32 to index
          %get3A_2172 = arith.constant 2 : index
          %get3A_2173 = tpu.vector_load %arg9[%get3A_2171, %get3A_2172] {strides = array<i32>} : memref<17x64xf32, #tpu.memory_space<vmem>>, vector<16xf32>,
          %add3A_2174 = arith.addf %add3A_2170, %get3A_2173 : vector<16xf32>
          %get3A_2175 = arith.index_cast %mul3A_2135 : i32 to index
          %get3A_2176 = arith.constant 3 : index
          %get3A_2177 = tpu.vector_load %arg9[%get3A_2175, %get3A_2176] {strides = array<i32>} : memref<17x64xf32, #tpu.memory_space<vmem>>, vector<16xf32>,
          %add3A_2178 = arith.addf %add3A_2174, %get3A_2177 : vector<16xf32>
          %get3A_2179 = arith.index_cast %mul3A_2135 : i32 to index
          %get3A_2180 = arith.constant 4 : index
          %get3A_2181 = tpu.vector_load %arg9[%get3A_2179, %get3A_2180] {strides = array<i32>} : memref<17x64xf32, #tpu.memory_space<vmem>>, vector<16xf32>,
          %add3A_2182 = arith.addf %add3A_2178, %get3A_2181 : vector<16xf32>
          %get3A_2183 = arith.index_cast %mul3A_2135 : i32 to index
          %get3A_2184 = arith.constant 5 : index
          %get3A_2185 = tpu.vector_load %arg9[%get3A_2183, %get3A_2184] {strides = array<i32>} : memref<17x64xf32, #tpu.memory_space<vmem>>, vector<16xf32>,
          %add3A_2186 = arith.addf %add3A_2182, %get3A_2185 : vector<16xf32>
          %get3A_2187 = arith.index_cast %mul3A_2135 : i32 to index
          %get3A_2188 = arith.constant 6 : index
          %get3A_2189 = tpu.vector_load %arg9[%get3A_2187, %get3A_2188] {strides = array<i32>} : memref<17x64xf32, #tpu.memory_space<vmem>>, vector<16xf32>,
          %add3A_2190 = arith.addf %add3A_2186, %get3A_2189 : vector<16xf32>
          %get3A_2191 = arith.index_cast %mul3A_2135 : i32 to index
          %get3A_2192 = arith.constant 7 : index
          %get3A_2193 = tpu.vector_load %arg9[%get3A_2191, %get3A_2192] {strides = array<i32>} : memref<17x64xf32, #tpu.memory_space<vmem>>, vector<16xf32>,
          %add3A_2194 = arith.addf %add3A_2190, %get3A_2193 : vector<16xf32>
          %get3A_2195 = arith.index_cast %mul3A_2135 : i32 to index
          %get3A_2196 = arith.constant 8 : index
          %get3A_2197 = tpu.vector_load %arg9[%get3A_2195, %get3A_2196] {strides = array<i32>} : memref<17x64xf32, #tpu.memory_space<vmem>>, vector<16xf32>,
          %add3A_2198 = arith.addf %add3A_2194, %get3A_2197 : vector<16xf32>
          %mul3A_2199 = arith.constant 0.0123456791 : f32
          %mul3A_2200 = vector.broadcast %mul3A_2199 : f32 to vector<16xf32>
          %mul3A_2201 = arith.mulf %add3A_2198, %mul3A_2200 : vector<16xf32>
          %add3A_2202 = arith.constant 0 : i32
          %add3A_2203 = arith.addi %mul3A_586, %add3A_2202 : i32
          %add3A_2204 = vector.broadcast %add3A_2203 : i32 to vector<16xi32>
          %add3A_2205 = arith.addi %add3A_2204, %iota3A : vector<16xi32>
          %lt3A_2206 = arith.constant 504 : i32
          %lt3A_2207 = vector.broadcast %lt3A_2206 : i32 to vector<16xi32>
          %lt3A_2208 = arith.cmpi slt, %add3A_2205, %lt3A_2207 : vector<16xi32>
          %jit3A_2209 = arith.constant -3.000000e+38 : f32
          %broadcast_in_dim3A_2210 = vector.broadcast %jit3A_2209 : f32 to vector<16xf32>
          %select_n3A_2211 = arith.select %lt3A_2208, %mul3A_2201, %broadcast_in_dim3A_2210 : vector<16xi1>, vector<16xf32>
          %reduce_max3A_2212 = arith.constant true
          %reduce_max3A_2213 = vector.broadcast %reduce_max3A_2212 : i1 to vector<16xi1>
          %reduce_max3A_2214 = tpu.scan <max>, %select_n3A_2211 masked %reduce_max3A_2213 : vector<16xf32>, vector<16xi1> -> vector<16xf32>
          %reduce_max3A_2215 = vector.extract %reduce_max3A_2214[15] : f32 from vector<16xf32>
          %eq3A_2216 = vector.broadcast %reduce_max3A_2215 : f32 to vector<16xf32>
          %eq3A_2217 = arith.cmpf oeq, %select_n3A_2211, %eq3A_2216 : vector<16xf32>
          %jit3A_2218 = arith.constant 1073741824 : i32
          %broadcast_in_dim3A_2219 = vector.broadcast %jit3A_2218 : i32 to vector<16xi32>
          %select_n3A_2220 = arith.select %eq3A_2217, %add3A_2205, %broadcast_in_dim3A_2219 : vector<16xi1>, vector<16xi32>
          %reduce_min3A_2221 = arith.constant true
          %reduce_min3A_2222 = vector.broadcast %reduce_min3A_2221 : i1 to vector<16xi1>
          %reduce_min3A_2223 = arith.constant -2147483648 : i32
          %reduce_min3A_2224 = vector.broadcast %reduce_min3A_2223 : i32 to vector<16xi32>
          %reduce_min3A_2225 = arith.xori %select_n3A_2220, %reduce_min3A_2224 : vector<16xi32>
          %reduce_min3A_2226 = tpu.scan <min>, %reduce_min3A_2225 masked %reduce_min3A_2222 : vector<16xi32>, vector<16xi1> -> vector<16xi32>
          %reduce_min3A_2227 = arith.xori %reduce_min3A_2226, %reduce_min3A_2224 : vector<16xi32>
          %reduce_min3A_2228 = vector.extract %reduce_min3A_2227[15] : i32 from vector<16xi32>
          %add3A_2229 = arith.constant 0 : i32
          %add3A_2230 = arith.addi %select_n3A_584, %add3A_2229 : i32
          %get3A_2231 = arith.index_cast %add3A_2230 : i32 to index
          %get3A_2232 = arith.index_cast %mul3A_2162 : i32 to index
          %get3A_2233 = tpu.vector_load %arg10[%get3A_2231, %get3A_2232] {strides = array<i32>} : memref<32x512xf32, #tpu.memory_space<vmem>>, vector<16xf32>,
          %eq3A_2234 = vector.broadcast %sub3A_2163 : i32 to vector<16xi32>
          %eq3A_2235 = arith.cmpi eq, %iota3A, %eq3A_2234 : vector<16xi32>
          %broadcast_in_dim3A_2236 = vector.broadcast %reduce_max3A_2215 : f32 to vector<16xf32>
          %select_n3A_2237 = arith.select %eq3A_2235, %broadcast_in_dim3A_2236, %get3A_2233 : vector<16xi1>, vector<16xf32>
          %swap3A_2238 = arith.index_cast %add3A_2230 : i32 to index
          %swap3A_2239 = arith.index_cast %mul3A_2162 : i32 to index
          %swap3A_2240 = tpu.vector_load %arg10[%swap3A_2238, %swap3A_2239] {strides = array<i32>} : memref<32x512xf32, #tpu.memory_space<vmem>>, vector<16xf32>,
          tpu.vector_store %arg10[%swap3A_2238, %swap3A_2239], %select_n3A_2237 {strides = array<i32>} : memref<32x512xf32, #tpu.memory_space<vmem>>, vector<16xf32>,
          %get3A_2241 = arith.index_cast %add3A_2230 : i32 to index
          %get3A_2242 = arith.index_cast %mul3A_2162 : i32 to index
          %get3A_2243 = tpu.vector_load %arg11[%get3A_2241, %get3A_2242] {strides = array<i32>} : memref<32x512xi32, #tpu.memory_space<vmem>>, vector<16xi32>,
          %eq3A_2244 = vector.broadcast %sub3A_2163 : i32 to vector<16xi32>
          %eq3A_2245 = arith.cmpi eq, %iota3A, %eq3A_2244 : vector<16xi32>
          %broadcast_in_dim3A_2246 = vector.broadcast %reduce_min3A_2228 : i32 to vector<16xi32>
          %select_n3A_2247 = arith.select %eq3A_2245, %broadcast_in_dim3A_2246, %get3A_2243 : vector<16xi1>, vector<16xi32>
          %swap3A_2248 = arith.index_cast %add3A_2230 : i32 to index
          %swap3A_2249 = arith.index_cast %mul3A_2162 : i32 to index
          %swap3A_2250 = tpu.vector_load %arg11[%swap3A_2248, %swap3A_2249] {strides = array<i32>} : memref<32x512xi32, #tpu.memory_space<vmem>>, vector<16xi32>,
          tpu.vector_store %arg11[%swap3A_2248, %swap3A_2249], %select_n3A_2247 {strides = array<i32>} : memref<32x512xi32, #tpu.memory_space<vmem>>, vector<16xi32>,
          %get3A_2251 = arith.index_cast %mul3A_2135 : i32 to index
          %get3A_2252 = arith.constant 16 : index
          %get3A_2253 = tpu.vector_load %arg9[%get3A_2251, %get3A_2252] {strides = array<i32>} : memref<17x64xf32, #tpu.memory_space<vmem>>, vector<16xf32>,
          %get3A_2254 = arith.index_cast %mul3A_2135 : i32 to index
          %get3A_2255 = arith.constant 17 : index
          %get3A_2256 = tpu.vector_load %arg9[%get3A_2254, %get3A_2255] {strides = array<i32>} : memref<17x64xf32, #tpu.memory_space<vmem>>, vector<16xf32>,
          %add3A_2257 = arith.addf %get3A_2253, %get3A_2256 : vector<16xf32>
          %get3A_2258 = arith.index_cast %mul3A_2135 : i32 to index
          %get3A_2259 = arith.constant 18 : index
          %get3A_2260 = tpu.vector_load %arg9[%get3A_2258, %get3A_2259] {strides = array<i32>} : memref<17x64xf32, #tpu.memory_space<vmem>>, vector<16xf32>,
          %add3A_2261 = arith.addf %add3A_2257, %get3A_2260 : vector<16xf32>
          %get3A_2262 = arith.index_cast %mul3A_2135 : i32 to index
          %get3A_2263 = arith.constant 19 : index
          %get3A_2264 = tpu.vector_load %arg9[%get3A_2262, %get3A_2263] {strides = array<i32>} : memref<17x64xf32, #tpu.memory_space<vmem>>, vector<16xf32>,
          %add3A_2265 = arith.addf %add3A_2261, %get3A_2264 : vector<16xf32>
          %get3A_2266 = arith.index_cast %mul3A_2135 : i32 to index
          %get3A_2267 = arith.constant 20 : index
          %get3A_2268 = tpu.vector_load %arg9[%get3A_2266, %get3A_2267] {strides = array<i32>} : memref<17x64xf32, #tpu.memory_space<vmem>>, vector<16xf32>,
          %add3A_2269 = arith.addf %add3A_2265, %get3A_2268 : vector<16xf32>
          %get3A_2270 = arith.index_cast %mul3A_2135 : i32 to index
          %get3A_2271 = arith.constant 21 : index
          %get3A_2272 = tpu.vector_load %arg9[%get3A_2270, %get3A_2271] {strides = array<i32>} : memref<17x64xf32, #tpu.memory_space<vmem>>, vector<16xf32>,
          %add3A_2273 = arith.addf %add3A_2269, %get3A_2272 : vector<16xf32>
          %get3A_2274 = arith.index_cast %mul3A_2135 : i32 to index
          %get3A_2275 = arith.constant 22 : index
          %get3A_2276 = tpu.vector_load %arg9[%get3A_2274, %get3A_2275] {strides = array<i32>} : memref<17x64xf32, #tpu.memory_space<vmem>>, vector<16xf32>,
          %add3A_2277 = arith.addf %add3A_2273, %get3A_2276 : vector<16xf32>
          %get3A_2278 = arith.index_cast %mul3A_2135 : i32 to index
          %get3A_2279 = arith.constant 23 : index
          %get3A_2280 = tpu.vector_load %arg9[%get3A_2278, %get3A_2279] {strides = array<i32>} : memref<17x64xf32, #tpu.memory_space<vmem>>, vector<16xf32>,
          %add3A_2281 = arith.addf %add3A_2277, %get3A_2280 : vector<16xf32>
          %get3A_2282 = arith.index_cast %mul3A_2135 : i32 to index
          %get3A_2283 = arith.constant 24 : index
          %get3A_2284 = tpu.vector_load %arg9[%get3A_2282, %get3A_2283] {strides = array<i32>} : memref<17x64xf32, #tpu.memory_space<vmem>>, vector<16xf32>,
          %add3A_2285 = arith.addf %add3A_2281, %get3A_2284 : vector<16xf32>
          %mul3A_2286 = arith.constant 0.0123456791 : f32
          %mul3A_2287 = vector.broadcast %mul3A_2286 : f32 to vector<16xf32>
          %mul3A_2288 = arith.mulf %add3A_2285, %mul3A_2287 : vector<16xf32>
          %add3A_2289 = arith.constant 16 : i32
          %add3A_2290 = arith.addi %mul3A_586, %add3A_2289 : i32
          %add3A_2291 = vector.broadcast %add3A_2290 : i32 to vector<16xi32>
          %add3A_2292 = arith.addi %add3A_2291, %iota3A : vector<16xi32>
          %lt3A_2293 = arith.constant 504 : i32
          %lt3A_2294 = vector.broadcast %lt3A_2293 : i32 to vector<16xi32>
          %lt3A_2295 = arith.cmpi slt, %add3A_2292, %lt3A_2294 : vector<16xi32>
          %jit3A_2296 = arith.constant -3.000000e+38 : f32
          %broadcast_in_dim3A_2297 = vector.broadcast %jit3A_2296 : f32 to vector<16xf32>
          %select_n3A_2298 = arith.select %lt3A_2295, %mul3A_2288, %broadcast_in_dim3A_2297 : vector<16xi1>, vector<16xf32>
          %reduce_max3A_2299 = arith.constant true
          %reduce_max3A_2300 = vector.broadcast %reduce_max3A_2299 : i1 to vector<16xi1>
          %reduce_max3A_2301 = tpu.scan <max>, %select_n3A_2298 masked %reduce_max3A_2300 : vector<16xf32>, vector<16xi1> -> vector<16xf32>
          %reduce_max3A_2302 = vector.extract %reduce_max3A_2301[15] : f32 from vector<16xf32>
          %eq3A_2303 = vector.broadcast %reduce_max3A_2302 : f32 to vector<16xf32>
          %eq3A_2304 = arith.cmpf oeq, %select_n3A_2298, %eq3A_2303 : vector<16xf32>
          %jit3A_2305 = arith.constant 1073741824 : i32
          %broadcast_in_dim3A_2306 = vector.broadcast %jit3A_2305 : i32 to vector<16xi32>
          %select_n3A_2307 = arith.select %eq3A_2304, %add3A_2292, %broadcast_in_dim3A_2306 : vector<16xi1>, vector<16xi32>
          %reduce_min3A_2308 = arith.constant true
          %reduce_min3A_2309 = vector.broadcast %reduce_min3A_2308 : i1 to vector<16xi1>
          %reduce_min3A_2310 = arith.constant -2147483648 : i32
          %reduce_min3A_2311 = vector.broadcast %reduce_min3A_2310 : i32 to vector<16xi32>
          %reduce_min3A_2312 = arith.xori %select_n3A_2307, %reduce_min3A_2311 : vector<16xi32>
          %reduce_min3A_2313 = tpu.scan <min>, %reduce_min3A_2312 masked %reduce_min3A_2309 : vector<16xi32>, vector<16xi1> -> vector<16xi32>
          %reduce_min3A_2314 = arith.xori %reduce_min3A_2313, %reduce_min3A_2311 : vector<16xi32>
          %reduce_min3A_2315 = vector.extract %reduce_min3A_2314[15] : i32 from vector<16xi32>
          %add3A_2316 = arith.constant 1 : i32
          %add3A_2317 = arith.addi %select_n3A_584, %add3A_2316 : i32
          %get3A_2318 = arith.index_cast %add3A_2317 : i32 to index
          %get3A_2319 = arith.index_cast %mul3A_2162 : i32 to index
          %get3A_2320 = tpu.vector_load %arg10[%get3A_2318, %get3A_2319] {strides = array<i32>} : memref<32x512xf32, #tpu.memory_space<vmem>>, vector<16xf32>,
          %eq3A_2321 = vector.broadcast %sub3A_2163 : i32 to vector<16xi32>
          %eq3A_2322 = arith.cmpi eq, %iota3A, %eq3A_2321 : vector<16xi32>
          %broadcast_in_dim3A_2323 = vector.broadcast %reduce_max3A_2302 : f32 to vector<16xf32>
          %select_n3A_2324 = arith.select %eq3A_2322, %broadcast_in_dim3A_2323, %get3A_2320 : vector<16xi1>, vector<16xf32>
          %swap3A_2325 = arith.index_cast %add3A_2317 : i32 to index
          %swap3A_2326 = arith.index_cast %mul3A_2162 : i32 to index
          %swap3A_2327 = tpu.vector_load %arg10[%swap3A_2325, %swap3A_2326] {strides = array<i32>} : memref<32x512xf32, #tpu.memory_space<vmem>>, vector<16xf32>,
          tpu.vector_store %arg10[%swap3A_2325, %swap3A_2326], %select_n3A_2324 {strides = array<i32>} : memref<32x512xf32, #tpu.memory_space<vmem>>, vector<16xf32>,
          %get3A_2328 = arith.index_cast %add3A_2317 : i32 to index
          %get3A_2329 = arith.index_cast %mul3A_2162 : i32 to index
          %get3A_2330 = tpu.vector_load %arg11[%get3A_2328, %get3A_2329] {strides = array<i32>} : memref<32x512xi32, #tpu.memory_space<vmem>>, vector<16xi32>,
          %eq3A_2331 = vector.broadcast %sub3A_2163 : i32 to vector<16xi32>
          %eq3A_2332 = arith.cmpi eq, %iota3A, %eq3A_2331 : vector<16xi32>
          %broadcast_in_dim3A_2333 = vector.broadcast %reduce_min3A_2315 : i32 to vector<16xi32>
          %select_n3A_2334 = arith.select %eq3A_2332, %broadcast_in_dim3A_2333, %get3A_2330 : vector<16xi1>, vector<16xi32>
          %swap3A_2335 = arith.index_cast %add3A_2317 : i32 to index
          %swap3A_2336 = arith.index_cast %mul3A_2162 : i32 to index
          %swap3A_2337 = tpu.vector_load %arg11[%swap3A_2335, %swap3A_2336] {strides = array<i32>} : memref<32x512xi32, #tpu.memory_space<vmem>>, vector<16xi32>,
          tpu.vector_store %arg11[%swap3A_2335, %swap3A_2336], %select_n3A_2334 {strides = array<i32>} : memref<32x512xi32, #tpu.memory_space<vmem>>, vector<16xi32>,
          %broadcast_in_dim3A_2338 = arith.constant 0 : i32
          %broadcast_in_dim3A_2339 = vector.broadcast %broadcast_in_dim3A_2338 : i32 to vector<16xi32>
          %add3A_2340 = vector.broadcast %add3A_2136 : i32 to vector<16xi32>
          %add3A_2341 = arith.addi %broadcast_in_dim3A_2339, %add3A_2340 : vector<16xi32>
          %gather3A_2342 = tpu.vector_load_idx %arg10[%iota3A, %add3A_2341] : memref<32x512xf32, #tpu.memory_space<vmem>>[vector<16xi32>, vector<16xi32>], vector<16xf32>,
          %add3A_2343 = arith.constant 16 : i32
          %add3A_2344 = vector.broadcast %add3A_2343 : i32 to vector<16xi32>
          %add3A_2345 = arith.addi %iota3A, %add3A_2344 : vector<16xi32>
          %gather3A_2346 = tpu.vector_load_idx %arg10[%add3A_2345, %add3A_2341] : memref<32x512xf32, #tpu.memory_space<vmem>>[vector<16xi32>, vector<16xi32>], vector<16xf32>,
          %gather3A_2347 = tpu.vector_load_idx %arg11[%iota3A, %add3A_2341] : memref<32x512xi32, #tpu.memory_space<vmem>>[vector<16xi32>, vector<16xi32>], vector<16xi32>,
          %add3A_2348 = arith.constant 16 : i32
          %add3A_2349 = vector.broadcast %add3A_2348 : i32 to vector<16xi32>
          %add3A_2350 = arith.addi %iota3A, %add3A_2349 : vector<16xi32>
          %gather3A_2351 = tpu.vector_load_idx %arg11[%add3A_2350, %add3A_2341] : memref<32x512xi32, #tpu.memory_space<vmem>>[vector<16xi32>, vector<16xi32>], vector<16xi32>,
          %max3A_2352 = arith.maximumf %gather3A_2342, %gather3A_2346 : vector<16xf32>
          %reduce_max3A_2353 = arith.constant true
          %reduce_max3A_2354 = vector.broadcast %reduce_max3A_2353 : i1 to vector<16xi1>
          %reduce_max3A_2355 = tpu.scan <max>, %max3A_2352 masked %reduce_max3A_2354 : vector<16xf32>, vector<16xi1> -> vector<16xf32>
          %reduce_max3A_2356 = vector.extract %reduce_max3A_2355[15] : f32 from vector<16xf32>
          %eq3A_2357 = vector.broadcast %reduce_max3A_2356 : f32 to vector<16xf32>
          %eq3A_2358 = arith.cmpf oeq, %gather3A_2342, %eq3A_2357 : vector<16xf32>
          %jit3A_2359 = arith.constant 1073741824 : i32
          %broadcast_in_dim3A_2360 = vector.broadcast %jit3A_2359 : i32 to vector<16xi32>
          %select_n3A_2361 = arith.select %eq3A_2358, %gather3A_2347, %broadcast_in_dim3A_2360 : vector<16xi1>, vector<16xi32>
          %eq3A_2362 = vector.broadcast %reduce_max3A_2356 : f32 to vector<16xf32>
          %eq3A_2363 = arith.cmpf oeq, %gather3A_2346, %eq3A_2362 : vector<16xf32>
          %jit3A_2364 = arith.constant 1073741824 : i32
          %broadcast_in_dim3A_2365 = vector.broadcast %jit3A_2364 : i32 to vector<16xi32>
          %select_n3A_2366 = arith.select %eq3A_2363, %gather3A_2351, %broadcast_in_dim3A_2365 : vector<16xi1>, vector<16xi32>
          %min3A_2367 = arith.minsi %select_n3A_2361, %select_n3A_2366 : vector<16xi32>
          %reduce_min3A_2368 = arith.constant true
          %reduce_min3A_2369 = vector.broadcast %reduce_min3A_2368 : i1 to vector<16xi1>
          %reduce_min3A_2370 = arith.constant -2147483648 : i32
          %reduce_min3A_2371 = vector.broadcast %reduce_min3A_2370 : i32 to vector<16xi32>
          %reduce_min3A_2372 = arith.xori %min3A_2367, %reduce_min3A_2371 : vector<16xi32>
          %reduce_min3A_2373 = tpu.scan <min>, %reduce_min3A_2372 masked %reduce_min3A_2369 : vector<16xi32>, vector<16xi1> -> vector<16xi32>
          %reduce_min3A_2374 = arith.xori %reduce_min3A_2373, %reduce_min3A_2371 : vector<16xi32>
          %reduce_min3A_2375 = vector.extract %reduce_min3A_2374[15] : i32 from vector<16xi32>
          %get3A_2376 = arith.index_cast %mul3A_2162 : i32 to index
          %get3A_2377 = tpu.vector_load %arg12[%get3A_2376] {strides = array<i32>} : memref<512xf32, #tpu.memory_space<vmem>>, vector<16xf32>,
          %eq3A_2378 = vector.broadcast %sub3A_2163 : i32 to vector<16xi32>
          %eq3A_2379 = arith.cmpi eq, %iota3A, %eq3A_2378 : vector<16xi32>
          %broadcast_in_dim3A_2380 = vector.broadcast %reduce_max3A_2356 : f32 to vector<16xf32>
          %select_n3A_2381 = arith.select %eq3A_2379, %broadcast_in_dim3A_2380, %get3A_2377 : vector<16xi1>, vector<16xf32>
          %swap3A_2382 = arith.index_cast %mul3A_2162 : i32 to index
          %swap3A_2383 = tpu.vector_load %arg12[%swap3A_2382] {strides = array<i32>} : memref<512xf32, #tpu.memory_space<vmem>>, vector<16xf32>,
          tpu.vector_store %arg12[%swap3A_2382], %select_n3A_2381 {strides = array<i32>} : memref<512xf32, #tpu.memory_space<vmem>>, vector<16xf32>,
          %get3A_2384 = arith.index_cast %mul3A_2162 : i32 to index
          %get3A_2385 = tpu.vector_load %arg13[%get3A_2384] {strides = array<i32>} : memref<512xi32, #tpu.memory_space<vmem>>, vector<16xi32>,
          %eq3A_2386 = vector.broadcast %sub3A_2163 : i32 to vector<16xi32>
          %eq3A_2387 = arith.cmpi eq, %iota3A, %eq3A_2386 : vector<16xi32>
          %mul3A_2388 = arith.constant 1024 : i32
          %mul3A_2389 = arith.muli %add3A_2136, %mul3A_2388 : i32
          %add3A_2390 = arith.addi %mul3A_2389, %reduce_min3A_2375 : i32
          %broadcast_in_dim3A_2391 = vector.broadcast %add3A_2390 : i32 to vector<16xi32>
          %select_n3A_2392 = arith.select %eq3A_2387, %broadcast_in_dim3A_2391, %get3A_2385 : vector<16xi1>, vector<16xi32>
          %swap3A_2393 = arith.index_cast %mul3A_2162 : i32 to index
          %swap3A_2394 = tpu.vector_load %arg13[%swap3A_2393] {strides = array<i32>} : memref<512xi32, #tpu.memory_space<vmem>>, vector<16xi32>,
          tpu.vector_store %arg13[%swap3A_2393], %select_n3A_2392 {strides = array<i32>} : memref<512xi32, #tpu.memory_space<vmem>>, vector<16xi32>,
          %mul3A_2395 = arith.constant 2 : i32
          %mul3A_2396 = arith.muli %mul3A_2395, %scan3A_2132 : i32
          %add3A_2397 = arith.constant 1 : i32
          %add3A_2398 = arith.addi %mul3A_2396, %add3A_2397 : i32
          %add3A_2399 = arith.addi %min3A_532, %add3A_2398 : i32
          %jit3A_2400 = arith.constant 16 : i32
          %div3A_2401 = arith.divsi %add3A_2399, %jit3A_2400 : i32
          %sign3A_2402 = arith.constant 0 : i32
          %sign3A_2403 = arith.cmpi sgt, %add3A_2399, %sign3A_2402 : i32
          %sign3A_2404 = arith.extui %sign3A_2403 : i1 to i32
          %sign3A_2405 = arith.constant 0 : i32
          %sign3A_2406 = arith.cmpi slt, %add3A_2399, %sign3A_2405 : i32
          %sign3A_2407 = arith.extui %sign3A_2406 : i1 to i32
          %sign3A_2408 = arith.subi %sign3A_2404, %sign3A_2407 : i32
          %sign3A_2409 = arith.constant 0 : i32
          %sign3A_2410 = arith.cmpi sgt, %jit3A_2400, %sign3A_2409 : i32
          %sign3A_2411 = arith.extui %sign3A_2410 : i1 to i32
          %sign3A_2412 = arith.constant 0 : i32
          %sign3A_2413 = arith.cmpi slt, %jit3A_2400, %sign3A_2412 : i32
          %sign3A_2414 = arith.extui %sign3A_2413 : i1 to i32
          %sign3A_2415 = arith.subi %sign3A_2411, %sign3A_2414 : i32
          %ne3A_2416 = arith.cmpi ne, %sign3A_2408, %sign3A_2415 : i32
          %rem3A_2417 = arith.remsi %add3A_2399, %jit3A_2400 : i32
          %ne3A_2418 = arith.constant 0 : i32
          %ne3A_2419 = arith.cmpi ne, %rem3A_2417, %ne3A_2418 : i32
          %and3A_2420 = arith.andi %ne3A_2416, %ne3A_2419 : i1
          %sub3A_2421 = arith.constant 1 : i32
          %sub3A_2422 = arith.subi %div3A_2401, %sub3A_2421 : i32
          %select_n3A_2423 = arith.select %and3A_2420, %sub3A_2422, %div3A_2401 : i32
          %mul3A_2424 = arith.constant 16 : i32
          %mul3A_2425 = arith.muli %select_n3A_2423, %mul3A_2424 : i32
          %sub3A_2426 = arith.subi %add3A_2399, %mul3A_2425 : i32
          %get3A_2427 = arith.index_cast %add3A_2398 : i32 to index
          %get3A_2428 = arith.constant 0 : index
          %get3A_2429 = tpu.vector_load %arg9[%get3A_2427, %get3A_2428] {strides = array<i32>} : memref<17x64xf32, #tpu.memory_space<vmem>>, vector<16xf32>,
          %get3A_2430 = arith.index_cast %add3A_2398 : i32 to index
          %get3A_2431 = arith.constant 1 : index
          %get3A_2432 = tpu.vector_load %arg9[%get3A_2430, %get3A_2431] {strides = array<i32>} : memref<17x64xf32, #tpu.memory_space<vmem>>, vector<16xf32>,
          %add3A_2433 = arith.addf %get3A_2429, %get3A_2432 : vector<16xf32>
          %get3A_2434 = arith.index_cast %add3A_2398 : i32 to index
          %get3A_2435 = arith.constant 2 : index
          %get3A_2436 = tpu.vector_load %arg9[%get3A_2434, %get3A_2435] {strides = array<i32>} : memref<17x64xf32, #tpu.memory_space<vmem>>, vector<16xf32>,
          %add3A_2437 = arith.addf %add3A_2433, %get3A_2436 : vector<16xf32>
          %get3A_2438 = arith.index_cast %add3A_2398 : i32 to index
          %get3A_2439 = arith.constant 3 : index
          %get3A_2440 = tpu.vector_load %arg9[%get3A_2438, %get3A_2439] {strides = array<i32>} : memref<17x64xf32, #tpu.memory_space<vmem>>, vector<16xf32>,
          %add3A_2441 = arith.addf %add3A_2437, %get3A_2440 : vector<16xf32>
          %get3A_2442 = arith.index_cast %add3A_2398 : i32 to index
          %get3A_2443 = arith.constant 4 : index
          %get3A_2444 = tpu.vector_load %arg9[%get3A_2442, %get3A_2443] {strides = array<i32>} : memref<17x64xf32, #tpu.memory_space<vmem>>, vector<16xf32>,
          %add3A_2445 = arith.addf %add3A_2441, %get3A_2444 : vector<16xf32>
          %get3A_2446 = arith.index_cast %add3A_2398 : i32 to index
          %get3A_2447 = arith.constant 5 : index
          %get3A_2448 = tpu.vector_load %arg9[%get3A_2446, %get3A_2447] {strides = array<i32>} : memref<17x64xf32, #tpu.memory_space<vmem>>, vector<16xf32>,
          %add3A_2449 = arith.addf %add3A_2445, %get3A_2448 : vector<16xf32>
          %get3A_2450 = arith.index_cast %add3A_2398 : i32 to index
          %get3A_2451 = arith.constant 6 : index
          %get3A_2452 = tpu.vector_load %arg9[%get3A_2450, %get3A_2451] {strides = array<i32>} : memref<17x64xf32, #tpu.memory_space<vmem>>, vector<16xf32>,
          %add3A_2453 = arith.addf %add3A_2449, %get3A_2452 : vector<16xf32>
          %get3A_2454 = arith.index_cast %add3A_2398 : i32 to index
          %get3A_2455 = arith.constant 7 : index
          %get3A_2456 = tpu.vector_load %arg9[%get3A_2454, %get3A_2455] {strides = array<i32>} : memref<17x64xf32, #tpu.memory_space<vmem>>, vector<16xf32>,
          %add3A_2457 = arith.addf %add3A_2453, %get3A_2456 : vector<16xf32>
          %get3A_2458 = arith.index_cast %add3A_2398 : i32 to index
          %get3A_2459 = arith.constant 8 : index
          %get3A_2460 = tpu.vector_load %arg9[%get3A_2458, %get3A_2459] {strides = array<i32>} : memref<17x64xf32, #tpu.memory_space<vmem>>, vector<16xf32>,
          %add3A_2461 = arith.addf %add3A_2457, %get3A_2460 : vector<16xf32>
          %mul3A_2462 = arith.constant 0.0123456791 : f32
          %mul3A_2463 = vector.broadcast %mul3A_2462 : f32 to vector<16xf32>
          %mul3A_2464 = arith.mulf %add3A_2461, %mul3A_2463 : vector<16xf32>
          %add3A_2465 = arith.constant 0 : i32
          %add3A_2466 = arith.addi %mul3A_586, %add3A_2465 : i32
          %add3A_2467 = vector.broadcast %add3A_2466 : i32 to vector<16xi32>
          %add3A_2468 = arith.addi %add3A_2467, %iota3A : vector<16xi32>
          %lt3A_2469 = arith.constant 504 : i32
          %lt3A_2470 = vector.broadcast %lt3A_2469 : i32 to vector<16xi32>
          %lt3A_2471 = arith.cmpi slt, %add3A_2468, %lt3A_2470 : vector<16xi32>
          %jit3A_2472 = arith.constant -3.000000e+38 : f32
          %broadcast_in_dim3A_2473 = vector.broadcast %jit3A_2472 : f32 to vector<16xf32>
          %select_n3A_2474 = arith.select %lt3A_2471, %mul3A_2464, %broadcast_in_dim3A_2473 : vector<16xi1>, vector<16xf32>
          %reduce_max3A_2475 = arith.constant true
          %reduce_max3A_2476 = vector.broadcast %reduce_max3A_2475 : i1 to vector<16xi1>
          %reduce_max3A_2477 = tpu.scan <max>, %select_n3A_2474 masked %reduce_max3A_2476 : vector<16xf32>, vector<16xi1> -> vector<16xf32>
          %reduce_max3A_2478 = vector.extract %reduce_max3A_2477[15] : f32 from vector<16xf32>
          %eq3A_2479 = vector.broadcast %reduce_max3A_2478 : f32 to vector<16xf32>
          %eq3A_2480 = arith.cmpf oeq, %select_n3A_2474, %eq3A_2479 : vector<16xf32>
          %jit3A_2481 = arith.constant 1073741824 : i32
          %broadcast_in_dim3A_2482 = vector.broadcast %jit3A_2481 : i32 to vector<16xi32>
          %select_n3A_2483 = arith.select %eq3A_2480, %add3A_2468, %broadcast_in_dim3A_2482 : vector<16xi1>, vector<16xi32>
          %reduce_min3A_2484 = arith.constant true
          %reduce_min3A_2485 = vector.broadcast %reduce_min3A_2484 : i1 to vector<16xi1>
          %reduce_min3A_2486 = arith.constant -2147483648 : i32
          %reduce_min3A_2487 = vector.broadcast %reduce_min3A_2486 : i32 to vector<16xi32>
          %reduce_min3A_2488 = arith.xori %select_n3A_2483, %reduce_min3A_2487 : vector<16xi32>
          %reduce_min3A_2489 = tpu.scan <min>, %reduce_min3A_2488 masked %reduce_min3A_2485 : vector<16xi32>, vector<16xi1> -> vector<16xi32>
          %reduce_min3A_2490 = arith.xori %reduce_min3A_2489, %reduce_min3A_2487 : vector<16xi32>
          %reduce_min3A_2491 = vector.extract %reduce_min3A_2490[15] : i32 from vector<16xi32>
          %add3A_2492 = arith.constant 0 : i32
          %add3A_2493 = arith.addi %select_n3A_584, %add3A_2492 : i32
          %get3A_2494 = arith.index_cast %add3A_2493 : i32 to index
          %get3A_2495 = arith.index_cast %mul3A_2425 : i32 to index
          %get3A_2496 = tpu.vector_load %arg10[%get3A_2494, %get3A_2495] {strides = array<i32>} : memref<32x512xf32, #tpu.memory_space<vmem>>, vector<16xf32>,
          %eq3A_2497 = vector.broadcast %sub3A_2426 : i32 to vector<16xi32>
          %eq3A_2498 = arith.cmpi eq, %iota3A, %eq3A_2497 : vector<16xi32>
          %broadcast_in_dim3A_2499 = vector.broadcast %reduce_max3A_2478 : f32 to vector<16xf32>
          %select_n3A_2500 = arith.select %eq3A_2498, %broadcast_in_dim3A_2499, %get3A_2496 : vector<16xi1>, vector<16xf32>
          %swap3A_2501 = arith.index_cast %add3A_2493 : i32 to index
          %swap3A_2502 = arith.index_cast %mul3A_2425 : i32 to index
          %swap3A_2503 = tpu.vector_load %arg10[%swap3A_2501, %swap3A_2502] {strides = array<i32>} : memref<32x512xf32, #tpu.memory_space<vmem>>, vector<16xf32>,
          tpu.vector_store %arg10[%swap3A_2501, %swap3A_2502], %select_n3A_2500 {strides = array<i32>} : memref<32x512xf32, #tpu.memory_space<vmem>>, vector<16xf32>,
          %get3A_2504 = arith.index_cast %add3A_2493 : i32 to index
          %get3A_2505 = arith.index_cast %mul3A_2425 : i32 to index
          %get3A_2506 = tpu.vector_load %arg11[%get3A_2504, %get3A_2505] {strides = array<i32>} : memref<32x512xi32, #tpu.memory_space<vmem>>, vector<16xi32>,
          %eq3A_2507 = vector.broadcast %sub3A_2426 : i32 to vector<16xi32>
          %eq3A_2508 = arith.cmpi eq, %iota3A, %eq3A_2507 : vector<16xi32>
          %broadcast_in_dim3A_2509 = vector.broadcast %reduce_min3A_2491 : i32 to vector<16xi32>
          %select_n3A_2510 = arith.select %eq3A_2508, %broadcast_in_dim3A_2509, %get3A_2506 : vector<16xi1>, vector<16xi32>
          %swap3A_2511 = arith.index_cast %add3A_2493 : i32 to index
          %swap3A_2512 = arith.index_cast %mul3A_2425 : i32 to index
          %swap3A_2513 = tpu.vector_load %arg11[%swap3A_2511, %swap3A_2512] {strides = array<i32>} : memref<32x512xi32, #tpu.memory_space<vmem>>, vector<16xi32>,
          tpu.vector_store %arg11[%swap3A_2511, %swap3A_2512], %select_n3A_2510 {strides = array<i32>} : memref<32x512xi32, #tpu.memory_space<vmem>>, vector<16xi32>,
          %get3A_2514 = arith.index_cast %add3A_2398 : i32 to index
          %get3A_2515 = arith.constant 16 : index
          %get3A_2516 = tpu.vector_load %arg9[%get3A_2514, %get3A_2515] {strides = array<i32>} : memref<17x64xf32, #tpu.memory_space<vmem>>, vector<16xf32>,
          %get3A_2517 = arith.index_cast %add3A_2398 : i32 to index
          %get3A_2518 = arith.constant 17 : index
          %get3A_2519 = tpu.vector_load %arg9[%get3A_2517, %get3A_2518] {strides = array<i32>} : memref<17x64xf32, #tpu.memory_space<vmem>>, vector<16xf32>,
          %add3A_2520 = arith.addf %get3A_2516, %get3A_2519 : vector<16xf32>
          %get3A_2521 = arith.index_cast %add3A_2398 : i32 to index
          %get3A_2522 = arith.constant 18 : index
          %get3A_2523 = tpu.vector_load %arg9[%get3A_2521, %get3A_2522] {strides = array<i32>} : memref<17x64xf32, #tpu.memory_space<vmem>>, vector<16xf32>,
          %add3A_2524 = arith.addf %add3A_2520, %get3A_2523 : vector<16xf32>
          %get3A_2525 = arith.index_cast %add3A_2398 : i32 to index
          %get3A_2526 = arith.constant 19 : index
          %get3A_2527 = tpu.vector_load %arg9[%get3A_2525, %get3A_2526] {strides = array<i32>} : memref<17x64xf32, #tpu.memory_space<vmem>>, vector<16xf32>,
          %add3A_2528 = arith.addf %add3A_2524, %get3A_2527 : vector<16xf32>
          %get3A_2529 = arith.index_cast %add3A_2398 : i32 to index
          %get3A_2530 = arith.constant 20 : index
          %get3A_2531 = tpu.vector_load %arg9[%get3A_2529, %get3A_2530] {strides = array<i32>} : memref<17x64xf32, #tpu.memory_space<vmem>>, vector<16xf32>,
          %add3A_2532 = arith.addf %add3A_2528, %get3A_2531 : vector<16xf32>
          %get3A_2533 = arith.index_cast %add3A_2398 : i32 to index
          %get3A_2534 = arith.constant 21 : index
          %get3A_2535 = tpu.vector_load %arg9[%get3A_2533, %get3A_2534] {strides = array<i32>} : memref<17x64xf32, #tpu.memory_space<vmem>>, vector<16xf32>,
          %add3A_2536 = arith.addf %add3A_2532, %get3A_2535 : vector<16xf32>
          %get3A_2537 = arith.index_cast %add3A_2398 : i32 to index
          %get3A_2538 = arith.constant 22 : index
          %get3A_2539 = tpu.vector_load %arg9[%get3A_2537, %get3A_2538] {strides = array<i32>} : memref<17x64xf32, #tpu.memory_space<vmem>>, vector<16xf32>,
          %add3A_2540 = arith.addf %add3A_2536, %get3A_2539 : vector<16xf32>
          %get3A_2541 = arith.index_cast %add3A_2398 : i32 to index
          %get3A_2542 = arith.constant 23 : index
          %get3A_2543 = tpu.vector_load %arg9[%get3A_2541, %get3A_2542] {strides = array<i32>} : memref<17x64xf32, #tpu.memory_space<vmem>>, vector<16xf32>,
          %add3A_2544 = arith.addf %add3A_2540, %get3A_2543 : vector<16xf32>
          %get3A_2545 = arith.index_cast %add3A_2398 : i32 to index
          %get3A_2546 = arith.constant 24 : index
          %get3A_2547 = tpu.vector_load %arg9[%get3A_2545, %get3A_2546] {strides = array<i32>} : memref<17x64xf32, #tpu.memory_space<vmem>>, vector<16xf32>,
          %add3A_2548 = arith.addf %add3A_2544, %get3A_2547 : vector<16xf32>
          %mul3A_2549 = arith.constant 0.0123456791 : f32
          %mul3A_2550 = vector.broadcast %mul3A_2549 : f32 to vector<16xf32>
          %mul3A_2551 = arith.mulf %add3A_2548, %mul3A_2550 : vector<16xf32>
          %add3A_2552 = arith.constant 16 : i32
          %add3A_2553 = arith.addi %mul3A_586, %add3A_2552 : i32
          %add3A_2554 = vector.broadcast %add3A_2553 : i32 to vector<16xi32>
          %add3A_2555 = arith.addi %add3A_2554, %iota3A : vector<16xi32>
          %lt3A_2556 = arith.constant 504 : i32
          %lt3A_2557 = vector.broadcast %lt3A_2556 : i32 to vector<16xi32>
          %lt3A_2558 = arith.cmpi slt, %add3A_2555, %lt3A_2557 : vector<16xi32>
          %jit3A_2559 = arith.constant -3.000000e+38 : f32
          %broadcast_in_dim3A_2560 = vector.broadcast %jit3A_2559 : f32 to vector<16xf32>
          %select_n3A_2561 = arith.select %lt3A_2558, %mul3A_2551, %broadcast_in_dim3A_2560 : vector<16xi1>, vector<16xf32>
          %reduce_max3A_2562 = arith.constant true
          %reduce_max3A_2563 = vector.broadcast %reduce_max3A_2562 : i1 to vector<16xi1>
          %reduce_max3A_2564 = tpu.scan <max>, %select_n3A_2561 masked %reduce_max3A_2563 : vector<16xf32>, vector<16xi1> -> vector<16xf32>
          %reduce_max3A_2565 = vector.extract %reduce_max3A_2564[15] : f32 from vector<16xf32>
          %eq3A_2566 = vector.broadcast %reduce_max3A_2565 : f32 to vector<16xf32>
          %eq3A_2567 = arith.cmpf oeq, %select_n3A_2561, %eq3A_2566 : vector<16xf32>
          %jit3A_2568 = arith.constant 1073741824 : i32
          %broadcast_in_dim3A_2569 = vector.broadcast %jit3A_2568 : i32 to vector<16xi32>
          %select_n3A_2570 = arith.select %eq3A_2567, %add3A_2555, %broadcast_in_dim3A_2569 : vector<16xi1>, vector<16xi32>
          %reduce_min3A_2571 = arith.constant true
          %reduce_min3A_2572 = vector.broadcast %reduce_min3A_2571 : i1 to vector<16xi1>
          %reduce_min3A_2573 = arith.constant -2147483648 : i32
          %reduce_min3A_2574 = vector.broadcast %reduce_min3A_2573 : i32 to vector<16xi32>
          %reduce_min3A_2575 = arith.xori %select_n3A_2570, %reduce_min3A_2574 : vector<16xi32>
          %reduce_min3A_2576 = tpu.scan <min>, %reduce_min3A_2575 masked %reduce_min3A_2572 : vector<16xi32>, vector<16xi1> -> vector<16xi32>
          %reduce_min3A_2577 = arith.xori %reduce_min3A_2576, %reduce_min3A_2574 : vector<16xi32>
          %reduce_min3A_2578 = vector.extract %reduce_min3A_2577[15] : i32 from vector<16xi32>
          %add3A_2579 = arith.constant 1 : i32
          %add3A_2580 = arith.addi %select_n3A_584, %add3A_2579 : i32
          %get3A_2581 = arith.index_cast %add3A_2580 : i32 to index
          %get3A_2582 = arith.index_cast %mul3A_2425 : i32 to index
          %get3A_2583 = tpu.vector_load %arg10[%get3A_2581, %get3A_2582] {strides = array<i32>} : memref<32x512xf32, #tpu.memory_space<vmem>>, vector<16xf32>,
          %eq3A_2584 = vector.broadcast %sub3A_2426 : i32 to vector<16xi32>
          %eq3A_2585 = arith.cmpi eq, %iota3A, %eq3A_2584 : vector<16xi32>
          %broadcast_in_dim3A_2586 = vector.broadcast %reduce_max3A_2565 : f32 to vector<16xf32>
          %select_n3A_2587 = arith.select %eq3A_2585, %broadcast_in_dim3A_2586, %get3A_2583 : vector<16xi1>, vector<16xf32>
          %swap3A_2588 = arith.index_cast %add3A_2580 : i32 to index
          %swap3A_2589 = arith.index_cast %mul3A_2425 : i32 to index
          %swap3A_2590 = tpu.vector_load %arg10[%swap3A_2588, %swap3A_2589] {strides = array<i32>} : memref<32x512xf32, #tpu.memory_space<vmem>>, vector<16xf32>,
          tpu.vector_store %arg10[%swap3A_2588, %swap3A_2589], %select_n3A_2587 {strides = array<i32>} : memref<32x512xf32, #tpu.memory_space<vmem>>, vector<16xf32>,
          %get3A_2591 = arith.index_cast %add3A_2580 : i32 to index
          %get3A_2592 = arith.index_cast %mul3A_2425 : i32 to index
          %get3A_2593 = tpu.vector_load %arg11[%get3A_2591, %get3A_2592] {strides = array<i32>} : memref<32x512xi32, #tpu.memory_space<vmem>>, vector<16xi32>,
          %eq3A_2594 = vector.broadcast %sub3A_2426 : i32 to vector<16xi32>
          %eq3A_2595 = arith.cmpi eq, %iota3A, %eq3A_2594 : vector<16xi32>
          %broadcast_in_dim3A_2596 = vector.broadcast %reduce_min3A_2578 : i32 to vector<16xi32>
          %select_n3A_2597 = arith.select %eq3A_2595, %broadcast_in_dim3A_2596, %get3A_2593 : vector<16xi1>, vector<16xi32>
          %swap3A_2598 = arith.index_cast %add3A_2580 : i32 to index
          %swap3A_2599 = arith.index_cast %mul3A_2425 : i32 to index
          %swap3A_2600 = tpu.vector_load %arg11[%swap3A_2598, %swap3A_2599] {strides = array<i32>} : memref<32x512xi32, #tpu.memory_space<vmem>>, vector<16xi32>,
          tpu.vector_store %arg11[%swap3A_2598, %swap3A_2599], %select_n3A_2597 {strides = array<i32>} : memref<32x512xi32, #tpu.memory_space<vmem>>, vector<16xi32>,
          %broadcast_in_dim3A_2601 = arith.constant 0 : i32
          %broadcast_in_dim3A_2602 = vector.broadcast %broadcast_in_dim3A_2601 : i32 to vector<16xi32>
          %add3A_2603 = vector.broadcast %add3A_2399 : i32 to vector<16xi32>
          %add3A_2604 = arith.addi %broadcast_in_dim3A_2602, %add3A_2603 : vector<16xi32>
          %gather3A_2605 = tpu.vector_load_idx %arg10[%iota3A, %add3A_2604] : memref<32x512xf32, #tpu.memory_space<vmem>>[vector<16xi32>, vector<16xi32>], vector<16xf32>,
          %add3A_2606 = arith.constant 16 : i32
          %add3A_2607 = vector.broadcast %add3A_2606 : i32 to vector<16xi32>
          %add3A_2608 = arith.addi %iota3A, %add3A_2607 : vector<16xi32>
          %gather3A_2609 = tpu.vector_load_idx %arg10[%add3A_2608, %add3A_2604] : memref<32x512xf32, #tpu.memory_space<vmem>>[vector<16xi32>, vector<16xi32>], vector<16xf32>,
          %gather3A_2610 = tpu.vector_load_idx %arg11[%iota3A, %add3A_2604] : memref<32x512xi32, #tpu.memory_space<vmem>>[vector<16xi32>, vector<16xi32>], vector<16xi32>,
          %add3A_2611 = arith.constant 16 : i32
          %add3A_2612 = vector.broadcast %add3A_2611 : i32 to vector<16xi32>
          %add3A_2613 = arith.addi %iota3A, %add3A_2612 : vector<16xi32>
          %gather3A_2614 = tpu.vector_load_idx %arg11[%add3A_2613, %add3A_2604] : memref<32x512xi32, #tpu.memory_space<vmem>>[vector<16xi32>, vector<16xi32>], vector<16xi32>,
          %max3A_2615 = arith.maximumf %gather3A_2605, %gather3A_2609 : vector<16xf32>
          %reduce_max3A_2616 = arith.constant true
          %reduce_max3A_2617 = vector.broadcast %reduce_max3A_2616 : i1 to vector<16xi1>
          %reduce_max3A_2618 = tpu.scan <max>, %max3A_2615 masked %reduce_max3A_2617 : vector<16xf32>, vector<16xi1> -> vector<16xf32>
          %reduce_max3A_2619 = vector.extract %reduce_max3A_2618[15] : f32 from vector<16xf32>
          %eq3A_2620 = vector.broadcast %reduce_max3A_2619 : f32 to vector<16xf32>
          %eq3A_2621 = arith.cmpf oeq, %gather3A_2605, %eq3A_2620 : vector<16xf32>
          %jit3A_2622 = arith.constant 1073741824 : i32
          %broadcast_in_dim3A_2623 = vector.broadcast %jit3A_2622 : i32 to vector<16xi32>
          %select_n3A_2624 = arith.select %eq3A_2621, %gather3A_2610, %broadcast_in_dim3A_2623 : vector<16xi1>, vector<16xi32>
          %eq3A_2625 = vector.broadcast %reduce_max3A_2619 : f32 to vector<16xf32>
          %eq3A_2626 = arith.cmpf oeq, %gather3A_2609, %eq3A_2625 : vector<16xf32>
          %jit3A_2627 = arith.constant 1073741824 : i32
          %broadcast_in_dim3A_2628 = vector.broadcast %jit3A_2627 : i32 to vector<16xi32>
          %select_n3A_2629 = arith.select %eq3A_2626, %gather3A_2614, %broadcast_in_dim3A_2628 : vector<16xi1>, vector<16xi32>
          %min3A_2630 = arith.minsi %select_n3A_2624, %select_n3A_2629 : vector<16xi32>
          %reduce_min3A_2631 = arith.constant true
          %reduce_min3A_2632 = vector.broadcast %reduce_min3A_2631 : i1 to vector<16xi1>
          %reduce_min3A_2633 = arith.constant -2147483648 : i32
          %reduce_min3A_2634 = vector.broadcast %reduce_min3A_2633 : i32 to vector<16xi32>
          %reduce_min3A_2635 = arith.xori %min3A_2630, %reduce_min3A_2634 : vector<16xi32>
          %reduce_min3A_2636 = tpu.scan <min>, %reduce_min3A_2635 masked %reduce_min3A_2632 : vector<16xi32>, vector<16xi1> -> vector<16xi32>
          %reduce_min3A_2637 = arith.xori %reduce_min3A_2636, %reduce_min3A_2634 : vector<16xi32>
          %reduce_min3A_2638 = vector.extract %reduce_min3A_2637[15] : i32 from vector<16xi32>
          %get3A_2639 = arith.index_cast %mul3A_2425 : i32 to index
          %get3A_2640 = tpu.vector_load %arg12[%get3A_2639] {strides = array<i32>} : memref<512xf32, #tpu.memory_space<vmem>>, vector<16xf32>,
          %eq3A_2641 = vector.broadcast %sub3A_2426 : i32 to vector<16xi32>
          %eq3A_2642 = arith.cmpi eq, %iota3A, %eq3A_2641 : vector<16xi32>
          %broadcast_in_dim3A_2643 = vector.broadcast %reduce_max3A_2619 : f32 to vector<16xf32>
          %select_n3A_2644 = arith.select %eq3A_2642, %broadcast_in_dim3A_2643, %get3A_2640 : vector<16xi1>, vector<16xf32>
          %swap3A_2645 = arith.index_cast %mul3A_2425 : i32 to index
          %swap3A_2646 = tpu.vector_load %arg12[%swap3A_2645] {strides = array<i32>} : memref<512xf32, #tpu.memory_space<vmem>>, vector<16xf32>,
          tpu.vector_store %arg12[%swap3A_2645], %select_n3A_2644 {strides = array<i32>} : memref<512xf32, #tpu.memory_space<vmem>>, vector<16xf32>,
          %get3A_2647 = arith.index_cast %mul3A_2425 : i32 to index
          %get3A_2648 = tpu.vector_load %arg13[%get3A_2647] {strides = array<i32>} : memref<512xi32, #tpu.memory_space<vmem>>, vector<16xi32>,
          %eq3A_2649 = vector.broadcast %sub3A_2426 : i32 to vector<16xi32>
          %eq3A_2650 = arith.cmpi eq, %iota3A, %eq3A_2649 : vector<16xi32>
          %mul3A_2651 = arith.constant 1024 : i32
          %mul3A_2652 = arith.muli %add3A_2399, %mul3A_2651 : i32
          %add3A_2653 = arith.addi %mul3A_2652, %reduce_min3A_2638 : i32
          %broadcast_in_dim3A_2654 = vector.broadcast %add3A_2653 : i32 to vector<16xi32>
          %select_n3A_2655 = arith.select %eq3A_2650, %broadcast_in_dim3A_2654, %get3A_2648 : vector<16xi1>, vector<16xi32>
          %swap3A_2656 = arith.index_cast %mul3A_2425 : i32 to index
          %swap3A_2657 = tpu.vector_load %arg13[%swap3A_2656] {strides = array<i32>} : memref<512xi32, #tpu.memory_space<vmem>>, vector<16xi32>,
          tpu.vector_store %arg13[%swap3A_2656], %select_n3A_2655 {strides = array<i32>} : memref<512xi32, #tpu.memory_space<vmem>>, vector<16xi32>,
          %scan3A_2658 = arith.constant 0 : i32
          scf.yield %scan3A_2658 : i32
        }
        %scan3A_1640 = arith.constant 8 : i32
        %add3A_1641 = arith.constant 16 : i32
        %add3A_1642 = arith.addi %min3A_532, %add3A_1641 : i32
        %jit3A_1643 = arith.constant 16 : i32
        %div3A_1644 = arith.divsi %add3A_1642, %jit3A_1643 : i32
        %sign3A_1645 = arith.constant 0 : i32
        %sign3A_1646 = arith.cmpi sgt, %add3A_1642, %sign3A_1645 : i32
        %sign3A_1647 = arith.extui %sign3A_1646 : i1 to i32
        %sign3A_1648 = arith.constant 0 : i32
        %sign3A_1649 = arith.cmpi slt, %add3A_1642, %sign3A_1648 : i32
        %sign3A_1650 = arith.extui %sign3A_1649 : i1 to i32
        %sign3A_1651 = arith.subi %sign3A_1647, %sign3A_1650 : i32
        %sign3A_1652 = arith.constant 0 : i32
        %sign3A_1653 = arith.cmpi sgt, %jit3A_1643, %sign3A_1652 : i32
        %sign3A_1654 = arith.extui %sign3A_1653 : i1 to i32
        %sign3A_1655 = arith.constant 0 : i32
        %sign3A_1656 = arith.cmpi slt, %jit3A_1643, %sign3A_1655 : i32
        %sign3A_1657 = arith.extui %sign3A_1656 : i1 to i32
        %sign3A_1658 = arith.subi %sign3A_1654, %sign3A_1657 : i32
        %ne3A_1659 = arith.cmpi ne, %sign3A_1651, %sign3A_1658 : i32
        %rem3A_1660 = arith.remsi %add3A_1642, %jit3A_1643 : i32
        %ne3A_1661 = arith.constant 0 : i32
        %ne3A_1662 = arith.cmpi ne, %rem3A_1660, %ne3A_1661 : i32
        %and3A_1663 = arith.andi %ne3A_1659, %ne3A_1662 : i1
        %sub3A_1664 = arith.constant 1 : i32
        %sub3A_1665 = arith.subi %div3A_1644, %sub3A_1664 : i32
        %select_n3A_1666 = arith.select %and3A_1663, %sub3A_1665, %div3A_1644 : i32
        %mul3A_1667 = arith.constant 16 : i32
        %mul3A_1668 = arith.muli %select_n3A_1666, %mul3A_1667 : i32
        %sub3A_1669 = arith.subi %add3A_1642, %mul3A_1668 : i32
        %get3A_1670 = arith.constant 16 : i32
        %get3A_1671 = arith.index_cast %get3A_1670 : i32 to index
        %get3A_1672 = arith.constant 0 : index
        %get3A_1673 = tpu.vector_load %arg9[%get3A_1671, %get3A_1672] {strides = array<i32>} : memref<17x64xf32, #tpu.memory_space<vmem>>, vector<16xf32>,
        %get3A_1674 = arith.constant 16 : i32
        %get3A_1675 = arith.index_cast %get3A_1674 : i32 to index
        %get3A_1676 = arith.constant 1 : index
        %get3A_1677 = tpu.vector_load %arg9[%get3A_1675, %get3A_1676] {strides = array<i32>} : memref<17x64xf32, #tpu.memory_space<vmem>>, vector<16xf32>,
        %add3A_1678 = arith.addf %get3A_1673, %get3A_1677 : vector<16xf32>
        %get3A_1679 = arith.constant 16 : i32
        %get3A_1680 = arith.index_cast %get3A_1679 : i32 to index
        %get3A_1681 = arith.constant 2 : index
        %get3A_1682 = tpu.vector_load %arg9[%get3A_1680, %get3A_1681] {strides = array<i32>} : memref<17x64xf32, #tpu.memory_space<vmem>>, vector<16xf32>,
        %add3A_1683 = arith.addf %add3A_1678, %get3A_1682 : vector<16xf32>
        %get3A_1684 = arith.constant 16 : i32
        %get3A_1685 = arith.index_cast %get3A_1684 : i32 to index
        %get3A_1686 = arith.constant 3 : index
        %get3A_1687 = tpu.vector_load %arg9[%get3A_1685, %get3A_1686] {strides = array<i32>} : memref<17x64xf32, #tpu.memory_space<vmem>>, vector<16xf32>,
        %add3A_1688 = arith.addf %add3A_1683, %get3A_1687 : vector<16xf32>
        %get3A_1689 = arith.constant 16 : i32
        %get3A_1690 = arith.index_cast %get3A_1689 : i32 to index
        %get3A_1691 = arith.constant 4 : index
        %get3A_1692 = tpu.vector_load %arg9[%get3A_1690, %get3A_1691] {strides = array<i32>} : memref<17x64xf32, #tpu.memory_space<vmem>>, vector<16xf32>,
        %add3A_1693 = arith.addf %add3A_1688, %get3A_1692 : vector<16xf32>
        %get3A_1694 = arith.constant 16 : i32
        %get3A_1695 = arith.index_cast %get3A_1694 : i32 to index
        %get3A_1696 = arith.constant 5 : index
        %get3A_1697 = tpu.vector_load %arg9[%get3A_1695, %get3A_1696] {strides = array<i32>} : memref<17x64xf32, #tpu.memory_space<vmem>>, vector<16xf32>,
        %add3A_1698 = arith.addf %add3A_1693, %get3A_1697 : vector<16xf32>
        %get3A_1699 = arith.constant 16 : i32
        %get3A_1700 = arith.index_cast %get3A_1699 : i32 to index
        %get3A_1701 = arith.constant 6 : index
        %get3A_1702 = tpu.vector_load %arg9[%get3A_1700, %get3A_1701] {strides = array<i32>} : memref<17x64xf32, #tpu.memory_space<vmem>>, vector<16xf32>,
        %add3A_1703 = arith.addf %add3A_1698, %get3A_1702 : vector<16xf32>
        %get3A_1704 = arith.constant 16 : i32
        %get3A_1705 = arith.index_cast %get3A_1704 : i32 to index
        %get3A_1706 = arith.constant 7 : index
        %get3A_1707 = tpu.vector_load %arg9[%get3A_1705, %get3A_1706] {strides = array<i32>} : memref<17x64xf32, #tpu.memory_space<vmem>>, vector<16xf32>,
        %add3A_1708 = arith.addf %add3A_1703, %get3A_1707 : vector<16xf32>
        %get3A_1709 = arith.constant 16 : i32
        %get3A_1710 = arith.index_cast %get3A_1709 : i32 to index
        %get3A_1711 = arith.constant 8 : index
        %get3A_1712 = tpu.vector_load %arg9[%get3A_1710, %get3A_1711] {strides = array<i32>} : memref<17x64xf32, #tpu.memory_space<vmem>>, vector<16xf32>,
        %add3A_1713 = arith.addf %add3A_1708, %get3A_1712 : vector<16xf32>
        %mul3A_1714 = arith.constant 0.0123456791 : f32
        %mul3A_1715 = vector.broadcast %mul3A_1714 : f32 to vector<16xf32>
        %mul3A_1716 = arith.mulf %add3A_1713, %mul3A_1715 : vector<16xf32>
        %add3A_1717 = arith.constant 0 : i32
        %add3A_1718 = arith.addi %mul3A_586, %add3A_1717 : i32
        %add3A_1719 = vector.broadcast %add3A_1718 : i32 to vector<16xi32>
        %add3A_1720 = arith.addi %add3A_1719, %iota3A : vector<16xi32>
        %lt3A_1721 = arith.constant 504 : i32
        %lt3A_1722 = vector.broadcast %lt3A_1721 : i32 to vector<16xi32>
        %lt3A_1723 = arith.cmpi slt, %add3A_1720, %lt3A_1722 : vector<16xi32>
        %jit3A_1724 = arith.constant -3.000000e+38 : f32
        %broadcast_in_dim3A_1725 = vector.broadcast %jit3A_1724 : f32 to vector<16xf32>
        %select_n3A_1726 = arith.select %lt3A_1723, %mul3A_1716, %broadcast_in_dim3A_1725 : vector<16xi1>, vector<16xf32>
        %reduce_max3A_1727 = arith.constant true
        %reduce_max3A_1728 = vector.broadcast %reduce_max3A_1727 : i1 to vector<16xi1>
        %reduce_max3A_1729 = tpu.scan <max>, %select_n3A_1726 masked %reduce_max3A_1728 : vector<16xf32>, vector<16xi1> -> vector<16xf32>
        %reduce_max3A_1730 = vector.extract %reduce_max3A_1729[15] : f32 from vector<16xf32>
        %eq3A_1731 = vector.broadcast %reduce_max3A_1730 : f32 to vector<16xf32>
        %eq3A_1732 = arith.cmpf oeq, %select_n3A_1726, %eq3A_1731 : vector<16xf32>
        %jit3A_1733 = arith.constant 1073741824 : i32
        %broadcast_in_dim3A_1734 = vector.broadcast %jit3A_1733 : i32 to vector<16xi32>
        %select_n3A_1735 = arith.select %eq3A_1732, %add3A_1720, %broadcast_in_dim3A_1734 : vector<16xi1>, vector<16xi32>
        %reduce_min3A_1736 = arith.constant true
        %reduce_min3A_1737 = vector.broadcast %reduce_min3A_1736 : i1 to vector<16xi1>
        %reduce_min3A_1738 = arith.constant -2147483648 : i32
        %reduce_min3A_1739 = vector.broadcast %reduce_min3A_1738 : i32 to vector<16xi32>
        %reduce_min3A_1740 = arith.xori %select_n3A_1735, %reduce_min3A_1739 : vector<16xi32>
        %reduce_min3A_1741 = tpu.scan <min>, %reduce_min3A_1740 masked %reduce_min3A_1737 : vector<16xi32>, vector<16xi1> -> vector<16xi32>
        %reduce_min3A_1742 = arith.xori %reduce_min3A_1741, %reduce_min3A_1739 : vector<16xi32>
        %reduce_min3A_1743 = vector.extract %reduce_min3A_1742[15] : i32 from vector<16xi32>
        %add3A_1744 = arith.constant 0 : i32
        %add3A_1745 = arith.addi %select_n3A_584, %add3A_1744 : i32
        %get3A_1746 = arith.index_cast %add3A_1745 : i32 to index
        %get3A_1747 = arith.index_cast %mul3A_1668 : i32 to index
        %get3A_1748 = tpu.vector_load %arg10[%get3A_1746, %get3A_1747] {strides = array<i32>} : memref<32x512xf32, #tpu.memory_space<vmem>>, vector<16xf32>,
        %eq3A_1749 = vector.broadcast %sub3A_1669 : i32 to vector<16xi32>
        %eq3A_1750 = arith.cmpi eq, %iota3A, %eq3A_1749 : vector<16xi32>
        %broadcast_in_dim3A_1751 = vector.broadcast %reduce_max3A_1730 : f32 to vector<16xf32>
        %select_n3A_1752 = arith.select %eq3A_1750, %broadcast_in_dim3A_1751, %get3A_1748 : vector<16xi1>, vector<16xf32>
        %swap3A_1753 = arith.index_cast %add3A_1745 : i32 to index
        %swap3A_1754 = arith.index_cast %mul3A_1668 : i32 to index
        %swap3A_1755 = tpu.vector_load %arg10[%swap3A_1753, %swap3A_1754] {strides = array<i32>} : memref<32x512xf32, #tpu.memory_space<vmem>>, vector<16xf32>,
        tpu.vector_store %arg10[%swap3A_1753, %swap3A_1754], %select_n3A_1752 {strides = array<i32>} : memref<32x512xf32, #tpu.memory_space<vmem>>, vector<16xf32>,
        %get3A_1756 = arith.index_cast %add3A_1745 : i32 to index
        %get3A_1757 = arith.index_cast %mul3A_1668 : i32 to index
        %get3A_1758 = tpu.vector_load %arg11[%get3A_1756, %get3A_1757] {strides = array<i32>} : memref<32x512xi32, #tpu.memory_space<vmem>>, vector<16xi32>,
        %eq3A_1759 = vector.broadcast %sub3A_1669 : i32 to vector<16xi32>
        %eq3A_1760 = arith.cmpi eq, %iota3A, %eq3A_1759 : vector<16xi32>
        %broadcast_in_dim3A_1761 = vector.broadcast %reduce_min3A_1743 : i32 to vector<16xi32>
        %select_n3A_1762 = arith.select %eq3A_1760, %broadcast_in_dim3A_1761, %get3A_1758 : vector<16xi1>, vector<16xi32>
        %swap3A_1763 = arith.index_cast %add3A_1745 : i32 to index
        %swap3A_1764 = arith.index_cast %mul3A_1668 : i32 to index
        %swap3A_1765 = tpu.vector_load %arg11[%swap3A_1763, %swap3A_1764] {strides = array<i32>} : memref<32x512xi32, #tpu.memory_space<vmem>>, vector<16xi32>,
        tpu.vector_store %arg11[%swap3A_1763, %swap3A_1764], %select_n3A_1762 {strides = array<i32>} : memref<32x512xi32, #tpu.memory_space<vmem>>, vector<16xi32>,
        %get3A_1766 = arith.constant 16 : i32
        %get3A_1767 = arith.index_cast %get3A_1766 : i32 to index
        %get3A_1768 = arith.constant 16 : index
        %get3A_1769 = tpu.vector_load %arg9[%get3A_1767, %get3A_1768] {strides = array<i32>} : memref<17x64xf32, #tpu.memory_space<vmem>>, vector<16xf32>,
        %get3A_1770 = arith.constant 16 : i32
        %get3A_1771 = arith.index_cast %get3A_1770 : i32 to index
        %get3A_1772 = arith.constant 17 : index
        %get3A_1773 = tpu.vector_load %arg9[%get3A_1771, %get3A_1772] {strides = array<i32>} : memref<17x64xf32, #tpu.memory_space<vmem>>, vector<16xf32>,
        %add3A_1774 = arith.addf %get3A_1769, %get3A_1773 : vector<16xf32>
        %get3A_1775 = arith.constant 16 : i32
        %get3A_1776 = arith.index_cast %get3A_1775 : i32 to index
        %get3A_1777 = arith.constant 18 : index
        %get3A_1778 = tpu.vector_load %arg9[%get3A_1776, %get3A_1777] {strides = array<i32>} : memref<17x64xf32, #tpu.memory_space<vmem>>, vector<16xf32>,
        %add3A_1779 = arith.addf %add3A_1774, %get3A_1778 : vector<16xf32>
        %get3A_1780 = arith.constant 16 : i32
        %get3A_1781 = arith.index_cast %get3A_1780 : i32 to index
        %get3A_1782 = arith.constant 19 : index
        %get3A_1783 = tpu.vector_load %arg9[%get3A_1781, %get3A_1782] {strides = array<i32>} : memref<17x64xf32, #tpu.memory_space<vmem>>, vector<16xf32>,
        %add3A_1784 = arith.addf %add3A_1779, %get3A_1783 : vector<16xf32>
        %get3A_1785 = arith.constant 16 : i32
        %get3A_1786 = arith.index_cast %get3A_1785 : i32 to index
        %get3A_1787 = arith.constant 20 : index
        %get3A_1788 = tpu.vector_load %arg9[%get3A_1786, %get3A_1787] {strides = array<i32>} : memref<17x64xf32, #tpu.memory_space<vmem>>, vector<16xf32>,
        %add3A_1789 = arith.addf %add3A_1784, %get3A_1788 : vector<16xf32>
        %get3A_1790 = arith.constant 16 : i32
        %get3A_1791 = arith.index_cast %get3A_1790 : i32 to index
        %get3A_1792 = arith.constant 21 : index
        %get3A_1793 = tpu.vector_load %arg9[%get3A_1791, %get3A_1792] {strides = array<i32>} : memref<17x64xf32, #tpu.memory_space<vmem>>, vector<16xf32>,
        %add3A_1794 = arith.addf %add3A_1789, %get3A_1793 : vector<16xf32>
        %get3A_1795 = arith.constant 16 : i32
        %get3A_1796 = arith.index_cast %get3A_1795 : i32 to index
        %get3A_1797 = arith.constant 22 : index
        %get3A_1798 = tpu.vector_load %arg9[%get3A_1796, %get3A_1797] {strides = array<i32>} : memref<17x64xf32, #tpu.memory_space<vmem>>, vector<16xf32>,
        %add3A_1799 = arith.addf %add3A_1794, %get3A_1798 : vector<16xf32>
        %get3A_1800 = arith.constant 16 : i32
        %get3A_1801 = arith.index_cast %get3A_1800 : i32 to index
        %get3A_1802 = arith.constant 23 : index
        %get3A_1803 = tpu.vector_load %arg9[%get3A_1801, %get3A_1802] {strides = array<i32>} : memref<17x64xf32, #tpu.memory_space<vmem>>, vector<16xf32>,
        %add3A_1804 = arith.addf %add3A_1799, %get3A_1803 : vector<16xf32>
        %get3A_1805 = arith.constant 16 : i32
        %get3A_1806 = arith.index_cast %get3A_1805 : i32 to index
        %get3A_1807 = arith.constant 24 : index
        %get3A_1808 = tpu.vector_load %arg9[%get3A_1806, %get3A_1807] {strides = array<i32>} : memref<17x64xf32, #tpu.memory_space<vmem>>, vector<16xf32>,
        %add3A_1809 = arith.addf %add3A_1804, %get3A_1808 : vector<16xf32>
        %mul3A_1810 = arith.constant 0.0123456791 : f32
        %mul3A_1811 = vector.broadcast %mul3A_1810 : f32 to vector<16xf32>
        %mul3A_1812 = arith.mulf %add3A_1809, %mul3A_1811 : vector<16xf32>
        %add3A_1813 = arith.constant 16 : i32
        %add3A_1814 = arith.addi %mul3A_586, %add3A_1813 : i32
        %add3A_1815 = vector.broadcast %add3A_1814 : i32 to vector<16xi32>
        %add3A_1816 = arith.addi %add3A_1815, %iota3A : vector<16xi32>
        %lt3A_1817 = arith.constant 504 : i32
        %lt3A_1818 = vector.broadcast %lt3A_1817 : i32 to vector<16xi32>
        %lt3A_1819 = arith.cmpi slt, %add3A_1816, %lt3A_1818 : vector<16xi32>
        %jit3A_1820 = arith.constant -3.000000e+38 : f32
        %broadcast_in_dim3A_1821 = vector.broadcast %jit3A_1820 : f32 to vector<16xf32>
        %select_n3A_1822 = arith.select %lt3A_1819, %mul3A_1812, %broadcast_in_dim3A_1821 : vector<16xi1>, vector<16xf32>
        %reduce_max3A_1823 = arith.constant true
        %reduce_max3A_1824 = vector.broadcast %reduce_max3A_1823 : i1 to vector<16xi1>
        %reduce_max3A_1825 = tpu.scan <max>, %select_n3A_1822 masked %reduce_max3A_1824 : vector<16xf32>, vector<16xi1> -> vector<16xf32>
        %reduce_max3A_1826 = vector.extract %reduce_max3A_1825[15] : f32 from vector<16xf32>
        %eq3A_1827 = vector.broadcast %reduce_max3A_1826 : f32 to vector<16xf32>
        %eq3A_1828 = arith.cmpf oeq, %select_n3A_1822, %eq3A_1827 : vector<16xf32>
        %jit3A_1829 = arith.constant 1073741824 : i32
        %broadcast_in_dim3A_1830 = vector.broadcast %jit3A_1829 : i32 to vector<16xi32>
        %select_n3A_1831 = arith.select %eq3A_1828, %add3A_1816, %broadcast_in_dim3A_1830 : vector<16xi1>, vector<16xi32>
        %reduce_min3A_1832 = arith.constant true
        %reduce_min3A_1833 = vector.broadcast %reduce_min3A_1832 : i1 to vector<16xi1>
        %reduce_min3A_1834 = arith.constant -2147483648 : i32
        %reduce_min3A_1835 = vector.broadcast %reduce_min3A_1834 : i32 to vector<16xi32>
        %reduce_min3A_1836 = arith.xori %select_n3A_1831, %reduce_min3A_1835 : vector<16xi32>
        %reduce_min3A_1837 = tpu.scan <min>, %reduce_min3A_1836 masked %reduce_min3A_1833 : vector<16xi32>, vector<16xi1> -> vector<16xi32>
        %reduce_min3A_1838 = arith.xori %reduce_min3A_1837, %reduce_min3A_1835 : vector<16xi32>
        %reduce_min3A_1839 = vector.extract %reduce_min3A_1838[15] : i32 from vector<16xi32>
        %add3A_1840 = arith.constant 1 : i32
        %add3A_1841 = arith.addi %select_n3A_584, %add3A_1840 : i32
        %get3A_1842 = arith.index_cast %add3A_1841 : i32 to index
        %get3A_1843 = arith.index_cast %mul3A_1668 : i32 to index
        %get3A_1844 = tpu.vector_load %arg10[%get3A_1842, %get3A_1843] {strides = array<i32>} : memref<32x512xf32, #tpu.memory_space<vmem>>, vector<16xf32>,
        %eq3A_1845 = vector.broadcast %sub3A_1669 : i32 to vector<16xi32>
        %eq3A_1846 = arith.cmpi eq, %iota3A, %eq3A_1845 : vector<16xi32>
        %broadcast_in_dim3A_1847 = vector.broadcast %reduce_max3A_1826 : f32 to vector<16xf32>
        %select_n3A_1848 = arith.select %eq3A_1846, %broadcast_in_dim3A_1847, %get3A_1844 : vector<16xi1>, vector<16xf32>
        %swap3A_1849 = arith.index_cast %add3A_1841 : i32 to index
        %swap3A_1850 = arith.index_cast %mul3A_1668 : i32 to index
        %swap3A_1851 = tpu.vector_load %arg10[%swap3A_1849, %swap3A_1850] {strides = array<i32>} : memref<32x512xf32, #tpu.memory_space<vmem>>, vector<16xf32>,
        tpu.vector_store %arg10[%swap3A_1849, %swap3A_1850], %select_n3A_1848 {strides = array<i32>} : memref<32x512xf32, #tpu.memory_space<vmem>>, vector<16xf32>,
        %get3A_1852 = arith.index_cast %add3A_1841 : i32 to index
        %get3A_1853 = arith.index_cast %mul3A_1668 : i32 to index
        %get3A_1854 = tpu.vector_load %arg11[%get3A_1852, %get3A_1853] {strides = array<i32>} : memref<32x512xi32, #tpu.memory_space<vmem>>, vector<16xi32>,
        %eq3A_1855 = vector.broadcast %sub3A_1669 : i32 to vector<16xi32>
        %eq3A_1856 = arith.cmpi eq, %iota3A, %eq3A_1855 : vector<16xi32>
        %broadcast_in_dim3A_1857 = vector.broadcast %reduce_min3A_1839 : i32 to vector<16xi32>
        %select_n3A_1858 = arith.select %eq3A_1856, %broadcast_in_dim3A_1857, %get3A_1854 : vector<16xi1>, vector<16xi32>
        %swap3A_1859 = arith.index_cast %add3A_1841 : i32 to index
        %swap3A_1860 = arith.index_cast %mul3A_1668 : i32 to index
        %swap3A_1861 = tpu.vector_load %arg11[%swap3A_1859, %swap3A_1860] {strides = array<i32>} : memref<32x512xi32, #tpu.memory_space<vmem>>, vector<16xi32>,
        tpu.vector_store %arg11[%swap3A_1859, %swap3A_1860], %select_n3A_1858 {strides = array<i32>} : memref<32x512xi32, #tpu.memory_space<vmem>>, vector<16xi32>,
        %broadcast_in_dim3A_1862 = arith.constant 0 : i32
        %broadcast_in_dim3A_1863 = vector.broadcast %broadcast_in_dim3A_1862 : i32 to vector<16xi32>
        %add3A_1864 = vector.broadcast %add3A_1642 : i32 to vector<16xi32>
        %add3A_1865 = arith.addi %broadcast_in_dim3A_1863, %add3A_1864 : vector<16xi32>
        %gather3A = tpu.vector_load_idx %arg10[%iota3A, %add3A_1865] : memref<32x512xf32, #tpu.memory_space<vmem>>[vector<16xi32>, vector<16xi32>], vector<16xf32>,
        %add3A_1866 = arith.constant 16 : i32
        %add3A_1867 = vector.broadcast %add3A_1866 : i32 to vector<16xi32>
        %add3A_1868 = arith.addi %iota3A, %add3A_1867 : vector<16xi32>
        %gather3A_1869 = tpu.vector_load_idx %arg10[%add3A_1868, %add3A_1865] : memref<32x512xf32, #tpu.memory_space<vmem>>[vector<16xi32>, vector<16xi32>], vector<16xf32>,
        %gather3A_1870 = tpu.vector_load_idx %arg11[%iota3A, %add3A_1865] : memref<32x512xi32, #tpu.memory_space<vmem>>[vector<16xi32>, vector<16xi32>], vector<16xi32>,
        %add3A_1871 = arith.constant 16 : i32
        %add3A_1872 = vector.broadcast %add3A_1871 : i32 to vector<16xi32>
        %add3A_1873 = arith.addi %iota3A, %add3A_1872 : vector<16xi32>
        %gather3A_1874 = tpu.vector_load_idx %arg11[%add3A_1873, %add3A_1865] : memref<32x512xi32, #tpu.memory_space<vmem>>[vector<16xi32>, vector<16xi32>], vector<16xi32>,
        %max3A_1875 = arith.maximumf %gather3A, %gather3A_1869 : vector<16xf32>
        %reduce_max3A_1876 = arith.constant true
        %reduce_max3A_1877 = vector.broadcast %reduce_max3A_1876 : i1 to vector<16xi1>
        %reduce_max3A_1878 = tpu.scan <max>, %max3A_1875 masked %reduce_max3A_1877 : vector<16xf32>, vector<16xi1> -> vector<16xf32>
        %reduce_max3A_1879 = vector.extract %reduce_max3A_1878[15] : f32 from vector<16xf32>
        %eq3A_1880 = vector.broadcast %reduce_max3A_1879 : f32 to vector<16xf32>
        %eq3A_1881 = arith.cmpf oeq, %gather3A, %eq3A_1880 : vector<16xf32>
        %jit3A_1882 = arith.constant 1073741824 : i32
        %broadcast_in_dim3A_1883 = vector.broadcast %jit3A_1882 : i32 to vector<16xi32>
        %select_n3A_1884 = arith.select %eq3A_1881, %gather3A_1870, %broadcast_in_dim3A_1883 : vector<16xi1>, vector<16xi32>
        %eq3A_1885 = vector.broadcast %reduce_max3A_1879 : f32 to vector<16xf32>
        %eq3A_1886 = arith.cmpf oeq, %gather3A_1869, %eq3A_1885 : vector<16xf32>
        %jit3A_1887 = arith.constant 1073741824 : i32
        %broadcast_in_dim3A_1888 = vector.broadcast %jit3A_1887 : i32 to vector<16xi32>
        %select_n3A_1889 = arith.select %eq3A_1886, %gather3A_1874, %broadcast_in_dim3A_1888 : vector<16xi1>, vector<16xi32>
        %min3A_1890 = arith.minsi %select_n3A_1884, %select_n3A_1889 : vector<16xi32>
        %reduce_min3A_1891 = arith.constant true
        %reduce_min3A_1892 = vector.broadcast %reduce_min3A_1891 : i1 to vector<16xi1>
        %reduce_min3A_1893 = arith.constant -2147483648 : i32
        %reduce_min3A_1894 = vector.broadcast %reduce_min3A_1893 : i32 to vector<16xi32>
        %reduce_min3A_1895 = arith.xori %min3A_1890, %reduce_min3A_1894 : vector<16xi32>
        %reduce_min3A_1896 = tpu.scan <min>, %reduce_min3A_1895 masked %reduce_min3A_1892 : vector<16xi32>, vector<16xi1> -> vector<16xi32>
        %reduce_min3A_1897 = arith.xori %reduce_min3A_1896, %reduce_min3A_1894 : vector<16xi32>
        %reduce_min3A_1898 = vector.extract %reduce_min3A_1897[15] : i32 from vector<16xi32>
        %get3A_1899 = arith.index_cast %mul3A_1668 : i32 to index
        %get3A_1900 = tpu.vector_load %arg12[%get3A_1899] {strides = array<i32>} : memref<512xf32, #tpu.memory_space<vmem>>, vector<16xf32>,
        %eq3A_1901 = vector.broadcast %sub3A_1669 : i32 to vector<16xi32>
        %eq3A_1902 = arith.cmpi eq, %iota3A, %eq3A_1901 : vector<16xi32>
        %broadcast_in_dim3A_1903 = vector.broadcast %reduce_max3A_1879 : f32 to vector<16xf32>
        %select_n3A_1904 = arith.select %eq3A_1902, %broadcast_in_dim3A_1903, %get3A_1900 : vector<16xi1>, vector<16xf32>
        %swap3A_1905 = arith.index_cast %mul3A_1668 : i32 to index
        %swap3A_1906 = tpu.vector_load %arg12[%swap3A_1905] {strides = array<i32>} : memref<512xf32, #tpu.memory_space<vmem>>, vector<16xf32>,
        tpu.vector_store %arg12[%swap3A_1905], %select_n3A_1904 {strides = array<i32>} : memref<512xf32, #tpu.memory_space<vmem>>, vector<16xf32>,
        %get3A_1907 = arith.index_cast %mul3A_1668 : i32 to index
        %get3A_1908 = tpu.vector_load %arg13[%get3A_1907] {strides = array<i32>} : memref<512xi32, #tpu.memory_space<vmem>>, vector<16xi32>,
        %eq3A_1909 = vector.broadcast %sub3A_1669 : i32 to vector<16xi32>
        %eq3A_1910 = arith.cmpi eq, %iota3A, %eq3A_1909 : vector<16xi32>
        %mul3A_1911 = arith.constant 1024 : i32
        %mul3A_1912 = arith.muli %add3A_1642, %mul3A_1911 : i32
        %add3A_1913 = arith.addi %mul3A_1912, %reduce_min3A_1898 : i32
        %broadcast_in_dim3A_1914 = vector.broadcast %add3A_1913 : i32 to vector<16xi32>
        %select_n3A_1915 = arith.select %eq3A_1910, %broadcast_in_dim3A_1914, %get3A_1908 : vector<16xi1>, vector<16xi32>
        %swap3A_1916 = arith.index_cast %mul3A_1668 : i32 to index
        %swap3A_1917 = tpu.vector_load %arg13[%swap3A_1916] {strides = array<i32>} : memref<512xi32, #tpu.memory_space<vmem>>, vector<16xi32>,
        tpu.vector_store %arg13[%swap3A_1916], %select_n3A_1915 {strides = array<i32>} : memref<512xi32, #tpu.memory_space<vmem>>, vector<16xi32>,
        %jit3A_1918 = arith.constant 16 : i32
        %div3A_1919 = arith.divsi %min3A_532, %jit3A_1918 : i32
        %sign3A_1920 = arith.constant 0 : i32
        %sign3A_1921 = arith.cmpi sgt, %min3A_532, %sign3A_1920 : i32
        %sign3A_1922 = arith.extui %sign3A_1921 : i1 to i32
        %sign3A_1923 = arith.constant 0 : i32
        %sign3A_1924 = arith.cmpi slt, %min3A_532, %sign3A_1923 : i32
        %sign3A_1925 = arith.extui %sign3A_1924 : i1 to i32
        %sign3A_1926 = arith.subi %sign3A_1922, %sign3A_1925 : i32
        %sign3A_1927 = arith.constant 0 : i32
        %sign3A_1928 = arith.cmpi sgt, %jit3A_1918, %sign3A_1927 : i32
        %sign3A_1929 = arith.extui %sign3A_1928 : i1 to i32
        %sign3A_1930 = arith.constant 0 : i32
        %sign3A_1931 = arith.cmpi slt, %jit3A_1918, %sign3A_1930 : i32
        %sign3A_1932 = arith.extui %sign3A_1931 : i1 to i32
        %sign3A_1933 = arith.subi %sign3A_1929, %sign3A_1932 : i32
        %ne3A_1934 = arith.cmpi ne, %sign3A_1926, %sign3A_1933 : i32
        %rem3A_1935 = arith.remsi %min3A_532, %jit3A_1918 : i32
        %ne3A_1936 = arith.constant 0 : i32
        %ne3A_1937 = arith.cmpi ne, %rem3A_1935, %ne3A_1936 : i32
        %and3A_1938 = arith.andi %ne3A_1934, %ne3A_1937 : i1
        %sub3A_1939 = arith.constant 1 : i32
        %sub3A_1940 = arith.subi %div3A_1919, %sub3A_1939 : i32
        %select_n3A_1941 = arith.select %and3A_1938, %sub3A_1940, %div3A_1919 : i32
        %add3A_1942 = arith.constant 0 : i32
        %add3A_1943 = arith.addi %select_n3A_1941, %add3A_1942 : i32
        %min3A_1944 = arith.constant 31 : i32
        %min3A_1945 = arith.minsi %add3A_1943, %min3A_1944 : i32
        %mul3A_1946 = arith.constant 16 : i32
        %mul3A_1947 = arith.muli %min3A_1945, %mul3A_1946 : i32
        %get3A_1948 = arith.index_cast %mul3A_1947 : i32 to index
        %get3A_1949 = tpu.vector_load %arg12[%get3A_1948] {strides = array<i32>} : memref<512xf32, #tpu.memory_space<vmem>>, vector<16xf32>,
        %reduce_max3A_1950 = arith.constant true
        %reduce_max3A_1951 = vector.broadcast %reduce_max3A_1950 : i1 to vector<16xi1>
        %reduce_max3A_1952 = tpu.scan <max>, %get3A_1949 masked %reduce_max3A_1951 : vector<16xf32>, vector<16xi1> -> vector<16xf32>
        %reduce_max3A_1953 = vector.extract %reduce_max3A_1952[15] : f32 from vector<16xf32>
        %jit3A_1954 = arith.constant 16 : i32
        %div3A_1955 = arith.divsi %min3A_1945, %jit3A_1954 : i32
        %sign3A_1956 = arith.constant 0 : i32
        %sign3A_1957 = arith.cmpi sgt, %min3A_1945, %sign3A_1956 : i32
        %sign3A_1958 = arith.extui %sign3A_1957 : i1 to i32
        %sign3A_1959 = arith.constant 0 : i32
        %sign3A_1960 = arith.cmpi slt, %min3A_1945, %sign3A_1959 : i32
        %sign3A_1961 = arith.extui %sign3A_1960 : i1 to i32
        %sign3A_1962 = arith.subi %sign3A_1958, %sign3A_1961 : i32
        %sign3A_1963 = arith.constant 0 : i32
        %sign3A_1964 = arith.cmpi sgt, %jit3A_1954, %sign3A_1963 : i32
        %sign3A_1965 = arith.extui %sign3A_1964 : i1 to i32
        %sign3A_1966 = arith.constant 0 : i32
        %sign3A_1967 = arith.cmpi slt, %jit3A_1954, %sign3A_1966 : i32
        %sign3A_1968 = arith.extui %sign3A_1967 : i1 to i32
        %sign3A_1969 = arith.subi %sign3A_1965, %sign3A_1968 : i32
        %ne3A_1970 = arith.cmpi ne, %sign3A_1962, %sign3A_1969 : i32
        %rem3A_1971 = arith.remsi %min3A_1945, %jit3A_1954 : i32
        %ne3A_1972 = arith.constant 0 : i32
        %ne3A_1973 = arith.cmpi ne, %rem3A_1971, %ne3A_1972 : i32
        %and3A_1974 = arith.andi %ne3A_1970, %ne3A_1973 : i1
        %sub3A_1975 = arith.constant 1 : i32
        %sub3A_1976 = arith.subi %div3A_1955, %sub3A_1975 : i32
        %select_n3A_1977 = arith.select %and3A_1974, %sub3A_1976, %div3A_1955 : i32
        %mul3A_1978 = arith.constant 16 : i32
        %mul3A_1979 = arith.muli %select_n3A_1977, %mul3A_1978 : i32
        %get3A_1980 = arith.index_cast %mul3A_1979 : i32 to index
        %get3A_1981 = tpu.vector_load %arg14[%get3A_1980] {strides = array<i32>} : memref<32xf32, #tpu.memory_space<vmem>>, vector<16xf32>,
        %sub3A_1982 = arith.subi %min3A_1945, %mul3A_1979 : i32
        %eq3A_1983 = vector.broadcast %sub3A_1982 : i32 to vector<16xi32>
        %eq3A_1984 = arith.cmpi eq, %iota3A, %eq3A_1983 : vector<16xi32>
        %broadcast_in_dim3A_1985 = vector.broadcast %reduce_max3A_1953 : f32 to vector<16xf32>
        %select_n3A_1986 = arith.select %eq3A_1984, %broadcast_in_dim3A_1985, %get3A_1981 : vector<16xi1>, vector<16xf32>
        %swap3A_1987 = arith.index_cast %mul3A_1979 : i32 to index
        %swap3A_1988 = tpu.vector_load %arg14[%swap3A_1987] {strides = array<i32>} : memref<32xf32, #tpu.memory_space<vmem>>, vector<16xf32>,
        tpu.vector_store %arg14[%swap3A_1987], %select_n3A_1986 {strides = array<i32>} : memref<32xf32, #tpu.memory_space<vmem>>, vector<16xf32>,
        %jit3A_1989 = arith.constant 16 : i32
        %div3A_1990 = arith.divsi %min3A_532, %jit3A_1989 : i32
        %sign3A_1991 = arith.constant 0 : i32
        %sign3A_1992 = arith.cmpi sgt, %min3A_532, %sign3A_1991 : i32
        %sign3A_1993 = arith.extui %sign3A_1992 : i1 to i32
        %sign3A_1994 = arith.constant 0 : i32
        %sign3A_1995 = arith.cmpi slt, %min3A_532, %sign3A_1994 : i32
        %sign3A_1996 = arith.extui %sign3A_1995 : i1 to i32
        %sign3A_1997 = arith.subi %sign3A_1993, %sign3A_1996 : i32
        %sign3A_1998 = arith.constant 0 : i32
        %sign3A_1999 = arith.cmpi sgt, %jit3A_1989, %sign3A_1998 : i32
        %sign3A_2000 = arith.extui %sign3A_1999 : i1 to i32
        %sign3A_2001 = arith.constant 0 : i32
        %sign3A_2002 = arith.cmpi slt, %jit3A_1989, %sign3A_2001 : i32
        %sign3A_2003 = arith.extui %sign3A_2002 : i1 to i32
        %sign3A_2004 = arith.subi %sign3A_2000, %sign3A_2003 : i32
        %ne3A_2005 = arith.cmpi ne, %sign3A_1997, %sign3A_2004 : i32
        %rem3A_2006 = arith.remsi %min3A_532, %jit3A_1989 : i32
        %ne3A_2007 = arith.constant 0 : i32
        %ne3A_2008 = arith.cmpi ne, %rem3A_2006, %ne3A_2007 : i32
        %and3A_2009 = arith.andi %ne3A_2005, %ne3A_2008 : i1
        %sub3A_2010 = arith.constant 1 : i32
        %sub3A_2011 = arith.subi %div3A_1990, %sub3A_2010 : i32
        %select_n3A_2012 = arith.select %and3A_2009, %sub3A_2011, %div3A_1990 : i32
        %add3A_2013 = arith.constant 1 : i32
        %add3A_2014 = arith.addi %select_n3A_2012, %add3A_2013 : i32
        %min3A_2015 = arith.constant 31 : i32
        %min3A_2016 = arith.minsi %add3A_2014, %min3A_2015 : i32
        %mul3A_2017 = arith.constant 16 : i32
        %mul3A_2018 = arith.muli %min3A_2016, %mul3A_2017 : i32
        %get3A_2019 = arith.index_cast %mul3A_2018 : i32 to index
        %get3A_2020 = tpu.vector_load %arg12[%get3A_2019] {strides = array<i32>} : memref<512xf32, #tpu.memory_space<vmem>>, vector<16xf32>,
        %reduce_max3A_2021 = arith.constant true
        %reduce_max3A_2022 = vector.broadcast %reduce_max3A_2021 : i1 to vector<16xi1>
        %reduce_max3A_2023 = tpu.scan <max>, %get3A_2020 masked %reduce_max3A_2022 : vector<16xf32>, vector<16xi1> -> vector<16xf32>
        %reduce_max3A_2024 = vector.extract %reduce_max3A_2023[15] : f32 from vector<16xf32>
        %jit3A_2025 = arith.constant 16 : i32
        %div3A_2026 = arith.divsi %min3A_2016, %jit3A_2025 : i32
        %sign3A_2027 = arith.constant 0 : i32
        %sign3A_2028 = arith.cmpi sgt, %min3A_2016, %sign3A_2027 : i32
        %sign3A_2029 = arith.extui %sign3A_2028 : i1 to i32
        %sign3A_2030 = arith.constant 0 : i32
        %sign3A_2031 = arith.cmpi slt, %min3A_2016, %sign3A_2030 : i32
        %sign3A_2032 = arith.extui %sign3A_2031 : i1 to i32
        %sign3A_2033 = arith.subi %sign3A_2029, %sign3A_2032 : i32
        %sign3A_2034 = arith.constant 0 : i32
        %sign3A_2035 = arith.cmpi sgt, %jit3A_2025, %sign3A_2034 : i32
        %sign3A_2036 = arith.extui %sign3A_2035 : i1 to i32
        %sign3A_2037 = arith.constant 0 : i32
        %sign3A_2038 = arith.cmpi slt, %jit3A_2025, %sign3A_2037 : i32
        %sign3A_2039 = arith.extui %sign3A_2038 : i1 to i32
        %sign3A_2040 = arith.subi %sign3A_2036, %sign3A_2039 : i32
        %ne3A_2041 = arith.cmpi ne, %sign3A_2033, %sign3A_2040 : i32
        %rem3A_2042 = arith.remsi %min3A_2016, %jit3A_2025 : i32
        %ne3A_2043 = arith.constant 0 : i32
        %ne3A_2044 = arith.cmpi ne, %rem3A_2042, %ne3A_2043 : i32
        %and3A_2045 = arith.andi %ne3A_2041, %ne3A_2044 : i1
        %sub3A_2046 = arith.constant 1 : i32
        %sub3A_2047 = arith.subi %div3A_2026, %sub3A_2046 : i32
        %select_n3A_2048 = arith.select %and3A_2045, %sub3A_2047, %div3A_2026 : i32
        %mul3A_2049 = arith.constant 16 : i32
        %mul3A_2050 = arith.muli %select_n3A_2048, %mul3A_2049 : i32
        %get3A_2051 = arith.index_cast %mul3A_2050 : i32 to index
        %get3A_2052 = tpu.vector_load %arg14[%get3A_2051] {strides = array<i32>} : memref<32xf32, #tpu.memory_space<vmem>>, vector<16xf32>,
        %sub3A_2053 = arith.subi %min3A_2016, %mul3A_2050 : i32
        %eq3A_2054 = vector.broadcast %sub3A_2053 : i32 to vector<16xi32>
        %eq3A_2055 = arith.cmpi eq, %iota3A, %eq3A_2054 : vector<16xi32>
        %broadcast_in_dim3A_2056 = vector.broadcast %reduce_max3A_2024 : f32 to vector<16xf32>
        %select_n3A_2057 = arith.select %eq3A_2055, %broadcast_in_dim3A_2056, %get3A_2052 : vector<16xi1>, vector<16xf32>
        %swap3A_2058 = arith.index_cast %mul3A_2050 : i32 to index
        %swap3A_2059 = tpu.vector_load %arg14[%swap3A_2058] {strides = array<i32>} : memref<32xf32, #tpu.memory_space<vmem>>, vector<16xf32>,
        tpu.vector_store %arg14[%swap3A_2058], %select_n3A_2057 {strides = array<i32>} : memref<32xf32, #tpu.memory_space<vmem>>, vector<16xf32>,
        %jit3A_2060 = arith.constant 16 : i32
        %div3A_2061 = arith.divsi %min3A_532, %jit3A_2060 : i32
        %sign3A_2062 = arith.constant 0 : i32
        %sign3A_2063 = arith.cmpi sgt, %min3A_532, %sign3A_2062 : i32
        %sign3A_2064 = arith.extui %sign3A_2063 : i1 to i32
        %sign3A_2065 = arith.constant 0 : i32
        %sign3A_2066 = arith.cmpi slt, %min3A_532, %sign3A_2065 : i32
        %sign3A_2067 = arith.extui %sign3A_2066 : i1 to i32
        %sign3A_2068 = arith.subi %sign3A_2064, %sign3A_2067 : i32
        %sign3A_2069 = arith.constant 0 : i32
        %sign3A_2070 = arith.cmpi sgt, %jit3A_2060, %sign3A_2069 : i32
        %sign3A_2071 = arith.extui %sign3A_2070 : i1 to i32
        %sign3A_2072 = arith.constant 0 : i32
        %sign3A_2073 = arith.cmpi slt, %jit3A_2060, %sign3A_2072 : i32
        %sign3A_2074 = arith.extui %sign3A_2073 : i1 to i32
        %sign3A_2075 = arith.subi %sign3A_2071, %sign3A_2074 : i32
        %ne3A_2076 = arith.cmpi ne, %sign3A_2068, %sign3A_2075 : i32
        %rem3A_2077 = arith.remsi %min3A_532, %jit3A_2060 : i32
        %ne3A_2078 = arith.constant 0 : i32
        %ne3A_2079 = arith.cmpi ne, %rem3A_2077, %ne3A_2078 : i32
        %and3A_2080 = arith.andi %ne3A_2076, %ne3A_2079 : i1
        %sub3A_2081 = arith.constant 1 : i32
        %sub3A_2082 = arith.subi %div3A_2061, %sub3A_2081 : i32
        %select_n3A_2083 = arith.select %and3A_2080, %sub3A_2082, %div3A_2061 : i32
        %add3A_2084 = arith.constant 2 : i32
        %add3A_2085 = arith.addi %select_n3A_2083, %add3A_2084 : i32
        %min3A_2086 = arith.constant 31 : i32
        %min3A_2087 = arith.minsi %add3A_2085, %min3A_2086 : i32
        %mul3A_2088 = arith.constant 16 : i32
        %mul3A_2089 = arith.muli %min3A_2087, %mul3A_2088 : i32
        %get3A_2090 = arith.index_cast %mul3A_2089 : i32 to index
        %get3A_2091 = tpu.vector_load %arg12[%get3A_2090] {strides = array<i32>} : memref<512xf32, #tpu.memory_space<vmem>>, vector<16xf32>,
        %reduce_max3A_2092 = arith.constant true
        %reduce_max3A_2093 = vector.broadcast %reduce_max3A_2092 : i1 to vector<16xi1>
        %reduce_max3A_2094 = tpu.scan <max>, %get3A_2091 masked %reduce_max3A_2093 : vector<16xf32>, vector<16xi1> -> vector<16xf32>
        %reduce_max3A_2095 = vector.extract %reduce_max3A_2094[15] : f32 from vector<16xf32>
        %jit3A_2096 = arith.constant 16 : i32
        %div3A_2097 = arith.divsi %min3A_2087, %jit3A_2096 : i32
        %sign3A_2098 = arith.constant 0 : i32
        %sign3A_2099 = arith.cmpi sgt, %min3A_2087, %sign3A_2098 : i32
        %sign3A_2100 = arith.extui %sign3A_2099 : i1 to i32
        %sign3A_2101 = arith.constant 0 : i32
        %sign3A_2102 = arith.cmpi slt, %min3A_2087, %sign3A_2101 : i32
        %sign3A_2103 = arith.extui %sign3A_2102 : i1 to i32
        %sign3A_2104 = arith.subi %sign3A_2100, %sign3A_2103 : i32
        %sign3A_2105 = arith.constant 0 : i32
        %sign3A_2106 = arith.cmpi sgt, %jit3A_2096, %sign3A_2105 : i32
        %sign3A_2107 = arith.extui %sign3A_2106 : i1 to i32
        %sign3A_2108 = arith.constant 0 : i32
        %sign3A_2109 = arith.cmpi slt, %jit3A_2096, %sign3A_2108 : i32
        %sign3A_2110 = arith.extui %sign3A_2109 : i1 to i32
        %sign3A_2111 = arith.subi %sign3A_2107, %sign3A_2110 : i32
        %ne3A_2112 = arith.cmpi ne, %sign3A_2104, %sign3A_2111 : i32
        %rem3A_2113 = arith.remsi %min3A_2087, %jit3A_2096 : i32
        %ne3A_2114 = arith.constant 0 : i32
        %ne3A_2115 = arith.cmpi ne, %rem3A_2113, %ne3A_2114 : i32
        %and3A_2116 = arith.andi %ne3A_2112, %ne3A_2115 : i1
        %sub3A_2117 = arith.constant 1 : i32
        %sub3A_2118 = arith.subi %div3A_2097, %sub3A_2117 : i32
        %select_n3A_2119 = arith.select %and3A_2116, %sub3A_2118, %div3A_2097 : i32
        %mul3A_2120 = arith.constant 16 : i32
        %mul3A_2121 = arith.muli %select_n3A_2119, %mul3A_2120 : i32
        %get3A_2122 = arith.index_cast %mul3A_2121 : i32 to index
        %get3A_2123 = tpu.vector_load %arg14[%get3A_2122] {strides = array<i32>} : memref<32xf32, #tpu.memory_space<vmem>>, vector<16xf32>,
        %sub3A_2124 = arith.subi %min3A_2087, %mul3A_2121 : i32
        %eq3A_2125 = vector.broadcast %sub3A_2124 : i32 to vector<16xi32>
        %eq3A_2126 = arith.cmpi eq, %iota3A, %eq3A_2125 : vector<16xi32>
        %broadcast_in_dim3A_2127 = vector.broadcast %reduce_max3A_2095 : f32 to vector<16xf32>
        %select_n3A_2128 = arith.select %eq3A_2126, %broadcast_in_dim3A_2127, %get3A_2123 : vector<16xi1>, vector<16xf32>
        %swap3A_2129 = arith.index_cast %mul3A_2121 : i32 to index
        %swap3A_2130 = tpu.vector_load %arg14[%swap3A_2129] {strides = array<i32>} : memref<32xf32, #tpu.memory_space<vmem>>, vector<16xf32>,
        tpu.vector_store %arg14[%swap3A_2129], %select_n3A_2128 {strides = array<i32>} : memref<32xf32, #tpu.memory_space<vmem>>, vector<16xf32>,
        %scan3A_2131 = arith.constant 0 : i32
        scf.yield %scan3A_2131 : i32
      }
      %scan3A_428 = arith.constant 8 : i32
      "tpu.region"() ({
        %run_scoped3A = tpu.sem_alloc : memref<!tpu.dma_semaphore, #tpu.memory_space<semaphore_mem>>
        %dma_start3A_429 = arith.constant 0 : i32
        %dma_start3A_430 = tpu.memref_slice %arg7[%add3A, %dma_start3A_429] : memref<8x16xi32, #tpu.memory_space<hbm>> -> memref<1x16xi32, #tpu.memory_space<hbm>>
        %dma_start3A_431 = tpu.memref_squeeze %dma_start3A_430 : memref<1x16xi32, #tpu.memory_space<hbm>> -> memref<16xi32, #tpu.memory_space<hbm>>
        %dma_start3A_432 = arith.constant 0 : i32
        %dma_start3A_433 = tpu.memref_slice %arg7[%add3A, %dma_start3A_432] : memref<8x16xi32, #tpu.memory_space<hbm>> -> memref<1x16xi32, #tpu.memory_space<hbm>>
        %dma_start3A_434 = tpu.memref_squeeze %dma_start3A_433 : memref<1x16xi32, #tpu.memory_space<hbm>> -> memref<16xi32, #tpu.memory_space<hbm>>
        tpu.enqueue_dma source(%arg16 : memref<16xi32, #tpu.memory_space<vmem>>) target(%dma_start3A_434 : memref<16xi32, #tpu.memory_space<hbm>>) target_semaphore(%run_scoped3A : memref<!tpu.dma_semaphore, #tpu.memory_space<semaphore_mem>>)
        %dma_wait3A_435 = arith.constant 0 : i32
        %dma_wait3A_436 = tpu.memref_slice %arg7[%add3A, %dma_wait3A_435] : memref<8x16xi32, #tpu.memory_space<hbm>> -> memref<1x16xi32, #tpu.memory_space<hbm>>
        %dma_wait3A_437 = tpu.memref_squeeze %dma_wait3A_436 : memref<1x16xi32, #tpu.memory_space<hbm>> -> memref<16xi32, #tpu.memory_space<hbm>>
        %dma_wait3A_438 = arith.constant 0 : i32
        %dma_wait3A_439 = tpu.memref_slice %arg7[%add3A, %dma_wait3A_438] : memref<8x16xi32, #tpu.memory_space<hbm>> -> memref<1x16xi32, #tpu.memory_space<hbm>>
        %dma_wait3A_440 = tpu.memref_squeeze %dma_wait3A_439 : memref<1x16xi32, #tpu.memory_space<hbm>> -> memref<16xi32, #tpu.memory_space<hbm>>
        tpu.wait_dma2 semaphore(%run_scoped3A : memref<!tpu.dma_semaphore, #tpu.memory_space<semaphore_mem>>) src(%arg16 : memref<16xi32, #tpu.memory_space<vmem>>) dst(%dma_wait3A_440 : memref<16xi32, #tpu.memory_space<hbm>>)
        tpu.yield
      }) : () -> ()
    } else {
    }
    return
  }
}

module attributes {stable_mosaic.version = 14 : i64} {
  func.func @_tc_init_body(%arg0: i32, %arg1: memref<1x1x512x512xf32, #tpu.memory_space<vmem>>, %arg2: memref<1x1x512xf32, #tpu.memory_space<vmem>>, %arg3: memref<1x1x512xi32, #tpu.memory_space<vmem>>, %arg4: memref<1x32x512xf32, #tpu.memory_space<vmem>>, %arg5: memref<1x32x512xi32, #tpu.memory_space<vmem>>) attributes {dimension_semantics = [#tpu.dimension_semantics<arbitrary>], iteration_bounds = array<i64: 8>, scalar_prefetch = 0 : i64, scratch_operands = 0 : i64, tpu.core_type = #tpu.core_type<tc>, window_params = [{transform_indices = @transform_0, window_bounds = array<i64: 1, 1, 512, 512>}, {transform_indices = @transform_1, window_bounds = array<i64: 1, 1, 512>}, {transform_indices = @transform_2, window_bounds = array<i64: 1, 1, 512>}, {transform_indices = @transform_3, window_bounds = array<i64: 1, 32, 512>}, {transform_indices = @transform_4, window_bounds = array<i64: 1, 32, 512>}]} {
    %get3A = arith.constant 0 : index
    %get3A_0 = arith.constant 0 : index
    %get3A_1 = arith.constant 0 : index
    %get3A_2 = arith.constant 0 : index
    %get3A_3 = vector.load %arg1[%get3A, %get3A_0, %get3A_1, %get3A_2] : memref<1x1x512x512xf32, #tpu.memory_space<vmem>>, vector<1x1x512x512xf32>
    %get3A_4 = vector.shape_cast %get3A_3 : vector<1x1x512x512xf32> to vector<512x512xf32>
    %transpose3A = tpu.transpose %get3A_4, [1, 0] : vector<512x512xf32> -> vector<512x512xf32>
    %slice3A = vector.extract_strided_slice %transpose3A {offsets = [0, 0], sizes = [504, 512], strides = [1, 1]} : vector<512x512xf32> to vector<504x512xf32>
    %slice3A_5 = vector.extract_strided_slice %transpose3A {offsets = [1, 0], sizes = [504, 512], strides = [1, 1]} : vector<512x512xf32> to vector<504x512xf32>
    %add3A = arith.addf %slice3A, %slice3A_5 : vector<504x512xf32>
    %slice3A_6 = vector.extract_strided_slice %transpose3A {offsets = [2, 0], sizes = [504, 512], strides = [1, 1]} : vector<512x512xf32> to vector<504x512xf32>
    %add3A_7 = arith.addf %add3A, %slice3A_6 : vector<504x512xf32>
    %slice3A_8 = vector.extract_strided_slice %transpose3A {offsets = [3, 0], sizes = [504, 512], strides = [1, 1]} : vector<512x512xf32> to vector<504x512xf32>
    %add3A_9 = arith.addf %add3A_7, %slice3A_8 : vector<504x512xf32>
    %slice3A_10 = vector.extract_strided_slice %transpose3A {offsets = [4, 0], sizes = [504, 512], strides = [1, 1]} : vector<512x512xf32> to vector<504x512xf32>
    %add3A_11 = arith.addf %add3A_9, %slice3A_10 : vector<504x512xf32>
    %slice3A_12 = vector.extract_strided_slice %transpose3A {offsets = [5, 0], sizes = [504, 512], strides = [1, 1]} : vector<512x512xf32> to vector<504x512xf32>
    %add3A_13 = arith.addf %add3A_11, %slice3A_12 : vector<504x512xf32>
    %slice3A_14 = vector.extract_strided_slice %transpose3A {offsets = [6, 0], sizes = [504, 512], strides = [1, 1]} : vector<512x512xf32> to vector<504x512xf32>
    %add3A_15 = arith.addf %add3A_13, %slice3A_14 : vector<504x512xf32>
    %slice3A_16 = vector.extract_strided_slice %transpose3A {offsets = [7, 0], sizes = [504, 512], strides = [1, 1]} : vector<512x512xf32> to vector<504x512xf32>
    %add3A_17 = arith.addf %add3A_15, %slice3A_16 : vector<504x512xf32>
    %slice3A_18 = vector.extract_strided_slice %transpose3A {offsets = [8, 0], sizes = [504, 512], strides = [1, 1]} : vector<512x512xf32> to vector<504x512xf32>
    %add3A_19 = arith.addf %add3A_17, %slice3A_18 : vector<504x512xf32>
    %slice3A_20 = vector.extract_strided_slice %add3A_19 {offsets = [0, 0], sizes = [504, 504], strides = [1, 1]} : vector<504x512xf32> to vector<504x504xf32>
    %slice3A_21 = vector.extract_strided_slice %add3A_19 {offsets = [0, 1], sizes = [504, 504], strides = [1, 1]} : vector<504x512xf32> to vector<504x504xf32>
    %add3A_22 = arith.addf %slice3A_20, %slice3A_21 : vector<504x504xf32>
    %slice3A_23 = vector.extract_strided_slice %add3A_19 {offsets = [0, 2], sizes = [504, 504], strides = [1, 1]} : vector<504x512xf32> to vector<504x504xf32>
    %add3A_24 = arith.addf %add3A_22, %slice3A_23 : vector<504x504xf32>
    %slice3A_25 = vector.extract_strided_slice %add3A_19 {offsets = [0, 3], sizes = [504, 504], strides = [1, 1]} : vector<504x512xf32> to vector<504x504xf32>
    %add3A_26 = arith.addf %add3A_24, %slice3A_25 : vector<504x504xf32>
    %slice3A_27 = vector.extract_strided_slice %add3A_19 {offsets = [0, 4], sizes = [504, 504], strides = [1, 1]} : vector<504x512xf32> to vector<504x504xf32>
    %add3A_28 = arith.addf %add3A_26, %slice3A_27 : vector<504x504xf32>
    %slice3A_29 = vector.extract_strided_slice %add3A_19 {offsets = [0, 5], sizes = [504, 504], strides = [1, 1]} : vector<504x512xf32> to vector<504x504xf32>
    %add3A_30 = arith.addf %add3A_28, %slice3A_29 : vector<504x504xf32>
    %slice3A_31 = vector.extract_strided_slice %add3A_19 {offsets = [0, 6], sizes = [504, 504], strides = [1, 1]} : vector<504x512xf32> to vector<504x504xf32>
    %add3A_32 = arith.addf %add3A_30, %slice3A_31 : vector<504x504xf32>
    %slice3A_33 = vector.extract_strided_slice %add3A_19 {offsets = [0, 7], sizes = [504, 504], strides = [1, 1]} : vector<504x512xf32> to vector<504x504xf32>
    %add3A_34 = arith.addf %add3A_32, %slice3A_33 : vector<504x504xf32>
    %slice3A_35 = vector.extract_strided_slice %add3A_19 {offsets = [0, 8], sizes = [504, 504], strides = [1, 1]} : vector<504x512xf32> to vector<504x504xf32>
    %add3A_36 = arith.addf %add3A_34, %slice3A_35 : vector<504x504xf32>
    %mul3A = arith.constant 0.0123456791 : f32
    %mul3A_37 = vector.broadcast %mul3A : f32 to vector<504x504xf32>
    %mul3A_38 = arith.mulf %add3A_36, %mul3A_37 : vector<504x504xf32>
    %broadcast_in_dim3A = arith.constant -3.000000e+38 : f32
    %broadcast_in_dim3A_39 = vector.broadcast %broadcast_in_dim3A : f32 to vector<8x504xf32>
    %concatenate3A = tpu.concatenate %mul3A_38, %broadcast_in_dim3A_39 in 0 : vector<504x504xf32>, vector<8x504xf32> -> vector<512x504xf32>
    %iota3A = tpu.iota {dimensions = array<i32: 0>} : vector<512x504xi32>
    %slice3A_40 = vector.extract_strided_slice %concatenate3A {offsets = [0, 0], sizes = [16, 504], strides = [1, 1]} : vector<512x504xf32> to vector<16x504xf32>
    %reduce_max3A = arith.constant dense<0xFF800000> : vector<504xf32>
    %reduce_max3A_41 = vector.multi_reduction <maximumf>, %slice3A_40, %reduce_max3A [0] : vector<16x504xf32> to vector<504xf32>
    %broadcast_in_dim3A_42 = vector.shape_cast %reduce_max3A_41 : vector<504xf32> to vector<1x504xf32>
    %slice3A_43 = vector.extract_strided_slice %iota3A {offsets = [0, 0], sizes = [16, 504], strides = [1, 1]} : vector<512x504xi32> to vector<16x504xi32>
    %eq3A = vector.broadcast %broadcast_in_dim3A_42 : vector<1x504xf32> to vector<16x504xf32>
    %eq3A_44 = arith.cmpf oeq, %slice3A_40, %eq3A : vector<16x504xf32>
    %jit3A = arith.constant 1073741824 : i32
    %broadcast_in_dim3A_45 = vector.broadcast %jit3A : i32 to vector<16x504xi32>
    %select_n3A = arith.select %eq3A_44, %slice3A_43, %broadcast_in_dim3A_45 : vector<16x504xi1>, vector<16x504xi32>
    %reduce_min3A = arith.constant dense<2147483647> : vector<504xi32>
    %reduce_min3A_46 = vector.multi_reduction <minsi>, %select_n3A, %reduce_min3A [0] : vector<16x504xi32> to vector<504xi32>
    %broadcast_in_dim3A_47 = vector.shape_cast %reduce_min3A_46 : vector<504xi32> to vector<1x504xi32>
    %slice3A_48 = vector.extract_strided_slice %concatenate3A {offsets = [16, 0], sizes = [16, 504], strides = [1, 1]} : vector<512x504xf32> to vector<16x504xf32>
    %reduce_max3A_49 = arith.constant dense<0xFF800000> : vector<504xf32>
    %reduce_max3A_50 = vector.multi_reduction <maximumf>, %slice3A_48, %reduce_max3A_49 [0] : vector<16x504xf32> to vector<504xf32>
    %broadcast_in_dim3A_51 = vector.shape_cast %reduce_max3A_50 : vector<504xf32> to vector<1x504xf32>
    %slice3A_52 = vector.extract_strided_slice %iota3A {offsets = [16, 0], sizes = [16, 504], strides = [1, 1]} : vector<512x504xi32> to vector<16x504xi32>
    %eq3A_53 = vector.broadcast %broadcast_in_dim3A_51 : vector<1x504xf32> to vector<16x504xf32>
    %eq3A_54 = arith.cmpf oeq, %slice3A_48, %eq3A_53 : vector<16x504xf32>
    %jit3A_55 = arith.constant 1073741824 : i32
    %broadcast_in_dim3A_56 = vector.broadcast %jit3A_55 : i32 to vector<16x504xi32>
    %select_n3A_57 = arith.select %eq3A_54, %slice3A_52, %broadcast_in_dim3A_56 : vector<16x504xi1>, vector<16x504xi32>
    %reduce_min3A_58 = arith.constant dense<2147483647> : vector<504xi32>
    %reduce_min3A_59 = vector.multi_reduction <minsi>, %select_n3A_57, %reduce_min3A_58 [0] : vector<16x504xi32> to vector<504xi32>
    %broadcast_in_dim3A_60 = vector.shape_cast %reduce_min3A_59 : vector<504xi32> to vector<1x504xi32>
    %slice3A_61 = vector.extract_strided_slice %concatenate3A {offsets = [32, 0], sizes = [16, 504], strides = [1, 1]} : vector<512x504xf32> to vector<16x504xf32>
    %reduce_max3A_62 = arith.constant dense<0xFF800000> : vector<504xf32>
    %reduce_max3A_63 = vector.multi_reduction <maximumf>, %slice3A_61, %reduce_max3A_62 [0] : vector<16x504xf32> to vector<504xf32>
    %broadcast_in_dim3A_64 = vector.shape_cast %reduce_max3A_63 : vector<504xf32> to vector<1x504xf32>
    %slice3A_65 = vector.extract_strided_slice %iota3A {offsets = [32, 0], sizes = [16, 504], strides = [1, 1]} : vector<512x504xi32> to vector<16x504xi32>
    %eq3A_66 = vector.broadcast %broadcast_in_dim3A_64 : vector<1x504xf32> to vector<16x504xf32>
    %eq3A_67 = arith.cmpf oeq, %slice3A_61, %eq3A_66 : vector<16x504xf32>
    %jit3A_68 = arith.constant 1073741824 : i32
    %broadcast_in_dim3A_69 = vector.broadcast %jit3A_68 : i32 to vector<16x504xi32>
    %select_n3A_70 = arith.select %eq3A_67, %slice3A_65, %broadcast_in_dim3A_69 : vector<16x504xi1>, vector<16x504xi32>
    %reduce_min3A_71 = arith.constant dense<2147483647> : vector<504xi32>
    %reduce_min3A_72 = vector.multi_reduction <minsi>, %select_n3A_70, %reduce_min3A_71 [0] : vector<16x504xi32> to vector<504xi32>
    %broadcast_in_dim3A_73 = vector.shape_cast %reduce_min3A_72 : vector<504xi32> to vector<1x504xi32>
    %slice3A_74 = vector.extract_strided_slice %concatenate3A {offsets = [48, 0], sizes = [16, 504], strides = [1, 1]} : vector<512x504xf32> to vector<16x504xf32>
    %reduce_max3A_75 = arith.constant dense<0xFF800000> : vector<504xf32>
    %reduce_max3A_76 = vector.multi_reduction <maximumf>, %slice3A_74, %reduce_max3A_75 [0] : vector<16x504xf32> to vector<504xf32>
    %broadcast_in_dim3A_77 = vector.shape_cast %reduce_max3A_76 : vector<504xf32> to vector<1x504xf32>
    %slice3A_78 = vector.extract_strided_slice %iota3A {offsets = [48, 0], sizes = [16, 504], strides = [1, 1]} : vector<512x504xi32> to vector<16x504xi32>
    %eq3A_79 = vector.broadcast %broadcast_in_dim3A_77 : vector<1x504xf32> to vector<16x504xf32>
    %eq3A_80 = arith.cmpf oeq, %slice3A_74, %eq3A_79 : vector<16x504xf32>
    %jit3A_81 = arith.constant 1073741824 : i32
    %broadcast_in_dim3A_82 = vector.broadcast %jit3A_81 : i32 to vector<16x504xi32>
    %select_n3A_83 = arith.select %eq3A_80, %slice3A_78, %broadcast_in_dim3A_82 : vector<16x504xi1>, vector<16x504xi32>
    %reduce_min3A_84 = arith.constant dense<2147483647> : vector<504xi32>
    %reduce_min3A_85 = vector.multi_reduction <minsi>, %select_n3A_83, %reduce_min3A_84 [0] : vector<16x504xi32> to vector<504xi32>
    %broadcast_in_dim3A_86 = vector.shape_cast %reduce_min3A_85 : vector<504xi32> to vector<1x504xi32>
    %slice3A_87 = vector.extract_strided_slice %concatenate3A {offsets = [64, 0], sizes = [16, 504], strides = [1, 1]} : vector<512x504xf32> to vector<16x504xf32>
    %reduce_max3A_88 = arith.constant dense<0xFF800000> : vector<504xf32>
    %reduce_max3A_89 = vector.multi_reduction <maximumf>, %slice3A_87, %reduce_max3A_88 [0] : vector<16x504xf32> to vector<504xf32>
    %broadcast_in_dim3A_90 = vector.shape_cast %reduce_max3A_89 : vector<504xf32> to vector<1x504xf32>
    %slice3A_91 = vector.extract_strided_slice %iota3A {offsets = [64, 0], sizes = [16, 504], strides = [1, 1]} : vector<512x504xi32> to vector<16x504xi32>
    %eq3A_92 = vector.broadcast %broadcast_in_dim3A_90 : vector<1x504xf32> to vector<16x504xf32>
    %eq3A_93 = arith.cmpf oeq, %slice3A_87, %eq3A_92 : vector<16x504xf32>
    %jit3A_94 = arith.constant 1073741824 : i32
    %broadcast_in_dim3A_95 = vector.broadcast %jit3A_94 : i32 to vector<16x504xi32>
    %select_n3A_96 = arith.select %eq3A_93, %slice3A_91, %broadcast_in_dim3A_95 : vector<16x504xi1>, vector<16x504xi32>
    %reduce_min3A_97 = arith.constant dense<2147483647> : vector<504xi32>
    %reduce_min3A_98 = vector.multi_reduction <minsi>, %select_n3A_96, %reduce_min3A_97 [0] : vector<16x504xi32> to vector<504xi32>
    %broadcast_in_dim3A_99 = vector.shape_cast %reduce_min3A_98 : vector<504xi32> to vector<1x504xi32>
    %slice3A_100 = vector.extract_strided_slice %concatenate3A {offsets = [80, 0], sizes = [16, 504], strides = [1, 1]} : vector<512x504xf32> to vector<16x504xf32>
    %reduce_max3A_101 = arith.constant dense<0xFF800000> : vector<504xf32>
    %reduce_max3A_102 = vector.multi_reduction <maximumf>, %slice3A_100, %reduce_max3A_101 [0] : vector<16x504xf32> to vector<504xf32>
    %broadcast_in_dim3A_103 = vector.shape_cast %reduce_max3A_102 : vector<504xf32> to vector<1x504xf32>
    %slice3A_104 = vector.extract_strided_slice %iota3A {offsets = [80, 0], sizes = [16, 504], strides = [1, 1]} : vector<512x504xi32> to vector<16x504xi32>
    %eq3A_105 = vector.broadcast %broadcast_in_dim3A_103 : vector<1x504xf32> to vector<16x504xf32>
    %eq3A_106 = arith.cmpf oeq, %slice3A_100, %eq3A_105 : vector<16x504xf32>
    %jit3A_107 = arith.constant 1073741824 : i32
    %broadcast_in_dim3A_108 = vector.broadcast %jit3A_107 : i32 to vector<16x504xi32>
    %select_n3A_109 = arith.select %eq3A_106, %slice3A_104, %broadcast_in_dim3A_108 : vector<16x504xi1>, vector<16x504xi32>
    %reduce_min3A_110 = arith.constant dense<2147483647> : vector<504xi32>
    %reduce_min3A_111 = vector.multi_reduction <minsi>, %select_n3A_109, %reduce_min3A_110 [0] : vector<16x504xi32> to vector<504xi32>
    %broadcast_in_dim3A_112 = vector.shape_cast %reduce_min3A_111 : vector<504xi32> to vector<1x504xi32>
    %slice3A_113 = vector.extract_strided_slice %concatenate3A {offsets = [96, 0], sizes = [16, 504], strides = [1, 1]} : vector<512x504xf32> to vector<16x504xf32>
    %reduce_max3A_114 = arith.constant dense<0xFF800000> : vector<504xf32>
    %reduce_max3A_115 = vector.multi_reduction <maximumf>, %slice3A_113, %reduce_max3A_114 [0] : vector<16x504xf32> to vector<504xf32>
    %broadcast_in_dim3A_116 = vector.shape_cast %reduce_max3A_115 : vector<504xf32> to vector<1x504xf32>
    %slice3A_117 = vector.extract_strided_slice %iota3A {offsets = [96, 0], sizes = [16, 504], strides = [1, 1]} : vector<512x504xi32> to vector<16x504xi32>
    %eq3A_118 = vector.broadcast %broadcast_in_dim3A_116 : vector<1x504xf32> to vector<16x504xf32>
    %eq3A_119 = arith.cmpf oeq, %slice3A_113, %eq3A_118 : vector<16x504xf32>
    %jit3A_120 = arith.constant 1073741824 : i32
    %broadcast_in_dim3A_121 = vector.broadcast %jit3A_120 : i32 to vector<16x504xi32>
    %select_n3A_122 = arith.select %eq3A_119, %slice3A_117, %broadcast_in_dim3A_121 : vector<16x504xi1>, vector<16x504xi32>
    %reduce_min3A_123 = arith.constant dense<2147483647> : vector<504xi32>
    %reduce_min3A_124 = vector.multi_reduction <minsi>, %select_n3A_122, %reduce_min3A_123 [0] : vector<16x504xi32> to vector<504xi32>
    %broadcast_in_dim3A_125 = vector.shape_cast %reduce_min3A_124 : vector<504xi32> to vector<1x504xi32>
    %slice3A_126 = vector.extract_strided_slice %concatenate3A {offsets = [112, 0], sizes = [16, 504], strides = [1, 1]} : vector<512x504xf32> to vector<16x504xf32>
    %reduce_max3A_127 = arith.constant dense<0xFF800000> : vector<504xf32>
    %reduce_max3A_128 = vector.multi_reduction <maximumf>, %slice3A_126, %reduce_max3A_127 [0] : vector<16x504xf32> to vector<504xf32>
    %broadcast_in_dim3A_129 = vector.shape_cast %reduce_max3A_128 : vector<504xf32> to vector<1x504xf32>
    %slice3A_130 = vector.extract_strided_slice %iota3A {offsets = [112, 0], sizes = [16, 504], strides = [1, 1]} : vector<512x504xi32> to vector<16x504xi32>
    %eq3A_131 = vector.broadcast %broadcast_in_dim3A_129 : vector<1x504xf32> to vector<16x504xf32>
    %eq3A_132 = arith.cmpf oeq, %slice3A_126, %eq3A_131 : vector<16x504xf32>
    %jit3A_133 = arith.constant 1073741824 : i32
    %broadcast_in_dim3A_134 = vector.broadcast %jit3A_133 : i32 to vector<16x504xi32>
    %select_n3A_135 = arith.select %eq3A_132, %slice3A_130, %broadcast_in_dim3A_134 : vector<16x504xi1>, vector<16x504xi32>
    %reduce_min3A_136 = arith.constant dense<2147483647> : vector<504xi32>
    %reduce_min3A_137 = vector.multi_reduction <minsi>, %select_n3A_135, %reduce_min3A_136 [0] : vector<16x504xi32> to vector<504xi32>
    %broadcast_in_dim3A_138 = vector.shape_cast %reduce_min3A_137 : vector<504xi32> to vector<1x504xi32>
    %slice3A_139 = vector.extract_strided_slice %concatenate3A {offsets = [128, 0], sizes = [16, 504], strides = [1, 1]} : vector<512x504xf32> to vector<16x504xf32>
    %reduce_max3A_140 = arith.constant dense<0xFF800000> : vector<504xf32>
    %reduce_max3A_141 = vector.multi_reduction <maximumf>, %slice3A_139, %reduce_max3A_140 [0] : vector<16x504xf32> to vector<504xf32>
    %broadcast_in_dim3A_142 = vector.shape_cast %reduce_max3A_141 : vector<504xf32> to vector<1x504xf32>
    %slice3A_143 = vector.extract_strided_slice %iota3A {offsets = [128, 0], sizes = [16, 504], strides = [1, 1]} : vector<512x504xi32> to vector<16x504xi32>
    %eq3A_144 = vector.broadcast %broadcast_in_dim3A_142 : vector<1x504xf32> to vector<16x504xf32>
    %eq3A_145 = arith.cmpf oeq, %slice3A_139, %eq3A_144 : vector<16x504xf32>
    %jit3A_146 = arith.constant 1073741824 : i32
    %broadcast_in_dim3A_147 = vector.broadcast %jit3A_146 : i32 to vector<16x504xi32>
    %select_n3A_148 = arith.select %eq3A_145, %slice3A_143, %broadcast_in_dim3A_147 : vector<16x504xi1>, vector<16x504xi32>
    %reduce_min3A_149 = arith.constant dense<2147483647> : vector<504xi32>
    %reduce_min3A_150 = vector.multi_reduction <minsi>, %select_n3A_148, %reduce_min3A_149 [0] : vector<16x504xi32> to vector<504xi32>
    %broadcast_in_dim3A_151 = vector.shape_cast %reduce_min3A_150 : vector<504xi32> to vector<1x504xi32>
    %slice3A_152 = vector.extract_strided_slice %concatenate3A {offsets = [144, 0], sizes = [16, 504], strides = [1, 1]} : vector<512x504xf32> to vector<16x504xf32>
    %reduce_max3A_153 = arith.constant dense<0xFF800000> : vector<504xf32>
    %reduce_max3A_154 = vector.multi_reduction <maximumf>, %slice3A_152, %reduce_max3A_153 [0] : vector<16x504xf32> to vector<504xf32>
    %broadcast_in_dim3A_155 = vector.shape_cast %reduce_max3A_154 : vector<504xf32> to vector<1x504xf32>
    %slice3A_156 = vector.extract_strided_slice %iota3A {offsets = [144, 0], sizes = [16, 504], strides = [1, 1]} : vector<512x504xi32> to vector<16x504xi32>
    %eq3A_157 = vector.broadcast %broadcast_in_dim3A_155 : vector<1x504xf32> to vector<16x504xf32>
    %eq3A_158 = arith.cmpf oeq, %slice3A_152, %eq3A_157 : vector<16x504xf32>
    %jit3A_159 = arith.constant 1073741824 : i32
    %broadcast_in_dim3A_160 = vector.broadcast %jit3A_159 : i32 to vector<16x504xi32>
    %select_n3A_161 = arith.select %eq3A_158, %slice3A_156, %broadcast_in_dim3A_160 : vector<16x504xi1>, vector<16x504xi32>
    %reduce_min3A_162 = arith.constant dense<2147483647> : vector<504xi32>
    %reduce_min3A_163 = vector.multi_reduction <minsi>, %select_n3A_161, %reduce_min3A_162 [0] : vector<16x504xi32> to vector<504xi32>
    %broadcast_in_dim3A_164 = vector.shape_cast %reduce_min3A_163 : vector<504xi32> to vector<1x504xi32>
    %slice3A_165 = vector.extract_strided_slice %concatenate3A {offsets = [160, 0], sizes = [16, 504], strides = [1, 1]} : vector<512x504xf32> to vector<16x504xf32>
    %reduce_max3A_166 = arith.constant dense<0xFF800000> : vector<504xf32>
    %reduce_max3A_167 = vector.multi_reduction <maximumf>, %slice3A_165, %reduce_max3A_166 [0] : vector<16x504xf32> to vector<504xf32>
    %broadcast_in_dim3A_168 = vector.shape_cast %reduce_max3A_167 : vector<504xf32> to vector<1x504xf32>
    %slice3A_169 = vector.extract_strided_slice %iota3A {offsets = [160, 0], sizes = [16, 504], strides = [1, 1]} : vector<512x504xi32> to vector<16x504xi32>
    %eq3A_170 = vector.broadcast %broadcast_in_dim3A_168 : vector<1x504xf32> to vector<16x504xf32>
    %eq3A_171 = arith.cmpf oeq, %slice3A_165, %eq3A_170 : vector<16x504xf32>
    %jit3A_172 = arith.constant 1073741824 : i32
    %broadcast_in_dim3A_173 = vector.broadcast %jit3A_172 : i32 to vector<16x504xi32>
    %select_n3A_174 = arith.select %eq3A_171, %slice3A_169, %broadcast_in_dim3A_173 : vector<16x504xi1>, vector<16x504xi32>
    %reduce_min3A_175 = arith.constant dense<2147483647> : vector<504xi32>
    %reduce_min3A_176 = vector.multi_reduction <minsi>, %select_n3A_174, %reduce_min3A_175 [0] : vector<16x504xi32> to vector<504xi32>
    %broadcast_in_dim3A_177 = vector.shape_cast %reduce_min3A_176 : vector<504xi32> to vector<1x504xi32>
    %slice3A_178 = vector.extract_strided_slice %concatenate3A {offsets = [176, 0], sizes = [16, 504], strides = [1, 1]} : vector<512x504xf32> to vector<16x504xf32>
    %reduce_max3A_179 = arith.constant dense<0xFF800000> : vector<504xf32>
    %reduce_max3A_180 = vector.multi_reduction <maximumf>, %slice3A_178, %reduce_max3A_179 [0] : vector<16x504xf32> to vector<504xf32>
    %broadcast_in_dim3A_181 = vector.shape_cast %reduce_max3A_180 : vector<504xf32> to vector<1x504xf32>
    %slice3A_182 = vector.extract_strided_slice %iota3A {offsets = [176, 0], sizes = [16, 504], strides = [1, 1]} : vector<512x504xi32> to vector<16x504xi32>
    %eq3A_183 = vector.broadcast %broadcast_in_dim3A_181 : vector<1x504xf32> to vector<16x504xf32>
    %eq3A_184 = arith.cmpf oeq, %slice3A_178, %eq3A_183 : vector<16x504xf32>
    %jit3A_185 = arith.constant 1073741824 : i32
    %broadcast_in_dim3A_186 = vector.broadcast %jit3A_185 : i32 to vector<16x504xi32>
    %select_n3A_187 = arith.select %eq3A_184, %slice3A_182, %broadcast_in_dim3A_186 : vector<16x504xi1>, vector<16x504xi32>
    %reduce_min3A_188 = arith.constant dense<2147483647> : vector<504xi32>
    %reduce_min3A_189 = vector.multi_reduction <minsi>, %select_n3A_187, %reduce_min3A_188 [0] : vector<16x504xi32> to vector<504xi32>
    %broadcast_in_dim3A_190 = vector.shape_cast %reduce_min3A_189 : vector<504xi32> to vector<1x504xi32>
    %slice3A_191 = vector.extract_strided_slice %concatenate3A {offsets = [192, 0], sizes = [16, 504], strides = [1, 1]} : vector<512x504xf32> to vector<16x504xf32>
    %reduce_max3A_192 = arith.constant dense<0xFF800000> : vector<504xf32>
    %reduce_max3A_193 = vector.multi_reduction <maximumf>, %slice3A_191, %reduce_max3A_192 [0] : vector<16x504xf32> to vector<504xf32>
    %broadcast_in_dim3A_194 = vector.shape_cast %reduce_max3A_193 : vector<504xf32> to vector<1x504xf32>
    %slice3A_195 = vector.extract_strided_slice %iota3A {offsets = [192, 0], sizes = [16, 504], strides = [1, 1]} : vector<512x504xi32> to vector<16x504xi32>
    %eq3A_196 = vector.broadcast %broadcast_in_dim3A_194 : vector<1x504xf32> to vector<16x504xf32>
    %eq3A_197 = arith.cmpf oeq, %slice3A_191, %eq3A_196 : vector<16x504xf32>
    %jit3A_198 = arith.constant 1073741824 : i32
    %broadcast_in_dim3A_199 = vector.broadcast %jit3A_198 : i32 to vector<16x504xi32>
    %select_n3A_200 = arith.select %eq3A_197, %slice3A_195, %broadcast_in_dim3A_199 : vector<16x504xi1>, vector<16x504xi32>
    %reduce_min3A_201 = arith.constant dense<2147483647> : vector<504xi32>
    %reduce_min3A_202 = vector.multi_reduction <minsi>, %select_n3A_200, %reduce_min3A_201 [0] : vector<16x504xi32> to vector<504xi32>
    %broadcast_in_dim3A_203 = vector.shape_cast %reduce_min3A_202 : vector<504xi32> to vector<1x504xi32>
    %slice3A_204 = vector.extract_strided_slice %concatenate3A {offsets = [208, 0], sizes = [16, 504], strides = [1, 1]} : vector<512x504xf32> to vector<16x504xf32>
    %reduce_max3A_205 = arith.constant dense<0xFF800000> : vector<504xf32>
    %reduce_max3A_206 = vector.multi_reduction <maximumf>, %slice3A_204, %reduce_max3A_205 [0] : vector<16x504xf32> to vector<504xf32>
    %broadcast_in_dim3A_207 = vector.shape_cast %reduce_max3A_206 : vector<504xf32> to vector<1x504xf32>
    %slice3A_208 = vector.extract_strided_slice %iota3A {offsets = [208, 0], sizes = [16, 504], strides = [1, 1]} : vector<512x504xi32> to vector<16x504xi32>
    %eq3A_209 = vector.broadcast %broadcast_in_dim3A_207 : vector<1x504xf32> to vector<16x504xf32>
    %eq3A_210 = arith.cmpf oeq, %slice3A_204, %eq3A_209 : vector<16x504xf32>
    %jit3A_211 = arith.constant 1073741824 : i32
    %broadcast_in_dim3A_212 = vector.broadcast %jit3A_211 : i32 to vector<16x504xi32>
    %select_n3A_213 = arith.select %eq3A_210, %slice3A_208, %broadcast_in_dim3A_212 : vector<16x504xi1>, vector<16x504xi32>
    %reduce_min3A_214 = arith.constant dense<2147483647> : vector<504xi32>
    %reduce_min3A_215 = vector.multi_reduction <minsi>, %select_n3A_213, %reduce_min3A_214 [0] : vector<16x504xi32> to vector<504xi32>
    %broadcast_in_dim3A_216 = vector.shape_cast %reduce_min3A_215 : vector<504xi32> to vector<1x504xi32>
    %slice3A_217 = vector.extract_strided_slice %concatenate3A {offsets = [224, 0], sizes = [16, 504], strides = [1, 1]} : vector<512x504xf32> to vector<16x504xf32>
    %reduce_max3A_218 = arith.constant dense<0xFF800000> : vector<504xf32>
    %reduce_max3A_219 = vector.multi_reduction <maximumf>, %slice3A_217, %reduce_max3A_218 [0] : vector<16x504xf32> to vector<504xf32>
    %broadcast_in_dim3A_220 = vector.shape_cast %reduce_max3A_219 : vector<504xf32> to vector<1x504xf32>
    %slice3A_221 = vector.extract_strided_slice %iota3A {offsets = [224, 0], sizes = [16, 504], strides = [1, 1]} : vector<512x504xi32> to vector<16x504xi32>
    %eq3A_222 = vector.broadcast %broadcast_in_dim3A_220 : vector<1x504xf32> to vector<16x504xf32>
    %eq3A_223 = arith.cmpf oeq, %slice3A_217, %eq3A_222 : vector<16x504xf32>
    %jit3A_224 = arith.constant 1073741824 : i32
    %broadcast_in_dim3A_225 = vector.broadcast %jit3A_224 : i32 to vector<16x504xi32>
    %select_n3A_226 = arith.select %eq3A_223, %slice3A_221, %broadcast_in_dim3A_225 : vector<16x504xi1>, vector<16x504xi32>
    %reduce_min3A_227 = arith.constant dense<2147483647> : vector<504xi32>
    %reduce_min3A_228 = vector.multi_reduction <minsi>, %select_n3A_226, %reduce_min3A_227 [0] : vector<16x504xi32> to vector<504xi32>
    %broadcast_in_dim3A_229 = vector.shape_cast %reduce_min3A_228 : vector<504xi32> to vector<1x504xi32>
    %slice3A_230 = vector.extract_strided_slice %concatenate3A {offsets = [240, 0], sizes = [16, 504], strides = [1, 1]} : vector<512x504xf32> to vector<16x504xf32>
    %reduce_max3A_231 = arith.constant dense<0xFF800000> : vector<504xf32>
    %reduce_max3A_232 = vector.multi_reduction <maximumf>, %slice3A_230, %reduce_max3A_231 [0] : vector<16x504xf32> to vector<504xf32>
    %broadcast_in_dim3A_233 = vector.shape_cast %reduce_max3A_232 : vector<504xf32> to vector<1x504xf32>
    %slice3A_234 = vector.extract_strided_slice %iota3A {offsets = [240, 0], sizes = [16, 504], strides = [1, 1]} : vector<512x504xi32> to vector<16x504xi32>
    %eq3A_235 = vector.broadcast %broadcast_in_dim3A_233 : vector<1x504xf32> to vector<16x504xf32>
    %eq3A_236 = arith.cmpf oeq, %slice3A_230, %eq3A_235 : vector<16x504xf32>
    %jit3A_237 = arith.constant 1073741824 : i32
    %broadcast_in_dim3A_238 = vector.broadcast %jit3A_237 : i32 to vector<16x504xi32>
    %select_n3A_239 = arith.select %eq3A_236, %slice3A_234, %broadcast_in_dim3A_238 : vector<16x504xi1>, vector<16x504xi32>
    %reduce_min3A_240 = arith.constant dense<2147483647> : vector<504xi32>
    %reduce_min3A_241 = vector.multi_reduction <minsi>, %select_n3A_239, %reduce_min3A_240 [0] : vector<16x504xi32> to vector<504xi32>
    %broadcast_in_dim3A_242 = vector.shape_cast %reduce_min3A_241 : vector<504xi32> to vector<1x504xi32>
    %slice3A_243 = vector.extract_strided_slice %concatenate3A {offsets = [256, 0], sizes = [16, 504], strides = [1, 1]} : vector<512x504xf32> to vector<16x504xf32>
    %reduce_max3A_244 = arith.constant dense<0xFF800000> : vector<504xf32>
    %reduce_max3A_245 = vector.multi_reduction <maximumf>, %slice3A_243, %reduce_max3A_244 [0] : vector<16x504xf32> to vector<504xf32>
    %broadcast_in_dim3A_246 = vector.shape_cast %reduce_max3A_245 : vector<504xf32> to vector<1x504xf32>
    %slice3A_247 = vector.extract_strided_slice %iota3A {offsets = [256, 0], sizes = [16, 504], strides = [1, 1]} : vector<512x504xi32> to vector<16x504xi32>
    %eq3A_248 = vector.broadcast %broadcast_in_dim3A_246 : vector<1x504xf32> to vector<16x504xf32>
    %eq3A_249 = arith.cmpf oeq, %slice3A_243, %eq3A_248 : vector<16x504xf32>
    %jit3A_250 = arith.constant 1073741824 : i32
    %broadcast_in_dim3A_251 = vector.broadcast %jit3A_250 : i32 to vector<16x504xi32>
    %select_n3A_252 = arith.select %eq3A_249, %slice3A_247, %broadcast_in_dim3A_251 : vector<16x504xi1>, vector<16x504xi32>
    %reduce_min3A_253 = arith.constant dense<2147483647> : vector<504xi32>
    %reduce_min3A_254 = vector.multi_reduction <minsi>, %select_n3A_252, %reduce_min3A_253 [0] : vector<16x504xi32> to vector<504xi32>
    %broadcast_in_dim3A_255 = vector.shape_cast %reduce_min3A_254 : vector<504xi32> to vector<1x504xi32>
    %slice3A_256 = vector.extract_strided_slice %concatenate3A {offsets = [272, 0], sizes = [16, 504], strides = [1, 1]} : vector<512x504xf32> to vector<16x504xf32>
    %reduce_max3A_257 = arith.constant dense<0xFF800000> : vector<504xf32>
    %reduce_max3A_258 = vector.multi_reduction <maximumf>, %slice3A_256, %reduce_max3A_257 [0] : vector<16x504xf32> to vector<504xf32>
    %broadcast_in_dim3A_259 = vector.shape_cast %reduce_max3A_258 : vector<504xf32> to vector<1x504xf32>
    %slice3A_260 = vector.extract_strided_slice %iota3A {offsets = [272, 0], sizes = [16, 504], strides = [1, 1]} : vector<512x504xi32> to vector<16x504xi32>
    %eq3A_261 = vector.broadcast %broadcast_in_dim3A_259 : vector<1x504xf32> to vector<16x504xf32>
    %eq3A_262 = arith.cmpf oeq, %slice3A_256, %eq3A_261 : vector<16x504xf32>
    %jit3A_263 = arith.constant 1073741824 : i32
    %broadcast_in_dim3A_264 = vector.broadcast %jit3A_263 : i32 to vector<16x504xi32>
    %select_n3A_265 = arith.select %eq3A_262, %slice3A_260, %broadcast_in_dim3A_264 : vector<16x504xi1>, vector<16x504xi32>
    %reduce_min3A_266 = arith.constant dense<2147483647> : vector<504xi32>
    %reduce_min3A_267 = vector.multi_reduction <minsi>, %select_n3A_265, %reduce_min3A_266 [0] : vector<16x504xi32> to vector<504xi32>
    %broadcast_in_dim3A_268 = vector.shape_cast %reduce_min3A_267 : vector<504xi32> to vector<1x504xi32>
    %slice3A_269 = vector.extract_strided_slice %concatenate3A {offsets = [288, 0], sizes = [16, 504], strides = [1, 1]} : vector<512x504xf32> to vector<16x504xf32>
    %reduce_max3A_270 = arith.constant dense<0xFF800000> : vector<504xf32>
    %reduce_max3A_271 = vector.multi_reduction <maximumf>, %slice3A_269, %reduce_max3A_270 [0] : vector<16x504xf32> to vector<504xf32>
    %broadcast_in_dim3A_272 = vector.shape_cast %reduce_max3A_271 : vector<504xf32> to vector<1x504xf32>
    %slice3A_273 = vector.extract_strided_slice %iota3A {offsets = [288, 0], sizes = [16, 504], strides = [1, 1]} : vector<512x504xi32> to vector<16x504xi32>
    %eq3A_274 = vector.broadcast %broadcast_in_dim3A_272 : vector<1x504xf32> to vector<16x504xf32>
    %eq3A_275 = arith.cmpf oeq, %slice3A_269, %eq3A_274 : vector<16x504xf32>
    %jit3A_276 = arith.constant 1073741824 : i32
    %broadcast_in_dim3A_277 = vector.broadcast %jit3A_276 : i32 to vector<16x504xi32>
    %select_n3A_278 = arith.select %eq3A_275, %slice3A_273, %broadcast_in_dim3A_277 : vector<16x504xi1>, vector<16x504xi32>
    %reduce_min3A_279 = arith.constant dense<2147483647> : vector<504xi32>
    %reduce_min3A_280 = vector.multi_reduction <minsi>, %select_n3A_278, %reduce_min3A_279 [0] : vector<16x504xi32> to vector<504xi32>
    %broadcast_in_dim3A_281 = vector.shape_cast %reduce_min3A_280 : vector<504xi32> to vector<1x504xi32>
    %slice3A_282 = vector.extract_strided_slice %concatenate3A {offsets = [304, 0], sizes = [16, 504], strides = [1, 1]} : vector<512x504xf32> to vector<16x504xf32>
    %reduce_max3A_283 = arith.constant dense<0xFF800000> : vector<504xf32>
    %reduce_max3A_284 = vector.multi_reduction <maximumf>, %slice3A_282, %reduce_max3A_283 [0] : vector<16x504xf32> to vector<504xf32>
    %broadcast_in_dim3A_285 = vector.shape_cast %reduce_max3A_284 : vector<504xf32> to vector<1x504xf32>
    %slice3A_286 = vector.extract_strided_slice %iota3A {offsets = [304, 0], sizes = [16, 504], strides = [1, 1]} : vector<512x504xi32> to vector<16x504xi32>
    %eq3A_287 = vector.broadcast %broadcast_in_dim3A_285 : vector<1x504xf32> to vector<16x504xf32>
    %eq3A_288 = arith.cmpf oeq, %slice3A_282, %eq3A_287 : vector<16x504xf32>
    %jit3A_289 = arith.constant 1073741824 : i32
    %broadcast_in_dim3A_290 = vector.broadcast %jit3A_289 : i32 to vector<16x504xi32>
    %select_n3A_291 = arith.select %eq3A_288, %slice3A_286, %broadcast_in_dim3A_290 : vector<16x504xi1>, vector<16x504xi32>
    %reduce_min3A_292 = arith.constant dense<2147483647> : vector<504xi32>
    %reduce_min3A_293 = vector.multi_reduction <minsi>, %select_n3A_291, %reduce_min3A_292 [0] : vector<16x504xi32> to vector<504xi32>
    %broadcast_in_dim3A_294 = vector.shape_cast %reduce_min3A_293 : vector<504xi32> to vector<1x504xi32>
    %slice3A_295 = vector.extract_strided_slice %concatenate3A {offsets = [320, 0], sizes = [16, 504], strides = [1, 1]} : vector<512x504xf32> to vector<16x504xf32>
    %reduce_max3A_296 = arith.constant dense<0xFF800000> : vector<504xf32>
    %reduce_max3A_297 = vector.multi_reduction <maximumf>, %slice3A_295, %reduce_max3A_296 [0] : vector<16x504xf32> to vector<504xf32>
    %broadcast_in_dim3A_298 = vector.shape_cast %reduce_max3A_297 : vector<504xf32> to vector<1x504xf32>
    %slice3A_299 = vector.extract_strided_slice %iota3A {offsets = [320, 0], sizes = [16, 504], strides = [1, 1]} : vector<512x504xi32> to vector<16x504xi32>
    %eq3A_300 = vector.broadcast %broadcast_in_dim3A_298 : vector<1x504xf32> to vector<16x504xf32>
    %eq3A_301 = arith.cmpf oeq, %slice3A_295, %eq3A_300 : vector<16x504xf32>
    %jit3A_302 = arith.constant 1073741824 : i32
    %broadcast_in_dim3A_303 = vector.broadcast %jit3A_302 : i32 to vector<16x504xi32>
    %select_n3A_304 = arith.select %eq3A_301, %slice3A_299, %broadcast_in_dim3A_303 : vector<16x504xi1>, vector<16x504xi32>
    %reduce_min3A_305 = arith.constant dense<2147483647> : vector<504xi32>
    %reduce_min3A_306 = vector.multi_reduction <minsi>, %select_n3A_304, %reduce_min3A_305 [0] : vector<16x504xi32> to vector<504xi32>
    %broadcast_in_dim3A_307 = vector.shape_cast %reduce_min3A_306 : vector<504xi32> to vector<1x504xi32>
    %slice3A_308 = vector.extract_strided_slice %concatenate3A {offsets = [336, 0], sizes = [16, 504], strides = [1, 1]} : vector<512x504xf32> to vector<16x504xf32>
    %reduce_max3A_309 = arith.constant dense<0xFF800000> : vector<504xf32>
    %reduce_max3A_310 = vector.multi_reduction <maximumf>, %slice3A_308, %reduce_max3A_309 [0] : vector<16x504xf32> to vector<504xf32>
    %broadcast_in_dim3A_311 = vector.shape_cast %reduce_max3A_310 : vector<504xf32> to vector<1x504xf32>
    %slice3A_312 = vector.extract_strided_slice %iota3A {offsets = [336, 0], sizes = [16, 504], strides = [1, 1]} : vector<512x504xi32> to vector<16x504xi32>
    %eq3A_313 = vector.broadcast %broadcast_in_dim3A_311 : vector<1x504xf32> to vector<16x504xf32>
    %eq3A_314 = arith.cmpf oeq, %slice3A_308, %eq3A_313 : vector<16x504xf32>
    %jit3A_315 = arith.constant 1073741824 : i32
    %broadcast_in_dim3A_316 = vector.broadcast %jit3A_315 : i32 to vector<16x504xi32>
    %select_n3A_317 = arith.select %eq3A_314, %slice3A_312, %broadcast_in_dim3A_316 : vector<16x504xi1>, vector<16x504xi32>
    %reduce_min3A_318 = arith.constant dense<2147483647> : vector<504xi32>
    %reduce_min3A_319 = vector.multi_reduction <minsi>, %select_n3A_317, %reduce_min3A_318 [0] : vector<16x504xi32> to vector<504xi32>
    %broadcast_in_dim3A_320 = vector.shape_cast %reduce_min3A_319 : vector<504xi32> to vector<1x504xi32>
    %slice3A_321 = vector.extract_strided_slice %concatenate3A {offsets = [352, 0], sizes = [16, 504], strides = [1, 1]} : vector<512x504xf32> to vector<16x504xf32>
    %reduce_max3A_322 = arith.constant dense<0xFF800000> : vector<504xf32>
    %reduce_max3A_323 = vector.multi_reduction <maximumf>, %slice3A_321, %reduce_max3A_322 [0] : vector<16x504xf32> to vector<504xf32>
    %broadcast_in_dim3A_324 = vector.shape_cast %reduce_max3A_323 : vector<504xf32> to vector<1x504xf32>
    %slice3A_325 = vector.extract_strided_slice %iota3A {offsets = [352, 0], sizes = [16, 504], strides = [1, 1]} : vector<512x504xi32> to vector<16x504xi32>
    %eq3A_326 = vector.broadcast %broadcast_in_dim3A_324 : vector<1x504xf32> to vector<16x504xf32>
    %eq3A_327 = arith.cmpf oeq, %slice3A_321, %eq3A_326 : vector<16x504xf32>
    %jit3A_328 = arith.constant 1073741824 : i32
    %broadcast_in_dim3A_329 = vector.broadcast %jit3A_328 : i32 to vector<16x504xi32>
    %select_n3A_330 = arith.select %eq3A_327, %slice3A_325, %broadcast_in_dim3A_329 : vector<16x504xi1>, vector<16x504xi32>
    %reduce_min3A_331 = arith.constant dense<2147483647> : vector<504xi32>
    %reduce_min3A_332 = vector.multi_reduction <minsi>, %select_n3A_330, %reduce_min3A_331 [0] : vector<16x504xi32> to vector<504xi32>
    %broadcast_in_dim3A_333 = vector.shape_cast %reduce_min3A_332 : vector<504xi32> to vector<1x504xi32>
    %slice3A_334 = vector.extract_strided_slice %concatenate3A {offsets = [368, 0], sizes = [16, 504], strides = [1, 1]} : vector<512x504xf32> to vector<16x504xf32>
    %reduce_max3A_335 = arith.constant dense<0xFF800000> : vector<504xf32>
    %reduce_max3A_336 = vector.multi_reduction <maximumf>, %slice3A_334, %reduce_max3A_335 [0] : vector<16x504xf32> to vector<504xf32>
    %broadcast_in_dim3A_337 = vector.shape_cast %reduce_max3A_336 : vector<504xf32> to vector<1x504xf32>
    %slice3A_338 = vector.extract_strided_slice %iota3A {offsets = [368, 0], sizes = [16, 504], strides = [1, 1]} : vector<512x504xi32> to vector<16x504xi32>
    %eq3A_339 = vector.broadcast %broadcast_in_dim3A_337 : vector<1x504xf32> to vector<16x504xf32>
    %eq3A_340 = arith.cmpf oeq, %slice3A_334, %eq3A_339 : vector<16x504xf32>
    %jit3A_341 = arith.constant 1073741824 : i32
    %broadcast_in_dim3A_342 = vector.broadcast %jit3A_341 : i32 to vector<16x504xi32>
    %select_n3A_343 = arith.select %eq3A_340, %slice3A_338, %broadcast_in_dim3A_342 : vector<16x504xi1>, vector<16x504xi32>
    %reduce_min3A_344 = arith.constant dense<2147483647> : vector<504xi32>
    %reduce_min3A_345 = vector.multi_reduction <minsi>, %select_n3A_343, %reduce_min3A_344 [0] : vector<16x504xi32> to vector<504xi32>
    %broadcast_in_dim3A_346 = vector.shape_cast %reduce_min3A_345 : vector<504xi32> to vector<1x504xi32>
    %slice3A_347 = vector.extract_strided_slice %concatenate3A {offsets = [384, 0], sizes = [16, 504], strides = [1, 1]} : vector<512x504xf32> to vector<16x504xf32>
    %reduce_max3A_348 = arith.constant dense<0xFF800000> : vector<504xf32>
    %reduce_max3A_349 = vector.multi_reduction <maximumf>, %slice3A_347, %reduce_max3A_348 [0] : vector<16x504xf32> to vector<504xf32>
    %broadcast_in_dim3A_350 = vector.shape_cast %reduce_max3A_349 : vector<504xf32> to vector<1x504xf32>
    %slice3A_351 = vector.extract_strided_slice %iota3A {offsets = [384, 0], sizes = [16, 504], strides = [1, 1]} : vector<512x504xi32> to vector<16x504xi32>
    %eq3A_352 = vector.broadcast %broadcast_in_dim3A_350 : vector<1x504xf32> to vector<16x504xf32>
    %eq3A_353 = arith.cmpf oeq, %slice3A_347, %eq3A_352 : vector<16x504xf32>
    %jit3A_354 = arith.constant 1073741824 : i32
    %broadcast_in_dim3A_355 = vector.broadcast %jit3A_354 : i32 to vector<16x504xi32>
    %select_n3A_356 = arith.select %eq3A_353, %slice3A_351, %broadcast_in_dim3A_355 : vector<16x504xi1>, vector<16x504xi32>
    %reduce_min3A_357 = arith.constant dense<2147483647> : vector<504xi32>
    %reduce_min3A_358 = vector.multi_reduction <minsi>, %select_n3A_356, %reduce_min3A_357 [0] : vector<16x504xi32> to vector<504xi32>
    %broadcast_in_dim3A_359 = vector.shape_cast %reduce_min3A_358 : vector<504xi32> to vector<1x504xi32>
    %slice3A_360 = vector.extract_strided_slice %concatenate3A {offsets = [400, 0], sizes = [16, 504], strides = [1, 1]} : vector<512x504xf32> to vector<16x504xf32>
    %reduce_max3A_361 = arith.constant dense<0xFF800000> : vector<504xf32>
    %reduce_max3A_362 = vector.multi_reduction <maximumf>, %slice3A_360, %reduce_max3A_361 [0] : vector<16x504xf32> to vector<504xf32>
    %broadcast_in_dim3A_363 = vector.shape_cast %reduce_max3A_362 : vector<504xf32> to vector<1x504xf32>
    %slice3A_364 = vector.extract_strided_slice %iota3A {offsets = [400, 0], sizes = [16, 504], strides = [1, 1]} : vector<512x504xi32> to vector<16x504xi32>
    %eq3A_365 = vector.broadcast %broadcast_in_dim3A_363 : vector<1x504xf32> to vector<16x504xf32>
    %eq3A_366 = arith.cmpf oeq, %slice3A_360, %eq3A_365 : vector<16x504xf32>
    %jit3A_367 = arith.constant 1073741824 : i32
    %broadcast_in_dim3A_368 = vector.broadcast %jit3A_367 : i32 to vector<16x504xi32>
    %select_n3A_369 = arith.select %eq3A_366, %slice3A_364, %broadcast_in_dim3A_368 : vector<16x504xi1>, vector<16x504xi32>
    %reduce_min3A_370 = arith.constant dense<2147483647> : vector<504xi32>
    %reduce_min3A_371 = vector.multi_reduction <minsi>, %select_n3A_369, %reduce_min3A_370 [0] : vector<16x504xi32> to vector<504xi32>
    %broadcast_in_dim3A_372 = vector.shape_cast %reduce_min3A_371 : vector<504xi32> to vector<1x504xi32>
    %slice3A_373 = vector.extract_strided_slice %concatenate3A {offsets = [416, 0], sizes = [16, 504], strides = [1, 1]} : vector<512x504xf32> to vector<16x504xf32>
    %reduce_max3A_374 = arith.constant dense<0xFF800000> : vector<504xf32>
    %reduce_max3A_375 = vector.multi_reduction <maximumf>, %slice3A_373, %reduce_max3A_374 [0] : vector<16x504xf32> to vector<504xf32>
    %broadcast_in_dim3A_376 = vector.shape_cast %reduce_max3A_375 : vector<504xf32> to vector<1x504xf32>
    %slice3A_377 = vector.extract_strided_slice %iota3A {offsets = [416, 0], sizes = [16, 504], strides = [1, 1]} : vector<512x504xi32> to vector<16x504xi32>
    %eq3A_378 = vector.broadcast %broadcast_in_dim3A_376 : vector<1x504xf32> to vector<16x504xf32>
    %eq3A_379 = arith.cmpf oeq, %slice3A_373, %eq3A_378 : vector<16x504xf32>
    %jit3A_380 = arith.constant 1073741824 : i32
    %broadcast_in_dim3A_381 = vector.broadcast %jit3A_380 : i32 to vector<16x504xi32>
    %select_n3A_382 = arith.select %eq3A_379, %slice3A_377, %broadcast_in_dim3A_381 : vector<16x504xi1>, vector<16x504xi32>
    %reduce_min3A_383 = arith.constant dense<2147483647> : vector<504xi32>
    %reduce_min3A_384 = vector.multi_reduction <minsi>, %select_n3A_382, %reduce_min3A_383 [0] : vector<16x504xi32> to vector<504xi32>
    %broadcast_in_dim3A_385 = vector.shape_cast %reduce_min3A_384 : vector<504xi32> to vector<1x504xi32>
    %slice3A_386 = vector.extract_strided_slice %concatenate3A {offsets = [432, 0], sizes = [16, 504], strides = [1, 1]} : vector<512x504xf32> to vector<16x504xf32>
    %reduce_max3A_387 = arith.constant dense<0xFF800000> : vector<504xf32>
    %reduce_max3A_388 = vector.multi_reduction <maximumf>, %slice3A_386, %reduce_max3A_387 [0] : vector<16x504xf32> to vector<504xf32>
    %broadcast_in_dim3A_389 = vector.shape_cast %reduce_max3A_388 : vector<504xf32> to vector<1x504xf32>
    %slice3A_390 = vector.extract_strided_slice %iota3A {offsets = [432, 0], sizes = [16, 504], strides = [1, 1]} : vector<512x504xi32> to vector<16x504xi32>
    %eq3A_391 = vector.broadcast %broadcast_in_dim3A_389 : vector<1x504xf32> to vector<16x504xf32>
    %eq3A_392 = arith.cmpf oeq, %slice3A_386, %eq3A_391 : vector<16x504xf32>
    %jit3A_393 = arith.constant 1073741824 : i32
    %broadcast_in_dim3A_394 = vector.broadcast %jit3A_393 : i32 to vector<16x504xi32>
    %select_n3A_395 = arith.select %eq3A_392, %slice3A_390, %broadcast_in_dim3A_394 : vector<16x504xi1>, vector<16x504xi32>
    %reduce_min3A_396 = arith.constant dense<2147483647> : vector<504xi32>
    %reduce_min3A_397 = vector.multi_reduction <minsi>, %select_n3A_395, %reduce_min3A_396 [0] : vector<16x504xi32> to vector<504xi32>
    %broadcast_in_dim3A_398 = vector.shape_cast %reduce_min3A_397 : vector<504xi32> to vector<1x504xi32>
    %slice3A_399 = vector.extract_strided_slice %concatenate3A {offsets = [448, 0], sizes = [16, 504], strides = [1, 1]} : vector<512x504xf32> to vector<16x504xf32>
    %reduce_max3A_400 = arith.constant dense<0xFF800000> : vector<504xf32>
    %reduce_max3A_401 = vector.multi_reduction <maximumf>, %slice3A_399, %reduce_max3A_400 [0] : vector<16x504xf32> to vector<504xf32>
    %broadcast_in_dim3A_402 = vector.shape_cast %reduce_max3A_401 : vector<504xf32> to vector<1x504xf32>
    %slice3A_403 = vector.extract_strided_slice %iota3A {offsets = [448, 0], sizes = [16, 504], strides = [1, 1]} : vector<512x504xi32> to vector<16x504xi32>
    %eq3A_404 = vector.broadcast %broadcast_in_dim3A_402 : vector<1x504xf32> to vector<16x504xf32>
    %eq3A_405 = arith.cmpf oeq, %slice3A_399, %eq3A_404 : vector<16x504xf32>
    %jit3A_406 = arith.constant 1073741824 : i32
    %broadcast_in_dim3A_407 = vector.broadcast %jit3A_406 : i32 to vector<16x504xi32>
    %select_n3A_408 = arith.select %eq3A_405, %slice3A_403, %broadcast_in_dim3A_407 : vector<16x504xi1>, vector<16x504xi32>
    %reduce_min3A_409 = arith.constant dense<2147483647> : vector<504xi32>
    %reduce_min3A_410 = vector.multi_reduction <minsi>, %select_n3A_408, %reduce_min3A_409 [0] : vector<16x504xi32> to vector<504xi32>
    %broadcast_in_dim3A_411 = vector.shape_cast %reduce_min3A_410 : vector<504xi32> to vector<1x504xi32>
    %slice3A_412 = vector.extract_strided_slice %concatenate3A {offsets = [464, 0], sizes = [16, 504], strides = [1, 1]} : vector<512x504xf32> to vector<16x504xf32>
    %reduce_max3A_413 = arith.constant dense<0xFF800000> : vector<504xf32>
    %reduce_max3A_414 = vector.multi_reduction <maximumf>, %slice3A_412, %reduce_max3A_413 [0] : vector<16x504xf32> to vector<504xf32>
    %broadcast_in_dim3A_415 = vector.shape_cast %reduce_max3A_414 : vector<504xf32> to vector<1x504xf32>
    %slice3A_416 = vector.extract_strided_slice %iota3A {offsets = [464, 0], sizes = [16, 504], strides = [1, 1]} : vector<512x504xi32> to vector<16x504xi32>
    %eq3A_417 = vector.broadcast %broadcast_in_dim3A_415 : vector<1x504xf32> to vector<16x504xf32>
    %eq3A_418 = arith.cmpf oeq, %slice3A_412, %eq3A_417 : vector<16x504xf32>
    %jit3A_419 = arith.constant 1073741824 : i32
    %broadcast_in_dim3A_420 = vector.broadcast %jit3A_419 : i32 to vector<16x504xi32>
    %select_n3A_421 = arith.select %eq3A_418, %slice3A_416, %broadcast_in_dim3A_420 : vector<16x504xi1>, vector<16x504xi32>
    %reduce_min3A_422 = arith.constant dense<2147483647> : vector<504xi32>
    %reduce_min3A_423 = vector.multi_reduction <minsi>, %select_n3A_421, %reduce_min3A_422 [0] : vector<16x504xi32> to vector<504xi32>
    %broadcast_in_dim3A_424 = vector.shape_cast %reduce_min3A_423 : vector<504xi32> to vector<1x504xi32>
    %slice3A_425 = vector.extract_strided_slice %concatenate3A {offsets = [480, 0], sizes = [16, 504], strides = [1, 1]} : vector<512x504xf32> to vector<16x504xf32>
    %reduce_max3A_426 = arith.constant dense<0xFF800000> : vector<504xf32>
    %reduce_max3A_427 = vector.multi_reduction <maximumf>, %slice3A_425, %reduce_max3A_426 [0] : vector<16x504xf32> to vector<504xf32>
    %broadcast_in_dim3A_428 = vector.shape_cast %reduce_max3A_427 : vector<504xf32> to vector<1x504xf32>
    %slice3A_429 = vector.extract_strided_slice %iota3A {offsets = [480, 0], sizes = [16, 504], strides = [1, 1]} : vector<512x504xi32> to vector<16x504xi32>
    %eq3A_430 = vector.broadcast %broadcast_in_dim3A_428 : vector<1x504xf32> to vector<16x504xf32>
    %eq3A_431 = arith.cmpf oeq, %slice3A_425, %eq3A_430 : vector<16x504xf32>
    %jit3A_432 = arith.constant 1073741824 : i32
    %broadcast_in_dim3A_433 = vector.broadcast %jit3A_432 : i32 to vector<16x504xi32>
    %select_n3A_434 = arith.select %eq3A_431, %slice3A_429, %broadcast_in_dim3A_433 : vector<16x504xi1>, vector<16x504xi32>
    %reduce_min3A_435 = arith.constant dense<2147483647> : vector<504xi32>
    %reduce_min3A_436 = vector.multi_reduction <minsi>, %select_n3A_434, %reduce_min3A_435 [0] : vector<16x504xi32> to vector<504xi32>
    %broadcast_in_dim3A_437 = vector.shape_cast %reduce_min3A_436 : vector<504xi32> to vector<1x504xi32>
    %slice3A_438 = vector.extract_strided_slice %concatenate3A {offsets = [496, 0], sizes = [16, 504], strides = [1, 1]} : vector<512x504xf32> to vector<16x504xf32>
    %reduce_max3A_439 = arith.constant dense<0xFF800000> : vector<504xf32>
    %reduce_max3A_440 = vector.multi_reduction <maximumf>, %slice3A_438, %reduce_max3A_439 [0] : vector<16x504xf32> to vector<504xf32>
    %broadcast_in_dim3A_441 = vector.shape_cast %reduce_max3A_440 : vector<504xf32> to vector<1x504xf32>
    %slice3A_442 = vector.extract_strided_slice %iota3A {offsets = [496, 0], sizes = [16, 504], strides = [1, 1]} : vector<512x504xi32> to vector<16x504xi32>
    %eq3A_443 = vector.broadcast %broadcast_in_dim3A_441 : vector<1x504xf32> to vector<16x504xf32>
    %eq3A_444 = arith.cmpf oeq, %slice3A_438, %eq3A_443 : vector<16x504xf32>
    %jit3A_445 = arith.constant 1073741824 : i32
    %broadcast_in_dim3A_446 = vector.broadcast %jit3A_445 : i32 to vector<16x504xi32>
    %select_n3A_447 = arith.select %eq3A_444, %slice3A_442, %broadcast_in_dim3A_446 : vector<16x504xi1>, vector<16x504xi32>
    %reduce_min3A_448 = arith.constant dense<2147483647> : vector<504xi32>
    %reduce_min3A_449 = vector.multi_reduction <minsi>, %select_n3A_447, %reduce_min3A_448 [0] : vector<16x504xi32> to vector<504xi32>
    %broadcast_in_dim3A_450 = vector.shape_cast %reduce_min3A_449 : vector<504xi32> to vector<1x504xi32>
    %concatenate3A_451 = tpu.concatenate %broadcast_in_dim3A_42, %broadcast_in_dim3A_51, %broadcast_in_dim3A_64, %broadcast_in_dim3A_77, %broadcast_in_dim3A_90, %broadcast_in_dim3A_103, %broadcast_in_dim3A_116, %broadcast_in_dim3A_129, %broadcast_in_dim3A_142, %broadcast_in_dim3A_155, %broadcast_in_dim3A_168, %broadcast_in_dim3A_181, %broadcast_in_dim3A_194, %broadcast_in_dim3A_207, %broadcast_in_dim3A_220, %broadcast_in_dim3A_233, %broadcast_in_dim3A_246, %broadcast_in_dim3A_259, %broadcast_in_dim3A_272, %broadcast_in_dim3A_285, %broadcast_in_dim3A_298, %broadcast_in_dim3A_311, %broadcast_in_dim3A_324, %broadcast_in_dim3A_337, %broadcast_in_dim3A_350, %broadcast_in_dim3A_363, %broadcast_in_dim3A_376, %broadcast_in_dim3A_389, %broadcast_in_dim3A_402, %broadcast_in_dim3A_415, %broadcast_in_dim3A_428, %broadcast_in_dim3A_441 in 0 : vector<1x504xf32>, vector<1x504xf32>, vector<1x504xf32>, vector<1x504xf32>, vector<1x504xf32>, vector<1x504xf32>, vector<1x504xf32>, vector<1x504xf32>, vector<1x504xf32>, vector<1x504xf32>, vector<1x504xf32>, vector<1x504xf32>, vector<1x504xf32>, vector<1x504xf32>, vector<1x504xf32>, vector<1x504xf32>, vector<1x504xf32>, vector<1x504xf32>, vector<1x504xf32>, vector<1x504xf32>, vector<1x504xf32>, vector<1x504xf32>, vector<1x504xf32>, vector<1x504xf32>, vector<1x504xf32>, vector<1x504xf32>, vector<1x504xf32>, vector<1x504xf32>, vector<1x504xf32>, vector<1x504xf32>, vector<1x504xf32>, vector<1x504xf32> -> vector<32x504xf32>
    %concatenate3A_452 = tpu.concatenate %broadcast_in_dim3A_47, %broadcast_in_dim3A_60, %broadcast_in_dim3A_73, %broadcast_in_dim3A_86, %broadcast_in_dim3A_99, %broadcast_in_dim3A_112, %broadcast_in_dim3A_125, %broadcast_in_dim3A_138, %broadcast_in_dim3A_151, %broadcast_in_dim3A_164, %broadcast_in_dim3A_177, %broadcast_in_dim3A_190, %broadcast_in_dim3A_203, %broadcast_in_dim3A_216, %broadcast_in_dim3A_229, %broadcast_in_dim3A_242, %broadcast_in_dim3A_255, %broadcast_in_dim3A_268, %broadcast_in_dim3A_281, %broadcast_in_dim3A_294, %broadcast_in_dim3A_307, %broadcast_in_dim3A_320, %broadcast_in_dim3A_333, %broadcast_in_dim3A_346, %broadcast_in_dim3A_359, %broadcast_in_dim3A_372, %broadcast_in_dim3A_385, %broadcast_in_dim3A_398, %broadcast_in_dim3A_411, %broadcast_in_dim3A_424, %broadcast_in_dim3A_437, %broadcast_in_dim3A_450 in 0 : vector<1x504xi32>, vector<1x504xi32>, vector<1x504xi32>, vector<1x504xi32>, vector<1x504xi32>, vector<1x504xi32>, vector<1x504xi32>, vector<1x504xi32>, vector<1x504xi32>, vector<1x504xi32>, vector<1x504xi32>, vector<1x504xi32>, vector<1x504xi32>, vector<1x504xi32>, vector<1x504xi32>, vector<1x504xi32>, vector<1x504xi32>, vector<1x504xi32>, vector<1x504xi32>, vector<1x504xi32>, vector<1x504xi32>, vector<1x504xi32>, vector<1x504xi32>, vector<1x504xi32>, vector<1x504xi32>, vector<1x504xi32>, vector<1x504xi32>, vector<1x504xi32>, vector<1x504xi32>, vector<1x504xi32>, vector<1x504xi32>, vector<1x504xi32> -> vector<32x504xi32>
    %broadcast_in_dim3A_453 = arith.constant -3.000000e+38 : f32
    %broadcast_in_dim3A_454 = vector.broadcast %broadcast_in_dim3A_453 : f32 to vector<32x8xf32>
    %broadcast_in_dim3A_455 = arith.constant 1073741824 : i32
    %broadcast_in_dim3A_456 = vector.broadcast %broadcast_in_dim3A_455 : i32 to vector<32x8xi32>
    %concatenate3A_457 = tpu.concatenate %concatenate3A_451, %broadcast_in_dim3A_454 in 1 : vector<32x504xf32>, vector<32x8xf32> -> vector<32x512xf32>
    %swap3A = arith.constant 0 : index
    %swap3A_458 = arith.constant 0 : index
    %swap3A_459 = arith.constant 0 : index
    %swap3A_460 = vector.load %arg4[%swap3A, %swap3A_458, %swap3A_459] : memref<1x32x512xf32, #tpu.memory_space<vmem>>, vector<1x32x512xf32>
    %swap3A_461 = vector.shape_cast %swap3A_460 : vector<1x32x512xf32> to vector<32x512xf32>
    %swap3A_462 = vector.shape_cast %concatenate3A_457 : vector<32x512xf32> to vector<1x32x512xf32>
    tpu.vector_store %arg4[%swap3A, %swap3A_458, %swap3A_459], %swap3A_462 {strides = array<i32>} : memref<1x32x512xf32, #tpu.memory_space<vmem>>, vector<1x32x512xf32>,
    %concatenate3A_463 = tpu.concatenate %concatenate3A_452, %broadcast_in_dim3A_456 in 1 : vector<32x504xi32>, vector<32x8xi32> -> vector<32x512xi32>
    %swap3A_464 = arith.constant 0 : index
    %swap3A_465 = arith.constant 0 : index
    %swap3A_466 = arith.constant 0 : index
    %swap3A_467 = vector.load %arg5[%swap3A_464, %swap3A_465, %swap3A_466] : memref<1x32x512xi32, #tpu.memory_space<vmem>>, vector<1x32x512xi32>
    %swap3A_468 = vector.shape_cast %swap3A_467 : vector<1x32x512xi32> to vector<32x512xi32>
    %swap3A_469 = vector.shape_cast %concatenate3A_463 : vector<32x512xi32> to vector<1x32x512xi32>
    tpu.vector_store %arg5[%swap3A_464, %swap3A_465, %swap3A_466], %swap3A_469 {strides = array<i32>} : memref<1x32x512xi32, #tpu.memory_space<vmem>>, vector<1x32x512xi32>,
    %reduce_max3A_470 = arith.constant dense<0xFF800000> : vector<504xf32>
    %reduce_max3A_471 = vector.multi_reduction <maximumf>, %concatenate3A_451, %reduce_max3A_470 [0] : vector<32x504xf32> to vector<504xf32>
    %broadcast_in_dim3A_472 = vector.shape_cast %reduce_max3A_471 : vector<504xf32> to vector<1x504xf32>
    %eq3A_473 = vector.broadcast %broadcast_in_dim3A_472 : vector<1x504xf32> to vector<32x504xf32>
    %eq3A_474 = arith.cmpf oeq, %concatenate3A_451, %eq3A_473 : vector<32x504xf32>
    %jit3A_475 = arith.constant 1073741824 : i32
    %broadcast_in_dim3A_476 = vector.broadcast %jit3A_475 : i32 to vector<32x504xi32>
    %select_n3A_477 = arith.select %eq3A_474, %concatenate3A_452, %broadcast_in_dim3A_476 : vector<32x504xi1>, vector<32x504xi32>
    %reduce_min3A_478 = arith.constant dense<2147483647> : vector<504xi32>
    %reduce_min3A_479 = vector.multi_reduction <minsi>, %select_n3A_477, %reduce_min3A_478 [0] : vector<32x504xi32> to vector<504xi32>
    %broadcast_in_dim3A_480 = vector.shape_cast %reduce_min3A_479 : vector<504xi32> to vector<1x504xi32>
    %iota3A_481 = tpu.iota {dimensions = array<i32: 1>} : vector<1x504xi32>
    %mul3A_482 = arith.constant 1024 : i32
    %mul3A_483 = vector.broadcast %mul3A_482 : i32 to vector<1x504xi32>
    %mul3A_484 = arith.muli %iota3A_481, %mul3A_483 : vector<1x504xi32>
    %add3A_485 = arith.addi %mul3A_484, %broadcast_in_dim3A_480 : vector<1x504xi32>
    %broadcast_in_dim3A_486 = arith.constant -3.000000e+38 : f32
    %broadcast_in_dim3A_487 = vector.broadcast %broadcast_in_dim3A_486 : f32 to vector<1x8xf32>
    %concatenate3A_488 = tpu.concatenate %broadcast_in_dim3A_472, %broadcast_in_dim3A_487 in 1 : vector<1x504xf32>, vector<1x8xf32> -> vector<1x512xf32>
    %squeeze3A = vector.shape_cast %concatenate3A_488 : vector<1x512xf32> to vector<512xf32>
    %swap3A_489 = arith.constant 0 : index
    %swap3A_490 = arith.constant 0 : index
    %swap3A_491 = arith.constant 0 : index
    %swap3A_492 = vector.load %arg2[%swap3A_489, %swap3A_490, %swap3A_491] : memref<1x1x512xf32, #tpu.memory_space<vmem>>, vector<1x1x512xf32>
    %swap3A_493 = vector.shape_cast %swap3A_492 : vector<1x1x512xf32> to vector<512xf32>
    %swap3A_494 = vector.shape_cast %squeeze3A : vector<512xf32> to vector<1x1x512xf32>
    tpu.vector_store %arg2[%swap3A_489, %swap3A_490, %swap3A_491], %swap3A_494 {strides = array<i32>} : memref<1x1x512xf32, #tpu.memory_space<vmem>>, vector<1x1x512xf32>,
    %broadcast_in_dim3A_495 = arith.constant 1073741824 : i32
    %broadcast_in_dim3A_496 = vector.broadcast %broadcast_in_dim3A_495 : i32 to vector<1x8xi32>
    %concatenate3A_497 = tpu.concatenate %add3A_485, %broadcast_in_dim3A_496 in 1 : vector<1x504xi32>, vector<1x8xi32> -> vector<1x512xi32>
    %squeeze3A_498 = vector.shape_cast %concatenate3A_497 : vector<1x512xi32> to vector<512xi32>
    %swap3A_499 = arith.constant 0 : index
    %swap3A_500 = arith.constant 0 : index
    %swap3A_501 = arith.constant 0 : index
    %swap3A_502 = vector.load %arg3[%swap3A_499, %swap3A_500, %swap3A_501] : memref<1x1x512xi32, #tpu.memory_space<vmem>>, vector<1x1x512xi32>
    %swap3A_503 = vector.shape_cast %swap3A_502 : vector<1x1x512xi32> to vector<512xi32>
    %swap3A_504 = vector.shape_cast %squeeze3A_498 : vector<512xi32> to vector<1x1x512xi32>
    tpu.vector_store %arg3[%swap3A_499, %swap3A_500, %swap3A_501], %swap3A_504 {strides = array<i32>} : memref<1x1x512xi32, #tpu.memory_space<vmem>>, vector<1x1x512xi32>,
    return
  }
  func.func @transform_0(%arg0: i32) -> (i32, i32, i32, i32) {
    %c0_i32 = arith.constant 0 : i32
    %c0_i32_0 = arith.constant 0 : i32
    %c0_i32_1 = arith.constant 0 : i32
    %c0_i32_2 = arith.constant 0 : i32
    return %arg0, %c0_i32, %c0_i32_0, %c0_i32_1 : i32, i32, i32, i32
  }
  func.func @transform_1(%arg0: i32) -> (i32, i32, i32) {
    %c0_i32 = arith.constant 0 : i32
    %c0_i32_0 = arith.constant 0 : i32
    %c0_i32_1 = arith.constant 0 : i32
    return %arg0, %c0_i32, %c0_i32_0 : i32, i32, i32
  }
  func.func @transform_2(%arg0: i32) -> (i32, i32, i32) {
    %c0_i32 = arith.constant 0 : i32
    %c0_i32_0 = arith.constant 0 : i32
    %c0_i32_1 = arith.constant 0 : i32
    return %arg0, %c0_i32, %c0_i32_0 : i32, i32, i32
  }
  func.func @transform_3(%arg0: i32) -> (i32, i32, i32) {
    %c0_i32 = arith.constant 0 : i32
    %c0_i32_0 = arith.constant 0 : i32
    %c0_i32_1 = arith.constant 0 : i32
    return %arg0, %c0_i32, %c0_i32_0 : i32, i32, i32
  }
  func.func @transform_4(%arg0: i32) -> (i32, i32, i32) {
    %c0_i32 = arith.constant 0 : i32
    %c0_i32_0 = arith.constant 0 : i32
    %c0_i32_1 = arith.constant 0 : i32
    return %arg0, %c0_i32, %c0_i32_0 : i32, i32, i32
  }
}

</mosaic_0001>

<sc_bundles>
// kernel: kernel.4.cloned.1.call-start
scs
__scs_entry_jumppad:
0x0: {  	(pc) =	sbr.rel $0x88, $3  }
0x1: {  	(tag) =	ssettag $0x0;
	lr =	simm.s32 $0x1  }
0x2: {  	[smem:$0x3FA0] =	sst lr;
	_ =	strace $0xD0000000  }
0x3: {  	_ = 	snop  }
0x4: {  	_ = 	snop  }
0x5: {  	_ = 	snop  }
0x6: {  	_ = 	snop  }
0x7: {  	_ = 	snop  }
__scs_overlays_trampoline_lowered:
0x8: {  	[smem:$0x3FAF] =	sst s0  }
0x9: {  	[smem:$0x3FB0] =	sst s1  }
0xa: {  	[smem:$0x3FB1] =	sst s2  }
0xb: {  	[smem:$0x3FB2] =	sst s3  }
0xc: {  	[smem:$0x3FB3] =	sst s4  }
0xd: {  	[smem:$0x3FB4] =	sst s5  }
0xe: {  	[smem:$0x3FB5] =	sst s6  }
0xf: {  	[smem:$0x3FB6] =	sst s7  }
0x10: {  	[smem:$0x3FB7] =	sst s8  }
0x11: {  	[smem:$0x3FB8] =	sst s9;
	s0 =	simm.s32 @!p0 $0x0  }
0x12: {  	s1 =	sld [smem:$0x3F9E];
	s0 =	simm.s32 @p0 $0x1  }
0x13: {  	[smem:$0x3FB9] =	sst s0;
	s0 =	simm.s32 @!p1 $0x0  }
0x14: {  	s2 =	sld [smem:$0x3F9D];
	s0 =	simm.s32 @p1 $0x1  }
0x15: {  	[smem:$0x3FBA] =	sst s0;
	s0 =	simm.s32 @!p2 $0x0  }
0x16: {  	s3 =	sld [smem:$0x3FDB];
	s0 =	simm.s32 @p2 $0x1  }
0x17: {  	s4 =	simm.s32 $0x1BF5;
	[smem:$0x3FBC] =	sst s0  }
0x18: {  	s0 =	sld [smem:$0x3F9F];
	_ =	swait.ge [sflag:s4], $0x0  }
0x19: {  	s7 =	sld [smem:$0x3FA0]  }
0x1a: {  	s8 =	sadd.s32 $0xFFFFE003, lr  }
0x1b: {  	s9 =	sadd.s32 $0xFFFFFEF7, lr;
	s5 =	simm.s32 $0xFFFFFFFF;
	p2 =	slt.u32 s8, $0xFFFFF086  }
0x1c: {  	p1 =	slt.u32 s9, $0xF7A;
	s5 =	simm.s32 @!p2 $0x0  }
0x1d: {  	s5 =	simm.s32 @p1 $0x1;
	p0 =	seq.s32 s7, s2  }
0x1e: {  	s7 =	smul.u32 @!p0 $0xF7A, s2;
	p2 =	seq.s32 @!p0 s5, $0x0  }
0x1f: {  	s9 =	smul.u32 $0xF7A, s1;
	s8 =	simm.s32 @!p0 $0x1BF5;
	p2 =	por !p2, p0  }
0x20: {  	[sflag:s8] =	ssyncset.s32 @!p0 $0xFFFFF086;
	s6 =	sadd.s32 @!p0 s3, s7;
	s7 =	simm.s32 @!p0 $0x108  }
0x21: {  	s3 =	sadd.s32 s3, s9;
	s6 =	sadd.s32 @!p0 $0x88, s6;
	s7 =	simm.s32 @p2 $0x1082  }
0x22: {  	[simem:s7], [sflag:s8] =	dma.local @!p0 [hbm:s6], $0xF7A  }
0x23: {  	s9 =	sor.u32 $0xD0000000, s2;
	s6 =	simm.s32 $0x108;
	_ =	swait.ge @!p0 [sflag:s8], $0x0  }
0x24: {  	s3 =	sadd.s32 $0x88, s3;
	s6 =	simm.s32 @!p1 $0x1082;
	[sflag:s4] =	ssyncset.s32 $0xFFFFF086  }
0x25: {  	[simem:s6], [sflag:s4] =	dma.local [hbm:s3], $0xF7A  }
0x26: {  	[smem:$0x3FA0] =	sst s1;
	(tag) =	ssettag s2;
	_ =	strace s9  }
0x27: {  	s1 =	sld [smem:$0x3FB0]  }
0x28: {  	s2 =	sld [smem:$0x3FB1]  }
0x29: {  	s4 =	sld [smem:$0x3FB3]  }
0x2a: {  	p0 =	seq.s32 s5, $0x0;
	s5 =	sld [smem:$0x3FB4]  }
0x2b: {  	s6 =	sld [smem:$0x3FB5]  }
0x2c: {  	s7 =	sld [smem:$0x3FB6]  }
0x2d: {  	s3 =	simm.s32 $0x108;
	s8 =	sld [smem:$0x3FB7]  }
0x2e: {  	s3 =	simm.s32 @!p0 $0x1082;
	s9 =	sld [smem:$0x3FB8]  }
0x2f: {  	lr =	sadd.s32 s0, s3;
	s0 =	sld [smem:$0x3FAF]  }
0x30: {  	s3 =	sld [smem:$0x3FB2]  }
0x31: {  	[smem:$0x3FBB] =	sst s10  }
0x32: {  	s10 =	sld [smem:$0x3FB9];
	_ =	sdelay $0x3  }
0x33: {  	p0 =	seq.s32 s10, $0x1;
	s10 =	sld [smem:$0x3FBB];
	_ =	sdelay $0x3  }
0x34: {  	[smem:$0x3FBB] =	sst s10  }
0x35: {  	s10 =	sld [smem:$0x3FBA];
	_ =	sdelay $0x3  }
0x36: {  	p1 =	seq.s32 s10, $0x1;
	s10 =	sld [smem:$0x3FBB];
	_ =	sdelay $0x3  }
0x37: {  	[smem:$0x3FBB] =	sst s10  }
0x38: {  	s10 =	sld [smem:$0x3FBC]  }
0x39: {  	_ = 	snop;
	(pc) =	sbr.ind lr, $3  }
0x3a: {  	_ = 	snop  }
0x3b: {  	_ = 	snop  }
0x3c: {  	p2 =	seq.s32 s10, $0x1;
	s10 =	sld [smem:$0x3FBB]  }
0x3d: {  	_ =	shalt  }
0x3e: {  	_ =	shalt  }
0x3f: {  	_ =	shalt  }
0x40: {  	_ =	shalt  }
0x41: {  	_ =	shalt  }
0x42: {  	_ =	shalt  }
0x43: {  	_ =	shalt  }
0x44: {  	_ =	shalt  }
0x45: {  	_ =	shalt  }
0x46: {  	_ =	shalt  }
0x47: {  	_ =	shalt  }
0x48: {  	_ =	shalt  }
0x49: {  	_ =	shalt  }
0x4a: {  	_ =	shalt  }
0x4b: {  	_ =	shalt  }
0x4c: {  	_ =	shalt  }
0x4d: {  	_ =	shalt  }
0x4e: {  	_ =	shalt  }
0x4f: {  	_ =	shalt  }
0x50: {  	_ =	shalt  }
0x51: {  	_ =	shalt  }
0x52: {  	_ =	shalt  }
0x53: {  	_ =	shalt  }
0x54: {  	_ =	shalt  }
0x55: {  	_ =	shalt  }
0x56: {  	_ =	shalt  }
0x57: {  	_ =	shalt  }
0x58: {  	_ =	shalt  }
0x59: {  	_ =	shalt  }
0x5a: {  	_ =	shalt  }
0x5b: {  	_ =	shalt  }
0x5c: {  	_ =	shalt  }
0x5d: {  	_ =	shalt  }
0x5e: {  	_ =	shalt  }
0x5f: {  	_ =	shalt  }
0x60: {  	_ =	shalt  }
0x61: {  	_ =	shalt  }
0x62: {  	_ =	shalt  }
0x63: {  	_ =	shalt  }
0x64: {  	_ =	shalt  }
0x65: {  	_ =	shalt  }
0x66: {  	_ =	shalt  }
0x67: {  	_ =	shalt  }
0x68: {  	_ =	shalt  }
0x69: {  	_ =	shalt  }
0x6a: {  	_ =	shalt  }
0x6b: {  	_ =	shalt  }
0x6c: {  	_ =	shalt  }
0x6d: {  	_ =	shalt  }
0x6e: {  	_ =	shalt  }
0x6f: {  	_ =	shalt  }
0x70: {  	_ =	shalt  }
0x71: {  	_ =	shalt  }
0x72: {  	_ =	shalt  }
0x73: {  	_ =	shalt  }
0x74: {  	_ =	shalt  }
0x75: {  	_ =	shalt  }
0x76: {  	_ =	shalt  }
0x77: {  	_ =	shalt  }
0x78: {  	_ =	shalt  }
0x79: {  	_ =	shalt  }
0x7a: {  	_ =	shalt  }
0x7b: {  	_ =	shalt  }
0x7c: {  	_ =	shalt  }
0x7d: {  	_ =	shalt  }
0x7e: {  	_ =	shalt  }
0x7f: {  	_ =	shalt  }
0x80: {  	_ =	shalt  }
0x81: {  	_ =	shalt  }
0x82: {  	_ =	shalt  }
0x83: {  	_ =	shalt  }
0x84: {  	_ =	shalt  }
0x85: {  	_ =	shalt  }
0x86: {  	_ =	shalt  }
0x87: {  	_ =	shalt  }
.Lfunc_end0:
.L_simem_size_0:
called_computation_lowered:
.L_overlay_start_0:
0x88: {  	s2 =	sld [smem:$0x3FD9]  }
0x89: {  	s3 =	sld [smem:$0x3FFE];
	_ =	sdelay $0x1  }
0x8a: {  	s1 =	srdreg.scid  }
0x8b: {  	s0 =	sand.u32 $0x1, s1  }
0x8c: {  	s17 =	sshll.u32 s0, $0xA;
	s2 =	sadd.s32 s3, s2  }
0x8d: {  	s2 =	sadd.s32 s2, s17  }
0x8e: {  	[smem:$0x3FC7] =	sst s2  }
0x8f: {  	_ = 	snop  }
0x90: {  	s2 =	sld [smem:$0x3FC9]  }
0x91: {  	s18 =	sld [smem:$0x3FD0];
	(tm) =	ssettm $0x1  }
0x92: {  	s4 =	sld [smem:$0x3FFB];
	_ =	sdelay $0x3  }
0x93: {  	_ =	strace s4  }
0x94: {  	s4 =	sld [smem:$0x3FFC];
	_ =	sdelay $0x3  }
0x95: {  	_ =	strace s4  }
0x96: {  	s4 =	sld [smem:$0x3FFD];
	_ =	sdelay $0x3  }
0x97: {  	_ =	strace s4  }
0x98: {  	_ =	strace $0x8FFFFFFF  }
0x99: {  	s19 =	sld [smem:$0x3FDB];
	_ =	sdelay $0x1  }
0x9a: {  	s5 =	simm.s32 $_scs_section_size  }
0x9b: {  	s6 =	simm.s32 $_size__tile_overlayer_lowered;
	s7 =	simm.s32 $_tile_overlayer_lowered  }
0x9c: {  	s22 =	simm.s32 $0x1BFF;
	s21 =	sshll.u32 s7, $0x1;
	s4 =	sadd.s32 s5, s19  }
0x9d: {  	s8 =	simm.s32 $0x0;
	s20 =	sshll.u32 s6, $0x1;
	s6 =	sadd.s32 s21, s4  }
0x9e: {  	[timem:s8], [sflag:s22] =	dma.local [hbm:s6], s20  }
0x9f: {  	_ =	swait.ge [sflag:s22], s20  }
0xa0: {  	s5 =	ssub.s32 $0x0, s20;
	[sflag:s22] =	ssyncset.done $0x0  }
0xa1: {  	[sflag:s22] =	ssyncadd.s32 s5;
	_ =	sdelay $0x1  }
0xa2: {  	s23 =	simm.s32 $0x1B8B  }
0xa3: {  	_ =	swait.ge [sflag:s23], $0x1  }
0xa4: {  	[sflag:s23] =	ssyncset.done $0x0  }
0xa5: {  	s25 =	simm.s32 $0x1B8E;
	s24 =	sld [smem:$0x3FFE];
	[sflag:s23] =	ssyncadd.s32 $0xFFFFFFFF  }
0xa6: {  	s26 =	simm.s32 $execute0_lowered;
	[smem:$0x3FD2] =	sst s25  }
0xa7: {  	s6 =	sshll.u32 s26, $0x1;
	_ =	strace $0x80000046;
	[dreg:$0x1] =	wrdreg $0xFFFFFFFF  }
0xa8: {  	s28 =	simm.s32 $_size_execute0_lowered;
	s4 =	sadd.s32 s4, s6;
	[dreg:$0x0] =	wrdreg $0x0  }
0xa9: {  	s6 =	sshll.u32 s28, $0x1;
	[dreg:$0x2] =	wrdreg s4  }
0xaa: {  	[dreg:$0x3] =	wrdreg s6  }
0xab: {  	[dreg:$0x4] =	wrdreg $0xC0  }
0xac: {  	_ =	task [dreg:s8], $0x5FFFF  }
0xad: {  	[dreg:$0x1] =	wrdreg $0xFFFFFFFF  }
0xae: {  	[dreg:$0x0] =	wrdreg $0x60  }
0xaf: {  	[dreg:$0x2] =	wrdreg s2  }
0xb0: {  	[dreg:$0x3] =	wrdreg s24  }
0xb1: {  	[dreg:$0x4] =	wrdreg s18  }
0xb2: {  	[dreg:$0x5] =	wrdreg $0x9  }
0xb3: {  	_ =	task.clear_ibuf [dreg:s8], $0x6FFFF;
	_ =	strace $0x90000046  }
0xb4: {  	s29 =	simm.s32 $0x9;
	_ =	strace $0x80000048  }
0xb5: {  	_ =	swait.ge [sflag:s29], $0x1  }
0xb6: {  	[sflag:s29] =	ssyncadd.s32 $0xFFFFFFFF  }
0xb7: {  	_ =	strace $0x90000048  }
0xb8: {  	_ =	sfence  }
0xb9: {  	s30 =	sld [smem:$0x0];
	_ =	sdelay $0x2  }
0xba: {  	s31 =	sshll.u32 s1, $0xD;
	s1 =	sshrl.u32 s1, $0x2  }
0xbb: {  	s3 =	sand.u32 $0x4000, s31;
	s1 =	sadd.s32 s1, s30  }
0xbc: {  	s0 =	sor.u32 s3, s0;
	s1 =	sshll.u32 s1, $0x11  }
0xbd: {  	s0 =	sor.u32 s1, s0  }
0xbe: {  	s0 =	sadd.s32 $0x8F2B, s0  }
0xbf: {  	[sflag:s0] =	ssyncadd.remote.s32 $0x1  }
0xc0: {  	_ =	sfence.sel $0xFFFF  }
0xc1: {  	[dreg:$0x0] =	wrdreg $0xFFFFFFFF;
	(pc) =	sbr.abs _section_cstart, $3  }
0xc2: {  	[dreg:$0x1] =	wrdreg $0xFFFFFFFF  }
0xc3: {  	_ =	task.clear_ibuf [dreg:s8], $0x2FFFF;
	_ =	strace $0x9FFFFFFF  }
0xc4: {  	(tm) =	ssettm $0x7FFFFFFF  }
0xc5: {  	_ =	shalt  }
tec
execute0_lowered:
.L_overlay_start_1:
0x0: {  	(tag) =	ssettag $0x1  }
0x1: {  	s2 =	stileid.u32  }
0x2: {  	p0 =	sgt.u32 s2, $0x3  }
.Ltmp0:
0x3: {  	_ = 	snop;
	(pc) =	sbr.rel @p0 .LBB2_11-.Ltmp0, $4  }
0x4: {  	_ = 	snop  }
0x5: {  	s1 =	rddreg [dreg:$0x1];
	s3 =	simm.s32 $0x0  }
0x6: {  	[smem:$0x7FF] =	sst s3  }
0x7: {  	s0 =	rddreg [dreg:$0x2];
	_ =	strace $0x80000047  }
0x8: {  	vm0 =	vmmov $0x1;
	v2 =	vimm.s32 $0x0  }
0x9: {  	v2 =	vsel vm0, $0xFFFFFFFF, v2  }
0xa: {  	vm0 =	vmmov $0x3;
	[tilespmem:$0x1FFA0] =	vst v2;
	v2 =	vimm.s32 $0x0  }
0xb: {  	v0 =	vimm.s32 $0x0;
	v1 =	vimm.s32 $0x200000;
	v2 =	vsel vm0, $0xFFFFFFFF, v2  }
0xc: {  	vm6 =	vmmov $0x7f;
	vm0 =	vmmov $0x7;
	[tilespmem:$0x1FFB0] =	vst v2;
	v2 =	vimm.s32 $0x0  }
0xd: {  	vm7 =	vmmov $0xff;
	vm8 =	vmmov $0x1ff;
	v2 =	vsel vm0, $0xFFFFFFFF, v2  }
0xe: {  	vm9 =	vmmov $0x3ff;
	vm0 =	vmmov $0xf;
	[tilespmem:$0x1FFC0] =	vst v2;
	v2 =	vimm.s32 $0x0  }
0xf: {  	vm10 =	vmmov $0x7ff;
	vm11 =	vmmov $0xfff;
	v2 =	vsel vm0, $0xFFFFFFFF, v2  }
0x10: {  	vm12 =	vmmov $0x1fff;
	vm0 =	vmmov $0x1f;
	[tilespmem:$0x1FFD0] =	vst v2;
	v2 =	vimm.s32 $0x0  }
0x11: {  	vm13 =	vmmov $0x3fff;
	vm14 =	vmmov $0x7fff;
	v2 =	vsel vm0, $0xFFFFFFFF, v2  }
0x12: {  	v5 =	vimm.s32 $0x1380;
	vm0 =	vmmov $0x3f;
	[tilespmem:$0x1FFE0] =	vst v2;
	v2 =	vimm.s32 $0x0  }
0x13: {  	v6 =	vimm.s32 $0x3380;
	v2 =	vsel vm0, $0xFFFFFFFF, v2;
	vm0 =	vcmask $0x300  }
0x14: {  	vm15 =	vmxor vm15, vm15;
	[tilespmem:$0x1FFF0] =	vst v2;
	v2 =	vlaneseq.u32;
	v5 =	vsel vm0, $0x0, v5  }
0x15: {  	v6 =	vsel vm0, $0x2000, v6;
	vm0 =	vcmask $0x704;
	v3 =	vor.u32 $0x80000010, v2  }
0x16: {  	v5 =	vsel vm0, $0x80, v5;
	v6 =	vsel vm0, $0x2080, v6;
	vm0 =	vcmask $0xB08  }
0x17: {  	v5 =	vsel vm0, $0x100, v5;
	v6 =	vsel vm0, $0x2100, v6;
	vm0 =	vcmask $0xF0C  }
0x18: {  	v5 =	vsel vm0, $0x180, v5;
	v6 =	vsel vm0, $0x2180, v6;
	vm0 =	vcmask $0x1310  }
0x19: {  	s2 =	srdreg.scid;
	s4 =	stileid.u32;
	v5 =	vsel vm0, $0x200, v5;
	v6 =	vsel vm0, $0x2200, v6;
	vm0 =	vcmask $0x1714  }
0x1a: {  	s3 =	sadd.s32 $0x9000, s1;
	s2 =	sand.u32 $0x1, s2;
	s4 =	sshll.u32 s4, $0x1;
	v5 =	vsel vm0, $0x280, v5;
	v6 =	vsel vm0, $0x2280, v6;
	vm0 =	vcmask $0x1B18  }
0x1b: {  	s5 =	sadd.s32 $0x9200, s1;
	s6 =	sadd.s32 $0x1000, s1;
	s4 =	sor.u32 s2, s4;
	v5 =	vsel vm0, $0x300, v5;
	v6 =	vsel vm0, $0x2300, v6;
	vm0 =	vcmask $0x1F1C  }
0x1c: {  	s25 =	sadd.s32 $0x5000, s1;
	s7 =	sshll.u32 s4, $0x4;
	s8 =	sshll.u32 s4, $0x12;
	v5 =	vsel vm0, $0x380, v5;
	v6 =	vsel vm0, $0x2380, v6;
	vm0 =	vcmask $0x2320  }
0x1d: {  	s28 =	sshll.u32 s4, $0xB;
	[dreg:$0x4] =	wrdreg s8;
	s0 =	sadd.s32 s0, s7;
	v5 =	vsel vm0, $0x1000, v5;
	v6 =	vsel vm0, $0x3000, v6;
	vm0 =	vcmask $0x2724  }
0x1e: {  	s2 =	ssub.s32 $0x2, s2;
	s1 =	sadd.s32 s25, s28;
	[dreg:$0x5] =	wrdreg s0;
	v5 =	vsel vm0, $0x1080, v5;
	v6 =	vsel vm0, $0x3080, v6;
	vm0 =	vcmask $0x2B28  }
0x1f: {  	s4 =	sshll.u32 s4, $0x6;
	s29 =	sadd.s32 s6, s28;
	[dreg:$0x6] =	wrdreg s1;
	v5 =	vsel vm0, $0x1100, v5;
	v6 =	vsel vm0, $0x3100, v6;
	vm0 =	vcmask $0x2F2C  }
0x20: {  	s26 =	sshrl.u32 s2, $0x1;
	s30 =	sadd.s32 s5, s4;
	[dreg:$0x7] =	wrdreg s29;
	v5 =	vsel vm0, $0x1180, v5;
	v6 =	vsel vm0, $0x3180, v6;
	vm0 =	vcmask $0x3330  }
0x21: {  	s31 =	sadd.s32 s3, s4;
	s0 =	ssub.s32 s2, s26;
	[dreg:$0x8] =	wrdreg s30;
	v5 =	vsel vm0, $0x1200, v5;
	v6 =	vsel vm0, $0x3200, v6;
	vm0 =	vcmask $0x3734  }
0x22: {  	s13 =	simm.s32 $0x2C00;
	[dreg:$0x9] =	wrdreg s31;
	s0 =	smax.u32 s0, $0x1;
	v5 =	vsel vm0, $0x1280, v5;
	v6 =	vsel vm0, $0x3280, v6;
	vm0 =	vcmask $0x3B38  }
0x23: {  	s14 =	simm.s32 $0x6C00;
	s2 =	simm.s32 $0x0;
	[dreg:$0xa] =	wrdreg s0;
	v4 =	vor.u32 $0x80000000, v2;
	v5 =	vsel vm0, $0x1300, v5;
	v6 =	vsel vm0, $0x3300, v6  }
.LBB2_2:
0x24: {  	[dreg:$0xb] =	wrdreg s2  }
0x25: {  	s25 =	simm.s32 $0x0;
	s0 =	rddreg [dreg:$0x9];
	s1 =	simm.s32 $0xAC00  }
0x26: {  	[tilespmem:s1], [sflag:$0x1] =	stream.linear.gather [hbm4b:s0+s25], $0x200, $0x38;
	[tilespmem:$0xB180] =	vst v63  }
0x27: {  	s26 =	rddreg [dreg:$0x8];
	s28 =	simm.s32 $0xAE00  }
0x28: {  	[tilespmem:s28], [sflag:$0x1] =	stream.linear.gather [hbm4b:s26+s25], $0x200, $0x38;
	[tilespmem:$0xB180] =	vst v63  }
0x29: {  	s29 =	rddreg [dreg:$0x7]  }
0x2a: {  	[tilespmem:s13], [sflag:$0x1] =	stream.linear.gather [hbm4b:s29+s25], $0x4000, $0x38;
	[tilespmem:$0xB180] =	vst v63  }
0x2b: {  	s30 =	rddreg [dreg:$0x6];
	s31 =	simm.s32 $0x1  }
0x2c: {  	[tilespmem:s14], [sflag:$0x1] =	stream.linear.gather [hbm4b:s30+s25], $0x4000, $0x38;
	[tilespmem:$0xB180] =	vst v63  }
0x2d: {  	_ =	swait.ge [sflag:s31], $0x200  }
0x2e: {  	[sflag:s31] =	ssyncset.done $0x0  }
0x2f: {  	[sflag:s31] =	ssyncadd.s32 $0xFFFFFE00  }
0x30: {  	_ =	swait.ge [sflag:s31], $0x200  }
0x31: {  	[sflag:s31] =	ssyncset.done $0x0  }
0x32: {  	[sflag:s31] =	ssyncadd.s32 $0xFFFFFE00  }
0x33: {  	_ =	swait.ge [sflag:s31], $0x4000  }
0x34: {  	[sflag:s31] =	ssyncset.done $0x0  }
0x35: {  	[sflag:s31] =	ssyncadd.s32 $0xFFFFC000  }
0x36: {  	_ =	swait.ge [sflag:s31], $0x4000  }
0x37: {  	v24 =	vld [tilespmem:$0x1FFA0]  }
0x38: {  	v54 =	vld [tilespmem:$0x1FFB0]  }
0x39: {  	v58 =	vld [tilespmem:$0x1FFC0]  }
0x3a: {  	v61 =	vld [tilespmem:$0x1FFD0]  }
0x3b: {  	[sflag:s31] =	ssyncset.done $0x0;
	v28 =	vld [tilespmem:$0x1FFE0]  }
0x3c: {  	v32 =	vld [tilespmem:$0x1FFF0];
	[sflag:s31] =	ssyncadd.s32 $0xFFFFC000  }
0x3d: {  	v7 =	vld [tilespmem:$0xAC00]  }
0x3e: {  	v8 =	vld [tilespmem:$0xAC10]  }
0x3f: {  	v9 =	vld [tilespmem:$0xAC20]  }
0x40: {  	v10 =	vld [tilespmem:$0xAC30]  }
0x41: {  	v11 =	vld [tilespmem:$0xAC40]  }
0x42: {  	(xrf0) =	vmax.scan.msk.f32 $0xffff, v7;
	v7 =	vld [tilespmem:$0xAC50]  }
0x43: {  	(xrf0) =	vmax.scan.msk.f32 $0xffff, v8;
	v8 =	vld [tilespmem:$0xAC60]  }
0x44: {  	v41 =	vld [tilespmem:$0xAC70];
	(xrf0) =	vmax.scan.msk.f32 $0xffff, v9  }
0x45: {  	v42 =	vld [tilespmem:$0xAC80];
	(xrf0) =	vmax.scan.msk.f32 $0xffff, v10  }
0x46: {  	v43 =	vld [tilespmem:$0xAC90];
	(xrf0) =	vmax.scan.msk.f32 $0xffff, v11  }
0x47: {  	(xrf0) =	vmax.scan.msk.f32 $0xffff, v7;
	v7 =	vld [tilespmem:$0xACA0]  }
0x48: {  	v12, _, _ =	vpop (xrf0);
	(xrf0) =	vmax.scan.msk.f32 $0xffff, v8;
	v8 =	vld [tilespmem:$0xACB0]  }
0x49: {  	v44 =	vld [tilespmem:$0xACC0];
	v13, _, _ =	vpop (xrf0);
	(xrf0) =	vmax.scan.msk.f32 $0xffff, v41  }
0x4a: {  	v45 =	vld [tilespmem:$0xACD0];
	v14, _, _ =	vpop (xrf0);
	(xrf0) =	vmax.scan.msk.f32 $0xffff, v42  }
0x4b: {  	v46 =	vld [tilespmem:$0xACE0];
	v15, _, _ =	vpop (xrf0);
	(xrf0) =	vmax.scan.msk.f32 $0xffff, v43  }
0x4c: {  	v16, _, _ =	vpop (xrf0);
	(xrf0) =	vmax.scan.msk.f32 $0xffff, v7;
	v7 =	vld [tilespmem:$0xACF0]  }
0x4d: {  	v17, _, _ =	vpop (xrf0);
	(xrf0) =	vmax.scan.msk.f32 $0xffff, v8;
	v8 =	vld [tilespmem:$0xAD00]  }
0x4e: {  	v47 =	vld [tilespmem:$0xAD10];
	v18, _, _ =	vpop (xrf0);
	(xrf0) =	vmax.scan.msk.f32 $0xffff, v44  }
0x4f: {  	v48 =	vld [tilespmem:$0xAD20];
	v19, _, _ =	vpop (xrf0);
	(xrf0) =	vmax.scan.msk.f32 $0xffff, v45  }
0x50: {  	v49 =	vld [tilespmem:$0xAD30];
	v20, _, _ =	vpop (xrf0);
	(xrf0) =	vmax.scan.msk.f32 $0xffff, v46  }
0x51: {  	v12 =	vbroadcast v12, $0xF;
	v13 =	vbroadcast v13, $0xF;
	v21, _, _ =	vpop (xrf0);
	(xrf0) =	vmax.scan.msk.f32 $0xffff, v7;
	v7 =	vld [tilespmem:$0xAD40]  }
0x52: {  	vm0 =	vnez.u8 v24;
	v14 =	vbroadcast v14, $0xF;
	v22, _, _ =	vpop (xrf0);
	(xrf0) =	vmax.scan.msk.f32 $0xffff, v8;
	v8 =	vld [tilespmem:$0xAD50]  }
0x53: {  	v50 =	vld [tilespmem:$0xAD60];
	vm1 =	vnez.u8 v54;
	v12 =	vsel vm0, v12, v13;
	v51 =	vbroadcast v15, $0xF;
	v23, _, _ =	vpop (xrf0);
	(xrf0) =	vmax.scan.msk.f32 $0xffff, v47  }
0x54: {  	v53 =	vld [tilespmem:$0xAD70];
	vm2 =	vnez.u8 v58;
	v12 =	vsel vm1, v12, v14;
	v55 =	vbroadcast v16, $0xF;
	v52, _, _ =	vpop (xrf0);
	(xrf0) =	vmax.scan.msk.f32 $0xffff, v48  }
0x55: {  	v57 =	vld [tilespmem:$0xAD80];
	vm3 =	vnez.u8 v61;
	v12 =	vsel vm2, v12, v51;
	v59 =	vbroadcast v17, $0xF;
	v56, _, _ =	vpop (xrf0);
	(xrf0) =	vmax.scan.msk.f32 $0xffff, v49  }
0x56: {  	vm4 =	vnez.u8 v28;
	v12 =	vsel vm3, v12, v55;
	v62 =	vbroadcast v18, $0xF;
	v60, _, _ =	vpop (xrf0);
	(xrf0) =	vmax.scan.msk.f32 $0xffff, v7;
	v7 =	vld [tilespmem:$0xAD90]  }
0x57: {  	vm5 =	vnez.u8 v32;
	v12 =	vsel vm4, v12, v59;
	v29 =	vbroadcast v19, $0xF;
	v63, _, _ =	vpop (xrf0);
	(xrf0) =	vmax.scan.msk.f32 $0xffff, v8;
	v8 =	vld [tilespmem:$0xADA0]  }
0x58: {  	v31 =	vld [tilespmem:$0xADB0];
	v12 =	vsel vm5, v12, v62;
	v33 =	vbroadcast v20, $0xF;
	v30, _, _ =	vpop (xrf0);
	(xrf0) =	vmax.scan.msk.f32 $0xffff, v50  }
0x59: {  	v35 =	vld [tilespmem:$0xADC0];
	v12 =	vsel vm6, v12, v29;
	v40 =	vbroadcast v21, $0xF;
	v34, _, _ =	vpop (xrf0);
	(xrf0) =	vmax.scan.msk.f32 $0xffff, v53  }
0x5a: {  	v39 =	vld [tilespmem:$0xADD0];
	v12 =	vsel vm7, v12, v33;
	v36 =	vbroadcast v30, $0xF;
	v37 =	vbroadcast v34, $0xF;
	v38, _, _ =	vpop (xrf0);
	(xrf0) =	vmax.scan.msk.f32 $0xffff, v57  }
0x5b: {  	v12 =	vsel vm8, v12, v40;
	v20 =	vbroadcast v38, $0xF;
	v41, _, _ =	vpop (xrf0);
	(xrf0) =	vmax.scan.msk.f32 $0xffff, v7;
	v7 =	vld [tilespmem:$0xADE0]  }
0x5c: {  	v15 =	vbroadcast v52, $0xF;
	v13 =	vsel vm0, v36, v37;
	v42, _, _ =	vpop (xrf0);
	(xrf0) =	vmax.scan.msk.f32 $0xffff, v8;
	v21 =	vbroadcast v41, $0xF  }
0x5d: {  	v54 =	vbroadcast v56, $0xF;
	v13 =	vsel vm1, v13, v20;
	v43, _, _ =	vpop (xrf0);
	(xrf0) =	vmax.scan.msk.f32 $0xffff, v31;
	v44 =	vbroadcast v42, $0xF  }
0x5e: {  	v48 =	vld [tilespmem:$0xADF0];
	v8 =	vbroadcast v22, $0xF;
	v45 =	vsel vm2, v13, v21;
	v46 =	vbroadcast v43, $0xF;
	v47, _, _ =	vpop (xrf0);
	(xrf0) =	vmax.scan.msk.f32 $0xffff, v35  }
0x5f: {  	v50 =	vbroadcast v23, $0xF;
	v9 =	vsel vm3, v45, v44;
	v49, _, _ =	vpop (xrf0);
	(xrf0) =	vmax.scan.msk.f32 $0xffff, v39;
	v14 =	vbroadcast v47, $0xF  }
0x60: {  	v8 =	vsel vm9, v12, v8;
	v9 =	vsel vm4, v9, v46;
	v12 =	vbroadcast v49, $0xF;
	v51, _, _ =	vpop (xrf0);
	(xrf0) =	vmax.scan.msk.f32 $0xffff, v7  }
0x61: {  	v58 =	vbroadcast v60, $0xF;
	v7, _, _ =	vpop (xrf0);
	v9 =	vsel vm5, v9, v14;
	v52 =	vbroadcast v51, $0xF  }
0x62: {  	v8 =	vsel vm10, v8, v50;
	v53, _, _ =	vpop (xrf0);
	v9 =	vsel vm6, v9, v12;
	v7 =	vbroadcast v7, $0xF  }
0x63: {  	v8 =	vsel vm11, v8, v15;
	(xrf0) =	vmax.scan.msk.f32 $0xffff, v48;
	v9 =	vsel vm7, v9, v52;
	v55 =	vbroadcast v53, $0xF;
	v56, _, _ =	vpop (xrf0)  }
0x64: {  	v8 =	vsel vm12, v8, v54;
	v57, _, _ =	vpop (xrf0);
	v7 =	vsel vm8, v9, v7;
	v59 =	vbroadcast v56, $0xF  }
0x65: {  	v8 =	vsel vm13, v8, v58;
	v60, _, _ =	vpop (xrf0);
	v7 =	vsel vm9, v7, v55;
	v10 =	vbroadcast v57, $0xF  }
0x66: {  	v8 =	vsel vm14, v8, v63;
	v61, _, _ =	vpop (xrf0);
	v7 =	vsel vm10, v7, v59;
	v62 =	vbroadcast v60, $0xF  }
0x67: {  	v7 =	vsel vm11, v7, v10;
	v63 =	vbroadcast v61, $0xF  }
0x68: {  	[tilespmem:$0xB100] =	vst v0;
	v7 =	vsel vm12, v7, v62  }
0x69: {  	[tilespmem:$0xB000] =	vst v8;
	v8, _, _ =	vpop (xrf0);
	v7 =	vsel vm13, v7, v63  }
0x6a: {  	[tilespmem:$0xB080] =	vst v1;
	v7 =	vsel vm14, v7, v8  }
0x6b: {  	s24 =	simm.s32 $0x1;
	s8 =	simm.s32 $0x0;
	[tilespmem:$0xB010] =	vst v7  }
.LBB2_3:
0x6c: {  	v7 =	vld [tilespmem:$0xB000]  }
0x6d: {  	v8 =	vld [tilespmem:$0xB010];
	_ =	sdelay $0x4  }
0x6e: {  	v9 =	vmax.f32 v7, v8  }
0x6f: {  	(xrf0) =	vmax.scan.msk.f32 $0xffff, v9;
	_ =	sdelay $0x5  }
0x70: {  	v9, _, _ =	vpop (xrf0)  }
0x71: {  	v9 =	vbroadcast v9, $0xF;
	_ =	sdelay $0x1  }
0x72: {  	vm0 =	veq.f32 v8, v9  }
0x73: {  	vm1 =	veq.f32 v7, v9;
	v7 =	vnsel vm0, $0xC0000000, v3  }
0x74: {  	v7 =	vsel vm1, v4, v7  }
0x75: {  	(xrf0) =	vmin.scan.msk.u32 $0xffff, v7;
	_ =	sdelay $0x5  }
0x76: {  	v7, _, _ =	vpop (xrf0)  }
0x77: {  	(v2sf) =	vpush v7, $0xF;
	_ =	sdelay $0xe  }
0x78: {  	s0 =	spop (v2sf)  }
0x79: {  	s0 =	sshll.u32 s0, $0x4  }
0x7a: {  	v7 =	vld [tilespmem:s0+$0xAC00];
	_ =	sdelay $0x4  }
0x7b: {  	vm0 =	veq.f32 v7, v9  }
0x7c: {  	v7 =	vnsel vm0, $0xC0000000, v4  }
0x7d: {  	(xrf0) =	vmin.scan.msk.u32 $0xffff, v7;
	_ =	sdelay $0x5  }
0x7e: {  	v7, _, _ =	vpop (xrf0)  }
0x7f: {  	(v2sf) =	vpush v7, $0xF;
	_ =	sdelay $0xc  }
0x80: {  	v7 =	vld [tilespmem:s0+$0xAE00];
	_ =	sdelay $0x1  }
0x81: {  	s1 =	spop (v2sf)  }
0x82: {  	s1 =	sxor.u32 $0x80000000, s1  }
0x83: {  	v8 =	vmov s1  }
0x84: {  	v7 =	vxor.u32 $0x80000000, v7;
	vm0 =	veq.s32 v8, v2  }
0x85: {  	v7 =	vnsel vm0, $0xC0000000, v7  }
0x86: {  	(xrf0) =	vmin.scan.msk.u32 $0xffff, v7;
	_ =	sdelay $0x5  }
0x87: {  	v7, _, _ =	vpop (xrf0)  }
0x88: {  	(v2sf) =	vpush v7, $0xF;
	_ =	sdelay $0xa  }
0x89: {  	s1 =	sadd.s32 s1, s0  }
0x8a: {  	s0 =	sadd.s32 $0xFFFFFFF8, s1  }
0x8b: {  	p1 =	sgt.s32 s0, $0x0  }
0x8c: {  	p0 =	slt.s32 s0, $0x1;
	s0 =	simm.s32 @!p1 $0x0  }
0x8d: {  	s18 =	smin.u32 s0, $0x1E7;
	s2 =	spop (v2sf)  }
0x8e: {  	s16 =	sshll.u32 s1, $0xA;
	s3 =	sand.u32 $0x7, s18;
	s2 =	sxor.u32 $0x80000000, s2  }
0x8f: {  	p6 =	sne.s32 s3, $0x0;
	s4 =	ssub.s32 s2, s16  }
0x90: {  	p1 =	por !p0, !p6;
	s0 =	sadd.s32 $0xFFFFFFF8, s4  }
0x91: {  	s6 =	simm.s32 $0x1;
	p2 =	por !p1, !p1;
	s17 =	sand.u32 $0x7F, s0  }
0x92: {  	p1 =	slt.s32 s0, $0x1;
	s5 =	sshra.s32 s0, $0x1F;
	p3 =	sne.s32 s17, $0x0  }
0x93: {  	s19 =	sshll.u32 s8, $0x1;
	s5 =	sshrl.u32 s5, $0x19;
	p3 =	por !p1, !p3  }
0x94: {  	s3 =	simm.s32 $0xFFFFFFFF;
	s5 =	sadd.s32 s5, s0;
	p3 =	por !p3, !p3  }
0x95: {  	s3 =	simm.s32 @!p2 $0x0;
	v7 =	vld [tilespmem:$0xB100];
	s5 =	sshra.s32 s5, $0x7;
	s6 =	simm.s32 @!p3 $0x0  }
0x96: {  	s20 =	sshllo.u32 s8, $0x1;
	s3 =	sshll.u32 s3, $0x3;
	s5 =	ssub.s32 s5, s6  }
0x97: {  	[dreg:$0xc] =	wrdreg s8;
	v8 =	vld [tilespmem:$0xB080];
	s3 =	sadd.s32 s18, s3;
	p2 =	sgt.s32 s5, $0x0  }
0x98: {  	s22 =	rddreg [dreg:$0x4];
	v62 =	vmov s19;
	s7 =	sshll.u32 s3, $0x9;
	s5 =	simm.s32 @!p2 $0x0  }
0x99: {  	v10 =	vmov s20;
	vm0 =	veq.s32 v62, v2;
	s21 =	sand.u32 $0x7FFFF000, s7;
	s4 =	sadd.s32 $0x4, s4;
	s5 =	smin.u32 s5, $0x2  }
0x9a: {  	v63 =	vmov s8;
	s1 =	sadd.s32 $0x4, s1;
	v7 =	vsel vm0, s4, v7;
	vm0 =	veq.s32 v10, v2;
	s4 =	sadd.s32 s22, s21;
	s23 =	sshll.u32 s5, $0xA  }
0x9b: {  	s26 =	rddreg [dreg:$0x0];
	s28 =	simm.s32 $0x800;
	v7 =	vsel vm0, s1, v7;
	vm0 =	veq.s32 v63, v2;
	s25 =	sor.u32 s4, s23  }
0x9c: {  	s29 =	simm.s32 $0x1000;
	s30 =	simm.s32 $0x0;
	[tilespmem:$0xB100] =	vst v7;
	v7 =	vsel vm0, s2, v8;
	s1 =	sshrl.u32 s25, $0x3  }
.Ltmp1:
0x9d: {  	s31 =	simm.s32 $0x2;
	[tilespmem:$0xB080] =	vst v7;
	s1 =	sadd.s32 s26, s1;
	(pc) =	sbr.rel .LBB2_4-.Ltmp1, $4  }
0x9e: {  	[tilespmem:s30], [sflag:$0x2] =	stream.strided.gather [hbm4b:s1+s28], $0x2000, s29, s28, $0x38;
	[tilespmem:$0xB180] =	vst v63  }
0x9f: {  	s4 =	simm.s32 $0x0;
	_ =	swait.ge [sflag:s31], $0x2000  }
0xa0: {  	s25 =	sshll.u32 s5, $0x7;
	s1 =	sand.u32 $0xFFFFFFF8, s3;
	[sflag:s31] =	ssyncset.done $0x0  }
0xa1: {  	s2 =	sadd.s32 $0xFFFFFFF7, s1;
	s3 =	sadd.s32 $0x20, s1;
	[sflag:s31] =	ssyncadd.s32 $0xFFFFE000  }
.LBB2_6:
0xa2: {  	s4 =	sadd.s32 $0x1, s4  }
0xa3: {  	p2 =	sne.s32 s24, s4  }
.Ltmp2:
0xa4: {  	_ = 	snop;
	(pc) =	sbr.rel @!p2 .LBB2_7-.Ltmp2, $1  }
0xa5: {  	_ =	sdelay $0x3  }
.LBB2_4:
0xa6: {  	v7 =	vld [tilespmem:$0xB080];
	_ =	sdelay $0x3  }
0xa7: {  	v8 =	vmov s4  }
0xa8: {  	vm0 =	veq.s32 v8, v2;
	v7 =	vxor.u32 $0x80000000, v7  }
0xa9: {  	v7 =	vnsel vm0, $0xC0000000, v7  }
0xaa: {  	(xrf0) =	vmin.scan.msk.u32 $0xffff, v7;
	_ =	sdelay $0x5  }
0xab: {  	v7, _, _ =	vpop (xrf0)  }
0xac: {  	(v2sf) =	vpush v7, $0xF;
	_ =	sdelay $0xe  }
0xad: {  	s5 =	spop (v2sf)  }
0xae: {  	s7 =	sxor.u32 $0x80000000, s5  }
0xaf: {  	p3 =	sgt.s32 s5, $0xFFFFFFFF;
	s6 =	sand.u32 $0x3FF, s5;
	p2 =	slt.s32 s7, $0x1  }
0xb0: {  	s8 =	sshra.s32 s7, $0x1F;
	p6 =	sne.s32 s6, $0x0;
	p2 =	por p3, p2  }
0xb1: {  	s31 =	sshrl.u32 s8, $0x16;
	p2 =	por !p6, !p2  }
0xb2: {  	s8 =	simm.s32 $0x1;
	s6 =	sadd.s32 s31, s7;
	p2 =	por !p2, !p2  }
0xb3: {  	s6 =	sshra.s32 s6, $0xA;
	s8 =	simm.s32 @!p2 $0x0  }
0xb4: {  	s6 =	ssub.s32 s6, s8  }
0xb5: {  	p2 =	sge.s32 s6, s3  }
0xb6: {  	p3 =	sle.s32 @!p2 s6, s2  }
0xb7: {  	p2 =	por p2, p3  }
.Ltmp3:
0xb8: {  	_ = 	snop;
	(pc) =	sbr.rel @p2 .LBB2_6-.Ltmp3, $1  }
0xb9: {  	_ =	sdelay $0x3  }
0xba: {  	s8 =	sshll.u32 s6, $0xA  }
0xbb: {  	s10 =	ssub.s32 s7, s8;
	p2 =	sne.s32 s7, s8;
	s7 =	simm.s32 $0x1  }
0xbc: {  	s28 =	sshra.s32 s10, $0x1F;
	s7 =	simm.s32 @!p2 $0x0  }
0xbd: {  	s5 =	sand.u32 $0xF, s5;
	s7 =	sor.u32 s7, s28  }
0xbe: {  	p3 =	sne.s32 s5, $0x0;
	p6 =	sne.s32 s7, $0x1  }
0xbf: {  	s29 =	sshrl.u32 s28, $0x1C;
	p2 =	por !p3, !p6  }
0xc0: {  	s5 =	sadd.s32 s29, s10;
	s7 =	simm.s32 $0x1;
	p2 =	por !p2, !p2  }
0xc1: {  	s5 =	sshrl.u32 s5, $0x4;
	s7 =	simm.s32 @!p2 $0x0  }
0xc2: {  	s5 =	ssub.s32 s5, s7  }
0xc3: {  	s5 =	sshll.u32 s5, $0x4  }
0xc4: {  	s7 =	ssub.s32 s5, s25;
	s5 =	ssub.s32 s6, s1  }
0xc5: {  	p2 =	sgt.s32 s7, $0x0;
	p3 =	sgt.s32 s5, $0x0;
	s6 =	smov.u32 s5  }
0xc6: {  	s8 =	sadd.s32 $0x10, s7;
	s7 =	simm.s32 @!p2 $0x0;
	s6 =	simm.s32 @!p3 $0x0  }
0xc7: {  	s9 =	smin.u32 s7, $0xF0;
	s6 =	smin.u32 s6, $0x1F  }
0xc8: {  	s30 =	sshll.u32 s6, $0x8;
	s11 =	sshll.u32 s9, $0x3  }
0xc9: {  	s6 =	sshll.u32 s6, $0x7;
	s12 =	sand.u32 $0x1800, s30;
	s7 =	sand.u32 $0x400, s11  }
0xca: {  	s31 =	sand.u32 $0x380, s6;
	s15 =	sor.u32 s7, s12  }
0xcb: {  	s6 =	sand.u32 $0x70, s9;
	s15 =	sor.u32 s31, s15  }
0xcc: {  	p2 =	sgt.s32 s8, $0x0;
	s15 =	sor.u32 s6, s15  }
0xcd: {  	s8 =	simm.s32 @!p2 $0x0;
	s9 =	sadd.s32 s25, s9;
	v7 =	vld [tilespmem:s15+$0x0]  }
0xce: {  	vm3 =	vmmov vm15;
	p2 =	slt.u32 s5, $0x20;
	s16 =	smin.u32 s8, $0xF0;
	v8 =	vor.u32 s9, v2  }
0xcf: {  	s17 =	sadd.s32 $0x9, s10;
	vm3 =	vmneg @p2 vm3;
	s8 =	sshll.u32 s16, $0x3;
	vm0 =	vge.s32 v8, s10  }
0xd0: {  	s8 =	sand.u32 $0x400, s8;
	vm1 =	vlt.s32 v8, s17;
	vm2 =	vmand vm3, vm0  }
0xd1: {  	s20 =	sshra.s32 s5, $0x1F;
	s19 =	sor.u32 s8, s12;
	vm2 =	vmand vm1, vm2  }
0xd2: {  	s9 =	sand.u32 $0x70, s16;
	s12 =	sor.u32 s20, s5;
	s11 =	sor.u32 s31, s19;
	v7 =	vsel vm2, $0x0, v7  }
0xd3: {  	p2 =	slt.s32 s12, $0x1E;
	s11 =	sor.u32 s9, s11;
	[tilespmem:s15+$0x0] =	vst v7  }
0xd4: {  	s21 =	sadd.s32 s25, s16;
	s12 =	simm.s32 @!p2 $0x1E;
	v7 =	vld [tilespmem:s11+$0x0]  }
0xd5: {  	v8 =	vadd.s32 s21, v2;
	s12 =	sadd.s32 $0x1, s12  }
0xd6: {  	s22 =	sshll.u32 s12, $0x8;
	vm2 =	vge.s32 v8, s10  }
0xd7: {  	s12 =	sshll.u32 s12, $0x7;
	s10 =	sand.u32 $0x7FFFF800, s22;
	vm4 =	vmand vm3, vm2;
	vm3 =	vlt.s32 v8, s17  }
0xd8: {  	s12 =	sand.u32 $0x380, s12;
	s23 =	sor.u32 s7, s10;
	vm4 =	vmand vm3, vm4  }
0xd9: {  	s15 =	sor.u32 s12, s23;
	v7 =	vsel vm4, $0x0, v7  }
0xda: {  	s26 =	sor.u32 s6, s15;
	[tilespmem:s11+$0x0] =	vst v7  }
0xdb: {  	s28 =	sadd.s32 $0x1, s5;
	v7 =	vld [tilespmem:s26+$0x0]  }
0xdc: {  	p2 =	slt.u32 s28, $0x20;
	vm4 =	vmmov vm15  }
0xdd: {  	vm4 =	vmneg @p2 vm4  }
0xde: {  	vm5 =	vmand vm4, vm0  }
0xdf: {  	s10 =	sor.u32 s8, s10;
	s15 =	smov.u32 s5;
	p2 =	sgt.s32 s5, $0xFFFFFFFE;
	vm5 =	vmand vm1, vm5  }
0xe0: {  	s10 =	sor.u32 s12, s10;
	s15 =	simm.s32 @!p2 $0xFFFFFFFE;
	v7 =	vsel vm5, $0x0, v7  }
0xe1: {  	s10 =	sor.u32 s9, s10;
	p2 =	slt.s32 s15, $0x1D;
	[tilespmem:s26+$0x0] =	vst v7  }
0xe2: {  	s15 =	simm.s32 @!p2 $0x1D;
	v7 =	vld [tilespmem:s10+$0x0]  }
0xe3: {  	s29 =	sadd.s32 $0x2, s15  }
0xe4: {  	s30 =	sshll.u32 s29, $0x8  }
0xe5: {  	vm4 =	vmand vm4, vm2;
	s11 =	sshll.u32 s29, $0x7;
	s12 =	sand.u32 $0x7FFFF800, s30  }
0xe6: {  	vm4 =	vmand vm3, vm4;
	s11 =	sand.u32 $0x380, s11;
	s31 =	sor.u32 s7, s12  }
0xe7: {  	s15 =	sor.u32 s11, s31;
	v7 =	vsel vm4, $0x0, v7  }
0xe8: {  	s16 =	sor.u32 s6, s15;
	[tilespmem:s10+$0x0] =	vst v7  }
0xe9: {  	s17 =	sadd.s32 $0x2, s5;
	v7 =	vld [tilespmem:s16+$0x0]  }
0xea: {  	p2 =	slt.u32 s17, $0x20;
	vm4 =	vmmov vm15  }
0xeb: {  	vm4 =	vmneg @p2 vm4  }
0xec: {  	vm5 =	vmand vm4, vm0  }
0xed: {  	s12 =	sor.u32 s8, s12;
	s15 =	smov.u32 s5;
	p2 =	sgt.s32 s5, $0xFFFFFFFD;
	vm5 =	vmand vm1, vm5  }
0xee: {  	s11 =	sor.u32 s11, s12;
	s15 =	simm.s32 @!p2 $0xFFFFFFFD;
	v7 =	vsel vm5, $0x0, v7  }
0xef: {  	s19 =	sor.u32 s9, s11;
	p2 =	slt.s32 s15, $0x1C;
	[tilespmem:s16+$0x0] =	vst v7  }
0xf0: {  	s15 =	simm.s32 @!p2 $0x1C;
	v7 =	vld [tilespmem:s19+$0x0]  }
0xf1: {  	s20 =	sadd.s32 $0x3, s15  }
0xf2: {  	s21 =	sshll.u32 s20, $0x8  }
0xf3: {  	vm4 =	vmand vm4, vm2;
	s11 =	sshll.u32 s20, $0x7;
	s12 =	sand.u32 $0x7FFFF800, s21  }
0xf4: {  	vm4 =	vmand vm3, vm4;
	s11 =	sand.u32 $0x380, s11;
	s22 =	sor.u32 s7, s12  }
0xf5: {  	s15 =	sor.u32 s11, s22;
	v7 =	vsel vm4, $0x0, v7  }
0xf6: {  	s23 =	sor.u32 s6, s15;
	[tilespmem:s19+$0x0] =	vst v7  }
0xf7: {  	s26 =	sadd.s32 $0x3, s5;
	v7 =	vld [tilespmem:s23+$0x0]  }
0xf8: {  	p2 =	slt.u32 s26, $0x20;
	vm4 =	vmmov vm15  }
0xf9: {  	vm4 =	vmneg @p2 vm4  }
0xfa: {  	vm5 =	vmand vm4, vm0  }
0xfb: {  	s12 =	sor.u32 s8, s12;
	s15 =	smov.u32 s5;
	p2 =	sgt.s32 s5, $0xFFFFFFFC;
	vm5 =	vmand vm1, vm5  }
0xfc: {  	s11 =	sor.u32 s11, s12;
	s15 =	simm.s32 @!p2 $0xFFFFFFFC;
	v7 =	vsel vm5, $0x0, v7  }
0xfd: {  	s28 =	sor.u32 s9, s11;
	p2 =	slt.s32 s15, $0x1B;
	[tilespmem:s23+$0x0] =	vst v7  }
0xfe: {  	s15 =	simm.s32 @!p2 $0x1B;
	v7 =	vld [tilespmem:s28+$0x0]  }
0xff: {  	s29 =	sadd.s32 $0x4, s15  }
0x100: {  	s30 =	sshll.u32 s29, $0x8  }
0x101: {  	vm4 =	vmand vm4, vm2;
	s11 =	sshll.u32 s29, $0x7;
	s12 =	sand.u32 $0x7FFFF800, s30  }
0x102: {  	vm4 =	vmand vm3, vm4;
	s11 =	sand.u32 $0x380, s11;
	s31 =	sor.u32 s7, s12  }
0x103: {  	s15 =	sor.u32 s11, s31;
	v7 =	vsel vm4, $0x0, v7  }
0x104: {  	s16 =	sor.u32 s6, s15;
	[tilespmem:s28+$0x0] =	vst v7  }
0x105: {  	s17 =	sadd.s32 $0x4, s5;
	v7 =	vld [tilespmem:s16+$0x0]  }
0x106: {  	p2 =	slt.u32 s17, $0x20;
	vm4 =	vmmov vm15  }
0x107: {  	vm4 =	vmneg @p2 vm4  }
0x108: {  	vm5 =	vmand vm4, vm0  }
0x109: {  	s12 =	sor.u32 s8, s12;
	s15 =	smov.u32 s5;
	p2 =	sgt.s32 s5, $0xFFFFFFFB;
	vm5 =	vmand vm1, vm5  }
0x10a: {  	s11 =	sor.u32 s11, s12;
	s15 =	simm.s32 @!p2 $0xFFFFFFFB;
	v7 =	vsel vm5, $0x0, v7  }
0x10b: {  	s19 =	sor.u32 s9, s11;
	p2 =	slt.s32 s15, $0x1A;
	[tilespmem:s16+$0x0] =	vst v7  }
0x10c: {  	s15 =	simm.s32 @!p2 $0x1A;
	v7 =	vld [tilespmem:s19+$0x0]  }
0x10d: {  	s20 =	sadd.s32 $0x5, s15  }
0x10e: {  	s21 =	sshll.u32 s20, $0x8  }
0x10f: {  	vm4 =	vmand vm4, vm2;
	s11 =	sshll.u32 s20, $0x7;
	s12 =	sand.u32 $0x7FFFF800, s21  }
0x110: {  	vm4 =	vmand vm3, vm4;
	s11 =	sand.u32 $0x380, s11;
	s22 =	sor.u32 s7, s12  }
0x111: {  	s15 =	sor.u32 s11, s22;
	v7 =	vsel vm4, $0x0, v7  }
0x112: {  	s23 =	sor.u32 s6, s15;
	[tilespmem:s19+$0x0] =	vst v7  }
0x113: {  	s26 =	sadd.s32 $0x5, s5;
	v7 =	vld [tilespmem:s23+$0x0]  }
0x114: {  	p2 =	slt.u32 s26, $0x20;
	vm4 =	vmmov vm15  }
0x115: {  	vm4 =	vmneg @p2 vm4  }
0x116: {  	vm5 =	vmand vm4, vm0  }
0x117: {  	s12 =	sor.u32 s8, s12;
	s15 =	smov.u32 s5;
	p2 =	sgt.s32 s5, $0xFFFFFFFA;
	vm5 =	vmand vm1, vm5  }
0x118: {  	s11 =	sor.u32 s11, s12;
	s15 =	simm.s32 @!p2 $0xFFFFFFFA;
	v7 =	vsel vm5, $0x0, v7  }
0x119: {  	s28 =	sor.u32 s9, s11;
	p2 =	slt.s32 s15, $0x19;
	[tilespmem:s23+$0x0] =	vst v7  }
0x11a: {  	s15 =	simm.s32 @!p2 $0x19;
	v7 =	vld [tilespmem:s28+$0x0]  }
0x11b: {  	s29 =	sadd.s32 $0x6, s15  }
0x11c: {  	s30 =	sshll.u32 s29, $0x8  }
0x11d: {  	vm4 =	vmand vm4, vm2;
	s11 =	sshll.u32 s29, $0x7;
	s12 =	sand.u32 $0x7FFFF800, s30  }
0x11e: {  	vm4 =	vmand vm3, vm4;
	s11 =	sand.u32 $0x380, s11;
	s31 =	sor.u32 s7, s12  }
0x11f: {  	s15 =	sor.u32 s11, s31;
	v7 =	vsel vm4, $0x0, v7  }
0x120: {  	s16 =	sor.u32 s6, s15;
	[tilespmem:s28+$0x0] =	vst v7  }
0x121: {  	s17 =	sadd.s32 $0x6, s5;
	v7 =	vld [tilespmem:s16+$0x0]  }
0x122: {  	p2 =	slt.u32 s17, $0x20;
	vm4 =	vmmov vm15  }
0x123: {  	vm4 =	vmneg @p2 vm4  }
0x124: {  	vm5 =	vmand vm4, vm0  }
0x125: {  	s12 =	sor.u32 s8, s12;
	s15 =	smov.u32 s5;
	p2 =	sgt.s32 s5, $0xFFFFFFF9;
	vm5 =	vmand vm1, vm5  }
0x126: {  	s11 =	sor.u32 s11, s12;
	s15 =	simm.s32 @!p2 $0xFFFFFFF9;
	v7 =	vsel vm5, $0x0, v7  }
0x127: {  	s19 =	sor.u32 s9, s11;
	p2 =	slt.s32 s15, $0x18;
	[tilespmem:s16+$0x0] =	vst v7  }
0x128: {  	s15 =	simm.s32 @!p2 $0x18;
	v7 =	vld [tilespmem:s19+$0x0]  }
0x129: {  	s20 =	sadd.s32 $0x7, s15  }
0x12a: {  	s21 =	sshll.u32 s20, $0x8  }
0x12b: {  	vm4 =	vmand vm4, vm2;
	s11 =	sshll.u32 s20, $0x7;
	s12 =	sand.u32 $0x7FFFF800, s21  }
0x12c: {  	vm4 =	vmand vm3, vm4;
	s11 =	sand.u32 $0x380, s11;
	s22 =	sor.u32 s7, s12  }
0x12d: {  	s15 =	sor.u32 s11, s22;
	v7 =	vsel vm4, $0x0, v7  }
0x12e: {  	s23 =	sor.u32 s6, s15;
	[tilespmem:s19+$0x0] =	vst v7  }
0x12f: {  	s26 =	sadd.s32 $0x7, s5;
	v7 =	vld [tilespmem:s23+$0x0]  }
0x130: {  	p2 =	slt.u32 s26, $0x20;
	vm4 =	vmmov vm15  }
0x131: {  	vm4 =	vmneg @p2 vm4  }
0x132: {  	vm5 =	vmand vm4, vm0  }
0x133: {  	s12 =	sor.u32 s8, s12;
	vm5 =	vmand vm1, vm5  }
0x134: {  	s11 =	sor.u32 s11, s12;
	v7 =	vsel vm5, $0x0, v7  }
0x135: {  	s28 =	sor.u32 s9, s11;
	p2 =	slt.s32 s5, $0x17;
	[tilespmem:s23+$0x0] =	vst v7  }
0x136: {  	s29 =	sadd.s32 $0x8, s5;
	s5 =	simm.s32 @!p2 $0x17;
	v7 =	vld [tilespmem:s28+$0x0]  }
0x137: {  	s30 =	sshll.u32 s5, $0x8  }
0x138: {  	s12 =	sand.u32 $0xFFFFF800, s30  }
0x139: {  	vm4 =	vmand vm4, vm2;
	s5 =	sshll.u32 s5, $0x7;
	s12 =	sadd.s32 $0x800, s12  }
0x13a: {  	vm4 =	vmand vm3, vm4;
	s5 =	sand.u32 $0x380, s5;
	s7 =	sor.u32 s7, s12  }
0x13b: {  	s7 =	sor.u32 s5, s7;
	v7 =	vsel vm4, $0x0, v7  }
0x13c: {  	s6 =	sor.u32 s6, s7;
	[tilespmem:s28+$0x0] =	vst v7  }
0x13d: {  	v7 =	vld [tilespmem:s6+$0x0]  }
0x13e: {  	p2 =	slt.u32 s29, $0x20;
	vm4 =	vmmov vm15  }
0x13f: {  	vm4 =	vmneg @p2 vm4  }
0x140: {  	vm0 =	vmand vm4, vm0  }
0x141: {  	s31 =	sor.u32 s8, s12;
	vm0 =	vmand vm1, vm0  }
0x142: {  	s5 =	sor.u32 s5, s31;
	v7 =	vsel vm0, $0x0, v7  }
0x143: {  	s5 =	sor.u32 s9, s5;
	[tilespmem:s6+$0x0] =	vst v7  }
0x144: {  	v7 =	vld [tilespmem:s5+$0x0];
	_ =	sdelay $0x1  }
.Ltmp4:
0x145: {  	_ = 	snop;
	(pc) =	sbr.rel .LBB2_6-.Ltmp4, $4  }
0x146: {  	vm0 =	vmand vm4, vm2  }
0x147: {  	vm0 =	vmand vm3, vm0  }
0x148: {  	v7 =	vsel vm0, $0x0, v7  }
0x149: {  	[tilespmem:s5+$0x0] =	vst v7  }
.LBB2_7:
0x14a: {  	p2 =	sgt.s32 s0, $0x0;
	s1 =	ssub.s32 s18, s1;
	s3 =	sshll.u32 s18, $0x7  }
0x14b: {  	[dreg:$0xd] =	wrdreg s18;
	s0 =	simm.s32 @!p2 $0x0;
	s21 =	sshll.u32 s1, $0x8  }
0x14c: {  	s22 =	sadd.s32 $0x1, s1;
	s29 =	sand.u32 $0x380, s3;
	s28 =	sadd.s32 $0x2, s1  }
0x14d: {  	s31 =	sadd.s32 $0x3, s1;
	s0 =	smin.u32 s0, $0x1E8;
	s30 =	sand.u32 $0xFFFFF800, s21  }
0x14e: {  	s4 =	sshll.u32 s22, $0x8;
	s5 =	sshll.u32 s28, $0x8;
	s9 =	sshll.u32 s31, $0x8  }
0x14f: {  	s10 =	sshll.u32 s31, $0x7;
	s21 =	sadd.s32 $0x4, s1;
	s2 =	sand.u32 $0xF, s0  }
0x150: {  	s0 =	sshrl.u32 s0, $0x4;
	s11 =	sand.u32 $0xFFFFF800, s4;
	p6 =	sne.s32 s2, $0x0  }
0x151: {  	s4 =	sshll.u32 s28, $0x7;
	s19 =	sand.u32 $0xFFFFF800, s5;
	p1 =	por !p1, !p6  }
0x152: {  	s8 =	sand.u32 $0xFFFFF800, s9;
	s2 =	simm.s32 $0x1;
	p1 =	por !p1, !p1  }
0x153: {  	s7 =	sand.u32 $0x380, s4;
	[smem:$0x7E3] =	sst s8;
	s2 =	simm.s32 @!p1 $0x0  }
0x154: {  	s28 =	sshll.u32 s21, $0x7;
	[smem:$0x7E2] =	sst s7;
	s0 =	ssub.s32 s0, s2  }
0x155: {  	s2 =	sshll.u32 s22, $0x7;
	[dreg:$0xe] =	wrdreg s0;
	s6 =	sshll.u32 s0, $0x4  }
0x156: {  	s0 =	ssub.s32 s6, s25;
	s20 =	sand.u32 $0x70, s6;
	s12 =	smov.u32 s6  }
0x157: {  	[smem:$0x7FD] =	sst s6;
	s6 =	sand.u32 $0x380, s10;
	s0 =	sshll.u32 s0, $0x3  }
0x158: {  	s16 =	sand.u32 $0x380, s2;
	[smem:$0x7E4] =	sst s6;
	s0 =	sand.u32 $0xFFFFFC00, s0  }
0x159: {  	s23 =	sadd.s32 s0, s30;
	s26 =	sadd.s32 s0, s11;
	s5 =	sadd.s32 s0, s19  }
0x15a: {  	s15 =	sadd.s32 s0, s8;
	s3 =	sor.u32 s29, s23;
	s2 =	sor.u32 s16, s26  }
0x15b: {  	s5 =	sor.u32 s7, s5;
	s4 =	sor.u32 s6, s15;
	s23 =	sshll.u32 s21, $0x8  }
0x15c: {  	s26 =	sadd.s32 $0x5, s1;
	s3 =	sor.u32 s20, s3;
	s2 =	sor.u32 s20, s2  }
0x15d: {  	s17 =	sor.u32 s20, s5;
	s22 =	sor.u32 s20, s4;
	s9 =	sand.u32 $0xFFFFF800, s23  }
0x15e: {  	s31 =	sshll.u32 s26, $0x8;
	s4 =	sand.u32 $0x380, s28;
	s6 =	sshll.u32 s26, $0x7  }
0x15f: {  	s23 =	sadd.s32 $0x7, s1;
	v7 =	vld [tilespmem:s3+$0x0];
	[smem:$0x7E5] =	sst s4;
	s5 =	sand.u32 $0xFFFFF800, s31  }
0x160: {  	v8 =	vld [tilespmem:s2+$0x0];
	s7 =	sadd.s32 s0, s9;
	s6 =	sand.u32 $0x380, s6;
	[smem:$0x7E6] =	sst s5  }
0x161: {  	v9 =	vld [tilespmem:s17+$0x0];
	s17 =	sadd.s32 $0x6, s1;
	s31 =	sshll.u32 s23, $0x8;
	[smem:$0x7E7] =	sst s6  }
0x162: {  	s10 =	sadd.s32 s0, s5;
	s15 =	sor.u32 s4, s7;
	s21 =	sshll.u32 s17, $0x8  }
0x163: {  	v10 =	vld [tilespmem:s22+$0x0];
	s22 =	sshll.u32 s17, $0x7;
	s7 =	sshll.u32 s23, $0x7;
	s23 =	sadd.s32 $0xA, s1  }
0x164: {  	s3 =	sor.u32 s6, s10;
	s2 =	sor.u32 s20, s15;
	s5 =	sand.u32 $0xFFFFF800, s21  }
0x165: {  	s26 =	sand.u32 $0x380, s22;
	s4 =	sand.u32 $0x380, s7;
	s15 =	sadd.s32 $0x800, s30  }
0x166: {  	s3 =	sor.u32 s20, s3;
	v11 =	vld [tilespmem:s2+$0x0];
	[smem:$0x7E8] =	sst s5;
	s28 =	sadd.s32 s0, s5;
	v7 =	vadd.f32 v8, v7  }
0x167: {  	s21 =	sadd.s32 $0x9, s1;
	[smem:$0x7E9] =	sst s26;
	v12 =	vld [tilespmem:s3+$0x0];
	s2 =	sor.u32 s26, s28  }
0x168: {  	s5 =	sand.u32 $0xFFFFF800, s31;
	[smem:$0x7EB] =	sst s4;
	s2 =	sor.u32 s20, s2;
	v8 =	vadd.f32 v9, v8;
	v7 =	vadd.f32 v9, v7  }
0x169: {  	s7 =	sshll.u32 s23, $0x7;
	[smem:$0x7EC] =	sst s15;
	s8 =	sadd.s32 s0, s5;
	v13 =	vld [tilespmem:s2+$0x0];
	v9 =	vadd.f32 v10, v9  }
0x16a: {  	s22 =	sshll.u32 s21, $0x8;
	[smem:$0x7EA] =	sst s5;
	s10 =	sor.u32 s4, s8;
	v8 =	vadd.f32 v10, v8;
	v7 =	vadd.f32 v10, v7  }
0x16b: {  	s3 =	sadd.s32 s0, s15;
	s26 =	sand.u32 $0xFFFFF800, s22;
	s2 =	sor.u32 s20, s10;
	v10 =	vadd.f32 v11, v10;
	v9 =	vadd.f32 v11, v9  }
0x16c: {  	s28 =	sshll.u32 s23, $0x8;
	s17 =	sor.u32 s29, s3;
	[smem:$0x7ED] =	sst s26;
	v14 =	vld [tilespmem:s2+$0x0];
	v16 =	vadd.f32 v12, v11;
	v8 =	vadd.f32 v11, v8  }
0x16d: {  	s3 =	sand.u32 $0xFFFFF800, s28;
	s4 =	sand.u32 $0x380, s7;
	s2 =	sor.u32 s20, s17;
	v7 =	vadd.f32 v11, v7;
	v10 =	vadd.f32 v12, v10  }
0x16e: {  	s8 =	sadd.s32 s0, s26;
	[smem:$0x7EF] =	sst s3;
	v15 =	vld [tilespmem:s2+$0x0];
	s2 =	sshll.u32 s21, $0x7;
	v9 =	vadd.f32 v12, v9;
	v11 =	vadd.f32 v13, v16  }
0x16f: {  	[smem:$0x7F0] =	sst s4;
	s3 =	sadd.s32 s0, s3;
	s31 =	sand.u32 $0x380, s2;
	v8 =	vadd.f32 v12, v8;
	v7 =	vadd.f32 v12, v7  }
0x170: {  	s10 =	sadd.s32 $0xB, s1;
	s3 =	sor.u32 s4, s3;
	s2 =	sor.u32 s31, s8;
	v10 =	vadd.f32 v13, v10;
	v9 =	vadd.f32 v13, v9  }
0x171: {  	s15 =	sshll.u32 s10, $0x8;
	s17 =	sshll.u32 s10, $0x7;
	s2 =	sor.u32 s20, s2;
	v11 =	vadd.f32 v14, v11;
	v8 =	vadd.f32 v13, v8  }
0x172: {  	s10 =	sadd.s32 $0xE, s1;
	s3 =	sor.u32 s20, s3;
	s5 =	sand.u32 $0xFFFFF800, s15;
	v49 =	vld [tilespmem:s2+$0x0];
	v12 =	vadd.f32 v13, v12;
	v7 =	vadd.f32 v13, v7  }
0x173: {  	s21 =	sadd.s32 $0xC, s1;
	s22 =	sand.u32 $0x380, s17;
	[dreg:$0xf] =	wrdreg s5;
	v10 =	vadd.f32 v14, v10;
	v9 =	vadd.f32 v14, v9  }
0x174: {  	s15 =	sshll.u32 s10, $0x8;
	s17 =	sadd.s32 $0xF, s1;
	[dreg:$0x10] =	wrdreg s22;
	v11 =	vadd.f32 v15, v11;
	v8 =	vadd.f32 v14, v8  }
0x175: {  	s23 =	sadd.s32 s0, s5;
	s26 =	sshll.u32 s21, $0x8;
	v17 =	vld [tilespmem:s3+$0x0];
	s28 =	sshll.u32 s21, $0x7;
	v13 =	vadd.f32 v14, v13;
	v12 =	vadd.f32 v14, v12  }
0x176: {  	s5 =	sadd.s32 $0xD, s1;
	s3 =	sshll.u32 s10, $0x7;
	[smem:$0x7EE] =	sst s31;
	v7 =	vadd.f32 v14, v7;
	v10 =	vadd.f32 v15, v10  }
0x177: {  	s4 =	sand.u32 $0x380, s28;
	s6 =	sshll.u32 s5, $0x8;
	s21 =	sand.u32 $0x380, s3;
	v9 =	vadd.f32 v15, v9;
	v11 =	vadd.f32 v49, v11  }
0x178: {  	s28 =	sshll.u32 s17, $0x8;
	[smem:$0x7F1] =	sst s4;
	s2 =	sor.u32 s22, s23;
	v8 =	vadd.f32 v15, v8;
	v14 =	vadd.f32 v15, v14  }
0x179: {  	s23 =	sand.u32 $0xFFFFF800, s26;
	s26 =	sand.u32 $0xFFFFF800, s6;
	s2 =	sor.u32 s20, s2;
	v13 =	vadd.f32 v15, v13;
	v20 =	vadd.f32 v49, v15  }
0x17a: {  	[smem:$0x7F3] =	sst s21;
	s31 =	sadd.s32 s0, s23;
	s8 =	sadd.s32 s0, s26;
	v18 =	vld [tilespmem:s2+$0x0];
	v16 =	vadd.f32 v17, v49;
	v7 =	vadd.f32 v15, v7  }
0x17b: {  	s4 =	sor.u32 s4, s31;
	s31 =	sand.u32 $0xFFFFF800, s15;
	s15 =	sadd.s32 $0x11, s1;
	v10 =	vadd.f32 v49, v10;
	v9 =	vadd.f32 v49, v9  }
0x17c: {  	s2 =	sor.u32 s20, s4;
	s22 =	sadd.s32 s0, s31;
	s4 =	sshll.u32 s17, $0x7;
	v11 =	vadd.f32 v17, v11;
	v8 =	vadd.f32 v49, v8  }
0x17d: {  	s17 =	sshll.u32 s15, $0x8;
	s18 =	sshll.u32 s15, $0x7;
	v19 =	vld [tilespmem:s2+$0x0];
	s2 =	sshll.u32 s5, $0x7;
	v15 =	vadd.f32 v15, v12;
	v14 =	vadd.f32 v49, v14  }
0x17e: {  	s3 =	sor.u32 s21, s22;
	s5 =	sand.u32 $0xFFFFF800, s28;
	s4 =	sand.u32 $0x380, s4;
	v13 =	vadd.f32 v49, v13;
	v20 =	vadd.f32 v17, v20  }
0x17f: {  	s22 =	sadd.s32 $0x12, s1;
	s7 =	sand.u32 $0x380, s2;
	[dreg:$0x13] =	wrdreg s5;
	v16 =	vadd.f32 v18, v16;
	v10 =	vadd.f32 v17, v10  }
0x180: {  	[dreg:$0x12] =	wrdreg s4;
	s6 =	sadd.s32 s0, s5;
	s28 =	sshll.u32 s22, $0x8;
	v9 =	vadd.f32 v17, v9;
	v11 =	vadd.f32 v18, v11  }
0x181: {  	s5 =	sadd.s32 $0x13, s1;
	[smem:$0x7F2] =	sst s7;
	s2 =	sor.u32 s7, s8;
	v15 =	vadd.f32 v49, v15;
	v14 =	vadd.f32 v17, v14  }
0x182: {  	s7 =	sor.u32 s4, s6;
	s8 =	sadd.s32 $0x1000, s30;
	s2 =	sor.u32 s20, s2;
	v13 =	vadd.f32 v17, v13;
	v20 =	vadd.f32 v18, v20  }
0x183: {  	s4 =	sand.u32 $0xFFFFF800, s17;
	s15 =	sshll.u32 s5, $0x7;
	[dreg:$0x14] =	wrdreg s8;
	v50 =	vld [tilespmem:s2+$0x0];
	v16 =	vadd.f32 v19, v16;
	v10 =	vadd.f32 v18, v10  }
0x184: {  	[dreg:$0x11] =	wrdreg s4;
	s21 =	sadd.s32 s0, s4;
	s4 =	sand.u32 $0xFFFFF800, s28;
	v11 =	vadd.f32 v19, v11;
	v15 =	vadd.f32 v17, v15  }
0x185: {  	s17 =	sand.u32 $0x380, s15;
	s2 =	sor.u32 s20, s3;
	[dreg:$0x18] =	wrdreg s4;
	v14 =	vadd.f32 v18, v14;
	v13 =	vadd.f32 v18, v13  }
0x186: {  	s3 =	sadd.s32 s0, s8;
	s4 =	sadd.s32 s0, s4;
	[dreg:$0x1b] =	wrdreg s17;
	v21 =	vld [tilespmem:s2+$0x0];
	v20 =	vadd.f32 v19, v20;
	v17 =	vadd.f32 v18, v17  }
0x187: {  	s2 =	sor.u32 s20, s7;
	s10 =	sor.u32 s29, s3;
	s3 =	sand.u32 $0x380, s18;
	v15 =	vadd.f32 v18, v15;
	v14 =	vadd.f32 v19, v14  }
0x188: {  	s7 =	sshll.u32 s5, $0x8;
	v22 =	vld [tilespmem:s2+$0x0];
	s2 =	sor.u32 s20, s10;
	[dreg:$0x15] =	wrdreg s3;
	v13 =	vadd.f32 v19, v13;
	v20 =	vadd.f32 v50, v20  }
0x189: {  	s10 =	sand.u32 $0xFFFFF800, s7;
	v23 =	vld [tilespmem:s2+$0x0];
	s2 =	sor.u32 s3, s21;
	s3 =	sshll.u32 s22, $0x7;
	v18 =	vadd.f32 v19, v18;
	v17 =	vadd.f32 v19, v17  }
0x18a: {  	[dreg:$0x17] =	wrdreg s10;
	s18 =	sadd.s32 s0, s10;
	s10 =	sadd.s32 $0x14, s1;
	v24 =	vadd.f32 v50, v19;
	v16 =	vadd.f32 v50, v16  }
0x18b: {  	s2 =	sor.u32 s20, s2;
	s6 =	sand.u32 $0x380, s3;
	s3 =	sor.u32 s17, s18;
	v12 =	vadd.f32 v21, v50;
	v15 =	vadd.f32 v19, v15  }
0x18c: {  	s21 =	sshll.u32 s10, $0x8;
	s17 =	sadd.s32 $0x15, s1;
	s28 =	sshll.u32 s10, $0x7;
	v14 =	vadd.f32 v50, v14;
	v13 =	vadd.f32 v50, v13  }
0x18d: {  	[dreg:$0x16] =	wrdreg s6;
	s4 =	sor.u32 s6, s4;
	s3 =	sor.u32 s20, s3;
	v20 =	vadd.f32 v21, v20;
	v18 =	vadd.f32 v50, v18  }
0x18e: {  	s22 =	sand.u32 $0xFFFFF800, s21;
	s28 =	sand.u32 $0x380, s28;
	s7 =	sshll.u32 s17, $0x7;
	v17 =	vadd.f32 v50, v17;
	v51 =	vadd.f32 v21, v24  }
0x18f: {  	v52 =	vld [tilespmem:s2+$0x0];
	s21 =	sadd.s32 $0x16, s1;
	s1 =	sadd.s32 $0x17, s1;
	s15 =	sor.u32 s20, s4;
	v16 =	vadd.f32 v21, v16;
	v12 =	vadd.f32 v22, v12  }
0x190: {  	[dreg:$0x1c] =	wrdreg s22;
	s4 =	sshll.u32 s17, $0x8;
	s8 =	sand.u32 $0x380, s7;
	v15 =	vadd.f32 v50, v15;
	v14 =	vadd.f32 v21, v14  }
0x191: {  	s10 =	sadd.s32 s0, s22;
	s5 =	sand.u32 $0xFFFFF800, s4;
	[dreg:$0x19] =	wrdreg s8;
	v13 =	vadd.f32 v21, v13;
	v20 =	vadd.f32 v22, v20  }
0x192: {  	s2 =	sor.u32 s28, s10;
	s4 =	sshll.u32 s1, $0x8;
	s1 =	sshll.u32 s1, $0x7;
	v18 =	vadd.f32 v21, v18;
	v17 =	vadd.f32 v21, v17  }
0x193: {  	v25 =	vld [tilespmem:s15+$0x0];
	s10 =	sadd.s32 $0x1800, s30;
	s15 =	sadd.s32 s0, s5;
	s2 =	sor.u32 s20, s2;
	v19 =	vadd.f32 v22, v51;
	v16 =	vadd.f32 v22, v16  }
0x194: {  	s6 =	sand.u32 $0xFFFFF800, s4;
	s7 =	sand.u32 $0x380, s1;
	s17 =	sor.u32 s8, s15;
	v21 =	vadd.f32 v22, v21;
	v53 =	vadd.f32 v52, v23  }
0x195: {  	s8 =	sadd.s32 s0, s6;
	s22 =	sor.u32 s20, s17;
	s17 =	sshll.u32 s21, $0x8;
	v14 =	vadd.f32 v22, v14;
	v20 =	vadd.f32 v23, v20  }
0x196: {  	v26 =	vld [tilespmem:s3+$0x0];
	s21 =	sshll.u32 s21, $0x7;
	s1 =	sor.u32 s7, s8;
	v18 =	vadd.f32 v22, v18;
	v17 =	vadd.f32 v22, v17;
	s18 =	sand.u32 $0xFFFFF800, s17  }
0x197: {  	v27 =	vld [tilespmem:s2+$0x0];
	v19 =	vadd.f32 v23, v19;
	s2 =	sand.u32 $0x380, s21;
	v16 =	vadd.f32 v23, v16;
	s1 =	sor.u32 s20, s1;
	s3 =	sadd.s32 s0, s18  }
0x198: {  	v28 =	vld [tilespmem:s22+$0x0];
	v22 =	vadd.f32 v23, v22;
	[dreg:$0x1e] =	wrdreg s2;
	s0 =	sadd.s32 s0, s10;
	v18 =	vadd.f32 v23, v18;
	s2 =	sor.u32 s2, s3  }
0x199: {  	v30 =	vld [tilespmem:s1+$0x0];
	v17 =	vadd.f32 v23, v17;
	v19 =	vadd.f32 v52, v19;
	s0 =	sor.u32 s29, s0;
	s2 =	sor.u32 s20, s2  }
0x19a: {  	v16 =	vadd.f32 v52, v16;
	v54 =	vadd.f32 v52, v22;
	s0 =	sor.u32 s20, s0;
	v29 =	vld [tilespmem:s2+$0x0]  }
0x19b: {  	v18 =	vadd.f32 v52, v18;
	v17 =	vadd.f32 v52, v17;
	v31 =	vld [tilespmem:s0+$0x0];
	[tilespmem:$0x2000] =	vst v7  }
0x19c: {  	v19 =	vadd.f32 v25, v19;
	v7 =	vadd.f32 v23, v21;
	[tilespmem:$0x2080] =	vst v8  }
0x19d: {  	v8 =	vadd.f32 v23, v12;
	[tilespmem:$0x2100] =	vst v9;
	v9 =	vadd.f32 v25, v53  }
0x19e: {  	[tilespmem:$0x2180] =	vst v10;
	v10 =	vadd.f32 v25, v54;
	v18 =	vadd.f32 v25, v18  }
0x19f: {  	v17 =	vadd.f32 v25, v17;
	v19 =	vadd.f32 v26, v19  }
0x1a0: {  	v7 =	vadd.f32 v52, v7;
	v8 =	vadd.f32 v52, v8  }
0x1a1: {  	v9 =	vadd.f32 v26, v9;
	v10 =	vadd.f32 v26, v10  }
0x1a2: {  	[tilespmem:$0x2200] =	vst v11;
	v18 =	vadd.f32 v26, v18;
	v7 =	vadd.f32 v25, v7  }
0x1a3: {  	[tilespmem:$0x2280] =	vst v15;
	v19 =	vadd.f32 v27, v19;
	v8 =	vadd.f32 v25, v8  }
0x1a4: {  	[tilespmem:$0x2300] =	vst v13;
	v9 =	vadd.f32 v27, v9;
	v7 =	vadd.f32 v26, v7  }
0x1a5: {  	[smem:$0x7F5] =	sst s11;
	[tilespmem:$0x2380] =	vst v14;
	v10 =	vadd.f32 v27, v10;
	v8 =	vadd.f32 v26, v8  }
0x1a6: {  	s12 =	sadd.s32 $0x10, s12;
	[dreg:$0x1a] =	wrdreg s5;
	[tilespmem:$0x2400] =	vst v20;
	v9 =	vadd.f32 v28, v9;
	v7 =	vadd.f32 v27, v7  }
0x1a7: {  	[smem:$0x7F4] =	sst s10;
	s15 =	ssub.s32 s12, s25;
	[tilespmem:$0x2480] =	vst v16;
	v10 =	vadd.f32 v28, v10;
	v8 =	vadd.f32 v27, v8  }
0x1a8: {  	[smem:$0x7FB] =	sst s6;
	s0 =	sshll.u32 s15, $0x3;
	[tilespmem:$0x2500] =	vst v17;
	v9 =	vadd.f32 v29, v9;
	v7 =	vadd.f32 v28, v7  }
0x1a9: {  	[dreg:$0x1f] =	wrdreg s18;
	s22 =	sand.u32 $0xFFFFFC00, s0;
	[tilespmem:$0x2580] =	vst v18;
	v10 =	vadd.f32 v29, v10;
	v8 =	vadd.f32 v28, v8  }
0x1aa: {  	s15 =	sld [smem:$0x7E3];
	s0 =	sadd.s32 s22, s30;
	s18 =	sadd.s32 s22, s11;
	[tilespmem:$0x2600] =	vst v19;
	v9 =	vadd.f32 v30, v9;
	v7 =	vadd.f32 v29, v7  }
0x1ab: {  	s11 =	sld [smem:$0x7E2];
	s17 =	sor.u32 s29, s0;
	s0 =	sand.u32 $0x70, s12;
	[tilespmem:$0x2680] =	vst v8;
	v8 =	vadd.f32 v30, v10  }
0x1ac: {  	s1 =	sor.u32 s0, s17;
	s17 =	sld [smem:$0x7E4];
	[tilespmem:$0x2700] =	vst v7;
	v7 =	vadd.f32 v31, v9  }
0x1ad: {  	s10 =	sld [smem:$0x7E5];
	s21 =	sadd.s32 s22, s19;
	[tilespmem:$0x2780] =	vst v8  }
0x1ae: {  	[smem:$0x7FC] =	sst s7;
	s5 =	sadd.s32 s22, s15;
	s4 =	sor.u32 s11, s21;
	[tilespmem:$0x2800] =	vst v7  }
0x1af: {  	s7 =	sadd.s32 s22, s9;
	s6 =	sor.u32 s17, s5;
	v7 =	vld [tilespmem:s1+$0x0];
	s1 =	sor.u32 s0, s4  }
0x1b0: {  	s8 =	sor.u32 s10, s7;
	v9 =	vld [tilespmem:s1+$0x0];
	s1 =	sor.u32 s0, s6  }
0x1b1: {  	s2 =	sor.u32 s16, s18;
	v10 =	vld [tilespmem:s1+$0x0];
	s1 =	sor.u32 s0, s8;
	s8 =	sld [smem:$0x7E6]  }
0x1b2: {  	s20 =	sor.u32 s0, s2;
	s21 =	sld [smem:$0x7E7]  }
0x1b3: {  	[dreg:$0x1d] =	wrdreg s12;
	v8 =	vld [tilespmem:s20+$0x0]  }
0x1b4: {  	[smem:$0x7F6] =	sst s9;
	s9 =	sadd.s32 s22, s8  }
0x1b5: {  	s12 =	sor.u32 s21, s9;
	s9 =	sld [smem:$0x7E8]  }
0x1b6: {  	v11 =	vld [tilespmem:s1+$0x0];
	s1 =	sor.u32 s0, s12;
	s12 =	sld [smem:$0x7E9]  }
0x1b7: {  	s7 =	sld [smem:$0x7EC]  }
0x1b8: {  	s3 =	smov.u32 s16;
	s6 =	sld [smem:$0x7EA];
	v7 =	vadd.f32 v8, v7;
	s16 =	sadd.s32 s22, s9  }
0x1b9: {  	s18 =	sor.u32 s12, s16;
	s16 =	sld [smem:$0x7EB]  }
0x1ba: {  	v7 =	vadd.f32 v9, v7  }
0x1bb: {  	s20 =	sadd.s32 s22, s6;
	v8 =	vadd.f32 v9, v8;
	v55 =	vld [tilespmem:s1+$0x0]  }
0x1bc: {  	s4 =	sadd.s32 s22, s7;
	v7 =	vadd.f32 v10, v7;
	s1 =	sor.u32 s0, s18;
	s2 =	sor.u32 s16, s20  }
0x1bd: {  	s5 =	sor.u32 s29, s4;
	v9 =	vadd.f32 v10, v9;
	v8 =	vadd.f32 v10, v8;
	v13 =	vld [tilespmem:s1+$0x0];
	s1 =	sor.u32 s0, s2  }
0x1be: {  	v10 =	vadd.f32 v11, v10;
	v7 =	vadd.f32 v11, v7;
	v14 =	vld [tilespmem:s1+$0x0];
	s1 =	sor.u32 s0, s5;
	s5 =	sld [smem:$0x7ED]  }
0x1bf: {  	v9 =	vadd.f32 v11, v9;
	v8 =	vadd.f32 v11, v8;
	s20 =	sld [smem:$0x7EE]  }
0x1c0: {  	v7 =	vadd.f32 v55, v7;
	v56 =	vadd.f32 v55, v11  }
0x1c1: {  	s4 =	sld [smem:$0x7EF];
	v10 =	vadd.f32 v55, v10;
	v9 =	vadd.f32 v55, v9;
	s18 =	sadd.s32 s22, s5  }
0x1c2: {  	v8 =	vadd.f32 v55, v8;
	v15 =	vld [tilespmem:s1+$0x0];
	v7 =	vadd.f32 v13, v7;
	s1 =	sor.u32 s20, s18;
	s18 =	sld [smem:$0x7F0]  }
0x1c3: {  	v11 =	vadd.f32 v13, v56;
	v10 =	vadd.f32 v13, v10  }
0x1c4: {  	s2 =	sadd.s32 s22, s4;
	v9 =	vadd.f32 v13, v9;
	v8 =	vadd.f32 v13, v8  }
0x1c5: {  	[smem:$0x7F7] =	sst s23;
	v12 =	vadd.f32 v13, v55;
	v7 =	vadd.f32 v14, v7;
	s1 =	sor.u32 s0, s1;
	s2 =	sor.u32 s18, s2  }
0x1c6: {  	v11 =	vadd.f32 v14, v11;
	v10 =	vadd.f32 v14, v10;
	v57 =	vld [tilespmem:s1+$0x0];
	s1 =	sor.u32 s0, s2;
	s2 =	rddreg [dreg:$0xf]  }
0x1c7: {  	v9 =	vadd.f32 v14, v9;
	v8 =	vadd.f32 v14, v8;
	s2 =	sadd.s32 s22, s2;
	v17 =	vld [tilespmem:s1+$0x0];
	s1 =	rddreg [dreg:$0x10]  }
0x1c8: {  	v13 =	vadd.f32 v14, v13;
	v12 =	vadd.f32 v14, v12;
	s1 =	sor.u32 s1, s2;
	s2 =	sadd.s32 s22, s23;
	s23 =	sld [smem:$0x7F1]  }
0x1c9: {  	v14 =	vadd.f32 v15, v14;
	v7 =	vadd.f32 v15, v7  }
0x1ca: {  	v11 =	vadd.f32 v15, v11;
	v10 =	vadd.f32 v15, v10  }
0x1cb: {  	[smem:$0x7F8] =	sst s26;
	v9 =	vadd.f32 v15, v9;
	v8 =	vadd.f32 v15, v8;
	s1 =	sor.u32 s0, s1;
	s2 =	sor.u32 s23, s2  }
0x1cc: {  	v13 =	vadd.f32 v15, v13;
	v12 =	vadd.f32 v15, v12;
	v18 =	vld [tilespmem:s1+$0x0];
	s1 =	sor.u32 s0, s2;
	s2 =	sadd.s32 s22, s26;
	s26 =	sld [smem:$0x7F2]  }
0x1cd: {  	v11 =	vadd.f32 v57, v11;
	v10 =	vadd.f32 v57, v10  }
0x1ce: {  	[smem:$0x7F9] =	sst s31;
	v9 =	vadd.f32 v57, v9;
	v8 =	vadd.f32 v57, v8  }
0x1cf: {  	v58 =	vadd.f32 v57, v15;
	v14 =	vadd.f32 v57, v14;
	v19 =	vld [tilespmem:s1+$0x0];
	s1 =	sor.u32 s26, s2;
	s2 =	sadd.s32 s22, s31;
	s31 =	sld [smem:$0x7F3]  }
0x1d0: {  	v13 =	vadd.f32 v57, v13;
	v12 =	vadd.f32 v57, v12  }
0x1d1: {  	v11 =	vadd.f32 v17, v11;
	v10 =	vadd.f32 v17, v10  }
0x1d2: {  	v9 =	vadd.f32 v17, v9;
	v59 =	vadd.f32 v17, v58;
	s1 =	sor.u32 s0, s1;
	s2 =	sor.u32 s31, s2  }
0x1d3: {  	v14 =	vadd.f32 v17, v14;
	v13 =	vadd.f32 v17, v13;
	v60 =	vld [tilespmem:s1+$0x0];
	s1 =	sor.u32 s0, s2;
	s2 =	rddreg [dreg:$0x13]  }
0x1d4: {  	v12 =	vadd.f32 v17, v12;
	v16 =	vadd.f32 v17, v57;
	s2 =	sadd.s32 s22, s2;
	v61 =	vld [tilespmem:s1+$0x0];
	s1 =	rddreg [dreg:$0x12]  }
0x1d5: {  	v11 =	vadd.f32 v18, v11;
	v10 =	vadd.f32 v18, v10;
	s1 =	sor.u32 s1, s2;
	s2 =	rddreg [dreg:$0x14]  }
0x1d6: {  	v15 =	vadd.f32 v18, v59;
	v14 =	vadd.f32 v18, v14;
	s2 =	sadd.s32 s22, s2  }
0x1d7: {  	v13 =	vadd.f32 v18, v13;
	v12 =	vadd.f32 v18, v12;
	s1 =	sor.u32 s0, s1;
	s2 =	sor.u32 s29, s2  }
0x1d8: {  	v17 =	vadd.f32 v18, v17;
	v16 =	vadd.f32 v18, v16;
	v62 =	vld [tilespmem:s1+$0x0];
	s1 =	sor.u32 s0, s2;
	s2 =	rddreg [dreg:$0x11]  }
0x1d9: {  	v11 =	vadd.f32 v19, v11;
	v15 =	vadd.f32 v19, v15;
	v63 =	vld [tilespmem:s1+$0x0];
	s1 =	sadd.s32 s22, s2;
	s2 =	rddreg [dreg:$0x15]  }
0x1da: {  	v14 =	vadd.f32 v19, v14;
	v13 =	vadd.f32 v19, v13;
	s1 =	sor.u32 s2, s1  }
0x1db: {  	v12 =	vadd.f32 v19, v12;
	v18 =	vadd.f32 v19, v18;
	s2 =	rddreg [dreg:$0x18];
	s1 =	sor.u32 s0, s1  }
0x1dc: {  	v17 =	vadd.f32 v19, v17;
	v16 =	vadd.f32 v19, v16;
	s2 =	sadd.s32 s22, s2;
	v34 =	vld [tilespmem:s1+$0x0];
	s1 =	rddreg [dreg:$0x16]  }
0x1dd: {  	v15 =	vadd.f32 v60, v15;
	v14 =	vadd.f32 v60, v14;
	s1 =	sor.u32 s1, s2  }
0x1de: {  	v13 =	vadd.f32 v60, v13;
	v12 =	vadd.f32 v60, v12;
	s2 =	rddreg [dreg:$0x17];
	s1 =	sor.u32 s0, s1  }
0x1df: {  	v32 =	vadd.f32 v60, v19;
	v18 =	vadd.f32 v60, v18;
	s2 =	sadd.s32 s22, s2;
	v35 =	vld [tilespmem:s1+$0x0];
	s1 =	rddreg [dreg:$0x1b]  }
0x1e0: {  	v17 =	vadd.f32 v60, v17;
	v16 =	vadd.f32 v60, v16;
	s1 =	sor.u32 s1, s2;
	s2 =	rddreg [dreg:$0x1c]  }
0x1e1: {  	v15 =	vadd.f32 v61, v15;
	v14 =	vadd.f32 v61, v14;
	s2 =	sadd.s32 s22, s2  }
0x1e2: {  	[smem:$0x7FA] =	sst s28;
	v13 =	vadd.f32 v61, v13;
	v33 =	vadd.f32 v61, v32;
	s1 =	sor.u32 s0, s1;
	s28 =	sor.u32 s28, s2  }
0x1e3: {  	v18 =	vadd.f32 v61, v18;
	v17 =	vadd.f32 v61, v17;
	v36 =	vld [tilespmem:s1+$0x0];
	s2 =	rddreg [dreg:$0x1a];
	s1 =	sor.u32 s0, s28  }
0x1e4: {  	v16 =	vadd.f32 v61, v16;
	v20 =	vadd.f32 v61, v60;
	s28 =	rddreg [dreg:$0x19];
	v37 =	vld [tilespmem:s1+$0x0];
	s1 =	sadd.s32 s22, s2  }
0x1e5: {  	v15 =	vadd.f32 v62, v15;
	v14 =	vadd.f32 v62, v14;
	s1 =	sor.u32 s28, s1;
	s28 =	rddreg [dreg:$0x1f]  }
0x1e6: {  	v19 =	vadd.f32 v62, v33;
	v18 =	vadd.f32 v62, v18;
	s2 =	sadd.s32 s22, s28;
	s28 =	rddreg [dreg:$0x1e]  }
0x1e7: {  	v17 =	vadd.f32 v62, v17;
	v16 =	vadd.f32 v62, v16;
	s1 =	sor.u32 s0, s1;
	s2 =	sor.u32 s28, s2;
	s28 =	sld [smem:$0x7FB]  }
0x1e8: {  	v21 =	vadd.f32 v62, v61;
	v20 =	vadd.f32 v62, v20;
	v38 =	vld [tilespmem:s1+$0x0];
	s1 =	sor.u32 s0, s2;
	s2 =	sld [smem:$0x7FC]  }
0x1e9: {  	v15 =	vadd.f32 v63, v15;
	v19 =	vadd.f32 v63, v19  }
0x1ea: {  	v18 =	vadd.f32 v63, v18;
	v17 =	vadd.f32 v63, v17;
	s28 =	sadd.s32 s22, s28  }
0x1eb: {  	v16 =	vadd.f32 v63, v16;
	v22 =	vadd.f32 v63, v62;
	s2 =	sor.u32 s2, s28;
	s28 =	sld [smem:$0x7F4]  }
0x1ec: {  	v19 =	vadd.f32 v34, v19;
	v18 =	vadd.f32 v34, v18  }
0x1ed: {  	v17 =	vadd.f32 v34, v17;
	v16 =	vadd.f32 v34, v16  }
0x1ee: {  	v42 =	vadd.f32 v34, v63;
	v19 =	vadd.f32 v35, v19;
	s22 =	sadd.s32 s22, s28  }
0x1ef: {  	v43 =	vadd.f32 v34, v22;
	v18 =	vadd.f32 v35, v18;
	v39 =	vld [tilespmem:s1+$0x0];
	s2 =	sor.u32 s0, s2;
	s22 =	sor.u32 s29, s22  }
0x1f0: {  	v17 =	vadd.f32 v35, v17;
	v19 =	vadd.f32 v36, v19;
	v40 =	vld [tilespmem:s2+$0x0];
	s0 =	sor.u32 s0, s22  }
0x1f1: {  	v18 =	vadd.f32 v36, v18;
	v41 =	vld [tilespmem:s0+$0x0];
	[tilespmem:$0x2010] =	vst v7;
	v7 =	vadd.f32 v63, v21  }
0x1f2: {  	v19 =	vadd.f32 v37, v19;
	[tilespmem:$0x2090] =	vst v8;
	v8 =	vadd.f32 v63, v20  }
0x1f3: {  	[tilespmem:$0x2110] =	vst v9;
	v9 =	vadd.f32 v35, v42;
	v7 =	vadd.f32 v34, v7  }
0x1f4: {  	[tilespmem:$0x2190] =	vst v10;
	v10 =	vadd.f32 v35, v43;
	s0 =	sld [smem:$0x7FD];
	v8 =	vadd.f32 v34, v8  }
0x1f5: {  	[tilespmem:$0x2210] =	vst v11;
	v9 =	vadd.f32 v36, v9;
	v7 =	vadd.f32 v35, v7  }
0x1f6: {  	[tilespmem:$0x2290] =	vst v12;
	v10 =	vadd.f32 v36, v10;
	v8 =	vadd.f32 v35, v8  }
0x1f7: {  	[tilespmem:$0x2310] =	vst v13;
	p1 =	slt.s32 s0, $0x1D0;
	v9 =	vadd.f32 v37, v9;
	v7 =	vadd.f32 v36, v7  }
0x1f8: {  	[tilespmem:$0x2390] =	vst v14;
	v10 =	vadd.f32 v37, v10;
	s0 =	simm.s32 @!p1 $0x1D0;
	v8 =	vadd.f32 v36, v8  }
0x1f9: {  	[tilespmem:$0x2410] =	vst v15;
	s0 =	sadd.s32 $0x20, s0;
	v9 =	vadd.f32 v38, v9;
	v7 =	vadd.f32 v37, v7  }
0x1fa: {  	[tilespmem:$0x2490] =	vst v16;
	v10 =	vadd.f32 v38, v10;
	s25 =	ssub.s32 s0, s25;
	v8 =	vadd.f32 v37, v8  }
0x1fb: {  	[tilespmem:$0x2510] =	vst v17;
	s1 =	sshll.u32 s25, $0x3;
	v9 =	vadd.f32 v39, v9;
	v7 =	vadd.f32 v38, v7  }
0x1fc: {  	[tilespmem:$0x2590] =	vst v18;
	v10 =	vadd.f32 v39, v10;
	s22 =	sand.u32 $0xFFFFFC00, s1;
	v8 =	vadd.f32 v38, v8  }
0x1fd: {  	[tilespmem:$0x2610] =	vst v19;
	s1 =	sadd.s32 s22, s30;
	s30 =	sld [smem:$0x7F5];
	v9 =	vadd.f32 v40, v9;
	v7 =	vadd.f32 v39, v7  }
0x1fe: {  	[tilespmem:$0x2690] =	vst v8;
	v8 =	vadd.f32 v40, v10  }
0x1ff: {  	[tilespmem:$0x2710] =	vst v7;
	v7 =	vadd.f32 v41, v9  }
0x200: {  	s0 =	sand.u32 $0x70, s0;
	s1 =	sor.u32 s29, s1;
	s2 =	sadd.s32 s22, s30;
	[tilespmem:$0x2790] =	vst v8  }
0x201: {  	s1 =	sor.u32 s0, s1;
	s30 =	sadd.s32 s22, s19;
	s2 =	sor.u32 s3, s2;
	[tilespmem:$0x2810] =	vst v7  }
0x202: {  	s3 =	sadd.s32 s22, s15;
	s15 =	sld [smem:$0x7F6];
	s25 =	sor.u32 s0, s2;
	v7 =	vld [tilespmem:s1+$0x0]  }
0x203: {  	s2 =	sor.u32 s11, s30;
	v8 =	vld [tilespmem:s25+$0x0]  }
0x204: {  	s11 =	sor.u32 s17, s3;
	s1 =	sor.u32 s0, s2  }
0x205: {  	s2 =	sadd.s32 s22, s15;
	v9 =	vld [tilespmem:s1+$0x0];
	s1 =	sor.u32 s0, s11  }
0x206: {  	s19 =	sadd.s32 s22, s8;
	s17 =	sor.u32 s10, s2;
	v10 =	vld [tilespmem:s1+$0x0]  }
0x207: {  	s25 =	sor.u32 s21, s19;
	s1 =	sor.u32 s0, s17  }
0x208: {  	s30 =	sadd.s32 s22, s9;
	v11 =	vld [tilespmem:s1+$0x0];
	s1 =	sor.u32 s0, s25;
	v7 =	vadd.f32 v8, v7  }
0x209: {  	s3 =	sadd.s32 s22, s6;
	s2 =	sor.u32 s12, s30;
	v12 =	vld [tilespmem:s1+$0x0]  }
0x20a: {  	s7 =	sadd.s32 s22, s7;
	s6 =	sor.u32 s16, s3;
	s1 =	sor.u32 s0, s2;
	v8 =	vadd.f32 v9, v8;
	v7 =	vadd.f32 v9, v7  }
0x20b: {  	s8 =	sor.u32 s29, s7;
	v13 =	vld [tilespmem:s1+$0x0];
	s1 =	sor.u32 s0, s6;
	v9 =	vadd.f32 v10, v9  }
0x20c: {  	s9 =	sadd.s32 s22, s5;
	v14 =	vld [tilespmem:s1+$0x0];
	s1 =	sor.u32 s0, s8;
	v8 =	vadd.f32 v10, v8;
	v7 =	vadd.f32 v10, v7  }
0x20d: {  	v15 =	vld [tilespmem:s1+$0x0];
	s1 =	sor.u32 s20, s9;
	v10 =	vadd.f32 v11, v10;
	v9 =	vadd.f32 v11, v9  }
0x20e: {  	s1 =	sor.u32 s0, s1;
	v44 =	vadd.f32 v12, v11;
	v8 =	vadd.f32 v11, v8  }
0x20f: {  	v45 =	vld [tilespmem:s1+$0x0];
	v7 =	vadd.f32 v11, v7;
	v10 =	vadd.f32 v12, v10  }
0x210: {  	s10 =	sadd.s32 s22, s4;
	v9 =	vadd.f32 v12, v9;
	v11 =	vadd.f32 v13, v44  }
0x211: {  	s11 =	sor.u32 s18, s10;
	v8 =	vadd.f32 v12, v8;
	v7 =	vadd.f32 v12, v7  }
0x212: {  	s1 =	sor.u32 s0, s11;
	v10 =	vadd.f32 v13, v10;
	v9 =	vadd.f32 v13, v9  }
0x213: {  	v17 =	vld [tilespmem:s1+$0x0];
	v11 =	vadd.f32 v14, v11;
	v12 =	vadd.f32 v13, v12  }
0x214: {  	s12 =	rddreg [dreg:$0xf];
	v8 =	vadd.f32 v13, v8;
	v46 =	vadd.f32 v45, v15  }
0x215: {  	s15 =	rddreg [dreg:$0x10];
	s2 =	sadd.s32 s22, s12;
	v7 =	vadd.f32 v13, v7;
	v10 =	vadd.f32 v14, v10  }
0x216: {  	s1 =	sor.u32 s15, s2;
	v9 =	vadd.f32 v14, v9;
	v11 =	vadd.f32 v15, v11  }
0x217: {  	s16 =	sld [smem:$0x7F7];
	s1 =	sor.u32 s0, s1;
	v13 =	vadd.f32 v14, v13;
	v12 =	vadd.f32 v14, v12  }
0x218: {  	v18 =	vld [tilespmem:s1+$0x0];
	v16 =	vadd.f32 v17, v45;
	v8 =	vadd.f32 v14, v8  }
0x219: {  	v47 =	vadd.f32 v17, v46;
	v7 =	vadd.f32 v14, v7  }
0x21a: {  	s2 =	sadd.s32 s22, s16;
	v10 =	vadd.f32 v15, v10;
	v9 =	vadd.f32 v15, v9  }
0x21b: {  	s17 =	sor.u32 s23, s2;
	v11 =	vadd.f32 v45, v11;
	v14 =	vadd.f32 v15, v14  }
0x21c: {  	s18 =	sld [smem:$0x7F8];
	s1 =	sor.u32 s0, s17;
	v13 =	vadd.f32 v15, v13;
	v12 =	vadd.f32 v15, v12  }
0x21d: {  	s19 =	sld [smem:$0x7F9];
	v19 =	vld [tilespmem:s1+$0x0];
	v16 =	vadd.f32 v18, v16;
	v8 =	vadd.f32 v15, v8  }
0x21e: {  	v7 =	vadd.f32 v15, v7;
	v10 =	vadd.f32 v45, v10  }
0x21f: {  	s1 =	sadd.s32 s22, s18;
	v9 =	vadd.f32 v45, v9;
	v11 =	vadd.f32 v17, v11  }
0x220: {  	s2 =	sadd.s32 s22, s19;
	s1 =	sor.u32 s26, s1;
	v14 =	vadd.f32 v45, v14;
	v13 =	vadd.f32 v45, v13  }
0x221: {  	s20 =	sor.u32 s31, s2;
	s1 =	sor.u32 s0, s1;
	v12 =	vadd.f32 v45, v12;
	v15 =	vadd.f32 v18, v47  }
0x222: {  	v48 =	vld [tilespmem:s1+$0x0];
	s1 =	sor.u32 s0, s20;
	v16 =	vadd.f32 v19, v16;
	v8 =	vadd.f32 v45, v8  }
0x223: {  	v49 =	vld [tilespmem:s1+$0x0];
	v10 =	vadd.f32 v17, v10;
	v9 =	vadd.f32 v17, v9  }
0x224: {  	s21 =	rddreg [dreg:$0x13];
	v11 =	vadd.f32 v18, v11;
	v14 =	vadd.f32 v17, v14  }
0x225: {  	s23 =	rddreg [dreg:$0x12];
	s2 =	sadd.s32 s22, s21;
	v13 =	vadd.f32 v17, v13;
	v12 =	vadd.f32 v17, v12  }
0x226: {  	s1 =	sor.u32 s23, s2;
	v15 =	vadd.f32 v19, v15;
	v17 =	vadd.f32 v18, v17  }
0x227: {  	s1 =	sor.u32 s0, s1;
	v52 =	vadd.f32 v48, v19;
	v16 =	vadd.f32 v48, v16  }
0x228: {  	s7 =	rddreg [dreg:$0x1c];
	v50 =	vld [tilespmem:s1+$0x0];
	v20 =	vadd.f32 v49, v48;
	v10 =	vadd.f32 v18, v10  }
0x229: {  	s25 =	rddreg [dreg:$0x14];
	v11 =	vadd.f32 v19, v11;
	v14 =	vadd.f32 v18, v14  }
0x22a: {  	s5 =	rddreg [dreg:$0x17];
	s2 =	sadd.s32 s22, s25;
	v13 =	vadd.f32 v18, v13;
	v12 =	vadd.f32 v18, v12  }
0x22b: {  	s3 =	rddreg [dreg:$0x18];
	s26 =	sor.u32 s29, s2;
	v15 =	vadd.f32 v48, v15;
	v18 =	vadd.f32 v19, v18  }
0x22c: {  	s30 =	rddreg [dreg:$0x11];
	s1 =	sor.u32 s0, s26;
	v17 =	vadd.f32 v19, v17;
	v53 =	vadd.f32 v49, v52  }
0x22d: {  	s4 =	rddreg [dreg:$0x16];
	v51 =	vld [tilespmem:s1+$0x0];
	v16 =	vadd.f32 v49, v16;
	v21 =	vadd.f32 v50, v49  }
0x22e: {  	s10 =	rddreg [dreg:$0x19];
	v20 =	vadd.f32 v50, v20;
	v14 =	vadd.f32 v19, v14  }
0x22f: {  	s31 =	rddreg [dreg:$0x15];
	s1 =	sadd.s32 s22, s30;
	v13 =	vadd.f32 v19, v13;
	v12 =	vadd.f32 v19, v12  }
0x230: {  	s12 =	rddreg [dreg:$0x1e];
	s1 =	sor.u32 s31, s1;
	v15 =	vadd.f32 v49, v15;
	v18 =	vadd.f32 v48, v18  }
0x231: {  	s6 =	rddreg [dreg:$0x1b];
	s2 =	sadd.s32 s22, s3;
	s1 =	sor.u32 s0, s1;
	v17 =	vadd.f32 v48, v17;
	v19 =	vadd.f32 v50, v53  }
0x232: {  	s8 =	sld [smem:$0x7FA];
	v54 =	vld [tilespmem:s1+$0x0];
	s1 =	sor.u32 s4, s2;
	v16 =	vadd.f32 v50, v16;
	v22 =	vadd.f32 v51, v50  }
0x233: {  	s11 =	rddreg [dreg:$0x1f];
	s2 =	sadd.s32 s22, s5;
	s1 =	sor.u32 s0, s1;
	v14 =	vadd.f32 v48, v14;
	v13 =	vadd.f32 v48, v13  }
0x234: {  	s15 =	sld [smem:$0x7FB];
	v55 =	vld [tilespmem:s1+$0x0];
	s1 =	sor.u32 s6, s2;
	v12 =	vadd.f32 v48, v12;
	v15 =	vadd.f32 v50, v15  }
0x235: {  	s19 =	sld [smem:$0x7FC];
	s2 =	sadd.s32 s22, s7;
	s1 =	sor.u32 s0, s1;
	v18 =	vadd.f32 v49, v18;
	v17 =	vadd.f32 v49, v17  }
0x236: {  	s9 =	rddreg [dreg:$0x1a];
	v19 =	vadd.f32 v51, v19;
	v56 =	vld [tilespmem:s1+$0x0];
	s1 =	sor.u32 s8, s2;
	v16 =	vadd.f32 v51, v16;
	s2 =	sadd.s32 s22, s11  }
0x237: {  	s16 =	sadd.s32 s22, s15;
	s1 =	sor.u32 s0, s1;
	s2 =	sor.u32 s12, s2;
	v62 =	vadd.f32 v54, v51;
	v63 =	vadd.f32 v54, v22  }
0x238: {  	v14 =	vadd.f32 v49, v14;
	v13 =	vadd.f32 v49, v13;
	v57 =	vld [tilespmem:s1+$0x0];
	s1 =	sadd.s32 s22, s9;
	s17 =	sor.u32 s0, s2;
	s2 =	sor.u32 s19, s16  }
0x239: {  	s20 =	sadd.s32 s22, s28;
	v15 =	vadd.f32 v51, v15;
	v18 =	vadd.f32 v50, v18;
	s1 =	sor.u32 s10, s1;
	v59 =	vld [tilespmem:s17+$0x0];
	s21 =	sor.u32 s0, s2  }
0x23a: {  	v17 =	vadd.f32 v50, v17;
	v19 =	vadd.f32 v54, v19;
	s22 =	sor.u32 s29, s20;
	s1 =	sor.u32 s0, s1;
	v60 =	vld [tilespmem:s21+$0x0]  }
0x23b: {  	v16 =	vadd.f32 v54, v16;
	v14 =	vadd.f32 v50, v14;
	s0 =	sor.u32 s0, s22;
	v58 =	vld [tilespmem:s1+$0x0]  }
0x23c: {  	v18 =	vadd.f32 v51, v18;
	v17 =	vadd.f32 v51, v17;
	v61 =	vld [tilespmem:s0+$0x0];
	[tilespmem:$0x2020] =	vst v7  }
0x23d: {  	v19 =	vadd.f32 v55, v19;
	v7 =	vadd.f32 v51, v21;
	[tilespmem:$0x20A0] =	vst v8  }
0x23e: {  	v8 =	vadd.f32 v51, v20;
	[tilespmem:$0x2120] =	vst v9;
	v9 =	vadd.f32 v55, v62  }
0x23f: {  	[tilespmem:$0x21A0] =	vst v10;
	v10 =	vadd.f32 v55, v63;
	v18 =	vadd.f32 v54, v18  }
0x240: {  	v17 =	vadd.f32 v54, v17;
	v19 =	vadd.f32 v56, v19  }
0x241: {  	v7 =	vadd.f32 v54, v7;
	v8 =	vadd.f32 v54, v8  }
0x242: {  	v9 =	vadd.f32 v56, v9;
	v10 =	vadd.f32 v56, v10  }
0x243: {  	v18 =	vadd.f32 v55, v18;
	v17 =	vadd.f32 v55, v17  }
0x244: {  	[tilespmem:$0x2220] =	vst v11;
	v19 =	vadd.f32 v57, v19;
	v7 =	vadd.f32 v55, v7  }
0x245: {  	[tilespmem:$0x22A0] =	vst v12;
	v8 =	vadd.f32 v55, v8;
	v9 =	vadd.f32 v57, v9  }
0x246: {  	[tilespmem:$0x2320] =	vst v13;
	v10 =	vadd.f32 v57, v10;
	v7 =	vadd.f32 v56, v7  }
0x247: {  	[tilespmem:$0x2420] =	vst v15;
	v18 =	vadd.f32 v56, v18;
	v8 =	vadd.f32 v56, v8  }
0x248: {  	[tilespmem:$0x24A0] =	vst v16;
	v9 =	vadd.f32 v58, v9;
	v7 =	vadd.f32 v57, v7  }
0x249: {  	s18 =	rddreg [dreg:$0xd];
	[tilespmem:$0x23A0] =	vst v14;
	v10 =	vadd.f32 v58, v10;
	v8 =	vadd.f32 v57, v8  }
0x24a: {  	s23 =	rddreg [dreg:$0xe];
	[tilespmem:$0x2520] =	vst v17;
	v9 =	vadd.f32 v59, v9;
	v7 =	vadd.f32 v58, v7  }
0x24b: {  	s25 =	sshll.u32 s23, $0x9;
	s26 =	sadd.s32 $0x1, s23;
	s30 =	sld [smem:$0x7FD];
	[tilespmem:$0x2620] =	vst v19;
	v10 =	vadd.f32 v59, v10;
	v8 =	vadd.f32 v58, v8  }
0x24c: {  	s28 =	sshll.u32 s26, $0x9;
	s31 =	rddreg [dreg:$0x1d];
	s6 =	sshll.u32 s18, $0x3;
	[tilespmem:$0x25A0] =	vst v18;
	v9 =	vadd.f32 v60, v9;
	v7 =	vadd.f32 v59, v7  }
0x24d: {  	s7 =	sshll.u32 s18, $0xA;
	s8 =	simm.s32 $0x0;
	s29 =	sshll.u32 s26, $0x7;
	[tilespmem:$0x26A0] =	vst v8;
	v8 =	vadd.f32 v60, v10  }
0x24e: {  	s9 =	simm.s32 $0x2080;
	s2 =	sand.u32 $0xFFFFF000, s25;
	s1 =	sshll.u32 s23, $0x7;
	[tilespmem:$0x2720] =	vst v7;
	v7 =	vadd.f32 v61, v9  }
0x24f: {  	s0 =	sand.u32 $0x7FFFF000, s28;
	s3 =	sand.u32 $0x380, s1;
	s1 =	sand.u32 $0x380, s29;
	v10 =	vor.u32 s31, v2;
	[tilespmem:$0x27A0] =	vst v8;
	v9 =	vor.u32 s30, v2  }
0x250: {  	s10 =	smov.u32 s18;
	s4 =	sor.u32 s3, s2;
	s5 =	sor.u32 s1, s0;
	v8 =	vxor.u32 $0x80000000, v9;
	[tilespmem:$0x2820] =	vst v7;
	v7 =	vxor.u32 $0x80000000, v10  }
.LBB2_8:
0x251: {  	v11 =	vld [tilespmem:s9+$0xFFFFFF80]  }
0x252: {  	v12 =	vld [tilespmem:s9+$0xFFFFFF81];
	_ =	sdelay $0x1  }
0x253: {  	v13 =	vld [tilespmem:s9+$0xFFFFFF82];
	_ =	sdelay $0x1  }
0x254: {  	v14 =	vld [tilespmem:s9+$0xFFFFFF83]  }
0x255: {  	v11 =	vadd.f32 v12, v11  }
0x256: {  	v62 =	vld [tilespmem:s9+$0xFFFFFF84]  }
0x257: {  	v11 =	vadd.f32 v13, v11  }
0x258: {  	v63 =	vld [tilespmem:s9+$0xFFFFFF85]  }
0x259: {  	v11 =	vadd.f32 v14, v11  }
0x25a: {  	v16 =	vld [tilespmem:s9+$0xFFFFFF86]  }
0x25b: {  	v11 =	vadd.f32 v62, v11  }
0x25c: {  	v17 =	vld [tilespmem:s9+$0xFFFFFF87]  }
0x25d: {  	v11 =	vadd.f32 v63, v11  }
0x25e: {  	v18 =	vld [tilespmem:s9+$0xFFFFFF88]  }
0x25f: {  	v11 =	vadd.f32 v16, v11;
	_ =	sdelay $0x1  }
0x260: {  	v11 =	vadd.f32 v17, v11;
	_ =	sdelay $0x1  }
0x261: {  	v11 =	vadd.f32 v18, v11;
	_ =	sdelay $0x1  }
0x262: {  	v11 =	vmul.f32 $1.234567910e-02, v11  }
0x263: {  	vm1 =	vlt.s32 v9, $0x1F8  }
0x264: {  	v11 =	vnsel vm1, $0xFF61B1E6, v11  }
0x265: {  	(xrf0) =	vmax.scan.msk.f32 $0xffff, v11;
	_ =	sdelay $0x5  }
0x266: {  	v19, _, _ =	vpop (xrf0)  }
0x267: {  	v12 =	vbroadcast v19, $0xF;
	_ =	sdelay $0x1  }
0x268: {  	vm0 =	veq.f32 v11, v12  }
0x269: {  	v11 =	vnsel vm0, $0xC0000000, v8  }
0x26a: {  	(xrf0) =	vmin.scan.msk.u32 $0xffff, v11;
	_ =	sdelay $0x5  }
0x26b: {  	v11, _, _ =	vpop (xrf0)  }
0x26c: {  	(v2sf) =	vpush v11, $0xF;
	_ =	sdelay $0x7  }
0x26d: {  	s11 =	sand.u32 $0x1C00, s6  }
0x26e: {  	s12 =	sand.u32 $0x70, s10;
	s15 =	sadd.s32 s4, s11  }
0x26f: {  	s15 =	sor.u32 s12, s15  }
0x270: {  	v11 =	vld [tilespmem:s15+$0x2C00]  }
0x271: {  	v20 =	vld [tilespmem:s15+$0x6C00]  }
0x272: {  	s16 =	sand.u32 $0xF, s10  }
0x273: {  	v21 =	vmov s16  }
0x274: {  	vm2 =	veq.s32 v21, v2;
	s19 =	spop (v2sf)  }
0x275: {  	v11 =	vsel vm2, v12, v11;
	s16 =	sxor.u32 $0x80000000, s19  }
0x276: {  	[tilespmem:s15+$0x2C00] =	vst v11;
	v11 =	vsel vm2, s16, v20  }
0x277: {  	[tilespmem:s15+$0x6C00] =	vst v11  }
0x278: {  	v11 =	vld [tilespmem:s9+$0xFFFFFF90]  }
0x279: {  	v22 =	vld [tilespmem:s9+$0xFFFFFF91];
	_ =	sdelay $0x1  }
0x27a: {  	v23 =	vld [tilespmem:s9+$0xFFFFFF92];
	_ =	sdelay $0x1  }
0x27b: {  	v24 =	vld [tilespmem:s9+$0xFFFFFF93]  }
0x27c: {  	v11 =	vadd.f32 v22, v11  }
0x27d: {  	v25 =	vld [tilespmem:s9+$0xFFFFFF94]  }
0x27e: {  	v11 =	vadd.f32 v23, v11  }
0x27f: {  	v26 =	vld [tilespmem:s9+$0xFFFFFF95]  }
0x280: {  	v11 =	vadd.f32 v24, v11  }
0x281: {  	v27 =	vld [tilespmem:s9+$0xFFFFFF96]  }
0x282: {  	v11 =	vadd.f32 v25, v11  }
0x283: {  	v28 =	vld [tilespmem:s9+$0xFFFFFF97]  }
0x284: {  	v11 =	vadd.f32 v26, v11  }
0x285: {  	v29 =	vld [tilespmem:s9+$0xFFFFFF98]  }
0x286: {  	v11 =	vadd.f32 v27, v11;
	_ =	sdelay $0x1  }
0x287: {  	v11 =	vadd.f32 v28, v11;
	_ =	sdelay $0x1  }
0x288: {  	v11 =	vadd.f32 v29, v11;
	_ =	sdelay $0x1  }
0x289: {  	v11 =	vmul.f32 $1.234567910e-02, v11  }
0x28a: {  	vm0 =	vlt.s32 v10, $0x1F8  }
0x28b: {  	v11 =	vnsel vm0, $0xFF61B1E6, v11  }
0x28c: {  	(xrf0) =	vmax.scan.msk.f32 $0xffff, v11;
	_ =	sdelay $0x5  }
0x28d: {  	v30, _, _ =	vpop (xrf0)  }
0x28e: {  	v12 =	vbroadcast v30, $0xF;
	_ =	sdelay $0x1  }
0x28f: {  	vm3 =	veq.f32 v11, v12  }
0x290: {  	v11 =	vnsel vm3, $0xC0000000, v7  }
0x291: {  	(xrf0) =	vmin.scan.msk.u32 $0xffff, v11;
	_ =	sdelay $0x5  }
0x292: {  	v11, _, _ =	vpop (xrf0)  }
0x293: {  	(v2sf) =	vpush v11, $0xF;
	_ =	sdelay $0x8  }
0x294: {  	s11 =	sadd.s32 s5, s11  }
0x295: {  	s11 =	sor.u32 s12, s11;
	v11 =	vmov s10  }
0x296: {  	v31 =	vld [tilespmem:s11+$0x2C00];
	v32 =	vshll.u32 v11, $0x3  }
0x297: {  	v15 =	vld [tilespmem:s11+$0x6C00];
	v11 =	vand.u32 $0x7F, v11;
	v14 =	vand.u32 $0x1C00, v32  }
0x298: {  	v11 =	vor.u32 v11, v14  }
0x299: {  	v14 =	vadd.s32 v5, v11  }
0x29a: {  	v11 =	vadd.s32 v6, v11;
	s20 =	spop (v2sf)  }
0x29b: {  	v12 =	vsel vm2, v12, v31;
	s12 =	sxor.u32 $0x80000000, s20  }
0x29c: {  	[tilespmem:s11+$0x2C00] =	vst v12;
	v33 =	vsel vm2, s12, v15  }
0x29d: {  	[tilespmem:s11+$0x6C00] =	vst v33  }
0x29e: {  	v12 =	vld.idx.msk [tilespmem:v14+s13+$0x0], $0xffff  }
0x29f: {  	v34 =	vld.idx.msk [tilespmem:v11+s13+$0x0], $0xffff;
	_ =	sdelay $0x4  }
0x2a0: {  	v35 =	vmax.f32 v12, v34  }
0x2a1: {  	(xrf0) =	vmax.scan.msk.f32 $0xffff, v35;
	_ =	sdelay $0x3  }
0x2a2: {  	v14 =	vld.idx.msk [tilespmem:v14+s14+$0x0], $0xffff  }
0x2a3: {  	v11 =	vld.idx.msk [tilespmem:v11+s14+$0x0], $0xffff  }
0x2a4: {  	v15, _, _ =	vpop (xrf0)  }
0x2a5: {  	v15 =	vbroadcast v15, $0xF;
	_ =	sdelay $0x1  }
0x2a6: {  	vm3 =	veq.f32 v12, v15;
	vm4 =	veq.f32 v34, v15  }
0x2a7: {  	v12 =	vnsel vm3, $0x40000000, v14;
	v11 =	vnsel vm4, $0x40000000, v11  }
0x2a8: {  	vm3 =	vlt.s32 v12, v11  }
0x2a9: {  	v11 =	vsel vm3, v12, v11  }
0x2aa: {  	v11 =	vxor.u32 $0x80000000, v11  }
0x2ab: {  	(xrf0) =	vmin.scan.msk.u32 $0xffff, v11;
	_ =	sdelay $0x5  }
0x2ac: {  	v11, _, _ =	vpop (xrf0)  }
0x2ad: {  	(v2sf) =	vpush v11, $0xF;
	_ =	sdelay $0xb  }
0x2ae: {  	s21 =	sand.u32 $0x3F0, s10  }
0x2af: {  	v11 =	vld [tilespmem:s21+$0xAC00]  }
0x2b0: {  	v36 =	vld [tilespmem:s21+$0xAE00]  }
0x2b1: {  	s22 =	spop (v2sf)  }
0x2b2: {  	s12 =	sadd.s32 s22, s7  }
0x2b3: {  	s12 =	sadd.s32 s8, s12  }
0x2b4: {  	v11 =	vsel vm2, v15, v11;
	s12 =	sadd.s32 $0x80000000, s12  }
0x2b5: {  	[tilespmem:s21+$0xAC00] =	vst v11;
	v11 =	vsel vm2, s12, v36  }
0x2b6: {  	[tilespmem:s21+$0xAE00] =	vst v11  }
0x2b7: {  	v11 =	vld [tilespmem:s9+$0x0]  }
0x2b8: {  	v37 =	vld [tilespmem:s9+$0x1];
	_ =	sdelay $0x1  }
0x2b9: {  	v38 =	vld [tilespmem:s9+$0x2];
	_ =	sdelay $0x1  }
0x2ba: {  	v39 =	vld [tilespmem:s9+$0x3]  }
0x2bb: {  	v11 =	vadd.f32 v37, v11  }
0x2bc: {  	v40 =	vld [tilespmem:s9+$0x4]  }
0x2bd: {  	v11 =	vadd.f32 v38, v11  }
0x2be: {  	v41 =	vld [tilespmem:s9+$0x5]  }
0x2bf: {  	v11 =	vadd.f32 v39, v11  }
0x2c0: {  	v42 =	vld [tilespmem:s9+$0x6]  }
0x2c1: {  	v11 =	vadd.f32 v40, v11  }
0x2c2: {  	v43 =	vld [tilespmem:s9+$0x7]  }
0x2c3: {  	v11 =	vadd.f32 v41, v11  }
0x2c4: {  	v44 =	vld [tilespmem:s9+$0x8]  }
0x2c5: {  	v11 =	vadd.f32 v42, v11;
	_ =	sdelay $0x1  }
0x2c6: {  	v11 =	vadd.f32 v43, v11;
	_ =	sdelay $0x1  }
0x2c7: {  	v11 =	vadd.f32 v44, v11;
	_ =	sdelay $0x1  }
0x2c8: {  	v11 =	vmul.f32 $1.234567910e-02, v11;
	_ =	sdelay $0x1  }
0x2c9: {  	v11 =	vnsel vm1, $0xFF61B1E6, v11  }
0x2ca: {  	(xrf0) =	vmax.scan.msk.f32 $0xffff, v11;
	_ =	sdelay $0x5  }
0x2cb: {  	v45, _, _ =	vpop (xrf0)  }
0x2cc: {  	v12 =	vbroadcast v45, $0xF;
	_ =	sdelay $0x1  }
0x2cd: {  	vm2 =	veq.f32 v11, v12  }
0x2ce: {  	v11 =	vnsel vm2, $0xC0000000, v8  }
0x2cf: {  	(xrf0) =	vmin.scan.msk.u32 $0xffff, v11;
	_ =	sdelay $0x5  }
0x2d0: {  	v11, _, _ =	vpop (xrf0)  }
0x2d1: {  	(v2sf) =	vpush v11, $0xF;
	_ =	sdelay $0x6  }
0x2d2: {  	s23 =	sadd.s32 $0x8, s6  }
0x2d3: {  	s25 =	sadd.s32 $0x1, s10;
	s12 =	sand.u32 $0x1C00, s23  }
0x2d4: {  	s26 =	sand.u32 $0x70, s25;
	s28 =	sadd.s32 s4, s12  }
0x2d5: {  	s16 =	sor.u32 s26, s28  }
0x2d6: {  	v11 =	vld [tilespmem:s16+$0x2C00]  }
0x2d7: {  	v46 =	vld [tilespmem:s16+$0x6C00]  }
0x2d8: {  	s17 =	sand.u32 $0xF, s25  }
0x2d9: {  	v47 =	vmov s17  }
0x2da: {  	vm2 =	veq.s32 v47, v2;
	s29 =	spop (v2sf)  }
0x2db: {  	v11 =	vsel vm2, v12, v11;
	s17 =	sxor.u32 $0x80000000, s29  }
0x2dc: {  	[tilespmem:s16+$0x2C00] =	vst v11;
	v11 =	vsel vm2, s17, v46  }
0x2dd: {  	[tilespmem:s16+$0x6C00] =	vst v11  }
0x2de: {  	v11 =	vld [tilespmem:s9+$0x10]  }
0x2df: {  	v48 =	vld [tilespmem:s9+$0x11];
	_ =	sdelay $0x1  }
0x2e0: {  	v49 =	vld [tilespmem:s9+$0x12];
	_ =	sdelay $0x1  }
0x2e1: {  	v50 =	vld [tilespmem:s9+$0x13]  }
0x2e2: {  	v11 =	vadd.f32 v48, v11  }
0x2e3: {  	v51 =	vld [tilespmem:s9+$0x14]  }
0x2e4: {  	v11 =	vadd.f32 v49, v11  }
0x2e5: {  	v52 =	vld [tilespmem:s9+$0x15]  }
0x2e6: {  	v11 =	vadd.f32 v50, v11  }
0x2e7: {  	v53 =	vld [tilespmem:s9+$0x16]  }
0x2e8: {  	v11 =	vadd.f32 v51, v11  }
0x2e9: {  	v54 =	vld [tilespmem:s9+$0x17]  }
0x2ea: {  	v11 =	vadd.f32 v52, v11  }
0x2eb: {  	v55 =	vld [tilespmem:s9+$0x18]  }
0x2ec: {  	v11 =	vadd.f32 v53, v11;
	_ =	sdelay $0x1  }
0x2ed: {  	v11 =	vadd.f32 v54, v11;
	_ =	sdelay $0x1  }
0x2ee: {  	v11 =	vadd.f32 v55, v11;
	_ =	sdelay $0x1  }
0x2ef: {  	v11 =	vmul.f32 $1.234567910e-02, v11;
	_ =	sdelay $0x1  }
0x2f0: {  	v11 =	vnsel vm0, $0xFF61B1E6, v11  }
0x2f1: {  	(xrf0) =	vmax.scan.msk.f32 $0xffff, v11;
	_ =	sdelay $0x5  }
0x2f2: {  	v56, _, _ =	vpop (xrf0)  }
0x2f3: {  	v12 =	vbroadcast v56, $0xF;
	_ =	sdelay $0x1  }
0x2f4: {  	vm3 =	veq.f32 v11, v12  }
0x2f5: {  	v11 =	vnsel vm3, $0xC0000000, v7  }
0x2f6: {  	(xrf0) =	vmin.scan.msk.u32 $0xffff, v11;
	_ =	sdelay $0x5  }
0x2f7: {  	v11, _, _ =	vpop (xrf0)  }
0x2f8: {  	(v2sf) =	vpush v11, $0xF;
	_ =	sdelay $0x8  }
0x2f9: {  	s12 =	sadd.s32 s5, s12  }
0x2fa: {  	s12 =	sor.u32 s26, s12;
	v11 =	vmov s25  }
0x2fb: {  	v57 =	vld [tilespmem:s12+$0x2C00];
	v58 =	vshll.u32 v11, $0x3  }
0x2fc: {  	v59 =	vld [tilespmem:s12+$0x6C00];
	v11 =	vand.u32 $0x7F, v11;
	v14 =	vand.u32 $0x7FFFFC00, v58  }
0x2fd: {  	v11 =	vor.u32 v11, v14  }
0x2fe: {  	v14 =	vadd.s32 v5, v11  }
0x2ff: {  	v11 =	vadd.s32 v6, v11;
	s30 =	spop (v2sf)  }
0x300: {  	v12 =	vsel vm2, v12, v57;
	s15 =	sxor.u32 $0x80000000, s30  }
0x301: {  	[tilespmem:s12+$0x2C00] =	vst v12;
	v60 =	vsel vm2, s15, v59  }
0x302: {  	[tilespmem:s12+$0x6C00] =	vst v60  }
0x303: {  	v12 =	vld.idx.msk [tilespmem:v14+s13+$0x0], $0xffff  }
0x304: {  	v61 =	vld.idx.msk [tilespmem:v11+s13+$0x0], $0xffff;
	_ =	sdelay $0x4  }
0x305: {  	v62 =	vmax.f32 v12, v61  }
0x306: {  	(xrf0) =	vmax.scan.msk.f32 $0xffff, v62;
	_ =	sdelay $0x3  }
0x307: {  	v14 =	vld.idx.msk [tilespmem:v14+s14+$0x0], $0xffff  }
0x308: {  	v11 =	vld.idx.msk [tilespmem:v11+s14+$0x0], $0xffff  }
0x309: {  	v15, _, _ =	vpop (xrf0)  }
0x30a: {  	v15 =	vbroadcast v15, $0xF;
	_ =	sdelay $0x1  }
0x30b: {  	vm3 =	veq.f32 v12, v15;
	vm4 =	veq.f32 v61, v15  }
0x30c: {  	v12 =	vnsel vm3, $0x40000000, v14;
	v11 =	vnsel vm4, $0x40000000, v11  }
0x30d: {  	vm3 =	vlt.s32 v12, v11  }
0x30e: {  	v11 =	vsel vm3, v12, v11  }
0x30f: {  	v11 =	vxor.u32 $0x80000000, v11  }
0x310: {  	(xrf0) =	vmin.scan.msk.u32 $0xffff, v11;
	_ =	sdelay $0x5  }
0x311: {  	v11, _, _ =	vpop (xrf0)  }
0x312: {  	(v2sf) =	vpush v11, $0xF;
	_ =	sdelay $0xb  }
0x313: {  	s11 =	sand.u32 $0x3F0, s25  }
0x314: {  	v11 =	vld [tilespmem:s11+$0xAC00]  }
0x315: {  	v63 =	vld [tilespmem:s11+$0xAE00]  }
0x316: {  	p1 =	sne.s32 s8, $0x3800;
	s31 =	spop (v2sf)  }
.Ltmp5:
0x317: {  	s12 =	sadd.s32 s31, s7;
	(pc) =	sbr.rel @p1 .LBB2_8-.Ltmp5, $4  }
0x318: {  	s12 =	sadd.s32 s8, s12  }
0x319: {  	v11 =	vsel vm2, v15, v11;
	s12 =	sadd.s32 $0x80000400, s12  }
0x31a: {  	s6 =	sadd.s32 $0x10, s6;
	[tilespmem:s11+$0xAC00] =	vst v11;
	v11 =	vsel vm2, s12, v63  }
0x31b: {  	s10 =	sadd.s32 $0x2, s10;
	s9 =	sadd.s32 $0x100, s9;
	s8 =	sadd.s32 $0x800, s8;
	[tilespmem:s11+$0xAE00] =	vst v11  }
0x31c: {  	v9 =	vld [tilespmem:$0x2800]  }
0x31d: {  	v10 =	vld [tilespmem:$0x2801];
	_ =	sdelay $0x1  }
0x31e: {  	v11 =	vld [tilespmem:$0x2802];
	_ =	sdelay $0x1  }
0x31f: {  	v12 =	vld [tilespmem:$0x2803]  }
0x320: {  	v9 =	vadd.f32 v10, v9  }
0x321: {  	v40 =	vld [tilespmem:$0x2804]  }
0x322: {  	v9 =	vadd.f32 v11, v9  }
0x323: {  	v41 =	vld [tilespmem:$0x2805]  }
0x324: {  	v9 =	vadd.f32 v12, v9  }
0x325: {  	v42 =	vld [tilespmem:$0x2806]  }
0x326: {  	v9 =	vadd.f32 v40, v9  }
0x327: {  	v43 =	vld [tilespmem:$0x2807]  }
0x328: {  	v9 =	vadd.f32 v41, v9  }
0x329: {  	v44 =	vld [tilespmem:$0x2808]  }
0x32a: {  	v9 =	vadd.f32 v42, v9;
	_ =	sdelay $0x1  }
0x32b: {  	v9 =	vadd.f32 v43, v9;
	_ =	sdelay $0x1  }
0x32c: {  	v9 =	vadd.f32 v44, v9;
	_ =	sdelay $0x1  }
0x32d: {  	v9 =	vmul.f32 $1.234567910e-02, v9;
	_ =	sdelay $0x1  }
0x32e: {  	v9 =	vnsel vm1, $0xFF61B1E6, v9  }
0x32f: {  	(xrf0) =	vmax.scan.msk.f32 $0xffff, v9;
	_ =	sdelay $0x5  }
0x330: {  	v45, _, _ =	vpop (xrf0)  }
0x331: {  	v10 =	vbroadcast v45, $0xF;
	_ =	sdelay $0x1  }
0x332: {  	vm1 =	veq.f32 v9, v10  }
0x333: {  	v8 =	vnsel vm1, $0xC0000000, v8  }
0x334: {  	(xrf0) =	vmin.scan.msk.u32 $0xffff, v8;
	_ =	sdelay $0x5  }
0x335: {  	v8, _, _ =	vpop (xrf0)  }
0x336: {  	(v2sf) =	vpush v8, $0xF;
	_ =	sdelay $0x4  }
0x337: {  	s4 =	sadd.s32 $0x10, s18  }
0x338: {  	s5 =	sshll.u32 s4, $0x3  }
0x339: {  	s5 =	sand.u32 $0x1C00, s5  }
0x33a: {  	s2 =	sadd.s32 s5, s2  }
0x33b: {  	s6 =	sand.u32 $0x70, s4;
	s2 =	sor.u32 s3, s2  }
0x33c: {  	s3 =	sor.u32 s6, s2  }
0x33d: {  	v8 =	vld [tilespmem:s3+$0x2C00]  }
0x33e: {  	v46 =	vld [tilespmem:s3+$0x6C00]  }
0x33f: {  	s11 =	sand.u32 $0xF, s18  }
0x340: {  	v47 =	vmov s11  }
0x341: {  	vm1 =	veq.s32 v47, v2;
	s7 =	spop (v2sf)  }
0x342: {  	v8 =	vsel vm1, v10, v8;
	s7 =	sxor.u32 $0x80000000, s7  }
0x343: {  	[tilespmem:s3+$0x2C00] =	vst v8;
	v8 =	vsel vm1, s7, v46  }
0x344: {  	[tilespmem:s3+$0x6C00] =	vst v8  }
0x345: {  	v8 =	vld [tilespmem:$0x2810]  }
0x346: {  	v48 =	vld [tilespmem:$0x2811];
	_ =	sdelay $0x1  }
0x347: {  	v49 =	vld [tilespmem:$0x2812];
	_ =	sdelay $0x1  }
0x348: {  	v50 =	vld [tilespmem:$0x2813]  }
0x349: {  	v8 =	vadd.f32 v48, v8  }
0x34a: {  	v51 =	vld [tilespmem:$0x2814]  }
0x34b: {  	v8 =	vadd.f32 v49, v8  }
0x34c: {  	v52 =	vld [tilespmem:$0x2815]  }
0x34d: {  	v8 =	vadd.f32 v50, v8  }
0x34e: {  	v53 =	vld [tilespmem:$0x2816]  }
0x34f: {  	v8 =	vadd.f32 v51, v8  }
0x350: {  	v54 =	vld [tilespmem:$0x2817]  }
0x351: {  	v8 =	vadd.f32 v52, v8  }
0x352: {  	v55 =	vld [tilespmem:$0x2818]  }
0x353: {  	v8 =	vadd.f32 v53, v8;
	_ =	sdelay $0x1  }
0x354: {  	v8 =	vadd.f32 v54, v8;
	_ =	sdelay $0x1  }
0x355: {  	v8 =	vadd.f32 v55, v8;
	_ =	sdelay $0x1  }
0x356: {  	v8 =	vmul.f32 $1.234567910e-02, v8;
	_ =	sdelay $0x1  }
0x357: {  	v8 =	vnsel vm0, $0xFF61B1E6, v8  }
0x358: {  	(xrf0) =	vmax.scan.msk.f32 $0xffff, v8;
	_ =	sdelay $0x5  }
0x359: {  	v56, _, _ =	vpop (xrf0)  }
0x35a: {  	v9 =	vbroadcast v56, $0xF;
	_ =	sdelay $0x1  }
0x35b: {  	vm0 =	veq.f32 v8, v9  }
0x35c: {  	v7 =	vnsel vm0, $0xC0000000, v7  }
0x35d: {  	(xrf0) =	vmin.scan.msk.u32 $0xffff, v7;
	_ =	sdelay $0x5  }
0x35e: {  	v7, _, _ =	vpop (xrf0)  }
0x35f: {  	(v2sf) =	vpush v7, $0xF;
	_ =	sdelay $0x7  }
0x360: {  	s0 =	sadd.s32 s5, s0  }
0x361: {  	s0 =	sor.u32 s1, s0  }
0x362: {  	s0 =	sor.u32 s6, s0;
	v7 =	vmov s4  }
0x363: {  	v8 =	vld [tilespmem:s0+$0x2C00];
	v57 =	vshll.u32 v7, $0x3  }
0x364: {  	v58 =	vld [tilespmem:s0+$0x6C00];
	v7 =	vand.u32 $0x7F, v7;
	v10 =	vand.u32 $0x1C00, v57  }
0x365: {  	v7 =	vor.u32 v7, v10  }
0x366: {  	v10 =	vadd.s32 v5, v7  }
0x367: {  	v7 =	vadd.s32 v6, v7;
	s12 =	spop (v2sf)  }
0x368: {  	v8 =	vsel vm1, v9, v8;
	s1 =	sxor.u32 $0x80000000, s12  }
0x369: {  	[tilespmem:s0+$0x2C00] =	vst v8;
	v8 =	vsel vm1, s1, v58  }
0x36a: {  	[tilespmem:s0+$0x6C00] =	vst v8  }
0x36b: {  	v8 =	vld.idx.msk [tilespmem:v10+s13+$0x0], $0xffff  }
0x36c: {  	v59 =	vld.idx.msk [tilespmem:v7+s13+$0x0], $0xffff;
	_ =	sdelay $0x4  }
0x36d: {  	v60 =	vmax.f32 v8, v59  }
0x36e: {  	(xrf0) =	vmax.scan.msk.f32 $0xffff, v60;
	_ =	sdelay $0x3  }
0x36f: {  	v10 =	vld.idx.msk [tilespmem:v10+s14+$0x0], $0xffff  }
0x370: {  	v7 =	vld.idx.msk [tilespmem:v7+s14+$0x0], $0xffff  }
0x371: {  	v11, _, _ =	vpop (xrf0)  }
0x372: {  	v11 =	vbroadcast v11, $0xF;
	_ =	sdelay $0x1  }
0x373: {  	vm0 =	veq.f32 v8, v11;
	vm2 =	veq.f32 v59, v11  }
0x374: {  	v8 =	vnsel vm0, $0x40000000, v10;
	v7 =	vnsel vm2, $0x40000000, v7  }
0x375: {  	vm0 =	vlt.s32 v8, v7  }
0x376: {  	v7 =	vsel vm0, v8, v7  }
0x377: {  	v7 =	vxor.u32 $0x80000000, v7  }
0x378: {  	(xrf0) =	vmin.scan.msk.u32 $0xffff, v7;
	_ =	sdelay $0x5  }
0x379: {  	v7, _, _ =	vpop (xrf0)  }
0x37a: {  	(v2sf) =	vpush v7, $0xF;
	_ =	sdelay $0xa  }
0x37b: {  	s15 =	sand.u32 $0x3F0, s4;
	p1 =	sne.s32 s11, $0x0  }
0x37c: {  	p0 =	por !p0, !p1;
	v7 =	vld [tilespmem:s15+$0xAC00]  }
0x37d: {  	p0 =	por !p0, !p0;
	s1 =	simm.s32 $0x1;
	v8 =	vld [tilespmem:s15+$0xAE00]  }
0x37e: {  	s16 =	sshrl.u32 s18, $0x4;
	s1 =	simm.s32 @!p0 $0x0  }
0x37f: {  	s4 =	sshll.u32 s4, $0xA;
	s1 =	ssub.s32 s16, s1;
	s17 =	spop (v2sf)  }
0x380: {  	p0 =	slt.s32 s1, $0x1F;
	s3 =	smov.u32 s1;
	s18 =	sadd.s32 s17, s4  }
0x381: {  	s3 =	simm.s32 @!p0 $0x1F;
	v7 =	vsel vm1, v11, v7;
	s2 =	sadd.s32 $0x80000000, s18  }
0x382: {  	s19 =	sshll.u32 s3, $0x6;
	[tilespmem:s15+$0xAC00] =	vst v7;
	v7 =	vsel vm1, s2, v8  }
0x383: {  	s20 =	sshra.s32 s19, $0x2;
	[tilespmem:s15+$0xAE00] =	vst v7  }
0x384: {  	v7 =	vld [tilespmem:s20+$0xAC00];
	_ =	sdelay $0x1  }
0x385: {  	s21 =	sshrl.u32 s3, $0xB;
	s22 =	sand.u32 $0xF, s3  }
0x386: {  	p3 =	slt.s32 s1, $0x1;
	s0 =	sand.u32 $0xF, s21;
	p4 =	sne.s32 s22, $0x0  }
0x387: {  	s0 =	sadd.s32 s0, s3;
	p0 =	por !p3, !p4  }
0x388: {  	s0 =	sshrl.u32 s0, $0x4;
	p0 =	por !p0, !p0;
	s2 =	simm.s32 $0x1;
	(xrf0) =	vmax.scan.msk.f32 $0xffff, v7  }
0x389: {  	s0 =	sand.u32 $0xFF, s0;
	s2 =	simm.s32 @!p0 $0x0  }
0x38a: {  	s0 =	ssub.s32 s0, s2  }
0x38b: {  	s0 =	sshll.u32 s0, $0x4  }
0x38c: {  	v7 =	vld [tilespmem:s0+$0xB000];
	_ =	sdelay $0x1  }
0x38d: {  	p0 =	slt.s32 s1, $0x1E;
	s23 =	ssub.s32 s3, s0;
	s3 =	smov.u32 s1;
	v8, _, _ =	vpop (xrf0)  }
0x38e: {  	v61 =	vmov s23;
	s3 =	simm.s32 @!p0 $0x1E;
	v8 =	vbroadcast v8, $0xF  }
0x38f: {  	vm0 =	veq.s32 v61, v2;
	s25 =	sadd.s32 $0x1, s3  }
0x390: {  	s3 =	sshll.u32 s25, $0x4;
	v7 =	vsel vm0, v8, v7  }
0x391: {  	s26 =	sand.u32 $0x3FFFFFF0, s3;
	[tilespmem:s0+$0xB000] =	vst v7  }
0x392: {  	v7 =	vld [tilespmem:s26+$0xAC00]  }
0x393: {  	s28 =	sand.u32 $0xF, s25  }
0x394: {  	p5 =	slt.s32 s1, $0x0;
	p6 =	sne.s32 s28, $0x0  }
0x395: {  	p0 =	por !p5, !p6  }
0x396: {  	p0 =	por !p0, !p0;
	s0 =	simm.s32 $0xFFFFFFFF  }
0x397: {  	s0 =	simm.s32 @!p0 $0x0;
	(xrf0) =	vmax.scan.msk.f32 $0xffff, v7  }
0x398: {  	s0 =	sshll.u32 s0, $0x4  }
0x399: {  	s0 =	sadd.s32 s25, s0  }
0x39a: {  	s0 =	sand.u32 $0xFFFFFFF0, s0  }
0x39b: {  	v7 =	vld [tilespmem:s0+$0xB000];
	_ =	sdelay $0x1  }
0x39c: {  	p0 =	slt.s32 s1, $0x1D;
	s2 =	ssub.s32 s25, s0;
	v8, _, _ =	vpop (xrf0)  }
0x39d: {  	s1 =	simm.s32 @!p0 $0x1D;
	v62 =	vmov s2;
	v8 =	vbroadcast v8, $0xF  }
0x39e: {  	s1 =	sadd.s32 $0x2, s1;
	vm0 =	veq.s32 v62, v2  }
0x39f: {  	s29 =	sshll.u32 s1, $0x4;
	v7 =	vsel vm0, v8, v7  }
0x3a0: {  	s30 =	sand.u32 $0x3FFFFFF0, s29;
	[tilespmem:s0+$0xB000] =	vst v7  }
0x3a1: {  	v7 =	vld [tilespmem:s30+$0xAC00];
	_ =	sdelay $0x4  }
0x3a2: {  	(xrf0) =	vmax.scan.msk.f32 $0xffff, v7;
	_ =	sdelay $0x2  }
0x3a3: {  	s8 =	rddreg [dreg:$0xc];
	s31 =	sand.u32 $0xFFFFFFF0, s1  }
0x3a4: {  	s8 =	sadd.s32 $0x1, s8;
	v7 =	vld [tilespmem:s31+$0xB000]  }
0x3a5: {  	p0 =	sne.s32 s8, $0x8  }
.Ltmp6:
0x3a6: {  	s1 =	sand.u32 $0xF, s1;
	v8, _, _ =	vpop (xrf0);
	(pc) =	sbr.rel @p0 .LBB2_3-.Ltmp6, $4  }
0x3a7: {  	v63 =	vmov s1;
	v8 =	vbroadcast v8, $0xF  }
0x3a8: {  	vm0 =	veq.s32 v63, v2  }
0x3a9: {  	v7 =	vsel vm0, v8, v7  }
0x3aa: {  	s24 =	sadd.s32 $0x1, s24;
	[tilespmem:s31+$0xB000] =	vst v7  }
0x3ab: {  	s0 =	simm.s32 $0x0  }
0x3ac: {  	s1 =	rddreg [dreg:$0x5];
	s2 =	simm.s32 $0xB100;
	s29 =	simm.s32 $0x2  }
0x3ad: {  	[hbm4b:s1+s0] =	stream.linear.scatter [tilespmem:s2], [sflag:$0x2], $0x80, $0x38;
	[tilespmem:$0xB180] =	vst v63  }
0x3ae: {  	_ =	swait.ge [sflag:s29], $0x80  }
0x3af: {  	s30 =	rddreg [dreg:$0xb]  }
0x3b0: {  	s31 =	rddreg [dreg:$0xa];
	s2 =	sadd.s32 $0x1, s30  }
0x3b1: {  	p0 =	sne.s32 s2, s31  }
.Ltmp7:
0x3b2: {  	_ = 	snop;
	(pc) =	sbr.rel @p0 .LBB2_2-.Ltmp7, $3  }
0x3b3: {  	_ =	sdelay $0x1  }
0x3b4: {  	[sflag:s29] =	ssyncset.done $0x0  }
0x3b5: {  	[sflag:s29] =	ssyncadd.s32 $0xFFFFFF80  }
.LBB2_11:
0x3b6: {  	_ =	sfence.sel $0x180000  }
0x3b7: {  	[bflag:$0x0] =	sbarrier.arrive $0xFFFF  }
0x3b8: {  	_ =	strace $0x90000047  }
0x3b9: {  	s0 =	stileid.u32;
	[bflag:$0x2] =	sbarrier.arrive $0xFFFF  }
0x3ba: {  	p0 =	sne.s32 s0, $0x0;
	s0 =	rddreg [dreg:$0x3]  }
0x3bb: {  	s0 =	sadd.s32 @!p0 $0x100000, s0  }
0x3bc: {  	[sflag:s0] =	ssyncadd.tile.s32 @!p0 $0x1;
	_ =	shalt  }
.Lfunc_end2:
_tile_overlayer_lowered:
.L_overlay_start_2:
0x3bd: {  	(tag) =	ssettag $0x2  }
0x3be: {  	s0 =	rddreg [dreg:$0x0];
	s2 =	stileid.u32  }
0x3bf: {  	s1 =	rddreg [dreg:$0x1];
	p0 =	sne.s32 s2, $0x0  }
0x3c0: {  	s3 =	rddreg [dreg:$0x2];
	[bflag:$0x3] =	sbarrier.arrive $0xFFFF;
	s2 =	simm.s32 @!p0 $0x1C02  }
0x3c1: {  	[timem:s3], [sflag:s2] =	dma.local @!p0 [hbm:s0], s1  }
0x3c2: {  	s0 =	simm.s32 @!p0 $0x2  }
0x3c3: {  	_ =	swait.ge @!p0 [sflag:s0], s1  }
0x3c4: {  	s1 =	ssub.s32 @!p0 $0x0, s1;
	[sflag:s0] =	ssyncset.done @!p0 $0x0  }
0x3c5: {  	[sflag:s0] =	ssyncadd.s32 @!p0 s1  }
0x3c6: {  	[bflag:$0x3] =	sbarrier.arrive $0xFFFF  }
0x3c7: {  	_ =	shalt  }

</sc_bundles>
